<compile_context>
chip_gen: v7x
topology: tpu7x:2x2x1
jax: 0.10.2.dev20260603
libtpu: 0.0.44.dev20260713+nightly
codegen_flags: <defaults>
</compile_context>

<pallas_src>
import jax
import jax.numpy as jnp
from jax import lax
from jax.experimental import pallas as pl
from jax.experimental.pallas import tpu as pltpu
from jax.experimental.pallas import tpu_sc as plsc

N = 16384
C = 26
K = 100
W = C * K
NC, NS, L = 2, 16, 16
NW = NC * NS
RPW = N // NW
FP = C // 2
CB = 2 * K
RCH = 256
NRC = RPW // RCH
CH = FP * NRC


def _onehot_body(xt_hbm, cards_hbm, out_hbm, xv, cards_v, buf0, buf1,
                 sem0, sem1):
    bufs = (buf0, buf1)
    sems = (sem0, sem1)
    wid = lax.axis_index("s") * NC + lax.axis_index("c")
    rbase = pl.multiple_of(wid * RPW, RPW)

    pltpu.sync_copy(xt_hbm.at[:, pl.ds(rbase, RPW)], xv)
    pltpu.sync_copy(cards_hbm, cards_v)

    zeros16 = jnp.zeros((L,), jnp.float32)
    ones16 = jnp.ones((L,), jnp.float32)
    iota16 = lax.iota(jnp.int32, L)

    def zbody(r, _):
        for j in range(RCH // L):
            buf0[r, pl.ds(j * L, L)] = zeros16
            buf1[r, pl.ds(j * L, L)] = zeros16
        return 0
    lax.fori_loop(0, CB, zbody, 0)

    def scatter(ch, buf, val, mask_valid):
        fp = ch // NRC
        r0 = (ch % NRC) * RCH
        for fld in range(2):
            f = fp * 2 + fld
            for g in range(RCH // L):
                vals = xv[f, pl.ds(r0 + g * L, L)]
                rows = vals + fld * K if fld else vals
                cols = g * L + iota16
                if mask_valid:
                    cards_l = cards_v[f, :]
                    plsc.store_scatter(buf, [rows, cols], val,
                                       mask=vals < cards_l)
                else:
                    plsc.store_scatter(buf, [rows, cols], val)

    def start_out(ch, buf, sem):
        fp = ch // NRC
        row0 = pl.multiple_of(fp * CB, 8)
        col0 = pl.multiple_of(rbase + (ch % NRC) * RCH, RCH)
        pltpu.async_copy(buf, out_hbm.at[pl.ds(row0, CB), pl.ds(col0, RCH)],
                         sem)

    def wait_out(buf, sem):
        pltpu.make_async_copy(
            buf, out_hbm.at[pl.ds(0, CB), pl.ds(rbase, RCH)], sem).wait()

    for b in range(2):
        scatter(b, bufs[b], ones16, True)
        start_out(b, bufs[b], sems[b])

    def step(s, _):
        ch0 = 2 + s * 2
        for b in range(2):
            ch = ch0 + b
            wait_out(bufs[b], sems[b])
            scatter(ch - 2, bufs[b], zeros16, False)
            scatter(ch, bufs[b], ones16, True)
            start_out(ch, bufs[b], sems[b])
        return 0
    lax.fori_loop(0, (CH - 2) // 2, step, 0)

    for b in range(2):
        wait_out(bufs[b], sems[b])


@jax.jit
def _onehot_sc(xt, cards_b):
    mesh = plsc.VectorSubcoreMesh(core_axis_name="c", subcore_axis_name="s")
    f = pl.kernel(
        _onehot_body,
        out_type=jax.ShapeDtypeStruct((W, N), jnp.float32),
        mesh=mesh,
        compiler_params=pltpu.CompilerParams(
            needs_layout_passes=False, use_tc_tiling_on_sc=True),
        scratch_types=[
            pltpu.VMEM((C, RPW), jnp.int32),
            pltpu.VMEM((C, L), jnp.int32),
            pltpu.VMEM((CB, RCH), jnp.float32),
            pltpu.VMEM((CB, RCH), jnp.float32),
            pltpu.SemaphoreType.DMA,
            pltpu.SemaphoreType.DMA,
        ],
    )
    return f(xt, cards_b)


def kernel(x, cardinalities):
    xt = x.astype(jnp.int32).T
    cards = jnp.asarray(cardinalities, jnp.int32)
    cards_b = jnp.tile(cards[:, None], (1, L))
    out_t = _onehot_sc(xt, cards_b)
    return out_t.T

# --- scband reference (transcript-rebuilt; emitter-appended) ---
"""Pipeline reference for scband-one-hot-encoding0d-11828339933485 (READ-ONLY COPY).

The authoritative reference and input builder live on the scoring server;
editing this copy changes nothing except your own understanding.
"""

import jax, jax.numpy as jnp
import numpy as np

CARDINALITIES = [100] * 26


def setup_inputs(seed: int = 0) -> dict:
    key = jax.random.key(seed)
    x = jax.random.randint(key, (16384, 26), 0, 100, dtype=jnp.int64 if jax.config.jax_enable_x64 else jnp.int32)
    # cardinalities buffer (registered buffer in the torch module)
    cardinalities = np.array(CARDINALITIES, dtype=np.int32)
    return {"x": x, "cardinalities": cardinalities}


def reference(x, cardinalities):
    # Faithful translation of OneHotEncoding0d.forward:
    # for each column c: one_hot(x[..., c], card+1)[:, :-1], then concat on last dim.
    assert x.ndim >= 1
    encoded_columns = []
    n_cols = x.shape[-1]
    for column in range(n_cols):
        card = CARDINALITIES[column]
        # num_classes = card + 1, then drop the last class column (values == card map to all-zeros)
        classes = jnp.arange(card, dtype=x.dtype)
        valid = classes < cardinalities[column].astype(x.dtype)
        oh = ((x[..., column][:, None] == classes) & valid).astype(jnp.float32)
        encoded_columns.append(oh)
    return jnp.concatenate(encoded_columns, axis=-1)

if __name__ == "__main__":
    import jax
    _d = setup_inputs()
    print(jax.jit(kernel)(*tuple(_d.values())))

</pallas_src>

<mosaic_0001>
#map = affine_map<(d0, d1) -> (0, 0)>
module attributes {stable_mosaic.version = 14 : i64} {
  func.func @_onehot_body(%arg0: i32, %arg1: i32, %arg2: memref<26x16384xi32, #tpu.memory_space<hbm>>, %arg3: memref<26x16xi32, #tpu.memory_space<hbm>>, %arg4: memref<2600x16384xf32, #tpu.memory_space<hbm>>, %arg5: memref<26x512xi32, #tpu.memory_space<vmem>>, %arg6: memref<26x16xi32, #tpu.memory_space<vmem>>, %arg7: memref<200x256xf32, #tpu.memory_space<vmem>>, %arg8: memref<200x256xf32, #tpu.memory_space<vmem>>, %arg9: memref<!tpu.dma_semaphore, #tpu.memory_space<semaphore_mem>>, %arg10: memref<!tpu.dma_semaphore, #tpu.memory_space<semaphore_mem>>) attributes {dimension_semantics = [#tpu.dimension_semantics<core_parallel>, #tpu.dimension_semantics<subcore_parallel>], iteration_bounds = array<i64: 2, 16>, scalar_prefetch = 0 : i64, scratch_operands = 6 : i64, tpu.core_type = #tpu.core_type<sc_vector_subcore>, window_params = [{transform_indices = #map}, {transform_indices = #map}, {transform_indices = #map}]} {
    %mul3A = arith.constant 2 : i32
    %mul3A_0 = arith.muli %arg1, %mul3A : i32
    %add3A = arith.addi %mul3A_0, %arg0 : i32
    %mul3A_1 = arith.constant 512 : i32
    %mul3A_2 = arith.muli %add3A, %mul3A_1 : i32
    %multiple_of3A = tpu.assume_multiple %mul3A_2, 512 : i32
    "tpu.region"() ({
      %run_scoped3A = tpu.sem_alloc : memref<!tpu.dma_semaphore, #tpu.memory_space<semaphore_mem>>
      %dma_start3A_901 = arith.constant 0 : i32
      %dma_start3A_902 = tpu.memref_slice %arg2[%dma_start3A_901, %multiple_of3A] : memref<26x16384xi32, #tpu.memory_space<hbm>> -> memref<26x512xi32, #tpu.memory_space<hbm>>
      %dma_start3A_903 = arith.constant 0 : i32
      %dma_start3A_904 = tpu.memref_slice %arg2[%dma_start3A_903, %multiple_of3A] : memref<26x16384xi32, #tpu.memory_space<hbm>> -> memref<26x512xi32, #tpu.memory_space<hbm>>
      tpu.enqueue_dma source(%dma_start3A_904 : memref<26x512xi32, #tpu.memory_space<hbm>>) target(%arg5 : memref<26x512xi32, #tpu.memory_space<vmem>>) target_semaphore(%run_scoped3A : memref<!tpu.dma_semaphore, #tpu.memory_space<semaphore_mem>>)
      %dma_wait3A_905 = arith.constant 0 : i32
      %dma_wait3A_906 = tpu.memref_slice %arg2[%dma_wait3A_905, %multiple_of3A] : memref<26x16384xi32, #tpu.memory_space<hbm>> -> memref<26x512xi32, #tpu.memory_space<hbm>>
      %dma_wait3A_907 = arith.constant 0 : i32
      %dma_wait3A_908 = tpu.memref_slice %arg2[%dma_wait3A_907, %multiple_of3A] : memref<26x16384xi32, #tpu.memory_space<hbm>> -> memref<26x512xi32, #tpu.memory_space<hbm>>
      tpu.wait_dma2 semaphore(%run_scoped3A : memref<!tpu.dma_semaphore, #tpu.memory_space<semaphore_mem>>) src(%dma_wait3A_908 : memref<26x512xi32, #tpu.memory_space<hbm>>) dst(%arg5 : memref<26x512xi32, #tpu.memory_space<vmem>>)
      tpu.yield
    }) : () -> ()
    "tpu.region"() ({
      %run_scoped3A = tpu.sem_alloc : memref<!tpu.dma_semaphore, #tpu.memory_space<semaphore_mem>>
      tpu.enqueue_dma source(%arg3 : memref<26x16xi32, #tpu.memory_space<hbm>>) target(%arg6 : memref<26x16xi32, #tpu.memory_space<vmem>>) target_semaphore(%run_scoped3A : memref<!tpu.dma_semaphore, #tpu.memory_space<semaphore_mem>>)
      tpu.wait_dma2 semaphore(%run_scoped3A : memref<!tpu.dma_semaphore, #tpu.memory_space<semaphore_mem>>) src(%arg3 : memref<26x16xi32, #tpu.memory_space<hbm>>) dst(%arg6 : memref<26x16xi32, #tpu.memory_space<vmem>>)
      tpu.yield
    }) : () -> ()
    %broadcast_in_dim3A = arith.constant 0.000000e+00 : f32
    %broadcast_in_dim3A_3 = vector.broadcast %broadcast_in_dim3A : f32 to vector<16xf32>
    %broadcast_in_dim3A_4 = arith.constant 1.000000e+00 : f32
    %broadcast_in_dim3A_5 = vector.broadcast %broadcast_in_dim3A_4 : f32 to vector<16xf32>
    %iota3A = tpu.iota {dimensions = array<i32: 0>} : vector<16xi32>
    %scan3A = arith.constant 0 : i32
    %scan3A_6 = arith.constant 0 : i32
    %scan3A_7 = arith.constant 200 : i32
    %scan3A_8 = arith.addi %scan3A_6, %scan3A_7 : i32
    %scan3A_9 = arith.constant 1 : i32
    %scan3A_10 = scf.for %scan3A_901 = %scan3A_6 to %scan3A_8 step %scan3A_9 iter_args(%scan3A_902 = %scan3A) -> (i32)  : i32 {
      %swap3A = arith.index_cast %scan3A_901 : i32 to index
      %swap3A_903 = arith.constant 0 : index
      %swap3A_904 = tpu.vector_load %arg7[%swap3A, %swap3A_903] {strides = array<i32>} : memref<200x256xf32, #tpu.memory_space<vmem>>, vector<16xf32>,
      tpu.vector_store %arg7[%swap3A, %swap3A_903], %broadcast_in_dim3A_3 {strides = array<i32>} : memref<200x256xf32, #tpu.memory_space<vmem>>, vector<16xf32>,
      %swap3A_905 = arith.index_cast %scan3A_901 : i32 to index
      %swap3A_906 = arith.constant 0 : index
      %swap3A_907 = tpu.vector_load %arg8[%swap3A_905, %swap3A_906] {strides = array<i32>} : memref<200x256xf32, #tpu.memory_space<vmem>>, vector<16xf32>,
      tpu.vector_store %arg8[%swap3A_905, %swap3A_906], %broadcast_in_dim3A_3 {strides = array<i32>} : memref<200x256xf32, #tpu.memory_space<vmem>>, vector<16xf32>,
      %swap3A_908 = arith.index_cast %scan3A_901 : i32 to index
      %swap3A_909 = arith.constant 16 : index
      %swap3A_910 = tpu.vector_load %arg7[%swap3A_908, %swap3A_909] {strides = array<i32>} : memref<200x256xf32, #tpu.memory_space<vmem>>, vector<16xf32>,
      tpu.vector_store %arg7[%swap3A_908, %swap3A_909], %broadcast_in_dim3A_3 {strides = array<i32>} : memref<200x256xf32, #tpu.memory_space<vmem>>, vector<16xf32>,
      %swap3A_911 = arith.index_cast %scan3A_901 : i32 to index
      %swap3A_912 = arith.constant 16 : index
      %swap3A_913 = tpu.vector_load %arg8[%swap3A_911, %swap3A_912] {strides = array<i32>} : memref<200x256xf32, #tpu.memory_space<vmem>>, vector<16xf32>,
      tpu.vector_store %arg8[%swap3A_911, %swap3A_912], %broadcast_in_dim3A_3 {strides = array<i32>} : memref<200x256xf32, #tpu.memory_space<vmem>>, vector<16xf32>,
      %swap3A_914 = arith.index_cast %scan3A_901 : i32 to index
      %swap3A_915 = arith.constant 32 : index
      %swap3A_916 = tpu.vector_load %arg7[%swap3A_914, %swap3A_915] {strides = array<i32>} : memref<200x256xf32, #tpu.memory_space<vmem>>, vector<16xf32>,
      tpu.vector_store %arg7[%swap3A_914, %swap3A_915], %broadcast_in_dim3A_3 {strides = array<i32>} : memref<200x256xf32, #tpu.memory_space<vmem>>, vector<16xf32>,
      %swap3A_917 = arith.index_cast %scan3A_901 : i32 to index
      %swap3A_918 = arith.constant 32 : index
      %swap3A_919 = tpu.vector_load %arg8[%swap3A_917, %swap3A_918] {strides = array<i32>} : memref<200x256xf32, #tpu.memory_space<vmem>>, vector<16xf32>,
      tpu.vector_store %arg8[%swap3A_917, %swap3A_918], %broadcast_in_dim3A_3 {strides = array<i32>} : memref<200x256xf32, #tpu.memory_space<vmem>>, vector<16xf32>,
      %swap3A_920 = arith.index_cast %scan3A_901 : i32 to index
      %swap3A_921 = arith.constant 48 : index
      %swap3A_922 = tpu.vector_load %arg7[%swap3A_920, %swap3A_921] {strides = array<i32>} : memref<200x256xf32, #tpu.memory_space<vmem>>, vector<16xf32>,
      tpu.vector_store %arg7[%swap3A_920, %swap3A_921], %broadcast_in_dim3A_3 {strides = array<i32>} : memref<200x256xf32, #tpu.memory_space<vmem>>, vector<16xf32>,
      %swap3A_923 = arith.index_cast %scan3A_901 : i32 to index
      %swap3A_924 = arith.constant 48 : index
      %swap3A_925 = tpu.vector_load %arg8[%swap3A_923, %swap3A_924] {strides = array<i32>} : memref<200x256xf32, #tpu.memory_space<vmem>>, vector<16xf32>,
      tpu.vector_store %arg8[%swap3A_923, %swap3A_924], %broadcast_in_dim3A_3 {strides = array<i32>} : memref<200x256xf32, #tpu.memory_space<vmem>>, vector<16xf32>,
      %swap3A_926 = arith.index_cast %scan3A_901 : i32 to index
      %swap3A_927 = arith.constant 64 : index
      %swap3A_928 = tpu.vector_load %arg7[%swap3A_926, %swap3A_927] {strides = array<i32>} : memref<200x256xf32, #tpu.memory_space<vmem>>, vector<16xf32>,
      tpu.vector_store %arg7[%swap3A_926, %swap3A_927], %broadcast_in_dim3A_3 {strides = array<i32>} : memref<200x256xf32, #tpu.memory_space<vmem>>, vector<16xf32>,
      %swap3A_929 = arith.index_cast %scan3A_901 : i32 to index
      %swap3A_930 = arith.constant 64 : index
      %swap3A_931 = tpu.vector_load %arg8[%swap3A_929, %swap3A_930] {strides = array<i32>} : memref<200x256xf32, #tpu.memory_space<vmem>>, vector<16xf32>,
      tpu.vector_store %arg8[%swap3A_929, %swap3A_930], %broadcast_in_dim3A_3 {strides = array<i32>} : memref<200x256xf32, #tpu.memory_space<vmem>>, vector<16xf32>,
      %swap3A_932 = arith.index_cast %scan3A_901 : i32 to index
      %swap3A_933 = arith.constant 80 : index
      %swap3A_934 = tpu.vector_load %arg7[%swap3A_932, %swap3A_933] {strides = array<i32>} : memref<200x256xf32, #tpu.memory_space<vmem>>, vector<16xf32>,
      tpu.vector_store %arg7[%swap3A_932, %swap3A_933], %broadcast_in_dim3A_3 {strides = array<i32>} : memref<200x256xf32, #tpu.memory_space<vmem>>, vector<16xf32>,
      %swap3A_935 = arith.index_cast %scan3A_901 : i32 to index
      %swap3A_936 = arith.constant 80 : index
      %swap3A_937 = tpu.vector_load %arg8[%swap3A_935, %swap3A_936] {strides = array<i32>} : memref<200x256xf32, #tpu.memory_space<vmem>>, vector<16xf32>,
      tpu.vector_store %arg8[%swap3A_935, %swap3A_936], %broadcast_in_dim3A_3 {strides = array<i32>} : memref<200x256xf32, #tpu.memory_space<vmem>>, vector<16xf32>,
      %swap3A_938 = arith.index_cast %scan3A_901 : i32 to index
      %swap3A_939 = arith.constant 96 : index
      %swap3A_940 = tpu.vector_load %arg7[%swap3A_938, %swap3A_939] {strides = array<i32>} : memref<200x256xf32, #tpu.memory_space<vmem>>, vector<16xf32>,
      tpu.vector_store %arg7[%swap3A_938, %swap3A_939], %broadcast_in_dim3A_3 {strides = array<i32>} : memref<200x256xf32, #tpu.memory_space<vmem>>, vector<16xf32>,
      %swap3A_941 = arith.index_cast %scan3A_901 : i32 to index
      %swap3A_942 = arith.constant 96 : index
      %swap3A_943 = tpu.vector_load %arg8[%swap3A_941, %swap3A_942] {strides = array<i32>} : memref<200x256xf32, #tpu.memory_space<vmem>>, vector<16xf32>,
      tpu.vector_store %arg8[%swap3A_941, %swap3A_942], %broadcast_in_dim3A_3 {strides = array<i32>} : memref<200x256xf32, #tpu.memory_space<vmem>>, vector<16xf32>,
      %swap3A_944 = arith.index_cast %scan3A_901 : i32 to index
      %swap3A_945 = arith.constant 112 : index
      %swap3A_946 = tpu.vector_load %arg7[%swap3A_944, %swap3A_945] {strides = array<i32>} : memref<200x256xf32, #tpu.memory_space<vmem>>, vector<16xf32>,
      tpu.vector_store %arg7[%swap3A_944, %swap3A_945], %broadcast_in_dim3A_3 {strides = array<i32>} : memref<200x256xf32, #tpu.memory_space<vmem>>, vector<16xf32>,
      %swap3A_947 = arith.index_cast %scan3A_901 : i32 to index
      %swap3A_948 = arith.constant 112 : index
      %swap3A_949 = tpu.vector_load %arg8[%swap3A_947, %swap3A_948] {strides = array<i32>} : memref<200x256xf32, #tpu.memory_space<vmem>>, vector<16xf32>,
      tpu.vector_store %arg8[%swap3A_947, %swap3A_948], %broadcast_in_dim3A_3 {strides = array<i32>} : memref<200x256xf32, #tpu.memory_space<vmem>>, vector<16xf32>,
      %swap3A_950 = arith.index_cast %scan3A_901 : i32 to index
      %swap3A_951 = arith.constant 128 : index
      %swap3A_952 = tpu.vector_load %arg7[%swap3A_950, %swap3A_951] {strides = array<i32>} : memref<200x256xf32, #tpu.memory_space<vmem>>, vector<16xf32>,
      tpu.vector_store %arg7[%swap3A_950, %swap3A_951], %broadcast_in_dim3A_3 {strides = array<i32>} : memref<200x256xf32, #tpu.memory_space<vmem>>, vector<16xf32>,
      %swap3A_953 = arith.index_cast %scan3A_901 : i32 to index
      %swap3A_954 = arith.constant 128 : index
      %swap3A_955 = tpu.vector_load %arg8[%swap3A_953, %swap3A_954] {strides = array<i32>} : memref<200x256xf32, #tpu.memory_space<vmem>>, vector<16xf32>,
      tpu.vector_store %arg8[%swap3A_953, %swap3A_954], %broadcast_in_dim3A_3 {strides = array<i32>} : memref<200x256xf32, #tpu.memory_space<vmem>>, vector<16xf32>,
      %swap3A_956 = arith.index_cast %scan3A_901 : i32 to index
      %swap3A_957 = arith.constant 144 : index
      %swap3A_958 = tpu.vector_load %arg7[%swap3A_956, %swap3A_957] {strides = array<i32>} : memref<200x256xf32, #tpu.memory_space<vmem>>, vector<16xf32>,
      tpu.vector_store %arg7[%swap3A_956, %swap3A_957], %broadcast_in_dim3A_3 {strides = array<i32>} : memref<200x256xf32, #tpu.memory_space<vmem>>, vector<16xf32>,
      %swap3A_959 = arith.index_cast %scan3A_901 : i32 to index
      %swap3A_960 = arith.constant 144 : index
      %swap3A_961 = tpu.vector_load %arg8[%swap3A_959, %swap3A_960] {strides = array<i32>} : memref<200x256xf32, #tpu.memory_space<vmem>>, vector<16xf32>,
      tpu.vector_store %arg8[%swap3A_959, %swap3A_960], %broadcast_in_dim3A_3 {strides = array<i32>} : memref<200x256xf32, #tpu.memory_space<vmem>>, vector<16xf32>,
      %swap3A_962 = arith.index_cast %scan3A_901 : i32 to index
      %swap3A_963 = arith.constant 160 : index
      %swap3A_964 = tpu.vector_load %arg7[%swap3A_962, %swap3A_963] {strides = array<i32>} : memref<200x256xf32, #tpu.memory_space<vmem>>, vector<16xf32>,
      tpu.vector_store %arg7[%swap3A_962, %swap3A_963], %broadcast_in_dim3A_3 {strides = array<i32>} : memref<200x256xf32, #tpu.memory_space<vmem>>, vector<16xf32>,
      %swap3A_965 = arith.index_cast %scan3A_901 : i32 to index
      %swap3A_966 = arith.constant 160 : index
      %swap3A_967 = tpu.vector_load %arg8[%swap3A_965, %swap3A_966] {strides = array<i32>} : memref<200x256xf32, #tpu.memory_space<vmem>>, vector<16xf32>,
      tpu.vector_store %arg8[%swap3A_965, %swap3A_966], %broadcast_in_dim3A_3 {strides = array<i32>} : memref<200x256xf32, #tpu.memory_space<vmem>>, vector<16xf32>,
      %swap3A_968 = arith.index_cast %scan3A_901 : i32 to index
      %swap3A_969 = arith.constant 176 : index
      %swap3A_970 = tpu.vector_load %arg7[%swap3A_968, %swap3A_969] {strides = array<i32>} : memref<200x256xf32, #tpu.memory_space<vmem>>, vector<16xf32>,
      tpu.vector_store %arg7[%swap3A_968, %swap3A_969], %broadcast_in_dim3A_3 {strides = array<i32>} : memref<200x256xf32, #tpu.memory_space<vmem>>, vector<16xf32>,
      %swap3A_971 = arith.index_cast %scan3A_901 : i32 to index
      %swap3A_972 = arith.constant 176 : index
      %swap3A_973 = tpu.vector_load %arg8[%swap3A_971, %swap3A_972] {strides = array<i32>} : memref<200x256xf32, #tpu.memory_space<vmem>>, vector<16xf32>,
      tpu.vector_store %arg8[%swap3A_971, %swap3A_972], %broadcast_in_dim3A_3 {strides = array<i32>} : memref<200x256xf32, #tpu.memory_space<vmem>>, vector<16xf32>,
      %swap3A_974 = arith.index_cast %scan3A_901 : i32 to index
      %swap3A_975 = arith.constant 192 : index
      %swap3A_976 = tpu.vector_load %arg7[%swap3A_974, %swap3A_975] {strides = array<i32>} : memref<200x256xf32, #tpu.memory_space<vmem>>, vector<16xf32>,
      tpu.vector_store %arg7[%swap3A_974, %swap3A_975], %broadcast_in_dim3A_3 {strides = array<i32>} : memref<200x256xf32, #tpu.memory_space<vmem>>, vector<16xf32>,
      %swap3A_977 = arith.index_cast %scan3A_901 : i32 to index
      %swap3A_978 = arith.constant 192 : index
      %swap3A_979 = tpu.vector_load %arg8[%swap3A_977, %swap3A_978] {strides = array<i32>} : memref<200x256xf32, #tpu.memory_space<vmem>>, vector<16xf32>,
      tpu.vector_store %arg8[%swap3A_977, %swap3A_978], %broadcast_in_dim3A_3 {strides = array<i32>} : memref<200x256xf32, #tpu.memory_space<vmem>>, vector<16xf32>,
      %swap3A_980 = arith.index_cast %scan3A_901 : i32 to index
      %swap3A_981 = arith.constant 208 : index
      %swap3A_982 = tpu.vector_load %arg7[%swap3A_980, %swap3A_981] {strides = array<i32>} : memref<200x256xf32, #tpu.memory_space<vmem>>, vector<16xf32>,
      tpu.vector_store %arg7[%swap3A_980, %swap3A_981], %broadcast_in_dim3A_3 {strides = array<i32>} : memref<200x256xf32, #tpu.memory_space<vmem>>, vector<16xf32>,
      %swap3A_983 = arith.index_cast %scan3A_901 : i32 to index
      %swap3A_984 = arith.constant 208 : index
      %swap3A_985 = tpu.vector_load %arg8[%swap3A_983, %swap3A_984] {strides = array<i32>} : memref<200x256xf32, #tpu.memory_space<vmem>>, vector<16xf32>,
      tpu.vector_store %arg8[%swap3A_983, %swap3A_984], %broadcast_in_dim3A_3 {strides = array<i32>} : memref<200x256xf32, #tpu.memory_space<vmem>>, vector<16xf32>,
      %swap3A_986 = arith.index_cast %scan3A_901 : i32 to index
      %swap3A_987 = arith.constant 224 : index
      %swap3A_988 = tpu.vector_load %arg7[%swap3A_986, %swap3A_987] {strides = array<i32>} : memref<200x256xf32, #tpu.memory_space<vmem>>, vector<16xf32>,
      tpu.vector_store %arg7[%swap3A_986, %swap3A_987], %broadcast_in_dim3A_3 {strides = array<i32>} : memref<200x256xf32, #tpu.memory_space<vmem>>, vector<16xf32>,
      %swap3A_989 = arith.index_cast %scan3A_901 : i32 to index
      %swap3A_990 = arith.constant 224 : index
      %swap3A_991 = tpu.vector_load %arg8[%swap3A_989, %swap3A_990] {strides = array<i32>} : memref<200x256xf32, #tpu.memory_space<vmem>>, vector<16xf32>,
      tpu.vector_store %arg8[%swap3A_989, %swap3A_990], %broadcast_in_dim3A_3 {strides = array<i32>} : memref<200x256xf32, #tpu.memory_space<vmem>>, vector<16xf32>,
      %swap3A_992 = arith.index_cast %scan3A_901 : i32 to index
      %swap3A_993 = arith.constant 240 : index
      %swap3A_994 = tpu.vector_load %arg7[%swap3A_992, %swap3A_993] {strides = array<i32>} : memref<200x256xf32, #tpu.memory_space<vmem>>, vector<16xf32>,
      tpu.vector_store %arg7[%swap3A_992, %swap3A_993], %broadcast_in_dim3A_3 {strides = array<i32>} : memref<200x256xf32, #tpu.memory_space<vmem>>, vector<16xf32>,
      %swap3A_995 = arith.index_cast %scan3A_901 : i32 to index
      %swap3A_996 = arith.constant 240 : index
      %swap3A_997 = tpu.vector_load %arg8[%swap3A_995, %swap3A_996] {strides = array<i32>} : memref<200x256xf32, #tpu.memory_space<vmem>>, vector<16xf32>,
      tpu.vector_store %arg8[%swap3A_995, %swap3A_996], %broadcast_in_dim3A_3 {strides = array<i32>} : memref<200x256xf32, #tpu.memory_space<vmem>>, vector<16xf32>,
      %scan3A_998 = arith.constant 0 : i32
      scf.yield %scan3A_998 : i32
    }
    %scan3A_11 = arith.constant 200 : i32
    %get3A = arith.constant 0 : i32
    %get3A_12 = arith.index_cast %get3A : i32 to index
    %get3A_13 = arith.constant 0 : index
    %get3A_14 = tpu.vector_load %arg5[%get3A_12, %get3A_13] {strides = array<i32>} : memref<26x512xi32, #tpu.memory_space<vmem>>, vector<16xi32>,
    %add3A_15 = arith.constant 0 : i32
    %add3A_16 = vector.broadcast %add3A_15 : i32 to vector<16xi32>
    %add3A_17 = arith.addi %add3A_16, %iota3A : vector<16xi32>
    %get3A_18 = arith.constant 0 : i32
    %get3A_19 = arith.index_cast %get3A_18 : i32 to index
    %get3A_20 = arith.constant 0 : index
    %get3A_21 = tpu.vector_load %arg6[%get3A_19, %get3A_20] {strides = array<i32>} : memref<26x16xi32, #tpu.memory_space<vmem>>, vector<16xi32>,
    %lt3A = arith.cmpi slt, %get3A_14, %get3A_21 : vector<16xi32>
    tpu.vector_store_idx %arg7[%get3A_14, %add3A_17], %broadcast_in_dim3A_5 masked %lt3A : memref<200x256xf32, #tpu.memory_space<vmem>>[vector<16xi32>, vector<16xi32>], vector<16xf32>, vector<16xi1>
    %get3A_22 = arith.constant 0 : i32
    %get3A_23 = arith.index_cast %get3A_22 : i32 to index
    %get3A_24 = arith.constant 16 : index
    %get3A_25 = tpu.vector_load %arg5[%get3A_23, %get3A_24] {strides = array<i32>} : memref<26x512xi32, #tpu.memory_space<vmem>>, vector<16xi32>,
    %add3A_26 = arith.constant 16 : i32
    %add3A_27 = vector.broadcast %add3A_26 : i32 to vector<16xi32>
    %add3A_28 = arith.addi %add3A_27, %iota3A : vector<16xi32>
    %get3A_29 = arith.constant 0 : i32
    %get3A_30 = arith.index_cast %get3A_29 : i32 to index
    %get3A_31 = arith.constant 0 : index
    %get3A_32 = tpu.vector_load %arg6[%get3A_30, %get3A_31] {strides = array<i32>} : memref<26x16xi32, #tpu.memory_space<vmem>>, vector<16xi32>,
    %lt3A_33 = arith.cmpi slt, %get3A_25, %get3A_32 : vector<16xi32>
    tpu.vector_store_idx %arg7[%get3A_25, %add3A_28], %broadcast_in_dim3A_5 masked %lt3A_33 : memref<200x256xf32, #tpu.memory_space<vmem>>[vector<16xi32>, vector<16xi32>], vector<16xf32>, vector<16xi1>
    %get3A_34 = arith.constant 0 : i32
    %get3A_35 = arith.index_cast %get3A_34 : i32 to index
    %get3A_36 = arith.constant 32 : index
    %get3A_37 = tpu.vector_load %arg5[%get3A_35, %get3A_36] {strides = array<i32>} : memref<26x512xi32, #tpu.memory_space<vmem>>, vector<16xi32>,
    %add3A_38 = arith.constant 32 : i32
    %add3A_39 = vector.broadcast %add3A_38 : i32 to vector<16xi32>
    %add3A_40 = arith.addi %add3A_39, %iota3A : vector<16xi32>
    %get3A_41 = arith.constant 0 : i32
    %get3A_42 = arith.index_cast %get3A_41 : i32 to index
    %get3A_43 = arith.constant 0 : index
    %get3A_44 = tpu.vector_load %arg6[%get3A_42, %get3A_43] {strides = array<i32>} : memref<26x16xi32, #tpu.memory_space<vmem>>, vector<16xi32>,
    %lt3A_45 = arith.cmpi slt, %get3A_37, %get3A_44 : vector<16xi32>
    tpu.vector_store_idx %arg7[%get3A_37, %add3A_40], %broadcast_in_dim3A_5 masked %lt3A_45 : memref<200x256xf32, #tpu.memory_space<vmem>>[vector<16xi32>, vector<16xi32>], vector<16xf32>, vector<16xi1>
    %get3A_46 = arith.constant 0 : i32
    %get3A_47 = arith.index_cast %get3A_46 : i32 to index
    %get3A_48 = arith.constant 48 : index
    %get3A_49 = tpu.vector_load %arg5[%get3A_47, %get3A_48] {strides = array<i32>} : memref<26x512xi32, #tpu.memory_space<vmem>>, vector<16xi32>,
    %add3A_50 = arith.constant 48 : i32
    %add3A_51 = vector.broadcast %add3A_50 : i32 to vector<16xi32>
    %add3A_52 = arith.addi %add3A_51, %iota3A : vector<16xi32>
    %get3A_53 = arith.constant 0 : i32
    %get3A_54 = arith.index_cast %get3A_53 : i32 to index
    %get3A_55 = arith.constant 0 : index
    %get3A_56 = tpu.vector_load %arg6[%get3A_54, %get3A_55] {strides = array<i32>} : memref<26x16xi32, #tpu.memory_space<vmem>>, vector<16xi32>,
    %lt3A_57 = arith.cmpi slt, %get3A_49, %get3A_56 : vector<16xi32>
    tpu.vector_store_idx %arg7[%get3A_49, %add3A_52], %broadcast_in_dim3A_5 masked %lt3A_57 : memref<200x256xf32, #tpu.memory_space<vmem>>[vector<16xi32>, vector<16xi32>], vector<16xf32>, vector<16xi1>
    %get3A_58 = arith.constant 0 : i32
    %get3A_59 = arith.index_cast %get3A_58 : i32 to index
    %get3A_60 = arith.constant 64 : index
    %get3A_61 = tpu.vector_load %arg5[%get3A_59, %get3A_60] {strides = array<i32>} : memref<26x512xi32, #tpu.memory_space<vmem>>, vector<16xi32>,
    %add3A_62 = arith.constant 64 : i32
    %add3A_63 = vector.broadcast %add3A_62 : i32 to vector<16xi32>
    %add3A_64 = arith.addi %add3A_63, %iota3A : vector<16xi32>
    %get3A_65 = arith.constant 0 : i32
    %get3A_66 = arith.index_cast %get3A_65 : i32 to index
    %get3A_67 = arith.constant 0 : index
    %get3A_68 = tpu.vector_load %arg6[%get3A_66, %get3A_67] {strides = array<i32>} : memref<26x16xi32, #tpu.memory_space<vmem>>, vector<16xi32>,
    %lt3A_69 = arith.cmpi slt, %get3A_61, %get3A_68 : vector<16xi32>
    tpu.vector_store_idx %arg7[%get3A_61, %add3A_64], %broadcast_in_dim3A_5 masked %lt3A_69 : memref<200x256xf32, #tpu.memory_space<vmem>>[vector<16xi32>, vector<16xi32>], vector<16xf32>, vector<16xi1>
    %get3A_70 = arith.constant 0 : i32
    %get3A_71 = arith.index_cast %get3A_70 : i32 to index
    %get3A_72 = arith.constant 80 : index
    %get3A_73 = tpu.vector_load %arg5[%get3A_71, %get3A_72] {strides = array<i32>} : memref<26x512xi32, #tpu.memory_space<vmem>>, vector<16xi32>,
    %add3A_74 = arith.constant 80 : i32
    %add3A_75 = vector.broadcast %add3A_74 : i32 to vector<16xi32>
    %add3A_76 = arith.addi %add3A_75, %iota3A : vector<16xi32>
    %get3A_77 = arith.constant 0 : i32
    %get3A_78 = arith.index_cast %get3A_77 : i32 to index
    %get3A_79 = arith.constant 0 : index
    %get3A_80 = tpu.vector_load %arg6[%get3A_78, %get3A_79] {strides = array<i32>} : memref<26x16xi32, #tpu.memory_space<vmem>>, vector<16xi32>,
    %lt3A_81 = arith.cmpi slt, %get3A_73, %get3A_80 : vector<16xi32>
    tpu.vector_store_idx %arg7[%get3A_73, %add3A_76], %broadcast_in_dim3A_5 masked %lt3A_81 : memref<200x256xf32, #tpu.memory_space<vmem>>[vector<16xi32>, vector<16xi32>], vector<16xf32>, vector<16xi1>
    %get3A_82 = arith.constant 0 : i32
    %get3A_83 = arith.index_cast %get3A_82 : i32 to index
    %get3A_84 = arith.constant 96 : index
    %get3A_85 = tpu.vector_load %arg5[%get3A_83, %get3A_84] {strides = array<i32>} : memref<26x512xi32, #tpu.memory_space<vmem>>, vector<16xi32>,
    %add3A_86 = arith.constant 96 : i32
    %add3A_87 = vector.broadcast %add3A_86 : i32 to vector<16xi32>
    %add3A_88 = arith.addi %add3A_87, %iota3A : vector<16xi32>
    %get3A_89 = arith.constant 0 : i32
    %get3A_90 = arith.index_cast %get3A_89 : i32 to index
    %get3A_91 = arith.constant 0 : index
    %get3A_92 = tpu.vector_load %arg6[%get3A_90, %get3A_91] {strides = array<i32>} : memref<26x16xi32, #tpu.memory_space<vmem>>, vector<16xi32>,
    %lt3A_93 = arith.cmpi slt, %get3A_85, %get3A_92 : vector<16xi32>
    tpu.vector_store_idx %arg7[%get3A_85, %add3A_88], %broadcast_in_dim3A_5 masked %lt3A_93 : memref<200x256xf32, #tpu.memory_space<vmem>>[vector<16xi32>, vector<16xi32>], vector<16xf32>, vector<16xi1>
    %get3A_94 = arith.constant 0 : i32
    %get3A_95 = arith.index_cast %get3A_94 : i32 to index
    %get3A_96 = arith.constant 112 : index
    %get3A_97 = tpu.vector_load %arg5[%get3A_95, %get3A_96] {strides = array<i32>} : memref<26x512xi32, #tpu.memory_space<vmem>>, vector<16xi32>,
    %add3A_98 = arith.constant 112 : i32
    %add3A_99 = vector.broadcast %add3A_98 : i32 to vector<16xi32>
    %add3A_100 = arith.addi %add3A_99, %iota3A : vector<16xi32>
    %get3A_101 = arith.constant 0 : i32
    %get3A_102 = arith.index_cast %get3A_101 : i32 to index
    %get3A_103 = arith.constant 0 : index
    %get3A_104 = tpu.vector_load %arg6[%get3A_102, %get3A_103] {strides = array<i32>} : memref<26x16xi32, #tpu.memory_space<vmem>>, vector<16xi32>,
    %lt3A_105 = arith.cmpi slt, %get3A_97, %get3A_104 : vector<16xi32>
    tpu.vector_store_idx %arg7[%get3A_97, %add3A_100], %broadcast_in_dim3A_5 masked %lt3A_105 : memref<200x256xf32, #tpu.memory_space<vmem>>[vector<16xi32>, vector<16xi32>], vector<16xf32>, vector<16xi1>
    %get3A_106 = arith.constant 0 : i32
    %get3A_107 = arith.index_cast %get3A_106 : i32 to index
    %get3A_108 = arith.constant 128 : index
    %get3A_109 = tpu.vector_load %arg5[%get3A_107, %get3A_108] {strides = array<i32>} : memref<26x512xi32, #tpu.memory_space<vmem>>, vector<16xi32>,
    %add3A_110 = arith.constant 128 : i32
    %add3A_111 = vector.broadcast %add3A_110 : i32 to vector<16xi32>
    %add3A_112 = arith.addi %add3A_111, %iota3A : vector<16xi32>
    %get3A_113 = arith.constant 0 : i32
    %get3A_114 = arith.index_cast %get3A_113 : i32 to index
    %get3A_115 = arith.constant 0 : index
    %get3A_116 = tpu.vector_load %arg6[%get3A_114, %get3A_115] {strides = array<i32>} : memref<26x16xi32, #tpu.memory_space<vmem>>, vector<16xi32>,
    %lt3A_117 = arith.cmpi slt, %get3A_109, %get3A_116 : vector<16xi32>
    tpu.vector_store_idx %arg7[%get3A_109, %add3A_112], %broadcast_in_dim3A_5 masked %lt3A_117 : memref<200x256xf32, #tpu.memory_space<vmem>>[vector<16xi32>, vector<16xi32>], vector<16xf32>, vector<16xi1>
    %get3A_118 = arith.constant 0 : i32
    %get3A_119 = arith.index_cast %get3A_118 : i32 to index
    %get3A_120 = arith.constant 144 : index
    %get3A_121 = tpu.vector_load %arg5[%get3A_119, %get3A_120] {strides = array<i32>} : memref<26x512xi32, #tpu.memory_space<vmem>>, vector<16xi32>,
    %add3A_122 = arith.constant 144 : i32
    %add3A_123 = vector.broadcast %add3A_122 : i32 to vector<16xi32>
    %add3A_124 = arith.addi %add3A_123, %iota3A : vector<16xi32>
    %get3A_125 = arith.constant 0 : i32
    %get3A_126 = arith.index_cast %get3A_125 : i32 to index
    %get3A_127 = arith.constant 0 : index
    %get3A_128 = tpu.vector_load %arg6[%get3A_126, %get3A_127] {strides = array<i32>} : memref<26x16xi32, #tpu.memory_space<vmem>>, vector<16xi32>,
    %lt3A_129 = arith.cmpi slt, %get3A_121, %get3A_128 : vector<16xi32>
    tpu.vector_store_idx %arg7[%get3A_121, %add3A_124], %broadcast_in_dim3A_5 masked %lt3A_129 : memref<200x256xf32, #tpu.memory_space<vmem>>[vector<16xi32>, vector<16xi32>], vector<16xf32>, vector<16xi1>
    %get3A_130 = arith.constant 0 : i32
    %get3A_131 = arith.index_cast %get3A_130 : i32 to index
    %get3A_132 = arith.constant 160 : index
    %get3A_133 = tpu.vector_load %arg5[%get3A_131, %get3A_132] {strides = array<i32>} : memref<26x512xi32, #tpu.memory_space<vmem>>, vector<16xi32>,
    %add3A_134 = arith.constant 160 : i32
    %add3A_135 = vector.broadcast %add3A_134 : i32 to vector<16xi32>
    %add3A_136 = arith.addi %add3A_135, %iota3A : vector<16xi32>
    %get3A_137 = arith.constant 0 : i32
    %get3A_138 = arith.index_cast %get3A_137 : i32 to index
    %get3A_139 = arith.constant 0 : index
    %get3A_140 = tpu.vector_load %arg6[%get3A_138, %get3A_139] {strides = array<i32>} : memref<26x16xi32, #tpu.memory_space<vmem>>, vector<16xi32>,
    %lt3A_141 = arith.cmpi slt, %get3A_133, %get3A_140 : vector<16xi32>
    tpu.vector_store_idx %arg7[%get3A_133, %add3A_136], %broadcast_in_dim3A_5 masked %lt3A_141 : memref<200x256xf32, #tpu.memory_space<vmem>>[vector<16xi32>, vector<16xi32>], vector<16xf32>, vector<16xi1>
    %get3A_142 = arith.constant 0 : i32
    %get3A_143 = arith.index_cast %get3A_142 : i32 to index
    %get3A_144 = arith.constant 176 : index
    %get3A_145 = tpu.vector_load %arg5[%get3A_143, %get3A_144] {strides = array<i32>} : memref<26x512xi32, #tpu.memory_space<vmem>>, vector<16xi32>,
    %add3A_146 = arith.constant 176 : i32
    %add3A_147 = vector.broadcast %add3A_146 : i32 to vector<16xi32>
    %add3A_148 = arith.addi %add3A_147, %iota3A : vector<16xi32>
    %get3A_149 = arith.constant 0 : i32
    %get3A_150 = arith.index_cast %get3A_149 : i32 to index
    %get3A_151 = arith.constant 0 : index
    %get3A_152 = tpu.vector_load %arg6[%get3A_150, %get3A_151] {strides = array<i32>} : memref<26x16xi32, #tpu.memory_space<vmem>>, vector<16xi32>,
    %lt3A_153 = arith.cmpi slt, %get3A_145, %get3A_152 : vector<16xi32>
    tpu.vector_store_idx %arg7[%get3A_145, %add3A_148], %broadcast_in_dim3A_5 masked %lt3A_153 : memref<200x256xf32, #tpu.memory_space<vmem>>[vector<16xi32>, vector<16xi32>], vector<16xf32>, vector<16xi1>
    %get3A_154 = arith.constant 0 : i32
    %get3A_155 = arith.index_cast %get3A_154 : i32 to index
    %get3A_156 = arith.constant 192 : index
    %get3A_157 = tpu.vector_load %arg5[%get3A_155, %get3A_156] {strides = array<i32>} : memref<26x512xi32, #tpu.memory_space<vmem>>, vector<16xi32>,
    %add3A_158 = arith.constant 192 : i32
    %add3A_159 = vector.broadcast %add3A_158 : i32 to vector<16xi32>
    %add3A_160 = arith.addi %add3A_159, %iota3A : vector<16xi32>
    %get3A_161 = arith.constant 0 : i32
    %get3A_162 = arith.index_cast %get3A_161 : i32 to index
    %get3A_163 = arith.constant 0 : index
    %get3A_164 = tpu.vector_load %arg6[%get3A_162, %get3A_163] {strides = array<i32>} : memref<26x16xi32, #tpu.memory_space<vmem>>, vector<16xi32>,
    %lt3A_165 = arith.cmpi slt, %get3A_157, %get3A_164 : vector<16xi32>
    tpu.vector_store_idx %arg7[%get3A_157, %add3A_160], %broadcast_in_dim3A_5 masked %lt3A_165 : memref<200x256xf32, #tpu.memory_space<vmem>>[vector<16xi32>, vector<16xi32>], vector<16xf32>, vector<16xi1>
    %get3A_166 = arith.constant 0 : i32
    %get3A_167 = arith.index_cast %get3A_166 : i32 to index
    %get3A_168 = arith.constant 208 : index
    %get3A_169 = tpu.vector_load %arg5[%get3A_167, %get3A_168] {strides = array<i32>} : memref<26x512xi32, #tpu.memory_space<vmem>>, vector<16xi32>,
    %add3A_170 = arith.constant 208 : i32
    %add3A_171 = vector.broadcast %add3A_170 : i32 to vector<16xi32>
    %add3A_172 = arith.addi %add3A_171, %iota3A : vector<16xi32>
    %get3A_173 = arith.constant 0 : i32
    %get3A_174 = arith.index_cast %get3A_173 : i32 to index
    %get3A_175 = arith.constant 0 : index
    %get3A_176 = tpu.vector_load %arg6[%get3A_174, %get3A_175] {strides = array<i32>} : memref<26x16xi32, #tpu.memory_space<vmem>>, vector<16xi32>,
    %lt3A_177 = arith.cmpi slt, %get3A_169, %get3A_176 : vector<16xi32>
    tpu.vector_store_idx %arg7[%get3A_169, %add3A_172], %broadcast_in_dim3A_5 masked %lt3A_177 : memref<200x256xf32, #tpu.memory_space<vmem>>[vector<16xi32>, vector<16xi32>], vector<16xf32>, vector<16xi1>
    %get3A_178 = arith.constant 0 : i32
    %get3A_179 = arith.index_cast %get3A_178 : i32 to index
    %get3A_180 = arith.constant 224 : index
    %get3A_181 = tpu.vector_load %arg5[%get3A_179, %get3A_180] {strides = array<i32>} : memref<26x512xi32, #tpu.memory_space<vmem>>, vector<16xi32>,
    %add3A_182 = arith.constant 224 : i32
    %add3A_183 = vector.broadcast %add3A_182 : i32 to vector<16xi32>
    %add3A_184 = arith.addi %add3A_183, %iota3A : vector<16xi32>
    %get3A_185 = arith.constant 0 : i32
    %get3A_186 = arith.index_cast %get3A_185 : i32 to index
    %get3A_187 = arith.constant 0 : index
    %get3A_188 = tpu.vector_load %arg6[%get3A_186, %get3A_187] {strides = array<i32>} : memref<26x16xi32, #tpu.memory_space<vmem>>, vector<16xi32>,
    %lt3A_189 = arith.cmpi slt, %get3A_181, %get3A_188 : vector<16xi32>
    tpu.vector_store_idx %arg7[%get3A_181, %add3A_184], %broadcast_in_dim3A_5 masked %lt3A_189 : memref<200x256xf32, #tpu.memory_space<vmem>>[vector<16xi32>, vector<16xi32>], vector<16xf32>, vector<16xi1>
    %get3A_190 = arith.constant 0 : i32
    %get3A_191 = arith.index_cast %get3A_190 : i32 to index
    %get3A_192 = arith.constant 240 : index
    %get3A_193 = tpu.vector_load %arg5[%get3A_191, %get3A_192] {strides = array<i32>} : memref<26x512xi32, #tpu.memory_space<vmem>>, vector<16xi32>,
    %add3A_194 = arith.constant 240 : i32
    %add3A_195 = vector.broadcast %add3A_194 : i32 to vector<16xi32>
    %add3A_196 = arith.addi %add3A_195, %iota3A : vector<16xi32>
    %get3A_197 = arith.constant 0 : i32
    %get3A_198 = arith.index_cast %get3A_197 : i32 to index
    %get3A_199 = arith.constant 0 : index
    %get3A_200 = tpu.vector_load %arg6[%get3A_198, %get3A_199] {strides = array<i32>} : memref<26x16xi32, #tpu.memory_space<vmem>>, vector<16xi32>,
    %lt3A_201 = arith.cmpi slt, %get3A_193, %get3A_200 : vector<16xi32>
    tpu.vector_store_idx %arg7[%get3A_193, %add3A_196], %broadcast_in_dim3A_5 masked %lt3A_201 : memref<200x256xf32, #tpu.memory_space<vmem>>[vector<16xi32>, vector<16xi32>], vector<16xf32>, vector<16xi1>
    %get3A_202 = arith.constant 1 : i32
    %get3A_203 = arith.index_cast %get3A_202 : i32 to index
    %get3A_204 = arith.constant 0 : index
    %get3A_205 = tpu.vector_load %arg5[%get3A_203, %get3A_204] {strides = array<i32>} : memref<26x512xi32, #tpu.memory_space<vmem>>, vector<16xi32>,
    %add3A_206 = arith.constant 100 : i32
    %add3A_207 = vector.broadcast %add3A_206 : i32 to vector<16xi32>
    %add3A_208 = arith.addi %get3A_205, %add3A_207 : vector<16xi32>
    %add3A_209 = arith.constant 0 : i32
    %add3A_210 = vector.broadcast %add3A_209 : i32 to vector<16xi32>
    %add3A_211 = arith.addi %add3A_210, %iota3A : vector<16xi32>
    %get3A_212 = arith.constant 1 : i32
    %get3A_213 = arith.index_cast %get3A_212 : i32 to index
    %get3A_214 = arith.constant 0 : index
    %get3A_215 = tpu.vector_load %arg6[%get3A_213, %get3A_214] {strides = array<i32>} : memref<26x16xi32, #tpu.memory_space<vmem>>, vector<16xi32>,
    %lt3A_216 = arith.cmpi slt, %get3A_205, %get3A_215 : vector<16xi32>
    tpu.vector_store_idx %arg7[%add3A_208, %add3A_211], %broadcast_in_dim3A_5 masked %lt3A_216 : memref<200x256xf32, #tpu.memory_space<vmem>>[vector<16xi32>, vector<16xi32>], vector<16xf32>, vector<16xi1>
    %get3A_217 = arith.constant 1 : i32
    %get3A_218 = arith.index_cast %get3A_217 : i32 to index
    %get3A_219 = arith.constant 16 : index
    %get3A_220 = tpu.vector_load %arg5[%get3A_218, %get3A_219] {strides = array<i32>} : memref<26x512xi32, #tpu.memory_space<vmem>>, vector<16xi32>,
    %add3A_221 = arith.constant 100 : i32
    %add3A_222 = vector.broadcast %add3A_221 : i32 to vector<16xi32>
    %add3A_223 = arith.addi %get3A_220, %add3A_222 : vector<16xi32>
    %add3A_224 = arith.constant 16 : i32
    %add3A_225 = vector.broadcast %add3A_224 : i32 to vector<16xi32>
    %add3A_226 = arith.addi %add3A_225, %iota3A : vector<16xi32>
    %get3A_227 = arith.constant 1 : i32
    %get3A_228 = arith.index_cast %get3A_227 : i32 to index
    %get3A_229 = arith.constant 0 : index
    %get3A_230 = tpu.vector_load %arg6[%get3A_228, %get3A_229] {strides = array<i32>} : memref<26x16xi32, #tpu.memory_space<vmem>>, vector<16xi32>,
    %lt3A_231 = arith.cmpi slt, %get3A_220, %get3A_230 : vector<16xi32>
    tpu.vector_store_idx %arg7[%add3A_223, %add3A_226], %broadcast_in_dim3A_5 masked %lt3A_231 : memref<200x256xf32, #tpu.memory_space<vmem>>[vector<16xi32>, vector<16xi32>], vector<16xf32>, vector<16xi1>
    %get3A_232 = arith.constant 1 : i32
    %get3A_233 = arith.index_cast %get3A_232 : i32 to index
    %get3A_234 = arith.constant 32 : index
    %get3A_235 = tpu.vector_load %arg5[%get3A_233, %get3A_234] {strides = array<i32>} : memref<26x512xi32, #tpu.memory_space<vmem>>, vector<16xi32>,
    %add3A_236 = arith.constant 100 : i32
    %add3A_237 = vector.broadcast %add3A_236 : i32 to vector<16xi32>
    %add3A_238 = arith.addi %get3A_235, %add3A_237 : vector<16xi32>
    %add3A_239 = arith.constant 32 : i32
    %add3A_240 = vector.broadcast %add3A_239 : i32 to vector<16xi32>
    %add3A_241 = arith.addi %add3A_240, %iota3A : vector<16xi32>
    %get3A_242 = arith.constant 1 : i32
    %get3A_243 = arith.index_cast %get3A_242 : i32 to index
    %get3A_244 = arith.constant 0 : index
    %get3A_245 = tpu.vector_load %arg6[%get3A_243, %get3A_244] {strides = array<i32>} : memref<26x16xi32, #tpu.memory_space<vmem>>, vector<16xi32>,
    %lt3A_246 = arith.cmpi slt, %get3A_235, %get3A_245 : vector<16xi32>
    tpu.vector_store_idx %arg7[%add3A_238, %add3A_241], %broadcast_in_dim3A_5 masked %lt3A_246 : memref<200x256xf32, #tpu.memory_space<vmem>>[vector<16xi32>, vector<16xi32>], vector<16xf32>, vector<16xi1>
    %get3A_247 = arith.constant 1 : i32
    %get3A_248 = arith.index_cast %get3A_247 : i32 to index
    %get3A_249 = arith.constant 48 : index
    %get3A_250 = tpu.vector_load %arg5[%get3A_248, %get3A_249] {strides = array<i32>} : memref<26x512xi32, #tpu.memory_space<vmem>>, vector<16xi32>,
    %add3A_251 = arith.constant 100 : i32
    %add3A_252 = vector.broadcast %add3A_251 : i32 to vector<16xi32>
    %add3A_253 = arith.addi %get3A_250, %add3A_252 : vector<16xi32>
    %add3A_254 = arith.constant 48 : i32
    %add3A_255 = vector.broadcast %add3A_254 : i32 to vector<16xi32>
    %add3A_256 = arith.addi %add3A_255, %iota3A : vector<16xi32>
    %get3A_257 = arith.constant 1 : i32
    %get3A_258 = arith.index_cast %get3A_257 : i32 to index
    %get3A_259 = arith.constant 0 : index
    %get3A_260 = tpu.vector_load %arg6[%get3A_258, %get3A_259] {strides = array<i32>} : memref<26x16xi32, #tpu.memory_space<vmem>>, vector<16xi32>,
    %lt3A_261 = arith.cmpi slt, %get3A_250, %get3A_260 : vector<16xi32>
    tpu.vector_store_idx %arg7[%add3A_253, %add3A_256], %broadcast_in_dim3A_5 masked %lt3A_261 : memref<200x256xf32, #tpu.memory_space<vmem>>[vector<16xi32>, vector<16xi32>], vector<16xf32>, vector<16xi1>
    %get3A_262 = arith.constant 1 : i32
    %get3A_263 = arith.index_cast %get3A_262 : i32 to index
    %get3A_264 = arith.constant 64 : index
    %get3A_265 = tpu.vector_load %arg5[%get3A_263, %get3A_264] {strides = array<i32>} : memref<26x512xi32, #tpu.memory_space<vmem>>, vector<16xi32>,
    %add3A_266 = arith.constant 100 : i32
    %add3A_267 = vector.broadcast %add3A_266 : i32 to vector<16xi32>
    %add3A_268 = arith.addi %get3A_265, %add3A_267 : vector<16xi32>
    %add3A_269 = arith.constant 64 : i32
    %add3A_270 = vector.broadcast %add3A_269 : i32 to vector<16xi32>
    %add3A_271 = arith.addi %add3A_270, %iota3A : vector<16xi32>
    %get3A_272 = arith.constant 1 : i32
    %get3A_273 = arith.index_cast %get3A_272 : i32 to index
    %get3A_274 = arith.constant 0 : index
    %get3A_275 = tpu.vector_load %arg6[%get3A_273, %get3A_274] {strides = array<i32>} : memref<26x16xi32, #tpu.memory_space<vmem>>, vector<16xi32>,
    %lt3A_276 = arith.cmpi slt, %get3A_265, %get3A_275 : vector<16xi32>
    tpu.vector_store_idx %arg7[%add3A_268, %add3A_271], %broadcast_in_dim3A_5 masked %lt3A_276 : memref<200x256xf32, #tpu.memory_space<vmem>>[vector<16xi32>, vector<16xi32>], vector<16xf32>, vector<16xi1>
    %get3A_277 = arith.constant 1 : i32
    %get3A_278 = arith.index_cast %get3A_277 : i32 to index
    %get3A_279 = arith.constant 80 : index
    %get3A_280 = tpu.vector_load %arg5[%get3A_278, %get3A_279] {strides = array<i32>} : memref<26x512xi32, #tpu.memory_space<vmem>>, vector<16xi32>,
    %add3A_281 = arith.constant 100 : i32
    %add3A_282 = vector.broadcast %add3A_281 : i32 to vector<16xi32>
    %add3A_283 = arith.addi %get3A_280, %add3A_282 : vector<16xi32>
    %add3A_284 = arith.constant 80 : i32
    %add3A_285 = vector.broadcast %add3A_284 : i32 to vector<16xi32>
    %add3A_286 = arith.addi %add3A_285, %iota3A : vector<16xi32>
    %get3A_287 = arith.constant 1 : i32
    %get3A_288 = arith.index_cast %get3A_287 : i32 to index
    %get3A_289 = arith.constant 0 : index
    %get3A_290 = tpu.vector_load %arg6[%get3A_288, %get3A_289] {strides = array<i32>} : memref<26x16xi32, #tpu.memory_space<vmem>>, vector<16xi32>,
    %lt3A_291 = arith.cmpi slt, %get3A_280, %get3A_290 : vector<16xi32>
    tpu.vector_store_idx %arg7[%add3A_283, %add3A_286], %broadcast_in_dim3A_5 masked %lt3A_291 : memref<200x256xf32, #tpu.memory_space<vmem>>[vector<16xi32>, vector<16xi32>], vector<16xf32>, vector<16xi1>
    %get3A_292 = arith.constant 1 : i32
    %get3A_293 = arith.index_cast %get3A_292 : i32 to index
    %get3A_294 = arith.constant 96 : index
    %get3A_295 = tpu.vector_load %arg5[%get3A_293, %get3A_294] {strides = array<i32>} : memref<26x512xi32, #tpu.memory_space<vmem>>, vector<16xi32>,
    %add3A_296 = arith.constant 100 : i32
    %add3A_297 = vector.broadcast %add3A_296 : i32 to vector<16xi32>
    %add3A_298 = arith.addi %get3A_295, %add3A_297 : vector<16xi32>
    %add3A_299 = arith.constant 96 : i32
    %add3A_300 = vector.broadcast %add3A_299 : i32 to vector<16xi32>
    %add3A_301 = arith.addi %add3A_300, %iota3A : vector<16xi32>
    %get3A_302 = arith.constant 1 : i32
    %get3A_303 = arith.index_cast %get3A_302 : i32 to index
    %get3A_304 = arith.constant 0 : index
    %get3A_305 = tpu.vector_load %arg6[%get3A_303, %get3A_304] {strides = array<i32>} : memref<26x16xi32, #tpu.memory_space<vmem>>, vector<16xi32>,
    %lt3A_306 = arith.cmpi slt, %get3A_295, %get3A_305 : vector<16xi32>
    tpu.vector_store_idx %arg7[%add3A_298, %add3A_301], %broadcast_in_dim3A_5 masked %lt3A_306 : memref<200x256xf32, #tpu.memory_space<vmem>>[vector<16xi32>, vector<16xi32>], vector<16xf32>, vector<16xi1>
    %get3A_307 = arith.constant 1 : i32
    %get3A_308 = arith.index_cast %get3A_307 : i32 to index
    %get3A_309 = arith.constant 112 : index
    %get3A_310 = tpu.vector_load %arg5[%get3A_308, %get3A_309] {strides = array<i32>} : memref<26x512xi32, #tpu.memory_space<vmem>>, vector<16xi32>,
    %add3A_311 = arith.constant 100 : i32
    %add3A_312 = vector.broadcast %add3A_311 : i32 to vector<16xi32>
    %add3A_313 = arith.addi %get3A_310, %add3A_312 : vector<16xi32>
    %add3A_314 = arith.constant 112 : i32
    %add3A_315 = vector.broadcast %add3A_314 : i32 to vector<16xi32>
    %add3A_316 = arith.addi %add3A_315, %iota3A : vector<16xi32>
    %get3A_317 = arith.constant 1 : i32
    %get3A_318 = arith.index_cast %get3A_317 : i32 to index
    %get3A_319 = arith.constant 0 : index
    %get3A_320 = tpu.vector_load %arg6[%get3A_318, %get3A_319] {strides = array<i32>} : memref<26x16xi32, #tpu.memory_space<vmem>>, vector<16xi32>,
    %lt3A_321 = arith.cmpi slt, %get3A_310, %get3A_320 : vector<16xi32>
    tpu.vector_store_idx %arg7[%add3A_313, %add3A_316], %broadcast_in_dim3A_5 masked %lt3A_321 : memref<200x256xf32, #tpu.memory_space<vmem>>[vector<16xi32>, vector<16xi32>], vector<16xf32>, vector<16xi1>
    %get3A_322 = arith.constant 1 : i32
    %get3A_323 = arith.index_cast %get3A_322 : i32 to index
    %get3A_324 = arith.constant 128 : index
    %get3A_325 = tpu.vector_load %arg5[%get3A_323, %get3A_324] {strides = array<i32>} : memref<26x512xi32, #tpu.memory_space<vmem>>, vector<16xi32>,
    %add3A_326 = arith.constant 100 : i32
    %add3A_327 = vector.broadcast %add3A_326 : i32 to vector<16xi32>
    %add3A_328 = arith.addi %get3A_325, %add3A_327 : vector<16xi32>
    %add3A_329 = arith.constant 128 : i32
    %add3A_330 = vector.broadcast %add3A_329 : i32 to vector<16xi32>
    %add3A_331 = arith.addi %add3A_330, %iota3A : vector<16xi32>
    %get3A_332 = arith.constant 1 : i32
    %get3A_333 = arith.index_cast %get3A_332 : i32 to index
    %get3A_334 = arith.constant 0 : index
    %get3A_335 = tpu.vector_load %arg6[%get3A_333, %get3A_334] {strides = array<i32>} : memref<26x16xi32, #tpu.memory_space<vmem>>, vector<16xi32>,
    %lt3A_336 = arith.cmpi slt, %get3A_325, %get3A_335 : vector<16xi32>
    tpu.vector_store_idx %arg7[%add3A_328, %add3A_331], %broadcast_in_dim3A_5 masked %lt3A_336 : memref<200x256xf32, #tpu.memory_space<vmem>>[vector<16xi32>, vector<16xi32>], vector<16xf32>, vector<16xi1>
    %get3A_337 = arith.constant 1 : i32
    %get3A_338 = arith.index_cast %get3A_337 : i32 to index
    %get3A_339 = arith.constant 144 : index
    %get3A_340 = tpu.vector_load %arg5[%get3A_338, %get3A_339] {strides = array<i32>} : memref<26x512xi32, #tpu.memory_space<vmem>>, vector<16xi32>,
    %add3A_341 = arith.constant 100 : i32
    %add3A_342 = vector.broadcast %add3A_341 : i32 to vector<16xi32>
    %add3A_343 = arith.addi %get3A_340, %add3A_342 : vector<16xi32>
    %add3A_344 = arith.constant 144 : i32
    %add3A_345 = vector.broadcast %add3A_344 : i32 to vector<16xi32>
    %add3A_346 = arith.addi %add3A_345, %iota3A : vector<16xi32>
    %get3A_347 = arith.constant 1 : i32
    %get3A_348 = arith.index_cast %get3A_347 : i32 to index
    %get3A_349 = arith.constant 0 : index
    %get3A_350 = tpu.vector_load %arg6[%get3A_348, %get3A_349] {strides = array<i32>} : memref<26x16xi32, #tpu.memory_space<vmem>>, vector<16xi32>,
    %lt3A_351 = arith.cmpi slt, %get3A_340, %get3A_350 : vector<16xi32>
    tpu.vector_store_idx %arg7[%add3A_343, %add3A_346], %broadcast_in_dim3A_5 masked %lt3A_351 : memref<200x256xf32, #tpu.memory_space<vmem>>[vector<16xi32>, vector<16xi32>], vector<16xf32>, vector<16xi1>
    %get3A_352 = arith.constant 1 : i32
    %get3A_353 = arith.index_cast %get3A_352 : i32 to index
    %get3A_354 = arith.constant 160 : index
    %get3A_355 = tpu.vector_load %arg5[%get3A_353, %get3A_354] {strides = array<i32>} : memref<26x512xi32, #tpu.memory_space<vmem>>, vector<16xi32>,
    %add3A_356 = arith.constant 100 : i32
    %add3A_357 = vector.broadcast %add3A_356 : i32 to vector<16xi32>
    %add3A_358 = arith.addi %get3A_355, %add3A_357 : vector<16xi32>
    %add3A_359 = arith.constant 160 : i32
    %add3A_360 = vector.broadcast %add3A_359 : i32 to vector<16xi32>
    %add3A_361 = arith.addi %add3A_360, %iota3A : vector<16xi32>
    %get3A_362 = arith.constant 1 : i32
    %get3A_363 = arith.index_cast %get3A_362 : i32 to index
    %get3A_364 = arith.constant 0 : index
    %get3A_365 = tpu.vector_load %arg6[%get3A_363, %get3A_364] {strides = array<i32>} : memref<26x16xi32, #tpu.memory_space<vmem>>, vector<16xi32>,
    %lt3A_366 = arith.cmpi slt, %get3A_355, %get3A_365 : vector<16xi32>
    tpu.vector_store_idx %arg7[%add3A_358, %add3A_361], %broadcast_in_dim3A_5 masked %lt3A_366 : memref<200x256xf32, #tpu.memory_space<vmem>>[vector<16xi32>, vector<16xi32>], vector<16xf32>, vector<16xi1>
    %get3A_367 = arith.constant 1 : i32
    %get3A_368 = arith.index_cast %get3A_367 : i32 to index
    %get3A_369 = arith.constant 176 : index
    %get3A_370 = tpu.vector_load %arg5[%get3A_368, %get3A_369] {strides = array<i32>} : memref<26x512xi32, #tpu.memory_space<vmem>>, vector<16xi32>,
    %add3A_371 = arith.constant 100 : i32
    %add3A_372 = vector.broadcast %add3A_371 : i32 to vector<16xi32>
    %add3A_373 = arith.addi %get3A_370, %add3A_372 : vector<16xi32>
    %add3A_374 = arith.constant 176 : i32
    %add3A_375 = vector.broadcast %add3A_374 : i32 to vector<16xi32>
    %add3A_376 = arith.addi %add3A_375, %iota3A : vector<16xi32>
    %get3A_377 = arith.constant 1 : i32
    %get3A_378 = arith.index_cast %get3A_377 : i32 to index
    %get3A_379 = arith.constant 0 : index
    %get3A_380 = tpu.vector_load %arg6[%get3A_378, %get3A_379] {strides = array<i32>} : memref<26x16xi32, #tpu.memory_space<vmem>>, vector<16xi32>,
    %lt3A_381 = arith.cmpi slt, %get3A_370, %get3A_380 : vector<16xi32>
    tpu.vector_store_idx %arg7[%add3A_373, %add3A_376], %broadcast_in_dim3A_5 masked %lt3A_381 : memref<200x256xf32, #tpu.memory_space<vmem>>[vector<16xi32>, vector<16xi32>], vector<16xf32>, vector<16xi1>
    %get3A_382 = arith.constant 1 : i32
    %get3A_383 = arith.index_cast %get3A_382 : i32 to index
    %get3A_384 = arith.constant 192 : index
    %get3A_385 = tpu.vector_load %arg5[%get3A_383, %get3A_384] {strides = array<i32>} : memref<26x512xi32, #tpu.memory_space<vmem>>, vector<16xi32>,
    %add3A_386 = arith.constant 100 : i32
    %add3A_387 = vector.broadcast %add3A_386 : i32 to vector<16xi32>
    %add3A_388 = arith.addi %get3A_385, %add3A_387 : vector<16xi32>
    %add3A_389 = arith.constant 192 : i32
    %add3A_390 = vector.broadcast %add3A_389 : i32 to vector<16xi32>
    %add3A_391 = arith.addi %add3A_390, %iota3A : vector<16xi32>
    %get3A_392 = arith.constant 1 : i32
    %get3A_393 = arith.index_cast %get3A_392 : i32 to index
    %get3A_394 = arith.constant 0 : index
    %get3A_395 = tpu.vector_load %arg6[%get3A_393, %get3A_394] {strides = array<i32>} : memref<26x16xi32, #tpu.memory_space<vmem>>, vector<16xi32>,
    %lt3A_396 = arith.cmpi slt, %get3A_385, %get3A_395 : vector<16xi32>
    tpu.vector_store_idx %arg7[%add3A_388, %add3A_391], %broadcast_in_dim3A_5 masked %lt3A_396 : memref<200x256xf32, #tpu.memory_space<vmem>>[vector<16xi32>, vector<16xi32>], vector<16xf32>, vector<16xi1>
    %get3A_397 = arith.constant 1 : i32
    %get3A_398 = arith.index_cast %get3A_397 : i32 to index
    %get3A_399 = arith.constant 208 : index
    %get3A_400 = tpu.vector_load %arg5[%get3A_398, %get3A_399] {strides = array<i32>} : memref<26x512xi32, #tpu.memory_space<vmem>>, vector<16xi32>,
    %add3A_401 = arith.constant 100 : i32
    %add3A_402 = vector.broadcast %add3A_401 : i32 to vector<16xi32>
    %add3A_403 = arith.addi %get3A_400, %add3A_402 : vector<16xi32>
    %add3A_404 = arith.constant 208 : i32
    %add3A_405 = vector.broadcast %add3A_404 : i32 to vector<16xi32>
    %add3A_406 = arith.addi %add3A_405, %iota3A : vector<16xi32>
    %get3A_407 = arith.constant 1 : i32
    %get3A_408 = arith.index_cast %get3A_407 : i32 to index
    %get3A_409 = arith.constant 0 : index
    %get3A_410 = tpu.vector_load %arg6[%get3A_408, %get3A_409] {strides = array<i32>} : memref<26x16xi32, #tpu.memory_space<vmem>>, vector<16xi32>,
    %lt3A_411 = arith.cmpi slt, %get3A_400, %get3A_410 : vector<16xi32>
    tpu.vector_store_idx %arg7[%add3A_403, %add3A_406], %broadcast_in_dim3A_5 masked %lt3A_411 : memref<200x256xf32, #tpu.memory_space<vmem>>[vector<16xi32>, vector<16xi32>], vector<16xf32>, vector<16xi1>
    %get3A_412 = arith.constant 1 : i32
    %get3A_413 = arith.index_cast %get3A_412 : i32 to index
    %get3A_414 = arith.constant 224 : index
    %get3A_415 = tpu.vector_load %arg5[%get3A_413, %get3A_414] {strides = array<i32>} : memref<26x512xi32, #tpu.memory_space<vmem>>, vector<16xi32>,
    %add3A_416 = arith.constant 100 : i32
    %add3A_417 = vector.broadcast %add3A_416 : i32 to vector<16xi32>
    %add3A_418 = arith.addi %get3A_415, %add3A_417 : vector<16xi32>
    %add3A_419 = arith.constant 224 : i32
    %add3A_420 = vector.broadcast %add3A_419 : i32 to vector<16xi32>
    %add3A_421 = arith.addi %add3A_420, %iota3A : vector<16xi32>
    %get3A_422 = arith.constant 1 : i32
    %get3A_423 = arith.index_cast %get3A_422 : i32 to index
    %get3A_424 = arith.constant 0 : index
    %get3A_425 = tpu.vector_load %arg6[%get3A_423, %get3A_424] {strides = array<i32>} : memref<26x16xi32, #tpu.memory_space<vmem>>, vector<16xi32>,
    %lt3A_426 = arith.cmpi slt, %get3A_415, %get3A_425 : vector<16xi32>
    tpu.vector_store_idx %arg7[%add3A_418, %add3A_421], %broadcast_in_dim3A_5 masked %lt3A_426 : memref<200x256xf32, #tpu.memory_space<vmem>>[vector<16xi32>, vector<16xi32>], vector<16xf32>, vector<16xi1>
    %get3A_427 = arith.constant 1 : i32
    %get3A_428 = arith.index_cast %get3A_427 : i32 to index
    %get3A_429 = arith.constant 240 : index
    %get3A_430 = tpu.vector_load %arg5[%get3A_428, %get3A_429] {strides = array<i32>} : memref<26x512xi32, #tpu.memory_space<vmem>>, vector<16xi32>,
    %add3A_431 = arith.constant 100 : i32
    %add3A_432 = vector.broadcast %add3A_431 : i32 to vector<16xi32>
    %add3A_433 = arith.addi %get3A_430, %add3A_432 : vector<16xi32>
    %add3A_434 = arith.constant 240 : i32
    %add3A_435 = vector.broadcast %add3A_434 : i32 to vector<16xi32>
    %add3A_436 = arith.addi %add3A_435, %iota3A : vector<16xi32>
    %get3A_437 = arith.constant 1 : i32
    %get3A_438 = arith.index_cast %get3A_437 : i32 to index
    %get3A_439 = arith.constant 0 : index
    %get3A_440 = tpu.vector_load %arg6[%get3A_438, %get3A_439] {strides = array<i32>} : memref<26x16xi32, #tpu.memory_space<vmem>>, vector<16xi32>,
    %lt3A_441 = arith.cmpi slt, %get3A_430, %get3A_440 : vector<16xi32>
    tpu.vector_store_idx %arg7[%add3A_433, %add3A_436], %broadcast_in_dim3A_5 masked %lt3A_441 : memref<200x256xf32, #tpu.memory_space<vmem>>[vector<16xi32>, vector<16xi32>], vector<16xf32>, vector<16xi1>
    %multiple_of3A_442 = arith.constant 0 : i32
    %multiple_of3A_443 = tpu.assume_multiple %multiple_of3A_442, 8 : i32
    %add3A_444 = arith.constant 0 : i32
    %add3A_445 = arith.addi %multiple_of3A, %add3A_444 : i32
    %multiple_of3A_446 = tpu.assume_multiple %add3A_445, 256 : i32
    %dma_start3A = tpu.memref_slice %arg4[%multiple_of3A_443, %multiple_of3A_446] : memref<2600x16384xf32, #tpu.memory_space<hbm>> -> memref<200x256xf32, #tpu.memory_space<hbm>>
    %dma_start3A_447 = tpu.memref_slice %arg4[%multiple_of3A_443, %multiple_of3A_446] : memref<2600x16384xf32, #tpu.memory_space<hbm>> -> memref<200x256xf32, #tpu.memory_space<hbm>>
    tpu.enqueue_dma source(%arg7 : memref<200x256xf32, #tpu.memory_space<vmem>>) target(%dma_start3A_447 : memref<200x256xf32, #tpu.memory_space<hbm>>) target_semaphore(%arg9 : memref<!tpu.dma_semaphore, #tpu.memory_space<semaphore_mem>>)
    %get3A_448 = arith.constant 0 : i32
    %get3A_449 = arith.index_cast %get3A_448 : i32 to index
    %get3A_450 = arith.constant 256 : index
    %get3A_451 = tpu.vector_load %arg5[%get3A_449, %get3A_450] {strides = array<i32>} : memref<26x512xi32, #tpu.memory_space<vmem>>, vector<16xi32>,
    %add3A_452 = arith.constant 0 : i32
    %add3A_453 = vector.broadcast %add3A_452 : i32 to vector<16xi32>
    %add3A_454 = arith.addi %add3A_453, %iota3A : vector<16xi32>
    %get3A_455 = arith.constant 0 : i32
    %get3A_456 = arith.index_cast %get3A_455 : i32 to index
    %get3A_457 = arith.constant 0 : index
    %get3A_458 = tpu.vector_load %arg6[%get3A_456, %get3A_457] {strides = array<i32>} : memref<26x16xi32, #tpu.memory_space<vmem>>, vector<16xi32>,
    %lt3A_459 = arith.cmpi slt, %get3A_451, %get3A_458 : vector<16xi32>
    tpu.vector_store_idx %arg8[%get3A_451, %add3A_454], %broadcast_in_dim3A_5 masked %lt3A_459 : memref<200x256xf32, #tpu.memory_space<vmem>>[vector<16xi32>, vector<16xi32>], vector<16xf32>, vector<16xi1>
    %get3A_460 = arith.constant 0 : i32
    %get3A_461 = arith.index_cast %get3A_460 : i32 to index
    %get3A_462 = arith.constant 272 : index
    %get3A_463 = tpu.vector_load %arg5[%get3A_461, %get3A_462] {strides = array<i32>} : memref<26x512xi32, #tpu.memory_space<vmem>>, vector<16xi32>,
    %add3A_464 = arith.constant 16 : i32
    %add3A_465 = vector.broadcast %add3A_464 : i32 to vector<16xi32>
    %add3A_466 = arith.addi %add3A_465, %iota3A : vector<16xi32>
    %get3A_467 = arith.constant 0 : i32
    %get3A_468 = arith.index_cast %get3A_467 : i32 to index
    %get3A_469 = arith.constant 0 : index
    %get3A_470 = tpu.vector_load %arg6[%get3A_468, %get3A_469] {strides = array<i32>} : memref<26x16xi32, #tpu.memory_space<vmem>>, vector<16xi32>,
    %lt3A_471 = arith.cmpi slt, %get3A_463, %get3A_470 : vector<16xi32>
    tpu.vector_store_idx %arg8[%get3A_463, %add3A_466], %broadcast_in_dim3A_5 masked %lt3A_471 : memref<200x256xf32, #tpu.memory_space<vmem>>[vector<16xi32>, vector<16xi32>], vector<16xf32>, vector<16xi1>
    %get3A_472 = arith.constant 0 : i32
    %get3A_473 = arith.index_cast %get3A_472 : i32 to index
    %get3A_474 = arith.constant 288 : index
    %get3A_475 = tpu.vector_load %arg5[%get3A_473, %get3A_474] {strides = array<i32>} : memref<26x512xi32, #tpu.memory_space<vmem>>, vector<16xi32>,
    %add3A_476 = arith.constant 32 : i32
    %add3A_477 = vector.broadcast %add3A_476 : i32 to vector<16xi32>
    %add3A_478 = arith.addi %add3A_477, %iota3A : vector<16xi32>
    %get3A_479 = arith.constant 0 : i32
    %get3A_480 = arith.index_cast %get3A_479 : i32 to index
    %get3A_481 = arith.constant 0 : index
    %get3A_482 = tpu.vector_load %arg6[%get3A_480, %get3A_481] {strides = array<i32>} : memref<26x16xi32, #tpu.memory_space<vmem>>, vector<16xi32>,
    %lt3A_483 = arith.cmpi slt, %get3A_475, %get3A_482 : vector<16xi32>
    tpu.vector_store_idx %arg8[%get3A_475, %add3A_478], %broadcast_in_dim3A_5 masked %lt3A_483 : memref<200x256xf32, #tpu.memory_space<vmem>>[vector<16xi32>, vector<16xi32>], vector<16xf32>, vector<16xi1>
    %get3A_484 = arith.constant 0 : i32
    %get3A_485 = arith.index_cast %get3A_484 : i32 to index
    %get3A_486 = arith.constant 304 : index
    %get3A_487 = tpu.vector_load %arg5[%get3A_485, %get3A_486] {strides = array<i32>} : memref<26x512xi32, #tpu.memory_space<vmem>>, vector<16xi32>,
    %add3A_488 = arith.constant 48 : i32
    %add3A_489 = vector.broadcast %add3A_488 : i32 to vector<16xi32>
    %add3A_490 = arith.addi %add3A_489, %iota3A : vector<16xi32>
    %get3A_491 = arith.constant 0 : i32
    %get3A_492 = arith.index_cast %get3A_491 : i32 to index
    %get3A_493 = arith.constant 0 : index
    %get3A_494 = tpu.vector_load %arg6[%get3A_492, %get3A_493] {strides = array<i32>} : memref<26x16xi32, #tpu.memory_space<vmem>>, vector<16xi32>,
    %lt3A_495 = arith.cmpi slt, %get3A_487, %get3A_494 : vector<16xi32>
    tpu.vector_store_idx %arg8[%get3A_487, %add3A_490], %broadcast_in_dim3A_5 masked %lt3A_495 : memref<200x256xf32, #tpu.memory_space<vmem>>[vector<16xi32>, vector<16xi32>], vector<16xf32>, vector<16xi1>
    %get3A_496 = arith.constant 0 : i32
    %get3A_497 = arith.index_cast %get3A_496 : i32 to index
    %get3A_498 = arith.constant 320 : index
    %get3A_499 = tpu.vector_load %arg5[%get3A_497, %get3A_498] {strides = array<i32>} : memref<26x512xi32, #tpu.memory_space<vmem>>, vector<16xi32>,
    %add3A_500 = arith.constant 64 : i32
    %add3A_501 = vector.broadcast %add3A_500 : i32 to vector<16xi32>
    %add3A_502 = arith.addi %add3A_501, %iota3A : vector<16xi32>
    %get3A_503 = arith.constant 0 : i32
    %get3A_504 = arith.index_cast %get3A_503 : i32 to index
    %get3A_505 = arith.constant 0 : index
    %get3A_506 = tpu.vector_load %arg6[%get3A_504, %get3A_505] {strides = array<i32>} : memref<26x16xi32, #tpu.memory_space<vmem>>, vector<16xi32>,
    %lt3A_507 = arith.cmpi slt, %get3A_499, %get3A_506 : vector<16xi32>
    tpu.vector_store_idx %arg8[%get3A_499, %add3A_502], %broadcast_in_dim3A_5 masked %lt3A_507 : memref<200x256xf32, #tpu.memory_space<vmem>>[vector<16xi32>, vector<16xi32>], vector<16xf32>, vector<16xi1>
    %get3A_508 = arith.constant 0 : i32
    %get3A_509 = arith.index_cast %get3A_508 : i32 to index
    %get3A_510 = arith.constant 336 : index
    %get3A_511 = tpu.vector_load %arg5[%get3A_509, %get3A_510] {strides = array<i32>} : memref<26x512xi32, #tpu.memory_space<vmem>>, vector<16xi32>,
    %add3A_512 = arith.constant 80 : i32
    %add3A_513 = vector.broadcast %add3A_512 : i32 to vector<16xi32>
    %add3A_514 = arith.addi %add3A_513, %iota3A : vector<16xi32>
    %get3A_515 = arith.constant 0 : i32
    %get3A_516 = arith.index_cast %get3A_515 : i32 to index
    %get3A_517 = arith.constant 0 : index
    %get3A_518 = tpu.vector_load %arg6[%get3A_516, %get3A_517] {strides = array<i32>} : memref<26x16xi32, #tpu.memory_space<vmem>>, vector<16xi32>,
    %lt3A_519 = arith.cmpi slt, %get3A_511, %get3A_518 : vector<16xi32>
    tpu.vector_store_idx %arg8[%get3A_511, %add3A_514], %broadcast_in_dim3A_5 masked %lt3A_519 : memref<200x256xf32, #tpu.memory_space<vmem>>[vector<16xi32>, vector<16xi32>], vector<16xf32>, vector<16xi1>
    %get3A_520 = arith.constant 0 : i32
    %get3A_521 = arith.index_cast %get3A_520 : i32 to index
    %get3A_522 = arith.constant 352 : index
    %get3A_523 = tpu.vector_load %arg5[%get3A_521, %get3A_522] {strides = array<i32>} : memref<26x512xi32, #tpu.memory_space<vmem>>, vector<16xi32>,
    %add3A_524 = arith.constant 96 : i32
    %add3A_525 = vector.broadcast %add3A_524 : i32 to vector<16xi32>
    %add3A_526 = arith.addi %add3A_525, %iota3A : vector<16xi32>
    %get3A_527 = arith.constant 0 : i32
    %get3A_528 = arith.index_cast %get3A_527 : i32 to index
    %get3A_529 = arith.constant 0 : index
    %get3A_530 = tpu.vector_load %arg6[%get3A_528, %get3A_529] {strides = array<i32>} : memref<26x16xi32, #tpu.memory_space<vmem>>, vector<16xi32>,
    %lt3A_531 = arith.cmpi slt, %get3A_523, %get3A_530 : vector<16xi32>
    tpu.vector_store_idx %arg8[%get3A_523, %add3A_526], %broadcast_in_dim3A_5 masked %lt3A_531 : memref<200x256xf32, #tpu.memory_space<vmem>>[vector<16xi32>, vector<16xi32>], vector<16xf32>, vector<16xi1>
    %get3A_532 = arith.constant 0 : i32
    %get3A_533 = arith.index_cast %get3A_532 : i32 to index
    %get3A_534 = arith.constant 368 : index
    %get3A_535 = tpu.vector_load %arg5[%get3A_533, %get3A_534] {strides = array<i32>} : memref<26x512xi32, #tpu.memory_space<vmem>>, vector<16xi32>,
    %add3A_536 = arith.constant 112 : i32
    %add3A_537 = vector.broadcast %add3A_536 : i32 to vector<16xi32>
    %add3A_538 = arith.addi %add3A_537, %iota3A : vector<16xi32>
    %get3A_539 = arith.constant 0 : i32
    %get3A_540 = arith.index_cast %get3A_539 : i32 to index
    %get3A_541 = arith.constant 0 : index
    %get3A_542 = tpu.vector_load %arg6[%get3A_540, %get3A_541] {strides = array<i32>} : memref<26x16xi32, #tpu.memory_space<vmem>>, vector<16xi32>,
    %lt3A_543 = arith.cmpi slt, %get3A_535, %get3A_542 : vector<16xi32>
    tpu.vector_store_idx %arg8[%get3A_535, %add3A_538], %broadcast_in_dim3A_5 masked %lt3A_543 : memref<200x256xf32, #tpu.memory_space<vmem>>[vector<16xi32>, vector<16xi32>], vector<16xf32>, vector<16xi1>
    %get3A_544 = arith.constant 0 : i32
    %get3A_545 = arith.index_cast %get3A_544 : i32 to index
    %get3A_546 = arith.constant 384 : index
    %get3A_547 = tpu.vector_load %arg5[%get3A_545, %get3A_546] {strides = array<i32>} : memref<26x512xi32, #tpu.memory_space<vmem>>, vector<16xi32>,
    %add3A_548 = arith.constant 128 : i32
    %add3A_549 = vector.broadcast %add3A_548 : i32 to vector<16xi32>
    %add3A_550 = arith.addi %add3A_549, %iota3A : vector<16xi32>
    %get3A_551 = arith.constant 0 : i32
    %get3A_552 = arith.index_cast %get3A_551 : i32 to index
    %get3A_553 = arith.constant 0 : index
    %get3A_554 = tpu.vector_load %arg6[%get3A_552, %get3A_553] {strides = array<i32>} : memref<26x16xi32, #tpu.memory_space<vmem>>, vector<16xi32>,
    %lt3A_555 = arith.cmpi slt, %get3A_547, %get3A_554 : vector<16xi32>
    tpu.vector_store_idx %arg8[%get3A_547, %add3A_550], %broadcast_in_dim3A_5 masked %lt3A_555 : memref<200x256xf32, #tpu.memory_space<vmem>>[vector<16xi32>, vector<16xi32>], vector<16xf32>, vector<16xi1>
    %get3A_556 = arith.constant 0 : i32
    %get3A_557 = arith.index_cast %get3A_556 : i32 to index
    %get3A_558 = arith.constant 400 : index
    %get3A_559 = tpu.vector_load %arg5[%get3A_557, %get3A_558] {strides = array<i32>} : memref<26x512xi32, #tpu.memory_space<vmem>>, vector<16xi32>,
    %add3A_560 = arith.constant 144 : i32
    %add3A_561 = vector.broadcast %add3A_560 : i32 to vector<16xi32>
    %add3A_562 = arith.addi %add3A_561, %iota3A : vector<16xi32>
    %get3A_563 = arith.constant 0 : i32
    %get3A_564 = arith.index_cast %get3A_563 : i32 to index
    %get3A_565 = arith.constant 0 : index
    %get3A_566 = tpu.vector_load %arg6[%get3A_564, %get3A_565] {strides = array<i32>} : memref<26x16xi32, #tpu.memory_space<vmem>>, vector<16xi32>,
    %lt3A_567 = arith.cmpi slt, %get3A_559, %get3A_566 : vector<16xi32>
    tpu.vector_store_idx %arg8[%get3A_559, %add3A_562], %broadcast_in_dim3A_5 masked %lt3A_567 : memref<200x256xf32, #tpu.memory_space<vmem>>[vector<16xi32>, vector<16xi32>], vector<16xf32>, vector<16xi1>
    %get3A_568 = arith.constant 0 : i32
    %get3A_569 = arith.index_cast %get3A_568 : i32 to index
    %get3A_570 = arith.constant 416 : index
    %get3A_571 = tpu.vector_load %arg5[%get3A_569, %get3A_570] {strides = array<i32>} : memref<26x512xi32, #tpu.memory_space<vmem>>, vector<16xi32>,
    %add3A_572 = arith.constant 160 : i32
    %add3A_573 = vector.broadcast %add3A_572 : i32 to vector<16xi32>
    %add3A_574 = arith.addi %add3A_573, %iota3A : vector<16xi32>
    %get3A_575 = arith.constant 0 : i32
    %get3A_576 = arith.index_cast %get3A_575 : i32 to index
    %get3A_577 = arith.constant 0 : index
    %get3A_578 = tpu.vector_load %arg6[%get3A_576, %get3A_577] {strides = array<i32>} : memref<26x16xi32, #tpu.memory_space<vmem>>, vector<16xi32>,
    %lt3A_579 = arith.cmpi slt, %get3A_571, %get3A_578 : vector<16xi32>
    tpu.vector_store_idx %arg8[%get3A_571, %add3A_574], %broadcast_in_dim3A_5 masked %lt3A_579 : memref<200x256xf32, #tpu.memory_space<vmem>>[vector<16xi32>, vector<16xi32>], vector<16xf32>, vector<16xi1>
    %get3A_580 = arith.constant 0 : i32
    %get3A_581 = arith.index_cast %get3A_580 : i32 to index
    %get3A_582 = arith.constant 432 : index
    %get3A_583 = tpu.vector_load %arg5[%get3A_581, %get3A_582] {strides = array<i32>} : memref<26x512xi32, #tpu.memory_space<vmem>>, vector<16xi32>,
    %add3A_584 = arith.constant 176 : i32
    %add3A_585 = vector.broadcast %add3A_584 : i32 to vector<16xi32>
    %add3A_586 = arith.addi %add3A_585, %iota3A : vector<16xi32>
    %get3A_587 = arith.constant 0 : i32
    %get3A_588 = arith.index_cast %get3A_587 : i32 to index
    %get3A_589 = arith.constant 0 : index
    %get3A_590 = tpu.vector_load %arg6[%get3A_588, %get3A_589] {strides = array<i32>} : memref<26x16xi32, #tpu.memory_space<vmem>>, vector<16xi32>,
    %lt3A_591 = arith.cmpi slt, %get3A_583, %get3A_590 : vector<16xi32>
    tpu.vector_store_idx %arg8[%get3A_583, %add3A_586], %broadcast_in_dim3A_5 masked %lt3A_591 : memref<200x256xf32, #tpu.memory_space<vmem>>[vector<16xi32>, vector<16xi32>], vector<16xf32>, vector<16xi1>
    %get3A_592 = arith.constant 0 : i32
    %get3A_593 = arith.index_cast %get3A_592 : i32 to index
    %get3A_594 = arith.constant 448 : index
    %get3A_595 = tpu.vector_load %arg5[%get3A_593, %get3A_594] {strides = array<i32>} : memref<26x512xi32, #tpu.memory_space<vmem>>, vector<16xi32>,
    %add3A_596 = arith.constant 192 : i32
    %add3A_597 = vector.broadcast %add3A_596 : i32 to vector<16xi32>
    %add3A_598 = arith.addi %add3A_597, %iota3A : vector<16xi32>
    %get3A_599 = arith.constant 0 : i32
    %get3A_600 = arith.index_cast %get3A_599 : i32 to index
    %get3A_601 = arith.constant 0 : index
    %get3A_602 = tpu.vector_load %arg6[%get3A_600, %get3A_601] {strides = array<i32>} : memref<26x16xi32, #tpu.memory_space<vmem>>, vector<16xi32>,
    %lt3A_603 = arith.cmpi slt, %get3A_595, %get3A_602 : vector<16xi32>
    tpu.vector_store_idx %arg8[%get3A_595, %add3A_598], %broadcast_in_dim3A_5 masked %lt3A_603 : memref<200x256xf32, #tpu.memory_space<vmem>>[vector<16xi32>, vector<16xi32>], vector<16xf32>, vector<16xi1>
    %get3A_604 = arith.constant 0 : i32
    %get3A_605 = arith.index_cast %get3A_604 : i32 to index
    %get3A_606 = arith.constant 464 : index
    %get3A_607 = tpu.vector_load %arg5[%get3A_605, %get3A_606] {strides = array<i32>} : memref<26x512xi32, #tpu.memory_space<vmem>>, vector<16xi32>,
    %add3A_608 = arith.constant 208 : i32
    %add3A_609 = vector.broadcast %add3A_608 : i32 to vector<16xi32>
    %add3A_610 = arith.addi %add3A_609, %iota3A : vector<16xi32>
    %get3A_611 = arith.constant 0 : i32
    %get3A_612 = arith.index_cast %get3A_611 : i32 to index
    %get3A_613 = arith.constant 0 : index
    %get3A_614 = tpu.vector_load %arg6[%get3A_612, %get3A_613] {strides = array<i32>} : memref<26x16xi32, #tpu.memory_space<vmem>>, vector<16xi32>,
    %lt3A_615 = arith.cmpi slt, %get3A_607, %get3A_614 : vector<16xi32>
    tpu.vector_store_idx %arg8[%get3A_607, %add3A_610], %broadcast_in_dim3A_5 masked %lt3A_615 : memref<200x256xf32, #tpu.memory_space<vmem>>[vector<16xi32>, vector<16xi32>], vector<16xf32>, vector<16xi1>
    %get3A_616 = arith.constant 0 : i32
    %get3A_617 = arith.index_cast %get3A_616 : i32 to index
    %get3A_618 = arith.constant 480 : index
    %get3A_619 = tpu.vector_load %arg5[%get3A_617, %get3A_618] {strides = array<i32>} : memref<26x512xi32, #tpu.memory_space<vmem>>, vector<16xi32>,
    %add3A_620 = arith.constant 224 : i32
    %add3A_621 = vector.broadcast %add3A_620 : i32 to vector<16xi32>
    %add3A_622 = arith.addi %add3A_621, %iota3A : vector<16xi32>
    %get3A_623 = arith.constant 0 : i32
    %get3A_624 = arith.index_cast %get3A_623 : i32 to index
    %get3A_625 = arith.constant 0 : index
    %get3A_626 = tpu.vector_load %arg6[%get3A_624, %get3A_625] {strides = array<i32>} : memref<26x16xi32, #tpu.memory_space<vmem>>, vector<16xi32>,
    %lt3A_627 = arith.cmpi slt, %get3A_619, %get3A_626 : vector<16xi32>
    tpu.vector_store_idx %arg8[%get3A_619, %add3A_622], %broadcast_in_dim3A_5 masked %lt3A_627 : memref<200x256xf32, #tpu.memory_space<vmem>>[vector<16xi32>, vector<16xi32>], vector<16xf32>, vector<16xi1>
    %get3A_628 = arith.constant 0 : i32
    %get3A_629 = arith.index_cast %get3A_628 : i32 to index
    %get3A_630 = arith.constant 496 : index
    %get3A_631 = tpu.vector_load %arg5[%get3A_629, %get3A_630] {strides = array<i32>} : memref<26x512xi32, #tpu.memory_space<vmem>>, vector<16xi32>,
    %add3A_632 = arith.constant 240 : i32
    %add3A_633 = vector.broadcast %add3A_632 : i32 to vector<16xi32>
    %add3A_634 = arith.addi %add3A_633, %iota3A : vector<16xi32>
    %get3A_635 = arith.constant 0 : i32
    %get3A_636 = arith.index_cast %get3A_635 : i32 to index
    %get3A_637 = arith.constant 0 : index
    %get3A_638 = tpu.vector_load %arg6[%get3A_636, %get3A_637] {strides = array<i32>} : memref<26x16xi32, #tpu.memory_space<vmem>>, vector<16xi32>,
    %lt3A_639 = arith.cmpi slt, %get3A_631, %get3A_638 : vector<16xi32>
    tpu.vector_store_idx %arg8[%get3A_631, %add3A_634], %broadcast_in_dim3A_5 masked %lt3A_639 : memref<200x256xf32, #tpu.memory_space<vmem>>[vector<16xi32>, vector<16xi32>], vector<16xf32>, vector<16xi1>
    %get3A_640 = arith.constant 1 : i32
    %get3A_641 = arith.index_cast %get3A_640 : i32 to index
    %get3A_642 = arith.constant 256 : index
    %get3A_643 = tpu.vector_load %arg5[%get3A_641, %get3A_642] {strides = array<i32>} : memref<26x512xi32, #tpu.memory_space<vmem>>, vector<16xi32>,
    %add3A_644 = arith.constant 100 : i32
    %add3A_645 = vector.broadcast %add3A_644 : i32 to vector<16xi32>
    %add3A_646 = arith.addi %get3A_643, %add3A_645 : vector<16xi32>
    %add3A_647 = arith.constant 0 : i32
    %add3A_648 = vector.broadcast %add3A_647 : i32 to vector<16xi32>
    %add3A_649 = arith.addi %add3A_648, %iota3A : vector<16xi32>
    %get3A_650 = arith.constant 1 : i32
    %get3A_651 = arith.index_cast %get3A_650 : i32 to index
    %get3A_652 = arith.constant 0 : index
    %get3A_653 = tpu.vector_load %arg6[%get3A_651, %get3A_652] {strides = array<i32>} : memref<26x16xi32, #tpu.memory_space<vmem>>, vector<16xi32>,
    %lt3A_654 = arith.cmpi slt, %get3A_643, %get3A_653 : vector<16xi32>
    tpu.vector_store_idx %arg8[%add3A_646, %add3A_649], %broadcast_in_dim3A_5 masked %lt3A_654 : memref<200x256xf32, #tpu.memory_space<vmem>>[vector<16xi32>, vector<16xi32>], vector<16xf32>, vector<16xi1>
    %get3A_655 = arith.constant 1 : i32
    %get3A_656 = arith.index_cast %get3A_655 : i32 to index
    %get3A_657 = arith.constant 272 : index
    %get3A_658 = tpu.vector_load %arg5[%get3A_656, %get3A_657] {strides = array<i32>} : memref<26x512xi32, #tpu.memory_space<vmem>>, vector<16xi32>,
    %add3A_659 = arith.constant 100 : i32
    %add3A_660 = vector.broadcast %add3A_659 : i32 to vector<16xi32>
    %add3A_661 = arith.addi %get3A_658, %add3A_660 : vector<16xi32>
    %add3A_662 = arith.constant 16 : i32
    %add3A_663 = vector.broadcast %add3A_662 : i32 to vector<16xi32>
    %add3A_664 = arith.addi %add3A_663, %iota3A : vector<16xi32>
    %get3A_665 = arith.constant 1 : i32
    %get3A_666 = arith.index_cast %get3A_665 : i32 to index
    %get3A_667 = arith.constant 0 : index
    %get3A_668 = tpu.vector_load %arg6[%get3A_666, %get3A_667] {strides = array<i32>} : memref<26x16xi32, #tpu.memory_space<vmem>>, vector<16xi32>,
    %lt3A_669 = arith.cmpi slt, %get3A_658, %get3A_668 : vector<16xi32>
    tpu.vector_store_idx %arg8[%add3A_661, %add3A_664], %broadcast_in_dim3A_5 masked %lt3A_669 : memref<200x256xf32, #tpu.memory_space<vmem>>[vector<16xi32>, vector<16xi32>], vector<16xf32>, vector<16xi1>
    %get3A_670 = arith.constant 1 : i32
    %get3A_671 = arith.index_cast %get3A_670 : i32 to index
    %get3A_672 = arith.constant 288 : index
    %get3A_673 = tpu.vector_load %arg5[%get3A_671, %get3A_672] {strides = array<i32>} : memref<26x512xi32, #tpu.memory_space<vmem>>, vector<16xi32>,
    %add3A_674 = arith.constant 100 : i32
    %add3A_675 = vector.broadcast %add3A_674 : i32 to vector<16xi32>
    %add3A_676 = arith.addi %get3A_673, %add3A_675 : vector<16xi32>
    %add3A_677 = arith.constant 32 : i32
    %add3A_678 = vector.broadcast %add3A_677 : i32 to vector<16xi32>
    %add3A_679 = arith.addi %add3A_678, %iota3A : vector<16xi32>
    %get3A_680 = arith.constant 1 : i32
    %get3A_681 = arith.index_cast %get3A_680 : i32 to index
    %get3A_682 = arith.constant 0 : index
    %get3A_683 = tpu.vector_load %arg6[%get3A_681, %get3A_682] {strides = array<i32>} : memref<26x16xi32, #tpu.memory_space<vmem>>, vector<16xi32>,
    %lt3A_684 = arith.cmpi slt, %get3A_673, %get3A_683 : vector<16xi32>
    tpu.vector_store_idx %arg8[%add3A_676, %add3A_679], %broadcast_in_dim3A_5 masked %lt3A_684 : memref<200x256xf32, #tpu.memory_space<vmem>>[vector<16xi32>, vector<16xi32>], vector<16xf32>, vector<16xi1>
    %get3A_685 = arith.constant 1 : i32
    %get3A_686 = arith.index_cast %get3A_685 : i32 to index
    %get3A_687 = arith.constant 304 : index
    %get3A_688 = tpu.vector_load %arg5[%get3A_686, %get3A_687] {strides = array<i32>} : memref<26x512xi32, #tpu.memory_space<vmem>>, vector<16xi32>,
    %add3A_689 = arith.constant 100 : i32
    %add3A_690 = vector.broadcast %add3A_689 : i32 to vector<16xi32>
    %add3A_691 = arith.addi %get3A_688, %add3A_690 : vector<16xi32>
    %add3A_692 = arith.constant 48 : i32
    %add3A_693 = vector.broadcast %add3A_692 : i32 to vector<16xi32>
    %add3A_694 = arith.addi %add3A_693, %iota3A : vector<16xi32>
    %get3A_695 = arith.constant 1 : i32
    %get3A_696 = arith.index_cast %get3A_695 : i32 to index
    %get3A_697 = arith.constant 0 : index
    %get3A_698 = tpu.vector_load %arg6[%get3A_696, %get3A_697] {strides = array<i32>} : memref<26x16xi32, #tpu.memory_space<vmem>>, vector<16xi32>,
    %lt3A_699 = arith.cmpi slt, %get3A_688, %get3A_698 : vector<16xi32>
    tpu.vector_store_idx %arg8[%add3A_691, %add3A_694], %broadcast_in_dim3A_5 masked %lt3A_699 : memref<200x256xf32, #tpu.memory_space<vmem>>[vector<16xi32>, vector<16xi32>], vector<16xf32>, vector<16xi1>
    %get3A_700 = arith.constant 1 : i32
    %get3A_701 = arith.index_cast %get3A_700 : i32 to index
    %get3A_702 = arith.constant 320 : index
    %get3A_703 = tpu.vector_load %arg5[%get3A_701, %get3A_702] {strides = array<i32>} : memref<26x512xi32, #tpu.memory_space<vmem>>, vector<16xi32>,
    %add3A_704 = arith.constant 100 : i32
    %add3A_705 = vector.broadcast %add3A_704 : i32 to vector<16xi32>
    %add3A_706 = arith.addi %get3A_703, %add3A_705 : vector<16xi32>
    %add3A_707 = arith.constant 64 : i32
    %add3A_708 = vector.broadcast %add3A_707 : i32 to vector<16xi32>
    %add3A_709 = arith.addi %add3A_708, %iota3A : vector<16xi32>
    %get3A_710 = arith.constant 1 : i32
    %get3A_711 = arith.index_cast %get3A_710 : i32 to index
    %get3A_712 = arith.constant 0 : index
    %get3A_713 = tpu.vector_load %arg6[%get3A_711, %get3A_712] {strides = array<i32>} : memref<26x16xi32, #tpu.memory_space<vmem>>, vector<16xi32>,
    %lt3A_714 = arith.cmpi slt, %get3A_703, %get3A_713 : vector<16xi32>
    tpu.vector_store_idx %arg8[%add3A_706, %add3A_709], %broadcast_in_dim3A_5 masked %lt3A_714 : memref<200x256xf32, #tpu.memory_space<vmem>>[vector<16xi32>, vector<16xi32>], vector<16xf32>, vector<16xi1>
    %get3A_715 = arith.constant 1 : i32
    %get3A_716 = arith.index_cast %get3A_715 : i32 to index
    %get3A_717 = arith.constant 336 : index
    %get3A_718 = tpu.vector_load %arg5[%get3A_716, %get3A_717] {strides = array<i32>} : memref<26x512xi32, #tpu.memory_space<vmem>>, vector<16xi32>,
    %add3A_719 = arith.constant 100 : i32
    %add3A_720 = vector.broadcast %add3A_719 : i32 to vector<16xi32>
    %add3A_721 = arith.addi %get3A_718, %add3A_720 : vector<16xi32>
    %add3A_722 = arith.constant 80 : i32
    %add3A_723 = vector.broadcast %add3A_722 : i32 to vector<16xi32>
    %add3A_724 = arith.addi %add3A_723, %iota3A : vector<16xi32>
    %get3A_725 = arith.constant 1 : i32
    %get3A_726 = arith.index_cast %get3A_725 : i32 to index
    %get3A_727 = arith.constant 0 : index
    %get3A_728 = tpu.vector_load %arg6[%get3A_726, %get3A_727] {strides = array<i32>} : memref<26x16xi32, #tpu.memory_space<vmem>>, vector<16xi32>,
    %lt3A_729 = arith.cmpi slt, %get3A_718, %get3A_728 : vector<16xi32>
    tpu.vector_store_idx %arg8[%add3A_721, %add3A_724], %broadcast_in_dim3A_5 masked %lt3A_729 : memref<200x256xf32, #tpu.memory_space<vmem>>[vector<16xi32>, vector<16xi32>], vector<16xf32>, vector<16xi1>
    %get3A_730 = arith.constant 1 : i32
    %get3A_731 = arith.index_cast %get3A_730 : i32 to index
    %get3A_732 = arith.constant 352 : index
    %get3A_733 = tpu.vector_load %arg5[%get3A_731, %get3A_732] {strides = array<i32>} : memref<26x512xi32, #tpu.memory_space<vmem>>, vector<16xi32>,
    %add3A_734 = arith.constant 100 : i32
    %add3A_735 = vector.broadcast %add3A_734 : i32 to vector<16xi32>
    %add3A_736 = arith.addi %get3A_733, %add3A_735 : vector<16xi32>
    %add3A_737 = arith.constant 96 : i32
    %add3A_738 = vector.broadcast %add3A_737 : i32 to vector<16xi32>
    %add3A_739 = arith.addi %add3A_738, %iota3A : vector<16xi32>
    %get3A_740 = arith.constant 1 : i32
    %get3A_741 = arith.index_cast %get3A_740 : i32 to index
    %get3A_742 = arith.constant 0 : index
    %get3A_743 = tpu.vector_load %arg6[%get3A_741, %get3A_742] {strides = array<i32>} : memref<26x16xi32, #tpu.memory_space<vmem>>, vector<16xi32>,
    %lt3A_744 = arith.cmpi slt, %get3A_733, %get3A_743 : vector<16xi32>
    tpu.vector_store_idx %arg8[%add3A_736, %add3A_739], %broadcast_in_dim3A_5 masked %lt3A_744 : memref<200x256xf32, #tpu.memory_space<vmem>>[vector<16xi32>, vector<16xi32>], vector<16xf32>, vector<16xi1>
    %get3A_745 = arith.constant 1 : i32
    %get3A_746 = arith.index_cast %get3A_745 : i32 to index
    %get3A_747 = arith.constant 368 : index
    %get3A_748 = tpu.vector_load %arg5[%get3A_746, %get3A_747] {strides = array<i32>} : memref<26x512xi32, #tpu.memory_space<vmem>>, vector<16xi32>,
    %add3A_749 = arith.constant 100 : i32
    %add3A_750 = vector.broadcast %add3A_749 : i32 to vector<16xi32>
    %add3A_751 = arith.addi %get3A_748, %add3A_750 : vector<16xi32>
    %add3A_752 = arith.constant 112 : i32
    %add3A_753 = vector.broadcast %add3A_752 : i32 to vector<16xi32>
    %add3A_754 = arith.addi %add3A_753, %iota3A : vector<16xi32>
    %get3A_755 = arith.constant 1 : i32
    %get3A_756 = arith.index_cast %get3A_755 : i32 to index
    %get3A_757 = arith.constant 0 : index
    %get3A_758 = tpu.vector_load %arg6[%get3A_756, %get3A_757] {strides = array<i32>} : memref<26x16xi32, #tpu.memory_space<vmem>>, vector<16xi32>,
    %lt3A_759 = arith.cmpi slt, %get3A_748, %get3A_758 : vector<16xi32>
    tpu.vector_store_idx %arg8[%add3A_751, %add3A_754], %broadcast_in_dim3A_5 masked %lt3A_759 : memref<200x256xf32, #tpu.memory_space<vmem>>[vector<16xi32>, vector<16xi32>], vector<16xf32>, vector<16xi1>
    %get3A_760 = arith.constant 1 : i32
    %get3A_761 = arith.index_cast %get3A_760 : i32 to index
    %get3A_762 = arith.constant 384 : index
    %get3A_763 = tpu.vector_load %arg5[%get3A_761, %get3A_762] {strides = array<i32>} : memref<26x512xi32, #tpu.memory_space<vmem>>, vector<16xi32>,
    %add3A_764 = arith.constant 100 : i32
    %add3A_765 = vector.broadcast %add3A_764 : i32 to vector<16xi32>
    %add3A_766 = arith.addi %get3A_763, %add3A_765 : vector<16xi32>
    %add3A_767 = arith.constant 128 : i32
    %add3A_768 = vector.broadcast %add3A_767 : i32 to vector<16xi32>
    %add3A_769 = arith.addi %add3A_768, %iota3A : vector<16xi32>
    %get3A_770 = arith.constant 1 : i32
    %get3A_771 = arith.index_cast %get3A_770 : i32 to index
    %get3A_772 = arith.constant 0 : index
    %get3A_773 = tpu.vector_load %arg6[%get3A_771, %get3A_772] {strides = array<i32>} : memref<26x16xi32, #tpu.memory_space<vmem>>, vector<16xi32>,
    %lt3A_774 = arith.cmpi slt, %get3A_763, %get3A_773 : vector<16xi32>
    tpu.vector_store_idx %arg8[%add3A_766, %add3A_769], %broadcast_in_dim3A_5 masked %lt3A_774 : memref<200x256xf32, #tpu.memory_space<vmem>>[vector<16xi32>, vector<16xi32>], vector<16xf32>, vector<16xi1>
    %get3A_775 = arith.constant 1 : i32
    %get3A_776 = arith.index_cast %get3A_775 : i32 to index
    %get3A_777 = arith.constant 400 : index
    %get3A_778 = tpu.vector_load %arg5[%get3A_776, %get3A_777] {strides = array<i32>} : memref<26x512xi32, #tpu.memory_space<vmem>>, vector<16xi32>,
    %add3A_779 = arith.constant 100 : i32
    %add3A_780 = vector.broadcast %add3A_779 : i32 to vector<16xi32>
    %add3A_781 = arith.addi %get3A_778, %add3A_780 : vector<16xi32>
    %add3A_782 = arith.constant 144 : i32
    %add3A_783 = vector.broadcast %add3A_782 : i32 to vector<16xi32>
    %add3A_784 = arith.addi %add3A_783, %iota3A : vector<16xi32>
    %get3A_785 = arith.constant 1 : i32
    %get3A_786 = arith.index_cast %get3A_785 : i32 to index
    %get3A_787 = arith.constant 0 : index
    %get3A_788 = tpu.vector_load %arg6[%get3A_786, %get3A_787] {strides = array<i32>} : memref<26x16xi32, #tpu.memory_space<vmem>>, vector<16xi32>,
    %lt3A_789 = arith.cmpi slt, %get3A_778, %get3A_788 : vector<16xi32>
    tpu.vector_store_idx %arg8[%add3A_781, %add3A_784], %broadcast_in_dim3A_5 masked %lt3A_789 : memref<200x256xf32, #tpu.memory_space<vmem>>[vector<16xi32>, vector<16xi32>], vector<16xf32>, vector<16xi1>
    %get3A_790 = arith.constant 1 : i32
    %get3A_791 = arith.index_cast %get3A_790 : i32 to index
    %get3A_792 = arith.constant 416 : index
    %get3A_793 = tpu.vector_load %arg5[%get3A_791, %get3A_792] {strides = array<i32>} : memref<26x512xi32, #tpu.memory_space<vmem>>, vector<16xi32>,
    %add3A_794 = arith.constant 100 : i32
    %add3A_795 = vector.broadcast %add3A_794 : i32 to vector<16xi32>
    %add3A_796 = arith.addi %get3A_793, %add3A_795 : vector<16xi32>
    %add3A_797 = arith.constant 160 : i32
    %add3A_798 = vector.broadcast %add3A_797 : i32 to vector<16xi32>
    %add3A_799 = arith.addi %add3A_798, %iota3A : vector<16xi32>
    %get3A_800 = arith.constant 1 : i32
    %get3A_801 = arith.index_cast %get3A_800 : i32 to index
    %get3A_802 = arith.constant 0 : index
    %get3A_803 = tpu.vector_load %arg6[%get3A_801, %get3A_802] {strides = array<i32>} : memref<26x16xi32, #tpu.memory_space<vmem>>, vector<16xi32>,
    %lt3A_804 = arith.cmpi slt, %get3A_793, %get3A_803 : vector<16xi32>
    tpu.vector_store_idx %arg8[%add3A_796, %add3A_799], %broadcast_in_dim3A_5 masked %lt3A_804 : memref<200x256xf32, #tpu.memory_space<vmem>>[vector<16xi32>, vector<16xi32>], vector<16xf32>, vector<16xi1>
    %get3A_805 = arith.constant 1 : i32
    %get3A_806 = arith.index_cast %get3A_805 : i32 to index
    %get3A_807 = arith.constant 432 : index
    %get3A_808 = tpu.vector_load %arg5[%get3A_806, %get3A_807] {strides = array<i32>} : memref<26x512xi32, #tpu.memory_space<vmem>>, vector<16xi32>,
    %add3A_809 = arith.constant 100 : i32
    %add3A_810 = vector.broadcast %add3A_809 : i32 to vector<16xi32>
    %add3A_811 = arith.addi %get3A_808, %add3A_810 : vector<16xi32>
    %add3A_812 = arith.constant 176 : i32
    %add3A_813 = vector.broadcast %add3A_812 : i32 to vector<16xi32>
    %add3A_814 = arith.addi %add3A_813, %iota3A : vector<16xi32>
    %get3A_815 = arith.constant 1 : i32
    %get3A_816 = arith.index_cast %get3A_815 : i32 to index
    %get3A_817 = arith.constant 0 : index
    %get3A_818 = tpu.vector_load %arg6[%get3A_816, %get3A_817] {strides = array<i32>} : memref<26x16xi32, #tpu.memory_space<vmem>>, vector<16xi32>,
    %lt3A_819 = arith.cmpi slt, %get3A_808, %get3A_818 : vector<16xi32>
    tpu.vector_store_idx %arg8[%add3A_811, %add3A_814], %broadcast_in_dim3A_5 masked %lt3A_819 : memref<200x256xf32, #tpu.memory_space<vmem>>[vector<16xi32>, vector<16xi32>], vector<16xf32>, vector<16xi1>
    %get3A_820 = arith.constant 1 : i32
    %get3A_821 = arith.index_cast %get3A_820 : i32 to index
    %get3A_822 = arith.constant 448 : index
    %get3A_823 = tpu.vector_load %arg5[%get3A_821, %get3A_822] {strides = array<i32>} : memref<26x512xi32, #tpu.memory_space<vmem>>, vector<16xi32>,
    %add3A_824 = arith.constant 100 : i32
    %add3A_825 = vector.broadcast %add3A_824 : i32 to vector<16xi32>
    %add3A_826 = arith.addi %get3A_823, %add3A_825 : vector<16xi32>
    %add3A_827 = arith.constant 192 : i32
    %add3A_828 = vector.broadcast %add3A_827 : i32 to vector<16xi32>
    %add3A_829 = arith.addi %add3A_828, %iota3A : vector<16xi32>
    %get3A_830 = arith.constant 1 : i32
    %get3A_831 = arith.index_cast %get3A_830 : i32 to index
    %get3A_832 = arith.constant 0 : index
    %get3A_833 = tpu.vector_load %arg6[%get3A_831, %get3A_832] {strides = array<i32>} : memref<26x16xi32, #tpu.memory_space<vmem>>, vector<16xi32>,
    %lt3A_834 = arith.cmpi slt, %get3A_823, %get3A_833 : vector<16xi32>
    tpu.vector_store_idx %arg8[%add3A_826, %add3A_829], %broadcast_in_dim3A_5 masked %lt3A_834 : memref<200x256xf32, #tpu.memory_space<vmem>>[vector<16xi32>, vector<16xi32>], vector<16xf32>, vector<16xi1>
    %get3A_835 = arith.constant 1 : i32
    %get3A_836 = arith.index_cast %get3A_835 : i32 to index
    %get3A_837 = arith.constant 464 : index
    %get3A_838 = tpu.vector_load %arg5[%get3A_836, %get3A_837] {strides = array<i32>} : memref<26x512xi32, #tpu.memory_space<vmem>>, vector<16xi32>,
    %add3A_839 = arith.constant 100 : i32
    %add3A_840 = vector.broadcast %add3A_839 : i32 to vector<16xi32>
    %add3A_841 = arith.addi %get3A_838, %add3A_840 : vector<16xi32>
    %add3A_842 = arith.constant 208 : i32
    %add3A_843 = vector.broadcast %add3A_842 : i32 to vector<16xi32>
    %add3A_844 = arith.addi %add3A_843, %iota3A : vector<16xi32>
    %get3A_845 = arith.constant 1 : i32
    %get3A_846 = arith.index_cast %get3A_845 : i32 to index
    %get3A_847 = arith.constant 0 : index
    %get3A_848 = tpu.vector_load %arg6[%get3A_846, %get3A_847] {strides = array<i32>} : memref<26x16xi32, #tpu.memory_space<vmem>>, vector<16xi32>,
    %lt3A_849 = arith.cmpi slt, %get3A_838, %get3A_848 : vector<16xi32>
    tpu.vector_store_idx %arg8[%add3A_841, %add3A_844], %broadcast_in_dim3A_5 masked %lt3A_849 : memref<200x256xf32, #tpu.memory_space<vmem>>[vector<16xi32>, vector<16xi32>], vector<16xf32>, vector<16xi1>
    %get3A_850 = arith.constant 1 : i32
    %get3A_851 = arith.index_cast %get3A_850 : i32 to index
    %get3A_852 = arith.constant 480 : index
    %get3A_853 = tpu.vector_load %arg5[%get3A_851, %get3A_852] {strides = array<i32>} : memref<26x512xi32, #tpu.memory_space<vmem>>, vector<16xi32>,
    %add3A_854 = arith.constant 100 : i32
    %add3A_855 = vector.broadcast %add3A_854 : i32 to vector<16xi32>
    %add3A_856 = arith.addi %get3A_853, %add3A_855 : vector<16xi32>
    %add3A_857 = arith.constant 224 : i32
    %add3A_858 = vector.broadcast %add3A_857 : i32 to vector<16xi32>
    %add3A_859 = arith.addi %add3A_858, %iota3A : vector<16xi32>
    %get3A_860 = arith.constant 1 : i32
    %get3A_861 = arith.index_cast %get3A_860 : i32 to index
    %get3A_862 = arith.constant 0 : index
    %get3A_863 = tpu.vector_load %arg6[%get3A_861, %get3A_862] {strides = array<i32>} : memref<26x16xi32, #tpu.memory_space<vmem>>, vector<16xi32>,
    %lt3A_864 = arith.cmpi slt, %get3A_853, %get3A_863 : vector<16xi32>
    tpu.vector_store_idx %arg8[%add3A_856, %add3A_859], %broadcast_in_dim3A_5 masked %lt3A_864 : memref<200x256xf32, #tpu.memory_space<vmem>>[vector<16xi32>, vector<16xi32>], vector<16xf32>, vector<16xi1>
    %get3A_865 = arith.constant 1 : i32
    %get3A_866 = arith.index_cast %get3A_865 : i32 to index
    %get3A_867 = arith.constant 496 : index
    %get3A_868 = tpu.vector_load %arg5[%get3A_866, %get3A_867] {strides = array<i32>} : memref<26x512xi32, #tpu.memory_space<vmem>>, vector<16xi32>,
    %add3A_869 = arith.constant 100 : i32
    %add3A_870 = vector.broadcast %add3A_869 : i32 to vector<16xi32>
    %add3A_871 = arith.addi %get3A_868, %add3A_870 : vector<16xi32>
    %add3A_872 = arith.constant 240 : i32
    %add3A_873 = vector.broadcast %add3A_872 : i32 to vector<16xi32>
    %add3A_874 = arith.addi %add3A_873, %iota3A : vector<16xi32>
    %get3A_875 = arith.constant 1 : i32
    %get3A_876 = arith.index_cast %get3A_875 : i32 to index
    %get3A_877 = arith.constant 0 : index
    %get3A_878 = tpu.vector_load %arg6[%get3A_876, %get3A_877] {strides = array<i32>} : memref<26x16xi32, #tpu.memory_space<vmem>>, vector<16xi32>,
    %lt3A_879 = arith.cmpi slt, %get3A_868, %get3A_878 : vector<16xi32>
    tpu.vector_store_idx %arg8[%add3A_871, %add3A_874], %broadcast_in_dim3A_5 masked %lt3A_879 : memref<200x256xf32, #tpu.memory_space<vmem>>[vector<16xi32>, vector<16xi32>], vector<16xf32>, vector<16xi1>
    %multiple_of3A_880 = arith.constant 0 : i32
    %multiple_of3A_881 = tpu.assume_multiple %multiple_of3A_880, 8 : i32
    %add3A_882 = arith.constant 256 : i32
    %add3A_883 = arith.addi %multiple_of3A, %add3A_882 : i32
    %multiple_of3A_884 = tpu.assume_multiple %add3A_883, 256 : i32
    %dma_start3A_885 = tpu.memref_slice %arg4[%multiple_of3A_881, %multiple_of3A_884] : memref<2600x16384xf32, #tpu.memory_space<hbm>> -> memref<200x256xf32, #tpu.memory_space<hbm>>
    %dma_start3A_886 = tpu.memref_slice %arg4[%multiple_of3A_881, %multiple_of3A_884] : memref<2600x16384xf32, #tpu.memory_space<hbm>> -> memref<200x256xf32, #tpu.memory_space<hbm>>
    tpu.enqueue_dma source(%arg8 : memref<200x256xf32, #tpu.memory_space<vmem>>) target(%dma_start3A_886 : memref<200x256xf32, #tpu.memory_space<hbm>>) target_semaphore(%arg10 : memref<!tpu.dma_semaphore, #tpu.memory_space<semaphore_mem>>)
    %scan3A_887 = arith.constant 0 : i32
    %scan3A_888 = arith.constant 0 : i32
    %scan3A_889 = arith.constant 12 : i32
    %scan3A_890 = arith.addi %scan3A_888, %scan3A_889 : i32
    %scan3A_891 = arith.constant 1 : i32
    %scan3A_892 = scf.for %scan3A_901 = %scan3A_888 to %scan3A_890 step %scan3A_891 iter_args(%scan3A_902 = %scan3A_887) -> (i32)  : i32 {
      %mul3A_903 = arith.constant 2 : i32
      %mul3A_904 = arith.muli %scan3A_901, %mul3A_903 : i32
      %add3A_905 = arith.constant 2 : i32
      %add3A_906 = arith.addi %add3A_905, %mul3A_904 : i32
      %add3A_907 = arith.constant 0 : i32
      %add3A_908 = arith.addi %add3A_906, %add3A_907 : i32
      %dma_wait3A_909 = arith.constant 0 : i32
      %dma_wait3A_910 = tpu.memref_slice %arg4[%dma_wait3A_909, %multiple_of3A] : memref<2600x16384xf32, #tpu.memory_space<hbm>> -> memref<200x256xf32, #tpu.memory_space<hbm>>
      %dma_wait3A_911 = arith.constant 0 : i32
      %dma_wait3A_912 = tpu.memref_slice %arg4[%dma_wait3A_911, %multiple_of3A] : memref<2600x16384xf32, #tpu.memory_space<hbm>> -> memref<200x256xf32, #tpu.memory_space<hbm>>
      tpu.wait_dma2 semaphore(%arg9 : memref<!tpu.dma_semaphore, #tpu.memory_space<semaphore_mem>>) src(%arg7 : memref<200x256xf32, #tpu.memory_space<vmem>>) dst(%dma_wait3A_912 : memref<200x256xf32, #tpu.memory_space<hbm>>)
      %sub3A = arith.constant 2 : i32
      %sub3A_913 = arith.subi %add3A_908, %sub3A : i32
      %jit3A = arith.constant 2 : i32
      %div3A = arith.divsi %sub3A_913, %jit3A : i32
      %sign3A = arith.constant 0 : i32
      %sign3A_914 = arith.cmpi sgt, %sub3A_913, %sign3A : i32
      %sign3A_915 = arith.extui %sign3A_914 : i1 to i32
      %sign3A_916 = arith.constant 0 : i32
      %sign3A_917 = arith.cmpi slt, %sub3A_913, %sign3A_916 : i32
      %sign3A_918 = arith.extui %sign3A_917 : i1 to i32
      %sign3A_919 = arith.subi %sign3A_915, %sign3A_918 : i32
      %sign3A_920 = arith.constant 0 : i32
      %sign3A_921 = arith.cmpi sgt, %jit3A, %sign3A_920 : i32
      %sign3A_922 = arith.extui %sign3A_921 : i1 to i32
      %sign3A_923 = arith.constant 0 : i32
      %sign3A_924 = arith.cmpi slt, %jit3A, %sign3A_923 : i32
      %sign3A_925 = arith.extui %sign3A_924 : i1 to i32
      %sign3A_926 = arith.subi %sign3A_922, %sign3A_925 : i32
      %ne3A = arith.cmpi ne, %sign3A_919, %sign3A_926 : i32
      %rem3A = arith.remsi %sub3A_913, %jit3A : i32
      %ne3A_927 = arith.constant 0 : i32
      %ne3A_928 = arith.cmpi ne, %rem3A, %ne3A_927 : i32
      %and3A = arith.andi %ne3A, %ne3A_928 : i1
      %sub3A_929 = arith.constant 1 : i32
      %sub3A_930 = arith.subi %div3A, %sub3A_929 : i32
      %select_n3A = arith.select %and3A, %sub3A_930, %div3A : i32
      %jit3A_931 = arith.constant 2 : i32
      %eq3A = arith.constant 0 : i32
      %eq3A_932 = arith.cmpi eq, %jit3A_931, %eq3A : i32
      %jit3A_933 = arith.constant 1 : i32
      %select_n3A_934 = arith.select %eq3A_932, %jit3A_933, %jit3A_931 : i32
      %rem3A_935 = arith.remsi %sub3A_913, %select_n3A_934 : i32
      %ne3A_936 = arith.constant 0 : i32
      %ne3A_937 = arith.cmpi ne, %rem3A_935, %ne3A_936 : i32
      %lt3A_938 = arith.constant 0 : i32
      %lt3A_939 = arith.cmpi slt, %rem3A_935, %lt3A_938 : i32
      %lt3A_940 = arith.constant 0 : i32
      %lt3A_941 = arith.cmpi slt, %select_n3A_934, %lt3A_940 : i32
      %ne3A_942 = arith.xori %lt3A_939, %lt3A_941 : i1
      %and3A_943 = arith.andi %ne3A_942, %ne3A_937 : i1
      %add3A_944 = arith.addi %rem3A_935, %select_n3A_934 : i32
      %select_n3A_945 = arith.select %and3A_943, %add3A_944, %rem3A_935 : i32
      %mul3A_946 = arith.constant 256 : i32
      %mul3A_947 = arith.muli %select_n3A_945, %mul3A_946 : i32
      %mul3A_948 = arith.constant 2 : i32
      %mul3A_949 = arith.muli %select_n3A, %mul3A_948 : i32
      %add3A_950 = arith.constant 0 : i32
      %add3A_951 = arith.addi %mul3A_949, %add3A_950 : i32
      %add3A_952 = arith.constant 0 : i32
      %add3A_953 = arith.addi %mul3A_947, %add3A_952 : i32
      %get3A_954 = arith.index_cast %add3A_951 : i32 to index
      %get3A_955 = arith.index_cast %add3A_953 : i32 to index
      %get3A_956 = tpu.vector_load %arg5[%get3A_954, %get3A_955] {strides = array<i32>} : memref<26x512xi32, #tpu.memory_space<vmem>>, vector<16xi32>,
      %add3A_957 = arith.constant 0 : i32
      %add3A_958 = vector.broadcast %add3A_957 : i32 to vector<16xi32>
      %add3A_959 = arith.addi %add3A_958, %iota3A : vector<16xi32>
      tpu.vector_store_idx %arg7[%get3A_956, %add3A_959], %broadcast_in_dim3A_3 : memref<200x256xf32, #tpu.memory_space<vmem>>[vector<16xi32>, vector<16xi32>], vector<16xf32>,
      %add3A_960 = arith.constant 16 : i32
      %add3A_961 = arith.addi %mul3A_947, %add3A_960 : i32
      %get3A_962 = arith.index_cast %add3A_951 : i32 to index
      %get3A_963 = arith.index_cast %add3A_961 : i32 to index
      %get3A_964 = tpu.vector_load %arg5[%get3A_962, %get3A_963] {strides = array<i32>} : memref<26x512xi32, #tpu.memory_space<vmem>>, vector<16xi32>,
      %add3A_965 = arith.constant 16 : i32
      %add3A_966 = vector.broadcast %add3A_965 : i32 to vector<16xi32>
      %add3A_967 = arith.addi %add3A_966, %iota3A : vector<16xi32>
      tpu.vector_store_idx %arg7[%get3A_964, %add3A_967], %broadcast_in_dim3A_3 : memref<200x256xf32, #tpu.memory_space<vmem>>[vector<16xi32>, vector<16xi32>], vector<16xf32>,
      %add3A_968 = arith.constant 32 : i32
      %add3A_969 = arith.addi %mul3A_947, %add3A_968 : i32
      %get3A_970 = arith.index_cast %add3A_951 : i32 to index
      %get3A_971 = arith.index_cast %add3A_969 : i32 to index
      %get3A_972 = tpu.vector_load %arg5[%get3A_970, %get3A_971] {strides = array<i32>} : memref<26x512xi32, #tpu.memory_space<vmem>>, vector<16xi32>,
      %add3A_973 = arith.constant 32 : i32
      %add3A_974 = vector.broadcast %add3A_973 : i32 to vector<16xi32>
      %add3A_975 = arith.addi %add3A_974, %iota3A : vector<16xi32>
      tpu.vector_store_idx %arg7[%get3A_972, %add3A_975], %broadcast_in_dim3A_3 : memref<200x256xf32, #tpu.memory_space<vmem>>[vector<16xi32>, vector<16xi32>], vector<16xf32>,
      %add3A_976 = arith.constant 48 : i32
      %add3A_977 = arith.addi %mul3A_947, %add3A_976 : i32
      %get3A_978 = arith.index_cast %add3A_951 : i32 to index
      %get3A_979 = arith.index_cast %add3A_977 : i32 to index
      %get3A_980 = tpu.vector_load %arg5[%get3A_978, %get3A_979] {strides = array<i32>} : memref<26x512xi32, #tpu.memory_space<vmem>>, vector<16xi32>,
      %add3A_981 = arith.constant 48 : i32
      %add3A_982 = vector.broadcast %add3A_981 : i32 to vector<16xi32>
      %add3A_983 = arith.addi %add3A_982, %iota3A : vector<16xi32>
      tpu.vector_store_idx %arg7[%get3A_980, %add3A_983], %broadcast_in_dim3A_3 : memref<200x256xf32, #tpu.memory_space<vmem>>[vector<16xi32>, vector<16xi32>], vector<16xf32>,
      %add3A_984 = arith.constant 64 : i32
      %add3A_985 = arith.addi %mul3A_947, %add3A_984 : i32
      %get3A_986 = arith.index_cast %add3A_951 : i32 to index
      %get3A_987 = arith.index_cast %add3A_985 : i32 to index
      %get3A_988 = tpu.vector_load %arg5[%get3A_986, %get3A_987] {strides = array<i32>} : memref<26x512xi32, #tpu.memory_space<vmem>>, vector<16xi32>,
      %add3A_989 = arith.constant 64 : i32
      %add3A_990 = vector.broadcast %add3A_989 : i32 to vector<16xi32>
      %add3A_991 = arith.addi %add3A_990, %iota3A : vector<16xi32>
      tpu.vector_store_idx %arg7[%get3A_988, %add3A_991], %broadcast_in_dim3A_3 : memref<200x256xf32, #tpu.memory_space<vmem>>[vector<16xi32>, vector<16xi32>], vector<16xf32>,
      %add3A_992 = arith.constant 80 : i32
      %add3A_993 = arith.addi %mul3A_947, %add3A_992 : i32
      %get3A_994 = arith.index_cast %add3A_951 : i32 to index
      %get3A_995 = arith.index_cast %add3A_993 : i32 to index
      %get3A_996 = tpu.vector_load %arg5[%get3A_994, %get3A_995] {strides = array<i32>} : memref<26x512xi32, #tpu.memory_space<vmem>>, vector<16xi32>,
      %add3A_997 = arith.constant 80 : i32
      %add3A_998 = vector.broadcast %add3A_997 : i32 to vector<16xi32>
      %add3A_999 = arith.addi %add3A_998, %iota3A : vector<16xi32>
      tpu.vector_store_idx %arg7[%get3A_996, %add3A_999], %broadcast_in_dim3A_3 : memref<200x256xf32, #tpu.memory_space<vmem>>[vector<16xi32>, vector<16xi32>], vector<16xf32>,
      %add3A_1000 = arith.constant 96 : i32
      %add3A_1001 = arith.addi %mul3A_947, %add3A_1000 : i32
      %get3A_1002 = arith.index_cast %add3A_951 : i32 to index
      %get3A_1003 = arith.index_cast %add3A_1001 : i32 to index
      %get3A_1004 = tpu.vector_load %arg5[%get3A_1002, %get3A_1003] {strides = array<i32>} : memref<26x512xi32, #tpu.memory_space<vmem>>, vector<16xi32>,
      %add3A_1005 = arith.constant 96 : i32
      %add3A_1006 = vector.broadcast %add3A_1005 : i32 to vector<16xi32>
      %add3A_1007 = arith.addi %add3A_1006, %iota3A : vector<16xi32>
      tpu.vector_store_idx %arg7[%get3A_1004, %add3A_1007], %broadcast_in_dim3A_3 : memref<200x256xf32, #tpu.memory_space<vmem>>[vector<16xi32>, vector<16xi32>], vector<16xf32>,
      %add3A_1008 = arith.constant 112 : i32
      %add3A_1009 = arith.addi %mul3A_947, %add3A_1008 : i32
      %get3A_1010 = arith.index_cast %add3A_951 : i32 to index
      %get3A_1011 = arith.index_cast %add3A_1009 : i32 to index
      %get3A_1012 = tpu.vector_load %arg5[%get3A_1010, %get3A_1011] {strides = array<i32>} : memref<26x512xi32, #tpu.memory_space<vmem>>, vector<16xi32>,
      %add3A_1013 = arith.constant 112 : i32
      %add3A_1014 = vector.broadcast %add3A_1013 : i32 to vector<16xi32>
      %add3A_1015 = arith.addi %add3A_1014, %iota3A : vector<16xi32>
      tpu.vector_store_idx %arg7[%get3A_1012, %add3A_1015], %broadcast_in_dim3A_3 : memref<200x256xf32, #tpu.memory_space<vmem>>[vector<16xi32>, vector<16xi32>], vector<16xf32>,
      %add3A_1016 = arith.constant 128 : i32
      %add3A_1017 = arith.addi %mul3A_947, %add3A_1016 : i32
      %get3A_1018 = arith.index_cast %add3A_951 : i32 to index
      %get3A_1019 = arith.index_cast %add3A_1017 : i32 to index
      %get3A_1020 = tpu.vector_load %arg5[%get3A_1018, %get3A_1019] {strides = array<i32>} : memref<26x512xi32, #tpu.memory_space<vmem>>, vector<16xi32>,
      %add3A_1021 = arith.constant 128 : i32
      %add3A_1022 = vector.broadcast %add3A_1021 : i32 to vector<16xi32>
      %add3A_1023 = arith.addi %add3A_1022, %iota3A : vector<16xi32>
      tpu.vector_store_idx %arg7[%get3A_1020, %add3A_1023], %broadcast_in_dim3A_3 : memref<200x256xf32, #tpu.memory_space<vmem>>[vector<16xi32>, vector<16xi32>], vector<16xf32>,
      %add3A_1024 = arith.constant 144 : i32
      %add3A_1025 = arith.addi %mul3A_947, %add3A_1024 : i32
      %get3A_1026 = arith.index_cast %add3A_951 : i32 to index
      %get3A_1027 = arith.index_cast %add3A_1025 : i32 to index
      %get3A_1028 = tpu.vector_load %arg5[%get3A_1026, %get3A_1027] {strides = array<i32>} : memref<26x512xi32, #tpu.memory_space<vmem>>, vector<16xi32>,
      %add3A_1029 = arith.constant 144 : i32
      %add3A_1030 = vector.broadcast %add3A_1029 : i32 to vector<16xi32>
      %add3A_1031 = arith.addi %add3A_1030, %iota3A : vector<16xi32>
      tpu.vector_store_idx %arg7[%get3A_1028, %add3A_1031], %broadcast_in_dim3A_3 : memref<200x256xf32, #tpu.memory_space<vmem>>[vector<16xi32>, vector<16xi32>], vector<16xf32>,
      %add3A_1032 = arith.constant 160 : i32
      %add3A_1033 = arith.addi %mul3A_947, %add3A_1032 : i32
      %get3A_1034 = arith.index_cast %add3A_951 : i32 to index
      %get3A_1035 = arith.index_cast %add3A_1033 : i32 to index
      %get3A_1036 = tpu.vector_load %arg5[%get3A_1034, %get3A_1035] {strides = array<i32>} : memref<26x512xi32, #tpu.memory_space<vmem>>, vector<16xi32>,
      %add3A_1037 = arith.constant 160 : i32
      %add3A_1038 = vector.broadcast %add3A_1037 : i32 to vector<16xi32>
      %add3A_1039 = arith.addi %add3A_1038, %iota3A : vector<16xi32>
      tpu.vector_store_idx %arg7[%get3A_1036, %add3A_1039], %broadcast_in_dim3A_3 : memref<200x256xf32, #tpu.memory_space<vmem>>[vector<16xi32>, vector<16xi32>], vector<16xf32>,
      %add3A_1040 = arith.constant 176 : i32
      %add3A_1041 = arith.addi %mul3A_947, %add3A_1040 : i32
      %get3A_1042 = arith.index_cast %add3A_951 : i32 to index
      %get3A_1043 = arith.index_cast %add3A_1041 : i32 to index
      %get3A_1044 = tpu.vector_load %arg5[%get3A_1042, %get3A_1043] {strides = array<i32>} : memref<26x512xi32, #tpu.memory_space<vmem>>, vector<16xi32>,
      %add3A_1045 = arith.constant 176 : i32
      %add3A_1046 = vector.broadcast %add3A_1045 : i32 to vector<16xi32>
      %add3A_1047 = arith.addi %add3A_1046, %iota3A : vector<16xi32>
      tpu.vector_store_idx %arg7[%get3A_1044, %add3A_1047], %broadcast_in_dim3A_3 : memref<200x256xf32, #tpu.memory_space<vmem>>[vector<16xi32>, vector<16xi32>], vector<16xf32>,
      %add3A_1048 = arith.constant 192 : i32
      %add3A_1049 = arith.addi %mul3A_947, %add3A_1048 : i32
      %get3A_1050 = arith.index_cast %add3A_951 : i32 to index
      %get3A_1051 = arith.index_cast %add3A_1049 : i32 to index
      %get3A_1052 = tpu.vector_load %arg5[%get3A_1050, %get3A_1051] {strides = array<i32>} : memref<26x512xi32, #tpu.memory_space<vmem>>, vector<16xi32>,
      %add3A_1053 = arith.constant 192 : i32
      %add3A_1054 = vector.broadcast %add3A_1053 : i32 to vector<16xi32>
      %add3A_1055 = arith.addi %add3A_1054, %iota3A : vector<16xi32>
      tpu.vector_store_idx %arg7[%get3A_1052, %add3A_1055], %broadcast_in_dim3A_3 : memref<200x256xf32, #tpu.memory_space<vmem>>[vector<16xi32>, vector<16xi32>], vector<16xf32>,
      %add3A_1056 = arith.constant 208 : i32
      %add3A_1057 = arith.addi %mul3A_947, %add3A_1056 : i32
      %get3A_1058 = arith.index_cast %add3A_951 : i32 to index
      %get3A_1059 = arith.index_cast %add3A_1057 : i32 to index
      %get3A_1060 = tpu.vector_load %arg5[%get3A_1058, %get3A_1059] {strides = array<i32>} : memref<26x512xi32, #tpu.memory_space<vmem>>, vector<16xi32>,
      %add3A_1061 = arith.constant 208 : i32
      %add3A_1062 = vector.broadcast %add3A_1061 : i32 to vector<16xi32>
      %add3A_1063 = arith.addi %add3A_1062, %iota3A : vector<16xi32>
      tpu.vector_store_idx %arg7[%get3A_1060, %add3A_1063], %broadcast_in_dim3A_3 : memref<200x256xf32, #tpu.memory_space<vmem>>[vector<16xi32>, vector<16xi32>], vector<16xf32>,
      %add3A_1064 = arith.constant 224 : i32
      %add3A_1065 = arith.addi %mul3A_947, %add3A_1064 : i32
      %get3A_1066 = arith.index_cast %add3A_951 : i32 to index
      %get3A_1067 = arith.index_cast %add3A_1065 : i32 to index
      %get3A_1068 = tpu.vector_load %arg5[%get3A_1066, %get3A_1067] {strides = array<i32>} : memref<26x512xi32, #tpu.memory_space<vmem>>, vector<16xi32>,
      %add3A_1069 = arith.constant 224 : i32
      %add3A_1070 = vector.broadcast %add3A_1069 : i32 to vector<16xi32>
      %add3A_1071 = arith.addi %add3A_1070, %iota3A : vector<16xi32>
      tpu.vector_store_idx %arg7[%get3A_1068, %add3A_1071], %broadcast_in_dim3A_3 : memref<200x256xf32, #tpu.memory_space<vmem>>[vector<16xi32>, vector<16xi32>], vector<16xf32>,
      %add3A_1072 = arith.constant 240 : i32
      %add3A_1073 = arith.addi %mul3A_947, %add3A_1072 : i32
      %get3A_1074 = arith.index_cast %add3A_951 : i32 to index
      %get3A_1075 = arith.index_cast %add3A_1073 : i32 to index
      %get3A_1076 = tpu.vector_load %arg5[%get3A_1074, %get3A_1075] {strides = array<i32>} : memref<26x512xi32, #tpu.memory_space<vmem>>, vector<16xi32>,
      %add3A_1077 = arith.constant 240 : i32
      %add3A_1078 = vector.broadcast %add3A_1077 : i32 to vector<16xi32>
      %add3A_1079 = arith.addi %add3A_1078, %iota3A : vector<16xi32>
      tpu.vector_store_idx %arg7[%get3A_1076, %add3A_1079], %broadcast_in_dim3A_3 : memref<200x256xf32, #tpu.memory_space<vmem>>[vector<16xi32>, vector<16xi32>], vector<16xf32>,
      %mul3A_1080 = arith.constant 2 : i32
      %mul3A_1081 = arith.muli %select_n3A, %mul3A_1080 : i32
      %add3A_1082 = arith.constant 1 : i32
      %add3A_1083 = arith.addi %mul3A_1081, %add3A_1082 : i32
      %add3A_1084 = arith.constant 0 : i32
      %add3A_1085 = arith.addi %mul3A_947, %add3A_1084 : i32
      %get3A_1086 = arith.index_cast %add3A_1083 : i32 to index
      %get3A_1087 = arith.index_cast %add3A_1085 : i32 to index
      %get3A_1088 = tpu.vector_load %arg5[%get3A_1086, %get3A_1087] {strides = array<i32>} : memref<26x512xi32, #tpu.memory_space<vmem>>, vector<16xi32>,
      %add3A_1089 = arith.constant 100 : i32
      %add3A_1090 = vector.broadcast %add3A_1089 : i32 to vector<16xi32>
      %add3A_1091 = arith.addi %get3A_1088, %add3A_1090 : vector<16xi32>
      %add3A_1092 = arith.constant 0 : i32
      %add3A_1093 = vector.broadcast %add3A_1092 : i32 to vector<16xi32>
      %add3A_1094 = arith.addi %add3A_1093, %iota3A : vector<16xi32>
      tpu.vector_store_idx %arg7[%add3A_1091, %add3A_1094], %broadcast_in_dim3A_3 : memref<200x256xf32, #tpu.memory_space<vmem>>[vector<16xi32>, vector<16xi32>], vector<16xf32>,
      %add3A_1095 = arith.constant 16 : i32
      %add3A_1096 = arith.addi %mul3A_947, %add3A_1095 : i32
      %get3A_1097 = arith.index_cast %add3A_1083 : i32 to index
      %get3A_1098 = arith.index_cast %add3A_1096 : i32 to index
      %get3A_1099 = tpu.vector_load %arg5[%get3A_1097, %get3A_1098] {strides = array<i32>} : memref<26x512xi32, #tpu.memory_space<vmem>>, vector<16xi32>,
      %add3A_1100 = arith.constant 100 : i32
      %add3A_1101 = vector.broadcast %add3A_1100 : i32 to vector<16xi32>
      %add3A_1102 = arith.addi %get3A_1099, %add3A_1101 : vector<16xi32>
      %add3A_1103 = arith.constant 16 : i32
      %add3A_1104 = vector.broadcast %add3A_1103 : i32 to vector<16xi32>
      %add3A_1105 = arith.addi %add3A_1104, %iota3A : vector<16xi32>
      tpu.vector_store_idx %arg7[%add3A_1102, %add3A_1105], %broadcast_in_dim3A_3 : memref<200x256xf32, #tpu.memory_space<vmem>>[vector<16xi32>, vector<16xi32>], vector<16xf32>,
      %add3A_1106 = arith.constant 32 : i32
      %add3A_1107 = arith.addi %mul3A_947, %add3A_1106 : i32
      %get3A_1108 = arith.index_cast %add3A_1083 : i32 to index
      %get3A_1109 = arith.index_cast %add3A_1107 : i32 to index
      %get3A_1110 = tpu.vector_load %arg5[%get3A_1108, %get3A_1109] {strides = array<i32>} : memref<26x512xi32, #tpu.memory_space<vmem>>, vector<16xi32>,
      %add3A_1111 = arith.constant 100 : i32
      %add3A_1112 = vector.broadcast %add3A_1111 : i32 to vector<16xi32>
      %add3A_1113 = arith.addi %get3A_1110, %add3A_1112 : vector<16xi32>
      %add3A_1114 = arith.constant 32 : i32
      %add3A_1115 = vector.broadcast %add3A_1114 : i32 to vector<16xi32>
      %add3A_1116 = arith.addi %add3A_1115, %iota3A : vector<16xi32>
      tpu.vector_store_idx %arg7[%add3A_1113, %add3A_1116], %broadcast_in_dim3A_3 : memref<200x256xf32, #tpu.memory_space<vmem>>[vector<16xi32>, vector<16xi32>], vector<16xf32>,
      %add3A_1117 = arith.constant 48 : i32
      %add3A_1118 = arith.addi %mul3A_947, %add3A_1117 : i32
      %get3A_1119 = arith.index_cast %add3A_1083 : i32 to index
      %get3A_1120 = arith.index_cast %add3A_1118 : i32 to index
      %get3A_1121 = tpu.vector_load %arg5[%get3A_1119, %get3A_1120] {strides = array<i32>} : memref<26x512xi32, #tpu.memory_space<vmem>>, vector<16xi32>,
      %add3A_1122 = arith.constant 100 : i32
      %add3A_1123 = vector.broadcast %add3A_1122 : i32 to vector<16xi32>
      %add3A_1124 = arith.addi %get3A_1121, %add3A_1123 : vector<16xi32>
      %add3A_1125 = arith.constant 48 : i32
      %add3A_1126 = vector.broadcast %add3A_1125 : i32 to vector<16xi32>
      %add3A_1127 = arith.addi %add3A_1126, %iota3A : vector<16xi32>
      tpu.vector_store_idx %arg7[%add3A_1124, %add3A_1127], %broadcast_in_dim3A_3 : memref<200x256xf32, #tpu.memory_space<vmem>>[vector<16xi32>, vector<16xi32>], vector<16xf32>,
      %add3A_1128 = arith.constant 64 : i32
      %add3A_1129 = arith.addi %mul3A_947, %add3A_1128 : i32
      %get3A_1130 = arith.index_cast %add3A_1083 : i32 to index
      %get3A_1131 = arith.index_cast %add3A_1129 : i32 to index
      %get3A_1132 = tpu.vector_load %arg5[%get3A_1130, %get3A_1131] {strides = array<i32>} : memref<26x512xi32, #tpu.memory_space<vmem>>, vector<16xi32>,
      %add3A_1133 = arith.constant 100 : i32
      %add3A_1134 = vector.broadcast %add3A_1133 : i32 to vector<16xi32>
      %add3A_1135 = arith.addi %get3A_1132, %add3A_1134 : vector<16xi32>
      %add3A_1136 = arith.constant 64 : i32
      %add3A_1137 = vector.broadcast %add3A_1136 : i32 to vector<16xi32>
      %add3A_1138 = arith.addi %add3A_1137, %iota3A : vector<16xi32>
      tpu.vector_store_idx %arg7[%add3A_1135, %add3A_1138], %broadcast_in_dim3A_3 : memref<200x256xf32, #tpu.memory_space<vmem>>[vector<16xi32>, vector<16xi32>], vector<16xf32>,
      %add3A_1139 = arith.constant 80 : i32
      %add3A_1140 = arith.addi %mul3A_947, %add3A_1139 : i32
      %get3A_1141 = arith.index_cast %add3A_1083 : i32 to index
      %get3A_1142 = arith.index_cast %add3A_1140 : i32 to index
      %get3A_1143 = tpu.vector_load %arg5[%get3A_1141, %get3A_1142] {strides = array<i32>} : memref<26x512xi32, #tpu.memory_space<vmem>>, vector<16xi32>,
      %add3A_1144 = arith.constant 100 : i32
      %add3A_1145 = vector.broadcast %add3A_1144 : i32 to vector<16xi32>
      %add3A_1146 = arith.addi %get3A_1143, %add3A_1145 : vector<16xi32>
      %add3A_1147 = arith.constant 80 : i32
      %add3A_1148 = vector.broadcast %add3A_1147 : i32 to vector<16xi32>
      %add3A_1149 = arith.addi %add3A_1148, %iota3A : vector<16xi32>
      tpu.vector_store_idx %arg7[%add3A_1146, %add3A_1149], %broadcast_in_dim3A_3 : memref<200x256xf32, #tpu.memory_space<vmem>>[vector<16xi32>, vector<16xi32>], vector<16xf32>,
      %add3A_1150 = arith.constant 96 : i32
      %add3A_1151 = arith.addi %mul3A_947, %add3A_1150 : i32
      %get3A_1152 = arith.index_cast %add3A_1083 : i32 to index
      %get3A_1153 = arith.index_cast %add3A_1151 : i32 to index
      %get3A_1154 = tpu.vector_load %arg5[%get3A_1152, %get3A_1153] {strides = array<i32>} : memref<26x512xi32, #tpu.memory_space<vmem>>, vector<16xi32>,
      %add3A_1155 = arith.constant 100 : i32
      %add3A_1156 = vector.broadcast %add3A_1155 : i32 to vector<16xi32>
      %add3A_1157 = arith.addi %get3A_1154, %add3A_1156 : vector<16xi32>
      %add3A_1158 = arith.constant 96 : i32
      %add3A_1159 = vector.broadcast %add3A_1158 : i32 to vector<16xi32>
      %add3A_1160 = arith.addi %add3A_1159, %iota3A : vector<16xi32>
      tpu.vector_store_idx %arg7[%add3A_1157, %add3A_1160], %broadcast_in_dim3A_3 : memref<200x256xf32, #tpu.memory_space<vmem>>[vector<16xi32>, vector<16xi32>], vector<16xf32>,
      %add3A_1161 = arith.constant 112 : i32
      %add3A_1162 = arith.addi %mul3A_947, %add3A_1161 : i32
      %get3A_1163 = arith.index_cast %add3A_1083 : i32 to index
      %get3A_1164 = arith.index_cast %add3A_1162 : i32 to index
      %get3A_1165 = tpu.vector_load %arg5[%get3A_1163, %get3A_1164] {strides = array<i32>} : memref<26x512xi32, #tpu.memory_space<vmem>>, vector<16xi32>,
      %add3A_1166 = arith.constant 100 : i32
      %add3A_1167 = vector.broadcast %add3A_1166 : i32 to vector<16xi32>
      %add3A_1168 = arith.addi %get3A_1165, %add3A_1167 : vector<16xi32>
      %add3A_1169 = arith.constant 112 : i32
      %add3A_1170 = vector.broadcast %add3A_1169 : i32 to vector<16xi32>
      %add3A_1171 = arith.addi %add3A_1170, %iota3A : vector<16xi32>
      tpu.vector_store_idx %arg7[%add3A_1168, %add3A_1171], %broadcast_in_dim3A_3 : memref<200x256xf32, #tpu.memory_space<vmem>>[vector<16xi32>, vector<16xi32>], vector<16xf32>,
      %add3A_1172 = arith.constant 128 : i32
      %add3A_1173 = arith.addi %mul3A_947, %add3A_1172 : i32
      %get3A_1174 = arith.index_cast %add3A_1083 : i32 to index
      %get3A_1175 = arith.index_cast %add3A_1173 : i32 to index
      %get3A_1176 = tpu.vector_load %arg5[%get3A_1174, %get3A_1175] {strides = array<i32>} : memref<26x512xi32, #tpu.memory_space<vmem>>, vector<16xi32>,
      %add3A_1177 = arith.constant 100 : i32
      %add3A_1178 = vector.broadcast %add3A_1177 : i32 to vector<16xi32>
      %add3A_1179 = arith.addi %get3A_1176, %add3A_1178 : vector<16xi32>
      %add3A_1180 = arith.constant 128 : i32
      %add3A_1181 = vector.broadcast %add3A_1180 : i32 to vector<16xi32>
      %add3A_1182 = arith.addi %add3A_1181, %iota3A : vector<16xi32>
      tpu.vector_store_idx %arg7[%add3A_1179, %add3A_1182], %broadcast_in_dim3A_3 : memref<200x256xf32, #tpu.memory_space<vmem>>[vector<16xi32>, vector<16xi32>], vector<16xf32>,
      %add3A_1183 = arith.constant 144 : i32
      %add3A_1184 = arith.addi %mul3A_947, %add3A_1183 : i32
      %get3A_1185 = arith.index_cast %add3A_1083 : i32 to index
      %get3A_1186 = arith.index_cast %add3A_1184 : i32 to index
      %get3A_1187 = tpu.vector_load %arg5[%get3A_1185, %get3A_1186] {strides = array<i32>} : memref<26x512xi32, #tpu.memory_space<vmem>>, vector<16xi32>,
      %add3A_1188 = arith.constant 100 : i32
      %add3A_1189 = vector.broadcast %add3A_1188 : i32 to vector<16xi32>
      %add3A_1190 = arith.addi %get3A_1187, %add3A_1189 : vector<16xi32>
      %add3A_1191 = arith.constant 144 : i32
      %add3A_1192 = vector.broadcast %add3A_1191 : i32 to vector<16xi32>
      %add3A_1193 = arith.addi %add3A_1192, %iota3A : vector<16xi32>
      tpu.vector_store_idx %arg7[%add3A_1190, %add3A_1193], %broadcast_in_dim3A_3 : memref<200x256xf32, #tpu.memory_space<vmem>>[vector<16xi32>, vector<16xi32>], vector<16xf32>,
      %add3A_1194 = arith.constant 160 : i32
      %add3A_1195 = arith.addi %mul3A_947, %add3A_1194 : i32
      %get3A_1196 = arith.index_cast %add3A_1083 : i32 to index
      %get3A_1197 = arith.index_cast %add3A_1195 : i32 to index
      %get3A_1198 = tpu.vector_load %arg5[%get3A_1196, %get3A_1197] {strides = array<i32>} : memref<26x512xi32, #tpu.memory_space<vmem>>, vector<16xi32>,
      %add3A_1199 = arith.constant 100 : i32
      %add3A_1200 = vector.broadcast %add3A_1199 : i32 to vector<16xi32>
      %add3A_1201 = arith.addi %get3A_1198, %add3A_1200 : vector<16xi32>
      %add3A_1202 = arith.constant 160 : i32
      %add3A_1203 = vector.broadcast %add3A_1202 : i32 to vector<16xi32>
      %add3A_1204 = arith.addi %add3A_1203, %iota3A : vector<16xi32>
      tpu.vector_store_idx %arg7[%add3A_1201, %add3A_1204], %broadcast_in_dim3A_3 : memref<200x256xf32, #tpu.memory_space<vmem>>[vector<16xi32>, vector<16xi32>], vector<16xf32>,
      %add3A_1205 = arith.constant 176 : i32
      %add3A_1206 = arith.addi %mul3A_947, %add3A_1205 : i32
      %get3A_1207 = arith.index_cast %add3A_1083 : i32 to index
      %get3A_1208 = arith.index_cast %add3A_1206 : i32 to index
      %get3A_1209 = tpu.vector_load %arg5[%get3A_1207, %get3A_1208] {strides = array<i32>} : memref<26x512xi32, #tpu.memory_space<vmem>>, vector<16xi32>,
      %add3A_1210 = arith.constant 100 : i32
      %add3A_1211 = vector.broadcast %add3A_1210 : i32 to vector<16xi32>
      %add3A_1212 = arith.addi %get3A_1209, %add3A_1211 : vector<16xi32>
      %add3A_1213 = arith.constant 176 : i32
      %add3A_1214 = vector.broadcast %add3A_1213 : i32 to vector<16xi32>
      %add3A_1215 = arith.addi %add3A_1214, %iota3A : vector<16xi32>
      tpu.vector_store_idx %arg7[%add3A_1212, %add3A_1215], %broadcast_in_dim3A_3 : memref<200x256xf32, #tpu.memory_space<vmem>>[vector<16xi32>, vector<16xi32>], vector<16xf32>,
      %add3A_1216 = arith.constant 192 : i32
      %add3A_1217 = arith.addi %mul3A_947, %add3A_1216 : i32
      %get3A_1218 = arith.index_cast %add3A_1083 : i32 to index
      %get3A_1219 = arith.index_cast %add3A_1217 : i32 to index
      %get3A_1220 = tpu.vector_load %arg5[%get3A_1218, %get3A_1219] {strides = array<i32>} : memref<26x512xi32, #tpu.memory_space<vmem>>, vector<16xi32>,
      %add3A_1221 = arith.constant 100 : i32
      %add3A_1222 = vector.broadcast %add3A_1221 : i32 to vector<16xi32>
      %add3A_1223 = arith.addi %get3A_1220, %add3A_1222 : vector<16xi32>
      %add3A_1224 = arith.constant 192 : i32
      %add3A_1225 = vector.broadcast %add3A_1224 : i32 to vector<16xi32>
      %add3A_1226 = arith.addi %add3A_1225, %iota3A : vector<16xi32>
      tpu.vector_store_idx %arg7[%add3A_1223, %add3A_1226], %broadcast_in_dim3A_3 : memref<200x256xf32, #tpu.memory_space<vmem>>[vector<16xi32>, vector<16xi32>], vector<16xf32>,
      %add3A_1227 = arith.constant 208 : i32
      %add3A_1228 = arith.addi %mul3A_947, %add3A_1227 : i32
      %get3A_1229 = arith.index_cast %add3A_1083 : i32 to index
      %get3A_1230 = arith.index_cast %add3A_1228 : i32 to index
      %get3A_1231 = tpu.vector_load %arg5[%get3A_1229, %get3A_1230] {strides = array<i32>} : memref<26x512xi32, #tpu.memory_space<vmem>>, vector<16xi32>,
      %add3A_1232 = arith.constant 100 : i32
      %add3A_1233 = vector.broadcast %add3A_1232 : i32 to vector<16xi32>
      %add3A_1234 = arith.addi %get3A_1231, %add3A_1233 : vector<16xi32>
      %add3A_1235 = arith.constant 208 : i32
      %add3A_1236 = vector.broadcast %add3A_1235 : i32 to vector<16xi32>
      %add3A_1237 = arith.addi %add3A_1236, %iota3A : vector<16xi32>
      tpu.vector_store_idx %arg7[%add3A_1234, %add3A_1237], %broadcast_in_dim3A_3 : memref<200x256xf32, #tpu.memory_space<vmem>>[vector<16xi32>, vector<16xi32>], vector<16xf32>,
      %add3A_1238 = arith.constant 224 : i32
      %add3A_1239 = arith.addi %mul3A_947, %add3A_1238 : i32
      %get3A_1240 = arith.index_cast %add3A_1083 : i32 to index
      %get3A_1241 = arith.index_cast %add3A_1239 : i32 to index
      %get3A_1242 = tpu.vector_load %arg5[%get3A_1240, %get3A_1241] {strides = array<i32>} : memref<26x512xi32, #tpu.memory_space<vmem>>, vector<16xi32>,
      %add3A_1243 = arith.constant 100 : i32
      %add3A_1244 = vector.broadcast %add3A_1243 : i32 to vector<16xi32>
      %add3A_1245 = arith.addi %get3A_1242, %add3A_1244 : vector<16xi32>
      %add3A_1246 = arith.constant 224 : i32
      %add3A_1247 = vector.broadcast %add3A_1246 : i32 to vector<16xi32>
      %add3A_1248 = arith.addi %add3A_1247, %iota3A : vector<16xi32>
      tpu.vector_store_idx %arg7[%add3A_1245, %add3A_1248], %broadcast_in_dim3A_3 : memref<200x256xf32, #tpu.memory_space<vmem>>[vector<16xi32>, vector<16xi32>], vector<16xf32>,
      %add3A_1249 = arith.constant 240 : i32
      %add3A_1250 = arith.addi %mul3A_947, %add3A_1249 : i32
      %get3A_1251 = arith.index_cast %add3A_1083 : i32 to index
      %get3A_1252 = arith.index_cast %add3A_1250 : i32 to index
      %get3A_1253 = tpu.vector_load %arg5[%get3A_1251, %get3A_1252] {strides = array<i32>} : memref<26x512xi32, #tpu.memory_space<vmem>>, vector<16xi32>,
      %add3A_1254 = arith.constant 100 : i32
      %add3A_1255 = vector.broadcast %add3A_1254 : i32 to vector<16xi32>
      %add3A_1256 = arith.addi %get3A_1253, %add3A_1255 : vector<16xi32>
      %add3A_1257 = arith.constant 240 : i32
      %add3A_1258 = vector.broadcast %add3A_1257 : i32 to vector<16xi32>
      %add3A_1259 = arith.addi %add3A_1258, %iota3A : vector<16xi32>
      tpu.vector_store_idx %arg7[%add3A_1256, %add3A_1259], %broadcast_in_dim3A_3 : memref<200x256xf32, #tpu.memory_space<vmem>>[vector<16xi32>, vector<16xi32>], vector<16xf32>,
      %jit3A_1260 = arith.constant 2 : i32
      %div3A_1261 = arith.divsi %add3A_908, %jit3A_1260 : i32
      %sign3A_1262 = arith.constant 0 : i32
      %sign3A_1263 = arith.cmpi sgt, %add3A_908, %sign3A_1262 : i32
      %sign3A_1264 = arith.extui %sign3A_1263 : i1 to i32
      %sign3A_1265 = arith.constant 0 : i32
      %sign3A_1266 = arith.cmpi slt, %add3A_908, %sign3A_1265 : i32
      %sign3A_1267 = arith.extui %sign3A_1266 : i1 to i32
      %sign3A_1268 = arith.subi %sign3A_1264, %sign3A_1267 : i32
      %sign3A_1269 = arith.constant 0 : i32
      %sign3A_1270 = arith.cmpi sgt, %jit3A_1260, %sign3A_1269 : i32
      %sign3A_1271 = arith.extui %sign3A_1270 : i1 to i32
      %sign3A_1272 = arith.constant 0 : i32
      %sign3A_1273 = arith.cmpi slt, %jit3A_1260, %sign3A_1272 : i32
      %sign3A_1274 = arith.extui %sign3A_1273 : i1 to i32
      %sign3A_1275 = arith.subi %sign3A_1271, %sign3A_1274 : i32
      %ne3A_1276 = arith.cmpi ne, %sign3A_1268, %sign3A_1275 : i32
      %rem3A_1277 = arith.remsi %add3A_908, %jit3A_1260 : i32
      %ne3A_1278 = arith.constant 0 : i32
      %ne3A_1279 = arith.cmpi ne, %rem3A_1277, %ne3A_1278 : i32
      %and3A_1280 = arith.andi %ne3A_1276, %ne3A_1279 : i1
      %sub3A_1281 = arith.constant 1 : i32
      %sub3A_1282 = arith.subi %div3A_1261, %sub3A_1281 : i32
      %select_n3A_1283 = arith.select %and3A_1280, %sub3A_1282, %div3A_1261 : i32
      %jit3A_1284 = arith.constant 2 : i32
      %eq3A_1285 = arith.constant 0 : i32
      %eq3A_1286 = arith.cmpi eq, %jit3A_1284, %eq3A_1285 : i32
      %jit3A_1287 = arith.constant 1 : i32
      %select_n3A_1288 = arith.select %eq3A_1286, %jit3A_1287, %jit3A_1284 : i32
      %rem3A_1289 = arith.remsi %add3A_908, %select_n3A_1288 : i32
      %ne3A_1290 = arith.constant 0 : i32
      %ne3A_1291 = arith.cmpi ne, %rem3A_1289, %ne3A_1290 : i32
      %lt3A_1292 = arith.constant 0 : i32
      %lt3A_1293 = arith.cmpi slt, %rem3A_1289, %lt3A_1292 : i32
      %lt3A_1294 = arith.constant 0 : i32
      %lt3A_1295 = arith.cmpi slt, %select_n3A_1288, %lt3A_1294 : i32
      %ne3A_1296 = arith.xori %lt3A_1293, %lt3A_1295 : i1
      %and3A_1297 = arith.andi %ne3A_1296, %ne3A_1291 : i1
      %add3A_1298 = arith.addi %rem3A_1289, %select_n3A_1288 : i32
      %select_n3A_1299 = arith.select %and3A_1297, %add3A_1298, %rem3A_1289 : i32
      %mul3A_1300 = arith.constant 256 : i32
      %mul3A_1301 = arith.muli %select_n3A_1299, %mul3A_1300 : i32
      %mul3A_1302 = arith.constant 2 : i32
      %mul3A_1303 = arith.muli %select_n3A_1283, %mul3A_1302 : i32
      %add3A_1304 = arith.constant 0 : i32
      %add3A_1305 = arith.addi %mul3A_1303, %add3A_1304 : i32
      %add3A_1306 = arith.constant 0 : i32
      %add3A_1307 = arith.addi %mul3A_1301, %add3A_1306 : i32
      %get3A_1308 = arith.index_cast %add3A_1305 : i32 to index
      %get3A_1309 = arith.index_cast %add3A_1307 : i32 to index
      %get3A_1310 = tpu.vector_load %arg5[%get3A_1308, %get3A_1309] {strides = array<i32>} : memref<26x512xi32, #tpu.memory_space<vmem>>, vector<16xi32>,
      %add3A_1311 = arith.constant 0 : i32
      %add3A_1312 = vector.broadcast %add3A_1311 : i32 to vector<16xi32>
      %add3A_1313 = arith.addi %add3A_1312, %iota3A : vector<16xi32>
      %get3A_1314 = arith.index_cast %add3A_1305 : i32 to index
      %get3A_1315 = arith.constant 0 : index
      %get3A_1316 = tpu.vector_load %arg6[%get3A_1314, %get3A_1315] {strides = array<i32>} : memref<26x16xi32, #tpu.memory_space<vmem>>, vector<16xi32>,
      %lt3A_1317 = arith.cmpi slt, %get3A_1310, %get3A_1316 : vector<16xi32>
      tpu.vector_store_idx %arg7[%get3A_1310, %add3A_1313], %broadcast_in_dim3A_5 masked %lt3A_1317 : memref<200x256xf32, #tpu.memory_space<vmem>>[vector<16xi32>, vector<16xi32>], vector<16xf32>, vector<16xi1>
      %add3A_1318 = arith.constant 16 : i32
      %add3A_1319 = arith.addi %mul3A_1301, %add3A_1318 : i32
      %get3A_1320 = arith.index_cast %add3A_1305 : i32 to index
      %get3A_1321 = arith.index_cast %add3A_1319 : i32 to index
      %get3A_1322 = tpu.vector_load %arg5[%get3A_1320, %get3A_1321] {strides = array<i32>} : memref<26x512xi32, #tpu.memory_space<vmem>>, vector<16xi32>,
      %add3A_1323 = arith.constant 16 : i32
      %add3A_1324 = vector.broadcast %add3A_1323 : i32 to vector<16xi32>
      %add3A_1325 = arith.addi %add3A_1324, %iota3A : vector<16xi32>
      %get3A_1326 = arith.index_cast %add3A_1305 : i32 to index
      %get3A_1327 = arith.constant 0 : index
      %get3A_1328 = tpu.vector_load %arg6[%get3A_1326, %get3A_1327] {strides = array<i32>} : memref<26x16xi32, #tpu.memory_space<vmem>>, vector<16xi32>,
      %lt3A_1329 = arith.cmpi slt, %get3A_1322, %get3A_1328 : vector<16xi32>
      tpu.vector_store_idx %arg7[%get3A_1322, %add3A_1325], %broadcast_in_dim3A_5 masked %lt3A_1329 : memref<200x256xf32, #tpu.memory_space<vmem>>[vector<16xi32>, vector<16xi32>], vector<16xf32>, vector<16xi1>
      %add3A_1330 = arith.constant 32 : i32
      %add3A_1331 = arith.addi %mul3A_1301, %add3A_1330 : i32
      %get3A_1332 = arith.index_cast %add3A_1305 : i32 to index
      %get3A_1333 = arith.index_cast %add3A_1331 : i32 to index
      %get3A_1334 = tpu.vector_load %arg5[%get3A_1332, %get3A_1333] {strides = array<i32>} : memref<26x512xi32, #tpu.memory_space<vmem>>, vector<16xi32>,
      %add3A_1335 = arith.constant 32 : i32
      %add3A_1336 = vector.broadcast %add3A_1335 : i32 to vector<16xi32>
      %add3A_1337 = arith.addi %add3A_1336, %iota3A : vector<16xi32>
      %get3A_1338 = arith.index_cast %add3A_1305 : i32 to index
      %get3A_1339 = arith.constant 0 : index
      %get3A_1340 = tpu.vector_load %arg6[%get3A_1338, %get3A_1339] {strides = array<i32>} : memref<26x16xi32, #tpu.memory_space<vmem>>, vector<16xi32>,
      %lt3A_1341 = arith.cmpi slt, %get3A_1334, %get3A_1340 : vector<16xi32>
      tpu.vector_store_idx %arg7[%get3A_1334, %add3A_1337], %broadcast_in_dim3A_5 masked %lt3A_1341 : memref<200x256xf32, #tpu.memory_space<vmem>>[vector<16xi32>, vector<16xi32>], vector<16xf32>, vector<16xi1>
      %add3A_1342 = arith.constant 48 : i32
      %add3A_1343 = arith.addi %mul3A_1301, %add3A_1342 : i32
      %get3A_1344 = arith.index_cast %add3A_1305 : i32 to index
      %get3A_1345 = arith.index_cast %add3A_1343 : i32 to index
      %get3A_1346 = tpu.vector_load %arg5[%get3A_1344, %get3A_1345] {strides = array<i32>} : memref<26x512xi32, #tpu.memory_space<vmem>>, vector<16xi32>,
      %add3A_1347 = arith.constant 48 : i32
      %add3A_1348 = vector.broadcast %add3A_1347 : i32 to vector<16xi32>
      %add3A_1349 = arith.addi %add3A_1348, %iota3A : vector<16xi32>
      %get3A_1350 = arith.index_cast %add3A_1305 : i32 to index
      %get3A_1351 = arith.constant 0 : index
      %get3A_1352 = tpu.vector_load %arg6[%get3A_1350, %get3A_1351] {strides = array<i32>} : memref<26x16xi32, #tpu.memory_space<vmem>>, vector<16xi32>,
      %lt3A_1353 = arith.cmpi slt, %get3A_1346, %get3A_1352 : vector<16xi32>
      tpu.vector_store_idx %arg7[%get3A_1346, %add3A_1349], %broadcast_in_dim3A_5 masked %lt3A_1353 : memref<200x256xf32, #tpu.memory_space<vmem>>[vector<16xi32>, vector<16xi32>], vector<16xf32>, vector<16xi1>
      %add3A_1354 = arith.constant 64 : i32
      %add3A_1355 = arith.addi %mul3A_1301, %add3A_1354 : i32
      %get3A_1356 = arith.index_cast %add3A_1305 : i32 to index
      %get3A_1357 = arith.index_cast %add3A_1355 : i32 to index
      %get3A_1358 = tpu.vector_load %arg5[%get3A_1356, %get3A_1357] {strides = array<i32>} : memref<26x512xi32, #tpu.memory_space<vmem>>, vector<16xi32>,
      %add3A_1359 = arith.constant 64 : i32
      %add3A_1360 = vector.broadcast %add3A_1359 : i32 to vector<16xi32>
      %add3A_1361 = arith.addi %add3A_1360, %iota3A : vector<16xi32>
      %get3A_1362 = arith.index_cast %add3A_1305 : i32 to index
      %get3A_1363 = arith.constant 0 : index
      %get3A_1364 = tpu.vector_load %arg6[%get3A_1362, %get3A_1363] {strides = array<i32>} : memref<26x16xi32, #tpu.memory_space<vmem>>, vector<16xi32>,
      %lt3A_1365 = arith.cmpi slt, %get3A_1358, %get3A_1364 : vector<16xi32>
      tpu.vector_store_idx %arg7[%get3A_1358, %add3A_1361], %broadcast_in_dim3A_5 masked %lt3A_1365 : memref<200x256xf32, #tpu.memory_space<vmem>>[vector<16xi32>, vector<16xi32>], vector<16xf32>, vector<16xi1>
      %add3A_1366 = arith.constant 80 : i32
      %add3A_1367 = arith.addi %mul3A_1301, %add3A_1366 : i32
      %get3A_1368 = arith.index_cast %add3A_1305 : i32 to index
      %get3A_1369 = arith.index_cast %add3A_1367 : i32 to index
      %get3A_1370 = tpu.vector_load %arg5[%get3A_1368, %get3A_1369] {strides = array<i32>} : memref<26x512xi32, #tpu.memory_space<vmem>>, vector<16xi32>,
      %add3A_1371 = arith.constant 80 : i32
      %add3A_1372 = vector.broadcast %add3A_1371 : i32 to vector<16xi32>
      %add3A_1373 = arith.addi %add3A_1372, %iota3A : vector<16xi32>
      %get3A_1374 = arith.index_cast %add3A_1305 : i32 to index
      %get3A_1375 = arith.constant 0 : index
      %get3A_1376 = tpu.vector_load %arg6[%get3A_1374, %get3A_1375] {strides = array<i32>} : memref<26x16xi32, #tpu.memory_space<vmem>>, vector<16xi32>,
      %lt3A_1377 = arith.cmpi slt, %get3A_1370, %get3A_1376 : vector<16xi32>
      tpu.vector_store_idx %arg7[%get3A_1370, %add3A_1373], %broadcast_in_dim3A_5 masked %lt3A_1377 : memref<200x256xf32, #tpu.memory_space<vmem>>[vector<16xi32>, vector<16xi32>], vector<16xf32>, vector<16xi1>
      %add3A_1378 = arith.constant 96 : i32
      %add3A_1379 = arith.addi %mul3A_1301, %add3A_1378 : i32
      %get3A_1380 = arith.index_cast %add3A_1305 : i32 to index
      %get3A_1381 = arith.index_cast %add3A_1379 : i32 to index
      %get3A_1382 = tpu.vector_load %arg5[%get3A_1380, %get3A_1381] {strides = array<i32>} : memref<26x512xi32, #tpu.memory_space<vmem>>, vector<16xi32>,
      %add3A_1383 = arith.constant 96 : i32
      %add3A_1384 = vector.broadcast %add3A_1383 : i32 to vector<16xi32>
      %add3A_1385 = arith.addi %add3A_1384, %iota3A : vector<16xi32>
      %get3A_1386 = arith.index_cast %add3A_1305 : i32 to index
      %get3A_1387 = arith.constant 0 : index
      %get3A_1388 = tpu.vector_load %arg6[%get3A_1386, %get3A_1387] {strides = array<i32>} : memref<26x16xi32, #tpu.memory_space<vmem>>, vector<16xi32>,
      %lt3A_1389 = arith.cmpi slt, %get3A_1382, %get3A_1388 : vector<16xi32>
      tpu.vector_store_idx %arg7[%get3A_1382, %add3A_1385], %broadcast_in_dim3A_5 masked %lt3A_1389 : memref<200x256xf32, #tpu.memory_space<vmem>>[vector<16xi32>, vector<16xi32>], vector<16xf32>, vector<16xi1>
      %add3A_1390 = arith.constant 112 : i32
      %add3A_1391 = arith.addi %mul3A_1301, %add3A_1390 : i32
      %get3A_1392 = arith.index_cast %add3A_1305 : i32 to index
      %get3A_1393 = arith.index_cast %add3A_1391 : i32 to index
      %get3A_1394 = tpu.vector_load %arg5[%get3A_1392, %get3A_1393] {strides = array<i32>} : memref<26x512xi32, #tpu.memory_space<vmem>>, vector<16xi32>,
      %add3A_1395 = arith.constant 112 : i32
      %add3A_1396 = vector.broadcast %add3A_1395 : i32 to vector<16xi32>
      %add3A_1397 = arith.addi %add3A_1396, %iota3A : vector<16xi32>
      %get3A_1398 = arith.index_cast %add3A_1305 : i32 to index
      %get3A_1399 = arith.constant 0 : index
      %get3A_1400 = tpu.vector_load %arg6[%get3A_1398, %get3A_1399] {strides = array<i32>} : memref<26x16xi32, #tpu.memory_space<vmem>>, vector<16xi32>,
      %lt3A_1401 = arith.cmpi slt, %get3A_1394, %get3A_1400 : vector<16xi32>
      tpu.vector_store_idx %arg7[%get3A_1394, %add3A_1397], %broadcast_in_dim3A_5 masked %lt3A_1401 : memref<200x256xf32, #tpu.memory_space<vmem>>[vector<16xi32>, vector<16xi32>], vector<16xf32>, vector<16xi1>
      %add3A_1402 = arith.constant 128 : i32
      %add3A_1403 = arith.addi %mul3A_1301, %add3A_1402 : i32
      %get3A_1404 = arith.index_cast %add3A_1305 : i32 to index
      %get3A_1405 = arith.index_cast %add3A_1403 : i32 to index
      %get3A_1406 = tpu.vector_load %arg5[%get3A_1404, %get3A_1405] {strides = array<i32>} : memref<26x512xi32, #tpu.memory_space<vmem>>, vector<16xi32>,
      %add3A_1407 = arith.constant 128 : i32
      %add3A_1408 = vector.broadcast %add3A_1407 : i32 to vector<16xi32>
      %add3A_1409 = arith.addi %add3A_1408, %iota3A : vector<16xi32>
      %get3A_1410 = arith.index_cast %add3A_1305 : i32 to index
      %get3A_1411 = arith.constant 0 : index
      %get3A_1412 = tpu.vector_load %arg6[%get3A_1410, %get3A_1411] {strides = array<i32>} : memref<26x16xi32, #tpu.memory_space<vmem>>, vector<16xi32>,
      %lt3A_1413 = arith.cmpi slt, %get3A_1406, %get3A_1412 : vector<16xi32>
      tpu.vector_store_idx %arg7[%get3A_1406, %add3A_1409], %broadcast_in_dim3A_5 masked %lt3A_1413 : memref<200x256xf32, #tpu.memory_space<vmem>>[vector<16xi32>, vector<16xi32>], vector<16xf32>, vector<16xi1>
      %add3A_1414 = arith.constant 144 : i32
      %add3A_1415 = arith.addi %mul3A_1301, %add3A_1414 : i32
      %get3A_1416 = arith.index_cast %add3A_1305 : i32 to index
      %get3A_1417 = arith.index_cast %add3A_1415 : i32 to index
      %get3A_1418 = tpu.vector_load %arg5[%get3A_1416, %get3A_1417] {strides = array<i32>} : memref<26x512xi32, #tpu.memory_space<vmem>>, vector<16xi32>,
      %add3A_1419 = arith.constant 144 : i32
      %add3A_1420 = vector.broadcast %add3A_1419 : i32 to vector<16xi32>
      %add3A_1421 = arith.addi %add3A_1420, %iota3A : vector<16xi32>
      %get3A_1422 = arith.index_cast %add3A_1305 : i32 to index
      %get3A_1423 = arith.constant 0 : index
      %get3A_1424 = tpu.vector_load %arg6[%get3A_1422, %get3A_1423] {strides = array<i32>} : memref<26x16xi32, #tpu.memory_space<vmem>>, vector<16xi32>,
      %lt3A_1425 = arith.cmpi slt, %get3A_1418, %get3A_1424 : vector<16xi32>
      tpu.vector_store_idx %arg7[%get3A_1418, %add3A_1421], %broadcast_in_dim3A_5 masked %lt3A_1425 : memref<200x256xf32, #tpu.memory_space<vmem>>[vector<16xi32>, vector<16xi32>], vector<16xf32>, vector<16xi1>
      %add3A_1426 = arith.constant 160 : i32
      %add3A_1427 = arith.addi %mul3A_1301, %add3A_1426 : i32
      %get3A_1428 = arith.index_cast %add3A_1305 : i32 to index
      %get3A_1429 = arith.index_cast %add3A_1427 : i32 to index
      %get3A_1430 = tpu.vector_load %arg5[%get3A_1428, %get3A_1429] {strides = array<i32>} : memref<26x512xi32, #tpu.memory_space<vmem>>, vector<16xi32>,
      %add3A_1431 = arith.constant 160 : i32
      %add3A_1432 = vector.broadcast %add3A_1431 : i32 to vector<16xi32>
      %add3A_1433 = arith.addi %add3A_1432, %iota3A : vector<16xi32>
      %get3A_1434 = arith.index_cast %add3A_1305 : i32 to index
      %get3A_1435 = arith.constant 0 : index
      %get3A_1436 = tpu.vector_load %arg6[%get3A_1434, %get3A_1435] {strides = array<i32>} : memref<26x16xi32, #tpu.memory_space<vmem>>, vector<16xi32>,
      %lt3A_1437 = arith.cmpi slt, %get3A_1430, %get3A_1436 : vector<16xi32>
      tpu.vector_store_idx %arg7[%get3A_1430, %add3A_1433], %broadcast_in_dim3A_5 masked %lt3A_1437 : memref<200x256xf32, #tpu.memory_space<vmem>>[vector<16xi32>, vector<16xi32>], vector<16xf32>, vector<16xi1>
      %add3A_1438 = arith.constant 176 : i32
      %add3A_1439 = arith.addi %mul3A_1301, %add3A_1438 : i32
      %get3A_1440 = arith.index_cast %add3A_1305 : i32 to index
      %get3A_1441 = arith.index_cast %add3A_1439 : i32 to index
      %get3A_1442 = tpu.vector_load %arg5[%get3A_1440, %get3A_1441] {strides = array<i32>} : memref<26x512xi32, #tpu.memory_space<vmem>>, vector<16xi32>,
      %add3A_1443 = arith.constant 176 : i32
      %add3A_1444 = vector.broadcast %add3A_1443 : i32 to vector<16xi32>
      %add3A_1445 = arith.addi %add3A_1444, %iota3A : vector<16xi32>
      %get3A_1446 = arith.index_cast %add3A_1305 : i32 to index
      %get3A_1447 = arith.constant 0 : index
      %get3A_1448 = tpu.vector_load %arg6[%get3A_1446, %get3A_1447] {strides = array<i32>} : memref<26x16xi32, #tpu.memory_space<vmem>>, vector<16xi32>,
      %lt3A_1449 = arith.cmpi slt, %get3A_1442, %get3A_1448 : vector<16xi32>
      tpu.vector_store_idx %arg7[%get3A_1442, %add3A_1445], %broadcast_in_dim3A_5 masked %lt3A_1449 : memref<200x256xf32, #tpu.memory_space<vmem>>[vector<16xi32>, vector<16xi32>], vector<16xf32>, vector<16xi1>
      %add3A_1450 = arith.constant 192 : i32
      %add3A_1451 = arith.addi %mul3A_1301, %add3A_1450 : i32
      %get3A_1452 = arith.index_cast %add3A_1305 : i32 to index
      %get3A_1453 = arith.index_cast %add3A_1451 : i32 to index
      %get3A_1454 = tpu.vector_load %arg5[%get3A_1452, %get3A_1453] {strides = array<i32>} : memref<26x512xi32, #tpu.memory_space<vmem>>, vector<16xi32>,
      %add3A_1455 = arith.constant 192 : i32
      %add3A_1456 = vector.broadcast %add3A_1455 : i32 to vector<16xi32>
      %add3A_1457 = arith.addi %add3A_1456, %iota3A : vector<16xi32>
      %get3A_1458 = arith.index_cast %add3A_1305 : i32 to index
      %get3A_1459 = arith.constant 0 : index
      %get3A_1460 = tpu.vector_load %arg6[%get3A_1458, %get3A_1459] {strides = array<i32>} : memref<26x16xi32, #tpu.memory_space<vmem>>, vector<16xi32>,
      %lt3A_1461 = arith.cmpi slt, %get3A_1454, %get3A_1460 : vector<16xi32>
      tpu.vector_store_idx %arg7[%get3A_1454, %add3A_1457], %broadcast_in_dim3A_5 masked %lt3A_1461 : memref<200x256xf32, #tpu.memory_space<vmem>>[vector<16xi32>, vector<16xi32>], vector<16xf32>, vector<16xi1>
      %add3A_1462 = arith.constant 208 : i32
      %add3A_1463 = arith.addi %mul3A_1301, %add3A_1462 : i32
      %get3A_1464 = arith.index_cast %add3A_1305 : i32 to index
      %get3A_1465 = arith.index_cast %add3A_1463 : i32 to index
      %get3A_1466 = tpu.vector_load %arg5[%get3A_1464, %get3A_1465] {strides = array<i32>} : memref<26x512xi32, #tpu.memory_space<vmem>>, vector<16xi32>,
      %add3A_1467 = arith.constant 208 : i32
      %add3A_1468 = vector.broadcast %add3A_1467 : i32 to vector<16xi32>
      %add3A_1469 = arith.addi %add3A_1468, %iota3A : vector<16xi32>
      %get3A_1470 = arith.index_cast %add3A_1305 : i32 to index
      %get3A_1471 = arith.constant 0 : index
      %get3A_1472 = tpu.vector_load %arg6[%get3A_1470, %get3A_1471] {strides = array<i32>} : memref<26x16xi32, #tpu.memory_space<vmem>>, vector<16xi32>,
      %lt3A_1473 = arith.cmpi slt, %get3A_1466, %get3A_1472 : vector<16xi32>
      tpu.vector_store_idx %arg7[%get3A_1466, %add3A_1469], %broadcast_in_dim3A_5 masked %lt3A_1473 : memref<200x256xf32, #tpu.memory_space<vmem>>[vector<16xi32>, vector<16xi32>], vector<16xf32>, vector<16xi1>
      %add3A_1474 = arith.constant 224 : i32
      %add3A_1475 = arith.addi %mul3A_1301, %add3A_1474 : i32
      %get3A_1476 = arith.index_cast %add3A_1305 : i32 to index
      %get3A_1477 = arith.index_cast %add3A_1475 : i32 to index
      %get3A_1478 = tpu.vector_load %arg5[%get3A_1476, %get3A_1477] {strides = array<i32>} : memref<26x512xi32, #tpu.memory_space<vmem>>, vector<16xi32>,
      %add3A_1479 = arith.constant 224 : i32
      %add3A_1480 = vector.broadcast %add3A_1479 : i32 to vector<16xi32>
      %add3A_1481 = arith.addi %add3A_1480, %iota3A : vector<16xi32>
      %get3A_1482 = arith.index_cast %add3A_1305 : i32 to index
      %get3A_1483 = arith.constant 0 : index
      %get3A_1484 = tpu.vector_load %arg6[%get3A_1482, %get3A_1483] {strides = array<i32>} : memref<26x16xi32, #tpu.memory_space<vmem>>, vector<16xi32>,
      %lt3A_1485 = arith.cmpi slt, %get3A_1478, %get3A_1484 : vector<16xi32>
      tpu.vector_store_idx %arg7[%get3A_1478, %add3A_1481], %broadcast_in_dim3A_5 masked %lt3A_1485 : memref<200x256xf32, #tpu.memory_space<vmem>>[vector<16xi32>, vector<16xi32>], vector<16xf32>, vector<16xi1>
      %add3A_1486 = arith.constant 240 : i32
      %add3A_1487 = arith.addi %mul3A_1301, %add3A_1486 : i32
      %get3A_1488 = arith.index_cast %add3A_1305 : i32 to index
      %get3A_1489 = arith.index_cast %add3A_1487 : i32 to index
      %get3A_1490 = tpu.vector_load %arg5[%get3A_1488, %get3A_1489] {strides = array<i32>} : memref<26x512xi32, #tpu.memory_space<vmem>>, vector<16xi32>,
      %add3A_1491 = arith.constant 240 : i32
      %add3A_1492 = vector.broadcast %add3A_1491 : i32 to vector<16xi32>
      %add3A_1493 = arith.addi %add3A_1492, %iota3A : vector<16xi32>
      %get3A_1494 = arith.index_cast %add3A_1305 : i32 to index
      %get3A_1495 = arith.constant 0 : index
      %get3A_1496 = tpu.vector_load %arg6[%get3A_1494, %get3A_1495] {strides = array<i32>} : memref<26x16xi32, #tpu.memory_space<vmem>>, vector<16xi32>,
      %lt3A_1497 = arith.cmpi slt, %get3A_1490, %get3A_1496 : vector<16xi32>
      tpu.vector_store_idx %arg7[%get3A_1490, %add3A_1493], %broadcast_in_dim3A_5 masked %lt3A_1497 : memref<200x256xf32, #tpu.memory_space<vmem>>[vector<16xi32>, vector<16xi32>], vector<16xf32>, vector<16xi1>
      %mul3A_1498 = arith.constant 2 : i32
      %mul3A_1499 = arith.muli %select_n3A_1283, %mul3A_1498 : i32
      %add3A_1500 = arith.constant 1 : i32
      %add3A_1501 = arith.addi %mul3A_1499, %add3A_1500 : i32
      %add3A_1502 = arith.constant 0 : i32
      %add3A_1503 = arith.addi %mul3A_1301, %add3A_1502 : i32
      %get3A_1504 = arith.index_cast %add3A_1501 : i32 to index
      %get3A_1505 = arith.index_cast %add3A_1503 : i32 to index
      %get3A_1506 = tpu.vector_load %arg5[%get3A_1504, %get3A_1505] {strides = array<i32>} : memref<26x512xi32, #tpu.memory_space<vmem>>, vector<16xi32>,
      %add3A_1507 = arith.constant 100 : i32
      %add3A_1508 = vector.broadcast %add3A_1507 : i32 to vector<16xi32>
      %add3A_1509 = arith.addi %get3A_1506, %add3A_1508 : vector<16xi32>
      %add3A_1510 = arith.constant 0 : i32
      %add3A_1511 = vector.broadcast %add3A_1510 : i32 to vector<16xi32>
      %add3A_1512 = arith.addi %add3A_1511, %iota3A : vector<16xi32>
      %get3A_1513 = arith.index_cast %add3A_1501 : i32 to index
      %get3A_1514 = arith.constant 0 : index
      %get3A_1515 = tpu.vector_load %arg6[%get3A_1513, %get3A_1514] {strides = array<i32>} : memref<26x16xi32, #tpu.memory_space<vmem>>, vector<16xi32>,
      %lt3A_1516 = arith.cmpi slt, %get3A_1506, %get3A_1515 : vector<16xi32>
      tpu.vector_store_idx %arg7[%add3A_1509, %add3A_1512], %broadcast_in_dim3A_5 masked %lt3A_1516 : memref<200x256xf32, #tpu.memory_space<vmem>>[vector<16xi32>, vector<16xi32>], vector<16xf32>, vector<16xi1>
      %add3A_1517 = arith.constant 16 : i32
      %add3A_1518 = arith.addi %mul3A_1301, %add3A_1517 : i32
      %get3A_1519 = arith.index_cast %add3A_1501 : i32 to index
      %get3A_1520 = arith.index_cast %add3A_1518 : i32 to index
      %get3A_1521 = tpu.vector_load %arg5[%get3A_1519, %get3A_1520] {strides = array<i32>} : memref<26x512xi32, #tpu.memory_space<vmem>>, vector<16xi32>,
      %add3A_1522 = arith.constant 100 : i32
      %add3A_1523 = vector.broadcast %add3A_1522 : i32 to vector<16xi32>
      %add3A_1524 = arith.addi %get3A_1521, %add3A_1523 : vector<16xi32>
      %add3A_1525 = arith.constant 16 : i32
      %add3A_1526 = vector.broadcast %add3A_1525 : i32 to vector<16xi32>
      %add3A_1527 = arith.addi %add3A_1526, %iota3A : vector<16xi32>
      %get3A_1528 = arith.index_cast %add3A_1501 : i32 to index
      %get3A_1529 = arith.constant 0 : index
      %get3A_1530 = tpu.vector_load %arg6[%get3A_1528, %get3A_1529] {strides = array<i32>} : memref<26x16xi32, #tpu.memory_space<vmem>>, vector<16xi32>,
      %lt3A_1531 = arith.cmpi slt, %get3A_1521, %get3A_1530 : vector<16xi32>
      tpu.vector_store_idx %arg7[%add3A_1524, %add3A_1527], %broadcast_in_dim3A_5 masked %lt3A_1531 : memref<200x256xf32, #tpu.memory_space<vmem>>[vector<16xi32>, vector<16xi32>], vector<16xf32>, vector<16xi1>
      %add3A_1532 = arith.constant 32 : i32
      %add3A_1533 = arith.addi %mul3A_1301, %add3A_1532 : i32
      %get3A_1534 = arith.index_cast %add3A_1501 : i32 to index
      %get3A_1535 = arith.index_cast %add3A_1533 : i32 to index
      %get3A_1536 = tpu.vector_load %arg5[%get3A_1534, %get3A_1535] {strides = array<i32>} : memref<26x512xi32, #tpu.memory_space<vmem>>, vector<16xi32>,
      %add3A_1537 = arith.constant 100 : i32
      %add3A_1538 = vector.broadcast %add3A_1537 : i32 to vector<16xi32>
      %add3A_1539 = arith.addi %get3A_1536, %add3A_1538 : vector<16xi32>
      %add3A_1540 = arith.constant 32 : i32
      %add3A_1541 = vector.broadcast %add3A_1540 : i32 to vector<16xi32>
      %add3A_1542 = arith.addi %add3A_1541, %iota3A : vector<16xi32>
      %get3A_1543 = arith.index_cast %add3A_1501 : i32 to index
      %get3A_1544 = arith.constant 0 : index
      %get3A_1545 = tpu.vector_load %arg6[%get3A_1543, %get3A_1544] {strides = array<i32>} : memref<26x16xi32, #tpu.memory_space<vmem>>, vector<16xi32>,
      %lt3A_1546 = arith.cmpi slt, %get3A_1536, %get3A_1545 : vector<16xi32>
      tpu.vector_store_idx %arg7[%add3A_1539, %add3A_1542], %broadcast_in_dim3A_5 masked %lt3A_1546 : memref<200x256xf32, #tpu.memory_space<vmem>>[vector<16xi32>, vector<16xi32>], vector<16xf32>, vector<16xi1>
      %add3A_1547 = arith.constant 48 : i32
      %add3A_1548 = arith.addi %mul3A_1301, %add3A_1547 : i32
      %get3A_1549 = arith.index_cast %add3A_1501 : i32 to index
      %get3A_1550 = arith.index_cast %add3A_1548 : i32 to index
      %get3A_1551 = tpu.vector_load %arg5[%get3A_1549, %get3A_1550] {strides = array<i32>} : memref<26x512xi32, #tpu.memory_space<vmem>>, vector<16xi32>,
      %add3A_1552 = arith.constant 100 : i32
      %add3A_1553 = vector.broadcast %add3A_1552 : i32 to vector<16xi32>
      %add3A_1554 = arith.addi %get3A_1551, %add3A_1553 : vector<16xi32>
      %add3A_1555 = arith.constant 48 : i32
      %add3A_1556 = vector.broadcast %add3A_1555 : i32 to vector<16xi32>
      %add3A_1557 = arith.addi %add3A_1556, %iota3A : vector<16xi32>
      %get3A_1558 = arith.index_cast %add3A_1501 : i32 to index
      %get3A_1559 = arith.constant 0 : index
      %get3A_1560 = tpu.vector_load %arg6[%get3A_1558, %get3A_1559] {strides = array<i32>} : memref<26x16xi32, #tpu.memory_space<vmem>>, vector<16xi32>,
      %lt3A_1561 = arith.cmpi slt, %get3A_1551, %get3A_1560 : vector<16xi32>
      tpu.vector_store_idx %arg7[%add3A_1554, %add3A_1557], %broadcast_in_dim3A_5 masked %lt3A_1561 : memref<200x256xf32, #tpu.memory_space<vmem>>[vector<16xi32>, vector<16xi32>], vector<16xf32>, vector<16xi1>
      %add3A_1562 = arith.constant 64 : i32
      %add3A_1563 = arith.addi %mul3A_1301, %add3A_1562 : i32
      %get3A_1564 = arith.index_cast %add3A_1501 : i32 to index
      %get3A_1565 = arith.index_cast %add3A_1563 : i32 to index
      %get3A_1566 = tpu.vector_load %arg5[%get3A_1564, %get3A_1565] {strides = array<i32>} : memref<26x512xi32, #tpu.memory_space<vmem>>, vector<16xi32>,
      %add3A_1567 = arith.constant 100 : i32
      %add3A_1568 = vector.broadcast %add3A_1567 : i32 to vector<16xi32>
      %add3A_1569 = arith.addi %get3A_1566, %add3A_1568 : vector<16xi32>
      %add3A_1570 = arith.constant 64 : i32
      %add3A_1571 = vector.broadcast %add3A_1570 : i32 to vector<16xi32>
      %add3A_1572 = arith.addi %add3A_1571, %iota3A : vector<16xi32>
      %get3A_1573 = arith.index_cast %add3A_1501 : i32 to index
      %get3A_1574 = arith.constant 0 : index
      %get3A_1575 = tpu.vector_load %arg6[%get3A_1573, %get3A_1574] {strides = array<i32>} : memref<26x16xi32, #tpu.memory_space<vmem>>, vector<16xi32>,
      %lt3A_1576 = arith.cmpi slt, %get3A_1566, %get3A_1575 : vector<16xi32>
      tpu.vector_store_idx %arg7[%add3A_1569, %add3A_1572], %broadcast_in_dim3A_5 masked %lt3A_1576 : memref<200x256xf32, #tpu.memory_space<vmem>>[vector<16xi32>, vector<16xi32>], vector<16xf32>, vector<16xi1>
      %add3A_1577 = arith.constant 80 : i32
      %add3A_1578 = arith.addi %mul3A_1301, %add3A_1577 : i32
      %get3A_1579 = arith.index_cast %add3A_1501 : i32 to index
      %get3A_1580 = arith.index_cast %add3A_1578 : i32 to index
      %get3A_1581 = tpu.vector_load %arg5[%get3A_1579, %get3A_1580] {strides = array<i32>} : memref<26x512xi32, #tpu.memory_space<vmem>>, vector<16xi32>,
      %add3A_1582 = arith.constant 100 : i32
      %add3A_1583 = vector.broadcast %add3A_1582 : i32 to vector<16xi32>
      %add3A_1584 = arith.addi %get3A_1581, %add3A_1583 : vector<16xi32>
      %add3A_1585 = arith.constant 80 : i32
      %add3A_1586 = vector.broadcast %add3A_1585 : i32 to vector<16xi32>
      %add3A_1587 = arith.addi %add3A_1586, %iota3A : vector<16xi32>
      %get3A_1588 = arith.index_cast %add3A_1501 : i32 to index
      %get3A_1589 = arith.constant 0 : index
      %get3A_1590 = tpu.vector_load %arg6[%get3A_1588, %get3A_1589] {strides = array<i32>} : memref<26x16xi32, #tpu.memory_space<vmem>>, vector<16xi32>,
      %lt3A_1591 = arith.cmpi slt, %get3A_1581, %get3A_1590 : vector<16xi32>
      tpu.vector_store_idx %arg7[%add3A_1584, %add3A_1587], %broadcast_in_dim3A_5 masked %lt3A_1591 : memref<200x256xf32, #tpu.memory_space<vmem>>[vector<16xi32>, vector<16xi32>], vector<16xf32>, vector<16xi1>
      %add3A_1592 = arith.constant 96 : i32
      %add3A_1593 = arith.addi %mul3A_1301, %add3A_1592 : i32
      %get3A_1594 = arith.index_cast %add3A_1501 : i32 to index
      %get3A_1595 = arith.index_cast %add3A_1593 : i32 to index
      %get3A_1596 = tpu.vector_load %arg5[%get3A_1594, %get3A_1595] {strides = array<i32>} : memref<26x512xi32, #tpu.memory_space<vmem>>, vector<16xi32>,
      %add3A_1597 = arith.constant 100 : i32
      %add3A_1598 = vector.broadcast %add3A_1597 : i32 to vector<16xi32>
      %add3A_1599 = arith.addi %get3A_1596, %add3A_1598 : vector<16xi32>
      %add3A_1600 = arith.constant 96 : i32
      %add3A_1601 = vector.broadcast %add3A_1600 : i32 to vector<16xi32>
      %add3A_1602 = arith.addi %add3A_1601, %iota3A : vector<16xi32>
      %get3A_1603 = arith.index_cast %add3A_1501 : i32 to index
      %get3A_1604 = arith.constant 0 : index
      %get3A_1605 = tpu.vector_load %arg6[%get3A_1603, %get3A_1604] {strides = array<i32>} : memref<26x16xi32, #tpu.memory_space<vmem>>, vector<16xi32>,
      %lt3A_1606 = arith.cmpi slt, %get3A_1596, %get3A_1605 : vector<16xi32>
      tpu.vector_store_idx %arg7[%add3A_1599, %add3A_1602], %broadcast_in_dim3A_5 masked %lt3A_1606 : memref<200x256xf32, #tpu.memory_space<vmem>>[vector<16xi32>, vector<16xi32>], vector<16xf32>, vector<16xi1>
      %add3A_1607 = arith.constant 112 : i32
      %add3A_1608 = arith.addi %mul3A_1301, %add3A_1607 : i32
      %get3A_1609 = arith.index_cast %add3A_1501 : i32 to index
      %get3A_1610 = arith.index_cast %add3A_1608 : i32 to index
      %get3A_1611 = tpu.vector_load %arg5[%get3A_1609, %get3A_1610] {strides = array<i32>} : memref<26x512xi32, #tpu.memory_space<vmem>>, vector<16xi32>,
      %add3A_1612 = arith.constant 100 : i32
      %add3A_1613 = vector.broadcast %add3A_1612 : i32 to vector<16xi32>
      %add3A_1614 = arith.addi %get3A_1611, %add3A_1613 : vector<16xi32>
      %add3A_1615 = arith.constant 112 : i32
      %add3A_1616 = vector.broadcast %add3A_1615 : i32 to vector<16xi32>
      %add3A_1617 = arith.addi %add3A_1616, %iota3A : vector<16xi32>
      %get3A_1618 = arith.index_cast %add3A_1501 : i32 to index
      %get3A_1619 = arith.constant 0 : index
      %get3A_1620 = tpu.vector_load %arg6[%get3A_1618, %get3A_1619] {strides = array<i32>} : memref<26x16xi32, #tpu.memory_space<vmem>>, vector<16xi32>,
      %lt3A_1621 = arith.cmpi slt, %get3A_1611, %get3A_1620 : vector<16xi32>
      tpu.vector_store_idx %arg7[%add3A_1614, %add3A_1617], %broadcast_in_dim3A_5 masked %lt3A_1621 : memref<200x256xf32, #tpu.memory_space<vmem>>[vector<16xi32>, vector<16xi32>], vector<16xf32>, vector<16xi1>
      %add3A_1622 = arith.constant 128 : i32
      %add3A_1623 = arith.addi %mul3A_1301, %add3A_1622 : i32
      %get3A_1624 = arith.index_cast %add3A_1501 : i32 to index
      %get3A_1625 = arith.index_cast %add3A_1623 : i32 to index
      %get3A_1626 = tpu.vector_load %arg5[%get3A_1624, %get3A_1625] {strides = array<i32>} : memref<26x512xi32, #tpu.memory_space<vmem>>, vector<16xi32>,
      %add3A_1627 = arith.constant 100 : i32
      %add3A_1628 = vector.broadcast %add3A_1627 : i32 to vector<16xi32>
      %add3A_1629 = arith.addi %get3A_1626, %add3A_1628 : vector<16xi32>
      %add3A_1630 = arith.constant 128 : i32
      %add3A_1631 = vector.broadcast %add3A_1630 : i32 to vector<16xi32>
      %add3A_1632 = arith.addi %add3A_1631, %iota3A : vector<16xi32>
      %get3A_1633 = arith.index_cast %add3A_1501 : i32 to index
      %get3A_1634 = arith.constant 0 : index
      %get3A_1635 = tpu.vector_load %arg6[%get3A_1633, %get3A_1634] {strides = array<i32>} : memref<26x16xi32, #tpu.memory_space<vmem>>, vector<16xi32>,
      %lt3A_1636 = arith.cmpi slt, %get3A_1626, %get3A_1635 : vector<16xi32>
      tpu.vector_store_idx %arg7[%add3A_1629, %add3A_1632], %broadcast_in_dim3A_5 masked %lt3A_1636 : memref<200x256xf32, #tpu.memory_space<vmem>>[vector<16xi32>, vector<16xi32>], vector<16xf32>, vector<16xi1>
      %add3A_1637 = arith.constant 144 : i32
      %add3A_1638 = arith.addi %mul3A_1301, %add3A_1637 : i32
      %get3A_1639 = arith.index_cast %add3A_1501 : i32 to index
      %get3A_1640 = arith.index_cast %add3A_1638 : i32 to index
      %get3A_1641 = tpu.vector_load %arg5[%get3A_1639, %get3A_1640] {strides = array<i32>} : memref<26x512xi32, #tpu.memory_space<vmem>>, vector<16xi32>,
      %add3A_1642 = arith.constant 100 : i32
      %add3A_1643 = vector.broadcast %add3A_1642 : i32 to vector<16xi32>
      %add3A_1644 = arith.addi %get3A_1641, %add3A_1643 : vector<16xi32>
      %add3A_1645 = arith.constant 144 : i32
      %add3A_1646 = vector.broadcast %add3A_1645 : i32 to vector<16xi32>
      %add3A_1647 = arith.addi %add3A_1646, %iota3A : vector<16xi32>
      %get3A_1648 = arith.index_cast %add3A_1501 : i32 to index
      %get3A_1649 = arith.constant 0 : index
      %get3A_1650 = tpu.vector_load %arg6[%get3A_1648, %get3A_1649] {strides = array<i32>} : memref<26x16xi32, #tpu.memory_space<vmem>>, vector<16xi32>,
      %lt3A_1651 = arith.cmpi slt, %get3A_1641, %get3A_1650 : vector<16xi32>
      tpu.vector_store_idx %arg7[%add3A_1644, %add3A_1647], %broadcast_in_dim3A_5 masked %lt3A_1651 : memref<200x256xf32, #tpu.memory_space<vmem>>[vector<16xi32>, vector<16xi32>], vector<16xf32>, vector<16xi1>
      %add3A_1652 = arith.constant 160 : i32
      %add3A_1653 = arith.addi %mul3A_1301, %add3A_1652 : i32
      %get3A_1654 = arith.index_cast %add3A_1501 : i32 to index
      %get3A_1655 = arith.index_cast %add3A_1653 : i32 to index
      %get3A_1656 = tpu.vector_load %arg5[%get3A_1654, %get3A_1655] {strides = array<i32>} : memref<26x512xi32, #tpu.memory_space<vmem>>, vector<16xi32>,
      %add3A_1657 = arith.constant 100 : i32
      %add3A_1658 = vector.broadcast %add3A_1657 : i32 to vector<16xi32>
      %add3A_1659 = arith.addi %get3A_1656, %add3A_1658 : vector<16xi32>
      %add3A_1660 = arith.constant 160 : i32
      %add3A_1661 = vector.broadcast %add3A_1660 : i32 to vector<16xi32>
      %add3A_1662 = arith.addi %add3A_1661, %iota3A : vector<16xi32>
      %get3A_1663 = arith.index_cast %add3A_1501 : i32 to index
      %get3A_1664 = arith.constant 0 : index
      %get3A_1665 = tpu.vector_load %arg6[%get3A_1663, %get3A_1664] {strides = array<i32>} : memref<26x16xi32, #tpu.memory_space<vmem>>, vector<16xi32>,
      %lt3A_1666 = arith.cmpi slt, %get3A_1656, %get3A_1665 : vector<16xi32>
      tpu.vector_store_idx %arg7[%add3A_1659, %add3A_1662], %broadcast_in_dim3A_5 masked %lt3A_1666 : memref<200x256xf32, #tpu.memory_space<vmem>>[vector<16xi32>, vector<16xi32>], vector<16xf32>, vector<16xi1>
      %add3A_1667 = arith.constant 176 : i32
      %add3A_1668 = arith.addi %mul3A_1301, %add3A_1667 : i32
      %get3A_1669 = arith.index_cast %add3A_1501 : i32 to index
      %get3A_1670 = arith.index_cast %add3A_1668 : i32 to index
      %get3A_1671 = tpu.vector_load %arg5[%get3A_1669, %get3A_1670] {strides = array<i32>} : memref<26x512xi32, #tpu.memory_space<vmem>>, vector<16xi32>,
      %add3A_1672 = arith.constant 100 : i32
      %add3A_1673 = vector.broadcast %add3A_1672 : i32 to vector<16xi32>
      %add3A_1674 = arith.addi %get3A_1671, %add3A_1673 : vector<16xi32>
      %add3A_1675 = arith.constant 176 : i32
      %add3A_1676 = vector.broadcast %add3A_1675 : i32 to vector<16xi32>
      %add3A_1677 = arith.addi %add3A_1676, %iota3A : vector<16xi32>
      %get3A_1678 = arith.index_cast %add3A_1501 : i32 to index
      %get3A_1679 = arith.constant 0 : index
      %get3A_1680 = tpu.vector_load %arg6[%get3A_1678, %get3A_1679] {strides = array<i32>} : memref<26x16xi32, #tpu.memory_space<vmem>>, vector<16xi32>,
      %lt3A_1681 = arith.cmpi slt, %get3A_1671, %get3A_1680 : vector<16xi32>
      tpu.vector_store_idx %arg7[%add3A_1674, %add3A_1677], %broadcast_in_dim3A_5 masked %lt3A_1681 : memref<200x256xf32, #tpu.memory_space<vmem>>[vector<16xi32>, vector<16xi32>], vector<16xf32>, vector<16xi1>
      %add3A_1682 = arith.constant 192 : i32
      %add3A_1683 = arith.addi %mul3A_1301, %add3A_1682 : i32
      %get3A_1684 = arith.index_cast %add3A_1501 : i32 to index
      %get3A_1685 = arith.index_cast %add3A_1683 : i32 to index
      %get3A_1686 = tpu.vector_load %arg5[%get3A_1684, %get3A_1685] {strides = array<i32>} : memref<26x512xi32, #tpu.memory_space<vmem>>, vector<16xi32>,
      %add3A_1687 = arith.constant 100 : i32
      %add3A_1688 = vector.broadcast %add3A_1687 : i32 to vector<16xi32>
      %add3A_1689 = arith.addi %get3A_1686, %add3A_1688 : vector<16xi32>
      %add3A_1690 = arith.constant 192 : i32
      %add3A_1691 = vector.broadcast %add3A_1690 : i32 to vector<16xi32>
      %add3A_1692 = arith.addi %add3A_1691, %iota3A : vector<16xi32>
      %get3A_1693 = arith.index_cast %add3A_1501 : i32 to index
      %get3A_1694 = arith.constant 0 : index
      %get3A_1695 = tpu.vector_load %arg6[%get3A_1693, %get3A_1694] {strides = array<i32>} : memref<26x16xi32, #tpu.memory_space<vmem>>, vector<16xi32>,
      %lt3A_1696 = arith.cmpi slt, %get3A_1686, %get3A_1695 : vector<16xi32>
      tpu.vector_store_idx %arg7[%add3A_1689, %add3A_1692], %broadcast_in_dim3A_5 masked %lt3A_1696 : memref<200x256xf32, #tpu.memory_space<vmem>>[vector<16xi32>, vector<16xi32>], vector<16xf32>, vector<16xi1>
      %add3A_1697 = arith.constant 208 : i32
      %add3A_1698 = arith.addi %mul3A_1301, %add3A_1697 : i32
      %get3A_1699 = arith.index_cast %add3A_1501 : i32 to index
      %get3A_1700 = arith.index_cast %add3A_1698 : i32 to index
      %get3A_1701 = tpu.vector_load %arg5[%get3A_1699, %get3A_1700] {strides = array<i32>} : memref<26x512xi32, #tpu.memory_space<vmem>>, vector<16xi32>,
      %add3A_1702 = arith.constant 100 : i32
      %add3A_1703 = vector.broadcast %add3A_1702 : i32 to vector<16xi32>
      %add3A_1704 = arith.addi %get3A_1701, %add3A_1703 : vector<16xi32>
      %add3A_1705 = arith.constant 208 : i32
      %add3A_1706 = vector.broadcast %add3A_1705 : i32 to vector<16xi32>
      %add3A_1707 = arith.addi %add3A_1706, %iota3A : vector<16xi32>
      %get3A_1708 = arith.index_cast %add3A_1501 : i32 to index
      %get3A_1709 = arith.constant 0 : index
      %get3A_1710 = tpu.vector_load %arg6[%get3A_1708, %get3A_1709] {strides = array<i32>} : memref<26x16xi32, #tpu.memory_space<vmem>>, vector<16xi32>,
      %lt3A_1711 = arith.cmpi slt, %get3A_1701, %get3A_1710 : vector<16xi32>
      tpu.vector_store_idx %arg7[%add3A_1704, %add3A_1707], %broadcast_in_dim3A_5 masked %lt3A_1711 : memref<200x256xf32, #tpu.memory_space<vmem>>[vector<16xi32>, vector<16xi32>], vector<16xf32>, vector<16xi1>
      %add3A_1712 = arith.constant 224 : i32
      %add3A_1713 = arith.addi %mul3A_1301, %add3A_1712 : i32
      %get3A_1714 = arith.index_cast %add3A_1501 : i32 to index
      %get3A_1715 = arith.index_cast %add3A_1713 : i32 to index
      %get3A_1716 = tpu.vector_load %arg5[%get3A_1714, %get3A_1715] {strides = array<i32>} : memref<26x512xi32, #tpu.memory_space<vmem>>, vector<16xi32>,
      %add3A_1717 = arith.constant 100 : i32
      %add3A_1718 = vector.broadcast %add3A_1717 : i32 to vector<16xi32>
      %add3A_1719 = arith.addi %get3A_1716, %add3A_1718 : vector<16xi32>
      %add3A_1720 = arith.constant 224 : i32
      %add3A_1721 = vector.broadcast %add3A_1720 : i32 to vector<16xi32>
      %add3A_1722 = arith.addi %add3A_1721, %iota3A : vector<16xi32>
      %get3A_1723 = arith.index_cast %add3A_1501 : i32 to index
      %get3A_1724 = arith.constant 0 : index
      %get3A_1725 = tpu.vector_load %arg6[%get3A_1723, %get3A_1724] {strides = array<i32>} : memref<26x16xi32, #tpu.memory_space<vmem>>, vector<16xi32>,
      %lt3A_1726 = arith.cmpi slt, %get3A_1716, %get3A_1725 : vector<16xi32>
      tpu.vector_store_idx %arg7[%add3A_1719, %add3A_1722], %broadcast_in_dim3A_5 masked %lt3A_1726 : memref<200x256xf32, #tpu.memory_space<vmem>>[vector<16xi32>, vector<16xi32>], vector<16xf32>, vector<16xi1>
      %add3A_1727 = arith.constant 240 : i32
      %add3A_1728 = arith.addi %mul3A_1301, %add3A_1727 : i32
      %get3A_1729 = arith.index_cast %add3A_1501 : i32 to index
      %get3A_1730 = arith.index_cast %add3A_1728 : i32 to index
      %get3A_1731 = tpu.vector_load %arg5[%get3A_1729, %get3A_1730] {strides = array<i32>} : memref<26x512xi32, #tpu.memory_space<vmem>>, vector<16xi32>,
      %add3A_1732 = arith.constant 100 : i32
      %add3A_1733 = vector.broadcast %add3A_1732 : i32 to vector<16xi32>
      %add3A_1734 = arith.addi %get3A_1731, %add3A_1733 : vector<16xi32>
      %add3A_1735 = arith.constant 240 : i32
      %add3A_1736 = vector.broadcast %add3A_1735 : i32 to vector<16xi32>
      %add3A_1737 = arith.addi %add3A_1736, %iota3A : vector<16xi32>
      %get3A_1738 = arith.index_cast %add3A_1501 : i32 to index
      %get3A_1739 = arith.constant 0 : index
      %get3A_1740 = tpu.vector_load %arg6[%get3A_1738, %get3A_1739] {strides = array<i32>} : memref<26x16xi32, #tpu.memory_space<vmem>>, vector<16xi32>,
      %lt3A_1741 = arith.cmpi slt, %get3A_1731, %get3A_1740 : vector<16xi32>
      tpu.vector_store_idx %arg7[%add3A_1734, %add3A_1737], %broadcast_in_dim3A_5 masked %lt3A_1741 : memref<200x256xf32, #tpu.memory_space<vmem>>[vector<16xi32>, vector<16xi32>], vector<16xf32>, vector<16xi1>
      %jit3A_1742 = arith.constant 2 : i32
      %div3A_1743 = arith.divsi %add3A_908, %jit3A_1742 : i32
      %sign3A_1744 = arith.constant 0 : i32
      %sign3A_1745 = arith.cmpi sgt, %add3A_908, %sign3A_1744 : i32
      %sign3A_1746 = arith.extui %sign3A_1745 : i1 to i32
      %sign3A_1747 = arith.constant 0 : i32
      %sign3A_1748 = arith.cmpi slt, %add3A_908, %sign3A_1747 : i32
      %sign3A_1749 = arith.extui %sign3A_1748 : i1 to i32
      %sign3A_1750 = arith.subi %sign3A_1746, %sign3A_1749 : i32
      %sign3A_1751 = arith.constant 0 : i32
      %sign3A_1752 = arith.cmpi sgt, %jit3A_1742, %sign3A_1751 : i32
      %sign3A_1753 = arith.extui %sign3A_1752 : i1 to i32
      %sign3A_1754 = arith.constant 0 : i32
      %sign3A_1755 = arith.cmpi slt, %jit3A_1742, %sign3A_1754 : i32
      %sign3A_1756 = arith.extui %sign3A_1755 : i1 to i32
      %sign3A_1757 = arith.subi %sign3A_1753, %sign3A_1756 : i32
      %ne3A_1758 = arith.cmpi ne, %sign3A_1750, %sign3A_1757 : i32
      %rem3A_1759 = arith.remsi %add3A_908, %jit3A_1742 : i32
      %ne3A_1760 = arith.constant 0 : i32
      %ne3A_1761 = arith.cmpi ne, %rem3A_1759, %ne3A_1760 : i32
      %and3A_1762 = arith.andi %ne3A_1758, %ne3A_1761 : i1
      %sub3A_1763 = arith.constant 1 : i32
      %sub3A_1764 = arith.subi %div3A_1743, %sub3A_1763 : i32
      %select_n3A_1765 = arith.select %and3A_1762, %sub3A_1764, %div3A_1743 : i32
      %mul3A_1766 = arith.constant 200 : i32
      %mul3A_1767 = arith.muli %select_n3A_1765, %mul3A_1766 : i32
      %multiple_of3A_1768 = tpu.assume_multiple %mul3A_1767, 8 : i32
      %jit3A_1769 = arith.constant 2 : i32
      %eq3A_1770 = arith.constant 0 : i32
      %eq3A_1771 = arith.cmpi eq, %jit3A_1769, %eq3A_1770 : i32
      %jit3A_1772 = arith.constant 1 : i32
      %select_n3A_1773 = arith.select %eq3A_1771, %jit3A_1772, %jit3A_1769 : i32
      %rem3A_1774 = arith.remsi %add3A_908, %select_n3A_1773 : i32
      %ne3A_1775 = arith.constant 0 : i32
      %ne3A_1776 = arith.cmpi ne, %rem3A_1774, %ne3A_1775 : i32
      %lt3A_1777 = arith.constant 0 : i32
      %lt3A_1778 = arith.cmpi slt, %rem3A_1774, %lt3A_1777 : i32
      %lt3A_1779 = arith.constant 0 : i32
      %lt3A_1780 = arith.cmpi slt, %select_n3A_1773, %lt3A_1779 : i32
      %ne3A_1781 = arith.xori %lt3A_1778, %lt3A_1780 : i1
      %and3A_1782 = arith.andi %ne3A_1781, %ne3A_1776 : i1
      %add3A_1783 = arith.addi %rem3A_1774, %select_n3A_1773 : i32
      %select_n3A_1784 = arith.select %and3A_1782, %add3A_1783, %rem3A_1774 : i32
      %mul3A_1785 = arith.constant 256 : i32
      %mul3A_1786 = arith.muli %select_n3A_1784, %mul3A_1785 : i32
      %add3A_1787 = arith.addi %multiple_of3A, %mul3A_1786 : i32
      %multiple_of3A_1788 = tpu.assume_multiple %add3A_1787, 256 : i32
      %dma_start3A_1789 = tpu.memref_slice %arg4[%multiple_of3A_1768, %multiple_of3A_1788] : memref<2600x16384xf32, #tpu.memory_space<hbm>> -> memref<200x256xf32, #tpu.memory_space<hbm>>
      %dma_start3A_1790 = tpu.memref_slice %arg4[%multiple_of3A_1768, %multiple_of3A_1788] : memref<2600x16384xf32, #tpu.memory_space<hbm>> -> memref<200x256xf32, #tpu.memory_space<hbm>>
      tpu.enqueue_dma source(%arg7 : memref<200x256xf32, #tpu.memory_space<vmem>>) target(%dma_start3A_1790 : memref<200x256xf32, #tpu.memory_space<hbm>>) target_semaphore(%arg9 : memref<!tpu.dma_semaphore, #tpu.memory_space<semaphore_mem>>)
      %add3A_1791 = arith.constant 1 : i32
      %add3A_1792 = arith.addi %add3A_906, %add3A_1791 : i32
      %dma_wait3A_1793 = arith.constant 0 : i32
      %dma_wait3A_1794 = tpu.memref_slice %arg4[%dma_wait3A_1793, %multiple_of3A] : memref<2600x16384xf32, #tpu.memory_space<hbm>> -> memref<200x256xf32, #tpu.memory_space<hbm>>
      %dma_wait3A_1795 = arith.constant 0 : i32
      %dma_wait3A_1796 = tpu.memref_slice %arg4[%dma_wait3A_1795, %multiple_of3A] : memref<2600x16384xf32, #tpu.memory_space<hbm>> -> memref<200x256xf32, #tpu.memory_space<hbm>>
      tpu.wait_dma2 semaphore(%arg10 : memref<!tpu.dma_semaphore, #tpu.memory_space<semaphore_mem>>) src(%arg8 : memref<200x256xf32, #tpu.memory_space<vmem>>) dst(%dma_wait3A_1796 : memref<200x256xf32, #tpu.memory_space<hbm>>)
      %sub3A_1797 = arith.constant 2 : i32
      %sub3A_1798 = arith.subi %add3A_1792, %sub3A_1797 : i32
      %jit3A_1799 = arith.constant 2 : i32
      %div3A_1800 = arith.divsi %sub3A_1798, %jit3A_1799 : i32
      %sign3A_1801 = arith.constant 0 : i32
      %sign3A_1802 = arith.cmpi sgt, %sub3A_1798, %sign3A_1801 : i32
      %sign3A_1803 = arith.extui %sign3A_1802 : i1 to i32
      %sign3A_1804 = arith.constant 0 : i32
      %sign3A_1805 = arith.cmpi slt, %sub3A_1798, %sign3A_1804 : i32
      %sign3A_1806 = arith.extui %sign3A_1805 : i1 to i32
      %sign3A_1807 = arith.subi %sign3A_1803, %sign3A_1806 : i32
      %sign3A_1808 = arith.constant 0 : i32
      %sign3A_1809 = arith.cmpi sgt, %jit3A_1799, %sign3A_1808 : i32
      %sign3A_1810 = arith.extui %sign3A_1809 : i1 to i32
      %sign3A_1811 = arith.constant 0 : i32
      %sign3A_1812 = arith.cmpi slt, %jit3A_1799, %sign3A_1811 : i32
      %sign3A_1813 = arith.extui %sign3A_1812 : i1 to i32
      %sign3A_1814 = arith.subi %sign3A_1810, %sign3A_1813 : i32
      %ne3A_1815 = arith.cmpi ne, %sign3A_1807, %sign3A_1814 : i32
      %rem3A_1816 = arith.remsi %sub3A_1798, %jit3A_1799 : i32
      %ne3A_1817 = arith.constant 0 : i32
      %ne3A_1818 = arith.cmpi ne, %rem3A_1816, %ne3A_1817 : i32
      %and3A_1819 = arith.andi %ne3A_1815, %ne3A_1818 : i1
      %sub3A_1820 = arith.constant 1 : i32
      %sub3A_1821 = arith.subi %div3A_1800, %sub3A_1820 : i32
      %select_n3A_1822 = arith.select %and3A_1819, %sub3A_1821, %div3A_1800 : i32
      %jit3A_1823 = arith.constant 2 : i32
      %eq3A_1824 = arith.constant 0 : i32
      %eq3A_1825 = arith.cmpi eq, %jit3A_1823, %eq3A_1824 : i32
      %jit3A_1826 = arith.constant 1 : i32
      %select_n3A_1827 = arith.select %eq3A_1825, %jit3A_1826, %jit3A_1823 : i32
      %rem3A_1828 = arith.remsi %sub3A_1798, %select_n3A_1827 : i32
      %ne3A_1829 = arith.constant 0 : i32
      %ne3A_1830 = arith.cmpi ne, %rem3A_1828, %ne3A_1829 : i32
      %lt3A_1831 = arith.constant 0 : i32
      %lt3A_1832 = arith.cmpi slt, %rem3A_1828, %lt3A_1831 : i32
      %lt3A_1833 = arith.constant 0 : i32
      %lt3A_1834 = arith.cmpi slt, %select_n3A_1827, %lt3A_1833 : i32
      %ne3A_1835 = arith.xori %lt3A_1832, %lt3A_1834 : i1
      %and3A_1836 = arith.andi %ne3A_1835, %ne3A_1830 : i1
      %add3A_1837 = arith.addi %rem3A_1828, %select_n3A_1827 : i32
      %select_n3A_1838 = arith.select %and3A_1836, %add3A_1837, %rem3A_1828 : i32
      %mul3A_1839 = arith.constant 256 : i32
      %mul3A_1840 = arith.muli %select_n3A_1838, %mul3A_1839 : i32
      %mul3A_1841 = arith.constant 2 : i32
      %mul3A_1842 = arith.muli %select_n3A_1822, %mul3A_1841 : i32
      %add3A_1843 = arith.constant 0 : i32
      %add3A_1844 = arith.addi %mul3A_1842, %add3A_1843 : i32
      %add3A_1845 = arith.constant 0 : i32
      %add3A_1846 = arith.addi %mul3A_1840, %add3A_1845 : i32
      %get3A_1847 = arith.index_cast %add3A_1844 : i32 to index
      %get3A_1848 = arith.index_cast %add3A_1846 : i32 to index
      %get3A_1849 = tpu.vector_load %arg5[%get3A_1847, %get3A_1848] {strides = array<i32>} : memref<26x512xi32, #tpu.memory_space<vmem>>, vector<16xi32>,
      %add3A_1850 = arith.constant 0 : i32
      %add3A_1851 = vector.broadcast %add3A_1850 : i32 to vector<16xi32>
      %add3A_1852 = arith.addi %add3A_1851, %iota3A : vector<16xi32>
      tpu.vector_store_idx %arg8[%get3A_1849, %add3A_1852], %broadcast_in_dim3A_3 : memref<200x256xf32, #tpu.memory_space<vmem>>[vector<16xi32>, vector<16xi32>], vector<16xf32>,
      %add3A_1853 = arith.constant 16 : i32
      %add3A_1854 = arith.addi %mul3A_1840, %add3A_1853 : i32
      %get3A_1855 = arith.index_cast %add3A_1844 : i32 to index
      %get3A_1856 = arith.index_cast %add3A_1854 : i32 to index
      %get3A_1857 = tpu.vector_load %arg5[%get3A_1855, %get3A_1856] {strides = array<i32>} : memref<26x512xi32, #tpu.memory_space<vmem>>, vector<16xi32>,
      %add3A_1858 = arith.constant 16 : i32
      %add3A_1859 = vector.broadcast %add3A_1858 : i32 to vector<16xi32>
      %add3A_1860 = arith.addi %add3A_1859, %iota3A : vector<16xi32>
      tpu.vector_store_idx %arg8[%get3A_1857, %add3A_1860], %broadcast_in_dim3A_3 : memref<200x256xf32, #tpu.memory_space<vmem>>[vector<16xi32>, vector<16xi32>], vector<16xf32>,
      %add3A_1861 = arith.constant 32 : i32
      %add3A_1862 = arith.addi %mul3A_1840, %add3A_1861 : i32
      %get3A_1863 = arith.index_cast %add3A_1844 : i32 to index
      %get3A_1864 = arith.index_cast %add3A_1862 : i32 to index
      %get3A_1865 = tpu.vector_load %arg5[%get3A_1863, %get3A_1864] {strides = array<i32>} : memref<26x512xi32, #tpu.memory_space<vmem>>, vector<16xi32>,
      %add3A_1866 = arith.constant 32 : i32
      %add3A_1867 = vector.broadcast %add3A_1866 : i32 to vector<16xi32>
      %add3A_1868 = arith.addi %add3A_1867, %iota3A : vector<16xi32>
      tpu.vector_store_idx %arg8[%get3A_1865, %add3A_1868], %broadcast_in_dim3A_3 : memref<200x256xf32, #tpu.memory_space<vmem>>[vector<16xi32>, vector<16xi32>], vector<16xf32>,
      %add3A_1869 = arith.constant 48 : i32
      %add3A_1870 = arith.addi %mul3A_1840, %add3A_1869 : i32
      %get3A_1871 = arith.index_cast %add3A_1844 : i32 to index
      %get3A_1872 = arith.index_cast %add3A_1870 : i32 to index
      %get3A_1873 = tpu.vector_load %arg5[%get3A_1871, %get3A_1872] {strides = array<i32>} : memref<26x512xi32, #tpu.memory_space<vmem>>, vector<16xi32>,
      %add3A_1874 = arith.constant 48 : i32
      %add3A_1875 = vector.broadcast %add3A_1874 : i32 to vector<16xi32>
      %add3A_1876 = arith.addi %add3A_1875, %iota3A : vector<16xi32>
      tpu.vector_store_idx %arg8[%get3A_1873, %add3A_1876], %broadcast_in_dim3A_3 : memref<200x256xf32, #tpu.memory_space<vmem>>[vector<16xi32>, vector<16xi32>], vector<16xf32>,
      %add3A_1877 = arith.constant 64 : i32
      %add3A_1878 = arith.addi %mul3A_1840, %add3A_1877 : i32
      %get3A_1879 = arith.index_cast %add3A_1844 : i32 to index
      %get3A_1880 = arith.index_cast %add3A_1878 : i32 to index
      %get3A_1881 = tpu.vector_load %arg5[%get3A_1879, %get3A_1880] {strides = array<i32>} : memref<26x512xi32, #tpu.memory_space<vmem>>, vector<16xi32>,
      %add3A_1882 = arith.constant 64 : i32
      %add3A_1883 = vector.broadcast %add3A_1882 : i32 to vector<16xi32>
      %add3A_1884 = arith.addi %add3A_1883, %iota3A : vector<16xi32>
      tpu.vector_store_idx %arg8[%get3A_1881, %add3A_1884], %broadcast_in_dim3A_3 : memref<200x256xf32, #tpu.memory_space<vmem>>[vector<16xi32>, vector<16xi32>], vector<16xf32>,
      %add3A_1885 = arith.constant 80 : i32
      %add3A_1886 = arith.addi %mul3A_1840, %add3A_1885 : i32
      %get3A_1887 = arith.index_cast %add3A_1844 : i32 to index
      %get3A_1888 = arith.index_cast %add3A_1886 : i32 to index
      %get3A_1889 = tpu.vector_load %arg5[%get3A_1887, %get3A_1888] {strides = array<i32>} : memref<26x512xi32, #tpu.memory_space<vmem>>, vector<16xi32>,
      %add3A_1890 = arith.constant 80 : i32
      %add3A_1891 = vector.broadcast %add3A_1890 : i32 to vector<16xi32>
      %add3A_1892 = arith.addi %add3A_1891, %iota3A : vector<16xi32>
      tpu.vector_store_idx %arg8[%get3A_1889, %add3A_1892], %broadcast_in_dim3A_3 : memref<200x256xf32, #tpu.memory_space<vmem>>[vector<16xi32>, vector<16xi32>], vector<16xf32>,
      %add3A_1893 = arith.constant 96 : i32
      %add3A_1894 = arith.addi %mul3A_1840, %add3A_1893 : i32
      %get3A_1895 = arith.index_cast %add3A_1844 : i32 to index
      %get3A_1896 = arith.index_cast %add3A_1894 : i32 to index
      %get3A_1897 = tpu.vector_load %arg5[%get3A_1895, %get3A_1896] {strides = array<i32>} : memref<26x512xi32, #tpu.memory_space<vmem>>, vector<16xi32>,
      %add3A_1898 = arith.constant 96 : i32
      %add3A_1899 = vector.broadcast %add3A_1898 : i32 to vector<16xi32>
      %add3A_1900 = arith.addi %add3A_1899, %iota3A : vector<16xi32>
      tpu.vector_store_idx %arg8[%get3A_1897, %add3A_1900], %broadcast_in_dim3A_3 : memref<200x256xf32, #tpu.memory_space<vmem>>[vector<16xi32>, vector<16xi32>], vector<16xf32>,
      %add3A_1901 = arith.constant 112 : i32
      %add3A_1902 = arith.addi %mul3A_1840, %add3A_1901 : i32
      %get3A_1903 = arith.index_cast %add3A_1844 : i32 to index
      %get3A_1904 = arith.index_cast %add3A_1902 : i32 to index
      %get3A_1905 = tpu.vector_load %arg5[%get3A_1903, %get3A_1904] {strides = array<i32>} : memref<26x512xi32, #tpu.memory_space<vmem>>, vector<16xi32>,
      %add3A_1906 = arith.constant 112 : i32
      %add3A_1907 = vector.broadcast %add3A_1906 : i32 to vector<16xi32>
      %add3A_1908 = arith.addi %add3A_1907, %iota3A : vector<16xi32>
      tpu.vector_store_idx %arg8[%get3A_1905, %add3A_1908], %broadcast_in_dim3A_3 : memref<200x256xf32, #tpu.memory_space<vmem>>[vector<16xi32>, vector<16xi32>], vector<16xf32>,
      %add3A_1909 = arith.constant 128 : i32
      %add3A_1910 = arith.addi %mul3A_1840, %add3A_1909 : i32
      %get3A_1911 = arith.index_cast %add3A_1844 : i32 to index
      %get3A_1912 = arith.index_cast %add3A_1910 : i32 to index
      %get3A_1913 = tpu.vector_load %arg5[%get3A_1911, %get3A_1912] {strides = array<i32>} : memref<26x512xi32, #tpu.memory_space<vmem>>, vector<16xi32>,
      %add3A_1914 = arith.constant 128 : i32
      %add3A_1915 = vector.broadcast %add3A_1914 : i32 to vector<16xi32>
      %add3A_1916 = arith.addi %add3A_1915, %iota3A : vector<16xi32>
      tpu.vector_store_idx %arg8[%get3A_1913, %add3A_1916], %broadcast_in_dim3A_3 : memref<200x256xf32, #tpu.memory_space<vmem>>[vector<16xi32>, vector<16xi32>], vector<16xf32>,
      %add3A_1917 = arith.constant 144 : i32
      %add3A_1918 = arith.addi %mul3A_1840, %add3A_1917 : i32
      %get3A_1919 = arith.index_cast %add3A_1844 : i32 to index
      %get3A_1920 = arith.index_cast %add3A_1918 : i32 to index
      %get3A_1921 = tpu.vector_load %arg5[%get3A_1919, %get3A_1920] {strides = array<i32>} : memref<26x512xi32, #tpu.memory_space<vmem>>, vector<16xi32>,
      %add3A_1922 = arith.constant 144 : i32
      %add3A_1923 = vector.broadcast %add3A_1922 : i32 to vector<16xi32>
      %add3A_1924 = arith.addi %add3A_1923, %iota3A : vector<16xi32>
      tpu.vector_store_idx %arg8[%get3A_1921, %add3A_1924], %broadcast_in_dim3A_3 : memref<200x256xf32, #tpu.memory_space<vmem>>[vector<16xi32>, vector<16xi32>], vector<16xf32>,
      %add3A_1925 = arith.constant 160 : i32
      %add3A_1926 = arith.addi %mul3A_1840, %add3A_1925 : i32
      %get3A_1927 = arith.index_cast %add3A_1844 : i32 to index
      %get3A_1928 = arith.index_cast %add3A_1926 : i32 to index
      %get3A_1929 = tpu.vector_load %arg5[%get3A_1927, %get3A_1928] {strides = array<i32>} : memref<26x512xi32, #tpu.memory_space<vmem>>, vector<16xi32>,
      %add3A_1930 = arith.constant 160 : i32
      %add3A_1931 = vector.broadcast %add3A_1930 : i32 to vector<16xi32>
      %add3A_1932 = arith.addi %add3A_1931, %iota3A : vector<16xi32>
      tpu.vector_store_idx %arg8[%get3A_1929, %add3A_1932], %broadcast_in_dim3A_3 : memref<200x256xf32, #tpu.memory_space<vmem>>[vector<16xi32>, vector<16xi32>], vector<16xf32>,
      %add3A_1933 = arith.constant 176 : i32
      %add3A_1934 = arith.addi %mul3A_1840, %add3A_1933 : i32
      %get3A_1935 = arith.index_cast %add3A_1844 : i32 to index
      %get3A_1936 = arith.index_cast %add3A_1934 : i32 to index
      %get3A_1937 = tpu.vector_load %arg5[%get3A_1935, %get3A_1936] {strides = array<i32>} : memref<26x512xi32, #tpu.memory_space<vmem>>, vector<16xi32>,
      %add3A_1938 = arith.constant 176 : i32
      %add3A_1939 = vector.broadcast %add3A_1938 : i32 to vector<16xi32>
      %add3A_1940 = arith.addi %add3A_1939, %iota3A : vector<16xi32>
      tpu.vector_store_idx %arg8[%get3A_1937, %add3A_1940], %broadcast_in_dim3A_3 : memref<200x256xf32, #tpu.memory_space<vmem>>[vector<16xi32>, vector<16xi32>], vector<16xf32>,
      %add3A_1941 = arith.constant 192 : i32
      %add3A_1942 = arith.addi %mul3A_1840, %add3A_1941 : i32
      %get3A_1943 = arith.index_cast %add3A_1844 : i32 to index
      %get3A_1944 = arith.index_cast %add3A_1942 : i32 to index
      %get3A_1945 = tpu.vector_load %arg5[%get3A_1943, %get3A_1944] {strides = array<i32>} : memref<26x512xi32, #tpu.memory_space<vmem>>, vector<16xi32>,
      %add3A_1946 = arith.constant 192 : i32
      %add3A_1947 = vector.broadcast %add3A_1946 : i32 to vector<16xi32>
      %add3A_1948 = arith.addi %add3A_1947, %iota3A : vector<16xi32>
      tpu.vector_store_idx %arg8[%get3A_1945, %add3A_1948], %broadcast_in_dim3A_3 : memref<200x256xf32, #tpu.memory_space<vmem>>[vector<16xi32>, vector<16xi32>], vector<16xf32>,
      %add3A_1949 = arith.constant 208 : i32
      %add3A_1950 = arith.addi %mul3A_1840, %add3A_1949 : i32
      %get3A_1951 = arith.index_cast %add3A_1844 : i32 to index
      %get3A_1952 = arith.index_cast %add3A_1950 : i32 to index
      %get3A_1953 = tpu.vector_load %arg5[%get3A_1951, %get3A_1952] {strides = array<i32>} : memref<26x512xi32, #tpu.memory_space<vmem>>, vector<16xi32>,
      %add3A_1954 = arith.constant 208 : i32
      %add3A_1955 = vector.broadcast %add3A_1954 : i32 to vector<16xi32>
      %add3A_1956 = arith.addi %add3A_1955, %iota3A : vector<16xi32>
      tpu.vector_store_idx %arg8[%get3A_1953, %add3A_1956], %broadcast_in_dim3A_3 : memref<200x256xf32, #tpu.memory_space<vmem>>[vector<16xi32>, vector<16xi32>], vector<16xf32>,
      %add3A_1957 = arith.constant 224 : i32
      %add3A_1958 = arith.addi %mul3A_1840, %add3A_1957 : i32
      %get3A_1959 = arith.index_cast %add3A_1844 : i32 to index
      %get3A_1960 = arith.index_cast %add3A_1958 : i32 to index
      %get3A_1961 = tpu.vector_load %arg5[%get3A_1959, %get3A_1960] {strides = array<i32>} : memref<26x512xi32, #tpu.memory_space<vmem>>, vector<16xi32>,
      %add3A_1962 = arith.constant 224 : i32
      %add3A_1963 = vector.broadcast %add3A_1962 : i32 to vector<16xi32>
      %add3A_1964 = arith.addi %add3A_1963, %iota3A : vector<16xi32>
      tpu.vector_store_idx %arg8[%get3A_1961, %add3A_1964], %broadcast_in_dim3A_3 : memref<200x256xf32, #tpu.memory_space<vmem>>[vector<16xi32>, vector<16xi32>], vector<16xf32>,
      %add3A_1965 = arith.constant 240 : i32
      %add3A_1966 = arith.addi %mul3A_1840, %add3A_1965 : i32
      %get3A_1967 = arith.index_cast %add3A_1844 : i32 to index
      %get3A_1968 = arith.index_cast %add3A_1966 : i32 to index
      %get3A_1969 = tpu.vector_load %arg5[%get3A_1967, %get3A_1968] {strides = array<i32>} : memref<26x512xi32, #tpu.memory_space<vmem>>, vector<16xi32>,
      %add3A_1970 = arith.constant 240 : i32
      %add3A_1971 = vector.broadcast %add3A_1970 : i32 to vector<16xi32>
      %add3A_1972 = arith.addi %add3A_1971, %iota3A : vector<16xi32>
      tpu.vector_store_idx %arg8[%get3A_1969, %add3A_1972], %broadcast_in_dim3A_3 : memref<200x256xf32, #tpu.memory_space<vmem>>[vector<16xi32>, vector<16xi32>], vector<16xf32>,
      %mul3A_1973 = arith.constant 2 : i32
      %mul3A_1974 = arith.muli %select_n3A_1822, %mul3A_1973 : i32
      %add3A_1975 = arith.constant 1 : i32
      %add3A_1976 = arith.addi %mul3A_1974, %add3A_1975 : i32
      %add3A_1977 = arith.constant 0 : i32
      %add3A_1978 = arith.addi %mul3A_1840, %add3A_1977 : i32
      %get3A_1979 = arith.index_cast %add3A_1976 : i32 to index
      %get3A_1980 = arith.index_cast %add3A_1978 : i32 to index
      %get3A_1981 = tpu.vector_load %arg5[%get3A_1979, %get3A_1980] {strides = array<i32>} : memref<26x512xi32, #tpu.memory_space<vmem>>, vector<16xi32>,
      %add3A_1982 = arith.constant 100 : i32
      %add3A_1983 = vector.broadcast %add3A_1982 : i32 to vector<16xi32>
      %add3A_1984 = arith.addi %get3A_1981, %add3A_1983 : vector<16xi32>
      %add3A_1985 = arith.constant 0 : i32
      %add3A_1986 = vector.broadcast %add3A_1985 : i32 to vector<16xi32>
      %add3A_1987 = arith.addi %add3A_1986, %iota3A : vector<16xi32>
      tpu.vector_store_idx %arg8[%add3A_1984, %add3A_1987], %broadcast_in_dim3A_3 : memref<200x256xf32, #tpu.memory_space<vmem>>[vector<16xi32>, vector<16xi32>], vector<16xf32>,
      %add3A_1988 = arith.constant 16 : i32
      %add3A_1989 = arith.addi %mul3A_1840, %add3A_1988 : i32
      %get3A_1990 = arith.index_cast %add3A_1976 : i32 to index
      %get3A_1991 = arith.index_cast %add3A_1989 : i32 to index
      %get3A_1992 = tpu.vector_load %arg5[%get3A_1990, %get3A_1991] {strides = array<i32>} : memref<26x512xi32, #tpu.memory_space<vmem>>, vector<16xi32>,
      %add3A_1993 = arith.constant 100 : i32
      %add3A_1994 = vector.broadcast %add3A_1993 : i32 to vector<16xi32>
      %add3A_1995 = arith.addi %get3A_1992, %add3A_1994 : vector<16xi32>
      %add3A_1996 = arith.constant 16 : i32
      %add3A_1997 = vector.broadcast %add3A_1996 : i32 to vector<16xi32>
      %add3A_1998 = arith.addi %add3A_1997, %iota3A : vector<16xi32>
      tpu.vector_store_idx %arg8[%add3A_1995, %add3A_1998], %broadcast_in_dim3A_3 : memref<200x256xf32, #tpu.memory_space<vmem>>[vector<16xi32>, vector<16xi32>], vector<16xf32>,
      %add3A_1999 = arith.constant 32 : i32
      %add3A_2000 = arith.addi %mul3A_1840, %add3A_1999 : i32
      %get3A_2001 = arith.index_cast %add3A_1976 : i32 to index
      %get3A_2002 = arith.index_cast %add3A_2000 : i32 to index
      %get3A_2003 = tpu.vector_load %arg5[%get3A_2001, %get3A_2002] {strides = array<i32>} : memref<26x512xi32, #tpu.memory_space<vmem>>, vector<16xi32>,
      %add3A_2004 = arith.constant 100 : i32
      %add3A_2005 = vector.broadcast %add3A_2004 : i32 to vector<16xi32>
      %add3A_2006 = arith.addi %get3A_2003, %add3A_2005 : vector<16xi32>
      %add3A_2007 = arith.constant 32 : i32
      %add3A_2008 = vector.broadcast %add3A_2007 : i32 to vector<16xi32>
      %add3A_2009 = arith.addi %add3A_2008, %iota3A : vector<16xi32>
      tpu.vector_store_idx %arg8[%add3A_2006, %add3A_2009], %broadcast_in_dim3A_3 : memref<200x256xf32, #tpu.memory_space<vmem>>[vector<16xi32>, vector<16xi32>], vector<16xf32>,
      %add3A_2010 = arith.constant 48 : i32
      %add3A_2011 = arith.addi %mul3A_1840, %add3A_2010 : i32
      %get3A_2012 = arith.index_cast %add3A_1976 : i32 to index
      %get3A_2013 = arith.index_cast %add3A_2011 : i32 to index
      %get3A_2014 = tpu.vector_load %arg5[%get3A_2012, %get3A_2013] {strides = array<i32>} : memref<26x512xi32, #tpu.memory_space<vmem>>, vector<16xi32>,
      %add3A_2015 = arith.constant 100 : i32
      %add3A_2016 = vector.broadcast %add3A_2015 : i32 to vector<16xi32>
      %add3A_2017 = arith.addi %get3A_2014, %add3A_2016 : vector<16xi32>
      %add3A_2018 = arith.constant 48 : i32
      %add3A_2019 = vector.broadcast %add3A_2018 : i32 to vector<16xi32>
      %add3A_2020 = arith.addi %add3A_2019, %iota3A : vector<16xi32>
      tpu.vector_store_idx %arg8[%add3A_2017, %add3A_2020], %broadcast_in_dim3A_3 : memref<200x256xf32, #tpu.memory_space<vmem>>[vector<16xi32>, vector<16xi32>], vector<16xf32>,
      %add3A_2021 = arith.constant 64 : i32
      %add3A_2022 = arith.addi %mul3A_1840, %add3A_2021 : i32
      %get3A_2023 = arith.index_cast %add3A_1976 : i32 to index
      %get3A_2024 = arith.index_cast %add3A_2022 : i32 to index
      %get3A_2025 = tpu.vector_load %arg5[%get3A_2023, %get3A_2024] {strides = array<i32>} : memref<26x512xi32, #tpu.memory_space<vmem>>, vector<16xi32>,
      %add3A_2026 = arith.constant 100 : i32
      %add3A_2027 = vector.broadcast %add3A_2026 : i32 to vector<16xi32>
      %add3A_2028 = arith.addi %get3A_2025, %add3A_2027 : vector<16xi32>
      %add3A_2029 = arith.constant 64 : i32
      %add3A_2030 = vector.broadcast %add3A_2029 : i32 to vector<16xi32>
      %add3A_2031 = arith.addi %add3A_2030, %iota3A : vector<16xi32>
      tpu.vector_store_idx %arg8[%add3A_2028, %add3A_2031], %broadcast_in_dim3A_3 : memref<200x256xf32, #tpu.memory_space<vmem>>[vector<16xi32>, vector<16xi32>], vector<16xf32>,
      %add3A_2032 = arith.constant 80 : i32
      %add3A_2033 = arith.addi %mul3A_1840, %add3A_2032 : i32
      %get3A_2034 = arith.index_cast %add3A_1976 : i32 to index
      %get3A_2035 = arith.index_cast %add3A_2033 : i32 to index
      %get3A_2036 = tpu.vector_load %arg5[%get3A_2034, %get3A_2035] {strides = array<i32>} : memref<26x512xi32, #tpu.memory_space<vmem>>, vector<16xi32>,
      %add3A_2037 = arith.constant 100 : i32
      %add3A_2038 = vector.broadcast %add3A_2037 : i32 to vector<16xi32>
      %add3A_2039 = arith.addi %get3A_2036, %add3A_2038 : vector<16xi32>
      %add3A_2040 = arith.constant 80 : i32
      %add3A_2041 = vector.broadcast %add3A_2040 : i32 to vector<16xi32>
      %add3A_2042 = arith.addi %add3A_2041, %iota3A : vector<16xi32>
      tpu.vector_store_idx %arg8[%add3A_2039, %add3A_2042], %broadcast_in_dim3A_3 : memref<200x256xf32, #tpu.memory_space<vmem>>[vector<16xi32>, vector<16xi32>], vector<16xf32>,
      %add3A_2043 = arith.constant 96 : i32
      %add3A_2044 = arith.addi %mul3A_1840, %add3A_2043 : i32
      %get3A_2045 = arith.index_cast %add3A_1976 : i32 to index
      %get3A_2046 = arith.index_cast %add3A_2044 : i32 to index
      %get3A_2047 = tpu.vector_load %arg5[%get3A_2045, %get3A_2046] {strides = array<i32>} : memref<26x512xi32, #tpu.memory_space<vmem>>, vector<16xi32>,
      %add3A_2048 = arith.constant 100 : i32
      %add3A_2049 = vector.broadcast %add3A_2048 : i32 to vector<16xi32>
      %add3A_2050 = arith.addi %get3A_2047, %add3A_2049 : vector<16xi32>
      %add3A_2051 = arith.constant 96 : i32
      %add3A_2052 = vector.broadcast %add3A_2051 : i32 to vector<16xi32>
      %add3A_2053 = arith.addi %add3A_2052, %iota3A : vector<16xi32>
      tpu.vector_store_idx %arg8[%add3A_2050, %add3A_2053], %broadcast_in_dim3A_3 : memref<200x256xf32, #tpu.memory_space<vmem>>[vector<16xi32>, vector<16xi32>], vector<16xf32>,
      %add3A_2054 = arith.constant 112 : i32
      %add3A_2055 = arith.addi %mul3A_1840, %add3A_2054 : i32
      %get3A_2056 = arith.index_cast %add3A_1976 : i32 to index
      %get3A_2057 = arith.index_cast %add3A_2055 : i32 to index
      %get3A_2058 = tpu.vector_load %arg5[%get3A_2056, %get3A_2057] {strides = array<i32>} : memref<26x512xi32, #tpu.memory_space<vmem>>, vector<16xi32>,
      %add3A_2059 = arith.constant 100 : i32
      %add3A_2060 = vector.broadcast %add3A_2059 : i32 to vector<16xi32>
      %add3A_2061 = arith.addi %get3A_2058, %add3A_2060 : vector<16xi32>
      %add3A_2062 = arith.constant 112 : i32
      %add3A_2063 = vector.broadcast %add3A_2062 : i32 to vector<16xi32>
      %add3A_2064 = arith.addi %add3A_2063, %iota3A : vector<16xi32>
      tpu.vector_store_idx %arg8[%add3A_2061, %add3A_2064], %broadcast_in_dim3A_3 : memref<200x256xf32, #tpu.memory_space<vmem>>[vector<16xi32>, vector<16xi32>], vector<16xf32>,
      %add3A_2065 = arith.constant 128 : i32
      %add3A_2066 = arith.addi %mul3A_1840, %add3A_2065 : i32
      %get3A_2067 = arith.index_cast %add3A_1976 : i32 to index
      %get3A_2068 = arith.index_cast %add3A_2066 : i32 to index
      %get3A_2069 = tpu.vector_load %arg5[%get3A_2067, %get3A_2068] {strides = array<i32>} : memref<26x512xi32, #tpu.memory_space<vmem>>, vector<16xi32>,
      %add3A_2070 = arith.constant 100 : i32
      %add3A_2071 = vector.broadcast %add3A_2070 : i32 to vector<16xi32>
      %add3A_2072 = arith.addi %get3A_2069, %add3A_2071 : vector<16xi32>
      %add3A_2073 = arith.constant 128 : i32
      %add3A_2074 = vector.broadcast %add3A_2073 : i32 to vector<16xi32>
      %add3A_2075 = arith.addi %add3A_2074, %iota3A : vector<16xi32>
      tpu.vector_store_idx %arg8[%add3A_2072, %add3A_2075], %broadcast_in_dim3A_3 : memref<200x256xf32, #tpu.memory_space<vmem>>[vector<16xi32>, vector<16xi32>], vector<16xf32>,
      %add3A_2076 = arith.constant 144 : i32
      %add3A_2077 = arith.addi %mul3A_1840, %add3A_2076 : i32
      %get3A_2078 = arith.index_cast %add3A_1976 : i32 to index
      %get3A_2079 = arith.index_cast %add3A_2077 : i32 to index
      %get3A_2080 = tpu.vector_load %arg5[%get3A_2078, %get3A_2079] {strides = array<i32>} : memref<26x512xi32, #tpu.memory_space<vmem>>, vector<16xi32>,
      %add3A_2081 = arith.constant 100 : i32
      %add3A_2082 = vector.broadcast %add3A_2081 : i32 to vector<16xi32>
      %add3A_2083 = arith.addi %get3A_2080, %add3A_2082 : vector<16xi32>
      %add3A_2084 = arith.constant 144 : i32
      %add3A_2085 = vector.broadcast %add3A_2084 : i32 to vector<16xi32>
      %add3A_2086 = arith.addi %add3A_2085, %iota3A : vector<16xi32>
      tpu.vector_store_idx %arg8[%add3A_2083, %add3A_2086], %broadcast_in_dim3A_3 : memref<200x256xf32, #tpu.memory_space<vmem>>[vector<16xi32>, vector<16xi32>], vector<16xf32>,
      %add3A_2087 = arith.constant 160 : i32
      %add3A_2088 = arith.addi %mul3A_1840, %add3A_2087 : i32
      %get3A_2089 = arith.index_cast %add3A_1976 : i32 to index
      %get3A_2090 = arith.index_cast %add3A_2088 : i32 to index
      %get3A_2091 = tpu.vector_load %arg5[%get3A_2089, %get3A_2090] {strides = array<i32>} : memref<26x512xi32, #tpu.memory_space<vmem>>, vector<16xi32>,
      %add3A_2092 = arith.constant 100 : i32
      %add3A_2093 = vector.broadcast %add3A_2092 : i32 to vector<16xi32>
      %add3A_2094 = arith.addi %get3A_2091, %add3A_2093 : vector<16xi32>
      %add3A_2095 = arith.constant 160 : i32
      %add3A_2096 = vector.broadcast %add3A_2095 : i32 to vector<16xi32>
      %add3A_2097 = arith.addi %add3A_2096, %iota3A : vector<16xi32>
      tpu.vector_store_idx %arg8[%add3A_2094, %add3A_2097], %broadcast_in_dim3A_3 : memref<200x256xf32, #tpu.memory_space<vmem>>[vector<16xi32>, vector<16xi32>], vector<16xf32>,
      %add3A_2098 = arith.constant 176 : i32
      %add3A_2099 = arith.addi %mul3A_1840, %add3A_2098 : i32
      %get3A_2100 = arith.index_cast %add3A_1976 : i32 to index
      %get3A_2101 = arith.index_cast %add3A_2099 : i32 to index
      %get3A_2102 = tpu.vector_load %arg5[%get3A_2100, %get3A_2101] {strides = array<i32>} : memref<26x512xi32, #tpu.memory_space<vmem>>, vector<16xi32>,
      %add3A_2103 = arith.constant 100 : i32
      %add3A_2104 = vector.broadcast %add3A_2103 : i32 to vector<16xi32>
      %add3A_2105 = arith.addi %get3A_2102, %add3A_2104 : vector<16xi32>
      %add3A_2106 = arith.constant 176 : i32
      %add3A_2107 = vector.broadcast %add3A_2106 : i32 to vector<16xi32>
      %add3A_2108 = arith.addi %add3A_2107, %iota3A : vector<16xi32>
      tpu.vector_store_idx %arg8[%add3A_2105, %add3A_2108], %broadcast_in_dim3A_3 : memref<200x256xf32, #tpu.memory_space<vmem>>[vector<16xi32>, vector<16xi32>], vector<16xf32>,
      %add3A_2109 = arith.constant 192 : i32
      %add3A_2110 = arith.addi %mul3A_1840, %add3A_2109 : i32
      %get3A_2111 = arith.index_cast %add3A_1976 : i32 to index
      %get3A_2112 = arith.index_cast %add3A_2110 : i32 to index
      %get3A_2113 = tpu.vector_load %arg5[%get3A_2111, %get3A_2112] {strides = array<i32>} : memref<26x512xi32, #tpu.memory_space<vmem>>, vector<16xi32>,
      %add3A_2114 = arith.constant 100 : i32
      %add3A_2115 = vector.broadcast %add3A_2114 : i32 to vector<16xi32>
      %add3A_2116 = arith.addi %get3A_2113, %add3A_2115 : vector<16xi32>
      %add3A_2117 = arith.constant 192 : i32
      %add3A_2118 = vector.broadcast %add3A_2117 : i32 to vector<16xi32>
      %add3A_2119 = arith.addi %add3A_2118, %iota3A : vector<16xi32>
      tpu.vector_store_idx %arg8[%add3A_2116, %add3A_2119], %broadcast_in_dim3A_3 : memref<200x256xf32, #tpu.memory_space<vmem>>[vector<16xi32>, vector<16xi32>], vector<16xf32>,
      %add3A_2120 = arith.constant 208 : i32
      %add3A_2121 = arith.addi %mul3A_1840, %add3A_2120 : i32
      %get3A_2122 = arith.index_cast %add3A_1976 : i32 to index
      %get3A_2123 = arith.index_cast %add3A_2121 : i32 to index
      %get3A_2124 = tpu.vector_load %arg5[%get3A_2122, %get3A_2123] {strides = array<i32>} : memref<26x512xi32, #tpu.memory_space<vmem>>, vector<16xi32>,
      %add3A_2125 = arith.constant 100 : i32
      %add3A_2126 = vector.broadcast %add3A_2125 : i32 to vector<16xi32>
      %add3A_2127 = arith.addi %get3A_2124, %add3A_2126 : vector<16xi32>
      %add3A_2128 = arith.constant 208 : i32
      %add3A_2129 = vector.broadcast %add3A_2128 : i32 to vector<16xi32>
      %add3A_2130 = arith.addi %add3A_2129, %iota3A : vector<16xi32>
      tpu.vector_store_idx %arg8[%add3A_2127, %add3A_2130], %broadcast_in_dim3A_3 : memref<200x256xf32, #tpu.memory_space<vmem>>[vector<16xi32>, vector<16xi32>], vector<16xf32>,
      %add3A_2131 = arith.constant 224 : i32
      %add3A_2132 = arith.addi %mul3A_1840, %add3A_2131 : i32
      %get3A_2133 = arith.index_cast %add3A_1976 : i32 to index
      %get3A_2134 = arith.index_cast %add3A_2132 : i32 to index
      %get3A_2135 = tpu.vector_load %arg5[%get3A_2133, %get3A_2134] {strides = array<i32>} : memref<26x512xi32, #tpu.memory_space<vmem>>, vector<16xi32>,
      %add3A_2136 = arith.constant 100 : i32
      %add3A_2137 = vector.broadcast %add3A_2136 : i32 to vector<16xi32>
      %add3A_2138 = arith.addi %get3A_2135, %add3A_2137 : vector<16xi32>
      %add3A_2139 = arith.constant 224 : i32
      %add3A_2140 = vector.broadcast %add3A_2139 : i32 to vector<16xi32>
      %add3A_2141 = arith.addi %add3A_2140, %iota3A : vector<16xi32>
      tpu.vector_store_idx %arg8[%add3A_2138, %add3A_2141], %broadcast_in_dim3A_3 : memref<200x256xf32, #tpu.memory_space<vmem>>[vector<16xi32>, vector<16xi32>], vector<16xf32>,
      %add3A_2142 = arith.constant 240 : i32
      %add3A_2143 = arith.addi %mul3A_1840, %add3A_2142 : i32
      %get3A_2144 = arith.index_cast %add3A_1976 : i32 to index
      %get3A_2145 = arith.index_cast %add3A_2143 : i32 to index
      %get3A_2146 = tpu.vector_load %arg5[%get3A_2144, %get3A_2145] {strides = array<i32>} : memref<26x512xi32, #tpu.memory_space<vmem>>, vector<16xi32>,
      %add3A_2147 = arith.constant 100 : i32
      %add3A_2148 = vector.broadcast %add3A_2147 : i32 to vector<16xi32>
      %add3A_2149 = arith.addi %get3A_2146, %add3A_2148 : vector<16xi32>
      %add3A_2150 = arith.constant 240 : i32
      %add3A_2151 = vector.broadcast %add3A_2150 : i32 to vector<16xi32>
      %add3A_2152 = arith.addi %add3A_2151, %iota3A : vector<16xi32>
      tpu.vector_store_idx %arg8[%add3A_2149, %add3A_2152], %broadcast_in_dim3A_3 : memref<200x256xf32, #tpu.memory_space<vmem>>[vector<16xi32>, vector<16xi32>], vector<16xf32>,
      %jit3A_2153 = arith.constant 2 : i32
      %div3A_2154 = arith.divsi %add3A_1792, %jit3A_2153 : i32
      %sign3A_2155 = arith.constant 0 : i32
      %sign3A_2156 = arith.cmpi sgt, %add3A_1792, %sign3A_2155 : i32
      %sign3A_2157 = arith.extui %sign3A_2156 : i1 to i32
      %sign3A_2158 = arith.constant 0 : i32
      %sign3A_2159 = arith.cmpi slt, %add3A_1792, %sign3A_2158 : i32
      %sign3A_2160 = arith.extui %sign3A_2159 : i1 to i32
      %sign3A_2161 = arith.subi %sign3A_2157, %sign3A_2160 : i32
      %sign3A_2162 = arith.constant 0 : i32
      %sign3A_2163 = arith.cmpi sgt, %jit3A_2153, %sign3A_2162 : i32
      %sign3A_2164 = arith.extui %sign3A_2163 : i1 to i32
      %sign3A_2165 = arith.constant 0 : i32
      %sign3A_2166 = arith.cmpi slt, %jit3A_2153, %sign3A_2165 : i32
      %sign3A_2167 = arith.extui %sign3A_2166 : i1 to i32
      %sign3A_2168 = arith.subi %sign3A_2164, %sign3A_2167 : i32
      %ne3A_2169 = arith.cmpi ne, %sign3A_2161, %sign3A_2168 : i32
      %rem3A_2170 = arith.remsi %add3A_1792, %jit3A_2153 : i32
      %ne3A_2171 = arith.constant 0 : i32
      %ne3A_2172 = arith.cmpi ne, %rem3A_2170, %ne3A_2171 : i32
      %and3A_2173 = arith.andi %ne3A_2169, %ne3A_2172 : i1
      %sub3A_2174 = arith.constant 1 : i32
      %sub3A_2175 = arith.subi %div3A_2154, %sub3A_2174 : i32
      %select_n3A_2176 = arith.select %and3A_2173, %sub3A_2175, %div3A_2154 : i32
      %jit3A_2177 = arith.constant 2 : i32
      %eq3A_2178 = arith.constant 0 : i32
      %eq3A_2179 = arith.cmpi eq, %jit3A_2177, %eq3A_2178 : i32
      %jit3A_2180 = arith.constant 1 : i32
      %select_n3A_2181 = arith.select %eq3A_2179, %jit3A_2180, %jit3A_2177 : i32
      %rem3A_2182 = arith.remsi %add3A_1792, %select_n3A_2181 : i32
      %ne3A_2183 = arith.constant 0 : i32
      %ne3A_2184 = arith.cmpi ne, %rem3A_2182, %ne3A_2183 : i32
      %lt3A_2185 = arith.constant 0 : i32
      %lt3A_2186 = arith.cmpi slt, %rem3A_2182, %lt3A_2185 : i32
      %lt3A_2187 = arith.constant 0 : i32
      %lt3A_2188 = arith.cmpi slt, %select_n3A_2181, %lt3A_2187 : i32
      %ne3A_2189 = arith.xori %lt3A_2186, %lt3A_2188 : i1
      %and3A_2190 = arith.andi %ne3A_2189, %ne3A_2184 : i1
      %add3A_2191 = arith.addi %rem3A_2182, %select_n3A_2181 : i32
      %select_n3A_2192 = arith.select %and3A_2190, %add3A_2191, %rem3A_2182 : i32
      %mul3A_2193 = arith.constant 256 : i32
      %mul3A_2194 = arith.muli %select_n3A_2192, %mul3A_2193 : i32
      %mul3A_2195 = arith.constant 2 : i32
      %mul3A_2196 = arith.muli %select_n3A_2176, %mul3A_2195 : i32
      %add3A_2197 = arith.constant 0 : i32
      %add3A_2198 = arith.addi %mul3A_2196, %add3A_2197 : i32
      %add3A_2199 = arith.constant 0 : i32
      %add3A_2200 = arith.addi %mul3A_2194, %add3A_2199 : i32
      %get3A_2201 = arith.index_cast %add3A_2198 : i32 to index
      %get3A_2202 = arith.index_cast %add3A_2200 : i32 to index
      %get3A_2203 = tpu.vector_load %arg5[%get3A_2201, %get3A_2202] {strides = array<i32>} : memref<26x512xi32, #tpu.memory_space<vmem>>, vector<16xi32>,
      %add3A_2204 = arith.constant 0 : i32
      %add3A_2205 = vector.broadcast %add3A_2204 : i32 to vector<16xi32>
      %add3A_2206 = arith.addi %add3A_2205, %iota3A : vector<16xi32>
      %get3A_2207 = arith.index_cast %add3A_2198 : i32 to index
      %get3A_2208 = arith.constant 0 : index
      %get3A_2209 = tpu.vector_load %arg6[%get3A_2207, %get3A_2208] {strides = array<i32>} : memref<26x16xi32, #tpu.memory_space<vmem>>, vector<16xi32>,
      %lt3A_2210 = arith.cmpi slt, %get3A_2203, %get3A_2209 : vector<16xi32>
      tpu.vector_store_idx %arg8[%get3A_2203, %add3A_2206], %broadcast_in_dim3A_5 masked %lt3A_2210 : memref<200x256xf32, #tpu.memory_space<vmem>>[vector<16xi32>, vector<16xi32>], vector<16xf32>, vector<16xi1>
      %add3A_2211 = arith.constant 16 : i32
      %add3A_2212 = arith.addi %mul3A_2194, %add3A_2211 : i32
      %get3A_2213 = arith.index_cast %add3A_2198 : i32 to index
      %get3A_2214 = arith.index_cast %add3A_2212 : i32 to index
      %get3A_2215 = tpu.vector_load %arg5[%get3A_2213, %get3A_2214] {strides = array<i32>} : memref<26x512xi32, #tpu.memory_space<vmem>>, vector<16xi32>,
      %add3A_2216 = arith.constant 16 : i32
      %add3A_2217 = vector.broadcast %add3A_2216 : i32 to vector<16xi32>
      %add3A_2218 = arith.addi %add3A_2217, %iota3A : vector<16xi32>
      %get3A_2219 = arith.index_cast %add3A_2198 : i32 to index
      %get3A_2220 = arith.constant 0 : index
      %get3A_2221 = tpu.vector_load %arg6[%get3A_2219, %get3A_2220] {strides = array<i32>} : memref<26x16xi32, #tpu.memory_space<vmem>>, vector<16xi32>,
      %lt3A_2222 = arith.cmpi slt, %get3A_2215, %get3A_2221 : vector<16xi32>
      tpu.vector_store_idx %arg8[%get3A_2215, %add3A_2218], %broadcast_in_dim3A_5 masked %lt3A_2222 : memref<200x256xf32, #tpu.memory_space<vmem>>[vector<16xi32>, vector<16xi32>], vector<16xf32>, vector<16xi1>
      %add3A_2223 = arith.constant 32 : i32
      %add3A_2224 = arith.addi %mul3A_2194, %add3A_2223 : i32
      %get3A_2225 = arith.index_cast %add3A_2198 : i32 to index
      %get3A_2226 = arith.index_cast %add3A_2224 : i32 to index
      %get3A_2227 = tpu.vector_load %arg5[%get3A_2225, %get3A_2226] {strides = array<i32>} : memref<26x512xi32, #tpu.memory_space<vmem>>, vector<16xi32>,
      %add3A_2228 = arith.constant 32 : i32
      %add3A_2229 = vector.broadcast %add3A_2228 : i32 to vector<16xi32>
      %add3A_2230 = arith.addi %add3A_2229, %iota3A : vector<16xi32>
      %get3A_2231 = arith.index_cast %add3A_2198 : i32 to index
      %get3A_2232 = arith.constant 0 : index
      %get3A_2233 = tpu.vector_load %arg6[%get3A_2231, %get3A_2232] {strides = array<i32>} : memref<26x16xi32, #tpu.memory_space<vmem>>, vector<16xi32>,
      %lt3A_2234 = arith.cmpi slt, %get3A_2227, %get3A_2233 : vector<16xi32>
      tpu.vector_store_idx %arg8[%get3A_2227, %add3A_2230], %broadcast_in_dim3A_5 masked %lt3A_2234 : memref<200x256xf32, #tpu.memory_space<vmem>>[vector<16xi32>, vector<16xi32>], vector<16xf32>, vector<16xi1>
      %add3A_2235 = arith.constant 48 : i32
      %add3A_2236 = arith.addi %mul3A_2194, %add3A_2235 : i32
      %get3A_2237 = arith.index_cast %add3A_2198 : i32 to index
      %get3A_2238 = arith.index_cast %add3A_2236 : i32 to index
      %get3A_2239 = tpu.vector_load %arg5[%get3A_2237, %get3A_2238] {strides = array<i32>} : memref<26x512xi32, #tpu.memory_space<vmem>>, vector<16xi32>,
      %add3A_2240 = arith.constant 48 : i32
      %add3A_2241 = vector.broadcast %add3A_2240 : i32 to vector<16xi32>
      %add3A_2242 = arith.addi %add3A_2241, %iota3A : vector<16xi32>
      %get3A_2243 = arith.index_cast %add3A_2198 : i32 to index
      %get3A_2244 = arith.constant 0 : index
      %get3A_2245 = tpu.vector_load %arg6[%get3A_2243, %get3A_2244] {strides = array<i32>} : memref<26x16xi32, #tpu.memory_space<vmem>>, vector<16xi32>,
      %lt3A_2246 = arith.cmpi slt, %get3A_2239, %get3A_2245 : vector<16xi32>
      tpu.vector_store_idx %arg8[%get3A_2239, %add3A_2242], %broadcast_in_dim3A_5 masked %lt3A_2246 : memref<200x256xf32, #tpu.memory_space<vmem>>[vector<16xi32>, vector<16xi32>], vector<16xf32>, vector<16xi1>
      %add3A_2247 = arith.constant 64 : i32
      %add3A_2248 = arith.addi %mul3A_2194, %add3A_2247 : i32
      %get3A_2249 = arith.index_cast %add3A_2198 : i32 to index
      %get3A_2250 = arith.index_cast %add3A_2248 : i32 to index
      %get3A_2251 = tpu.vector_load %arg5[%get3A_2249, %get3A_2250] {strides = array<i32>} : memref<26x512xi32, #tpu.memory_space<vmem>>, vector<16xi32>,
      %add3A_2252 = arith.constant 64 : i32
      %add3A_2253 = vector.broadcast %add3A_2252 : i32 to vector<16xi32>
      %add3A_2254 = arith.addi %add3A_2253, %iota3A : vector<16xi32>
      %get3A_2255 = arith.index_cast %add3A_2198 : i32 to index
      %get3A_2256 = arith.constant 0 : index
      %get3A_2257 = tpu.vector_load %arg6[%get3A_2255, %get3A_2256] {strides = array<i32>} : memref<26x16xi32, #tpu.memory_space<vmem>>, vector<16xi32>,
      %lt3A_2258 = arith.cmpi slt, %get3A_2251, %get3A_2257 : vector<16xi32>
      tpu.vector_store_idx %arg8[%get3A_2251, %add3A_2254], %broadcast_in_dim3A_5 masked %lt3A_2258 : memref<200x256xf32, #tpu.memory_space<vmem>>[vector<16xi32>, vector<16xi32>], vector<16xf32>, vector<16xi1>
      %add3A_2259 = arith.constant 80 : i32
      %add3A_2260 = arith.addi %mul3A_2194, %add3A_2259 : i32
      %get3A_2261 = arith.index_cast %add3A_2198 : i32 to index
      %get3A_2262 = arith.index_cast %add3A_2260 : i32 to index
      %get3A_2263 = tpu.vector_load %arg5[%get3A_2261, %get3A_2262] {strides = array<i32>} : memref<26x512xi32, #tpu.memory_space<vmem>>, vector<16xi32>,
      %add3A_2264 = arith.constant 80 : i32
      %add3A_2265 = vector.broadcast %add3A_2264 : i32 to vector<16xi32>
      %add3A_2266 = arith.addi %add3A_2265, %iota3A : vector<16xi32>
      %get3A_2267 = arith.index_cast %add3A_2198 : i32 to index
      %get3A_2268 = arith.constant 0 : index
      %get3A_2269 = tpu.vector_load %arg6[%get3A_2267, %get3A_2268] {strides = array<i32>} : memref<26x16xi32, #tpu.memory_space<vmem>>, vector<16xi32>,
      %lt3A_2270 = arith.cmpi slt, %get3A_2263, %get3A_2269 : vector<16xi32>
      tpu.vector_store_idx %arg8[%get3A_2263, %add3A_2266], %broadcast_in_dim3A_5 masked %lt3A_2270 : memref<200x256xf32, #tpu.memory_space<vmem>>[vector<16xi32>, vector<16xi32>], vector<16xf32>, vector<16xi1>
      %add3A_2271 = arith.constant 96 : i32
      %add3A_2272 = arith.addi %mul3A_2194, %add3A_2271 : i32
      %get3A_2273 = arith.index_cast %add3A_2198 : i32 to index
      %get3A_2274 = arith.index_cast %add3A_2272 : i32 to index
      %get3A_2275 = tpu.vector_load %arg5[%get3A_2273, %get3A_2274] {strides = array<i32>} : memref<26x512xi32, #tpu.memory_space<vmem>>, vector<16xi32>,
      %add3A_2276 = arith.constant 96 : i32
      %add3A_2277 = vector.broadcast %add3A_2276 : i32 to vector<16xi32>
      %add3A_2278 = arith.addi %add3A_2277, %iota3A : vector<16xi32>
      %get3A_2279 = arith.index_cast %add3A_2198 : i32 to index
      %get3A_2280 = arith.constant 0 : index
      %get3A_2281 = tpu.vector_load %arg6[%get3A_2279, %get3A_2280] {strides = array<i32>} : memref<26x16xi32, #tpu.memory_space<vmem>>, vector<16xi32>,
      %lt3A_2282 = arith.cmpi slt, %get3A_2275, %get3A_2281 : vector<16xi32>
      tpu.vector_store_idx %arg8[%get3A_2275, %add3A_2278], %broadcast_in_dim3A_5 masked %lt3A_2282 : memref<200x256xf32, #tpu.memory_space<vmem>>[vector<16xi32>, vector<16xi32>], vector<16xf32>, vector<16xi1>
      %add3A_2283 = arith.constant 112 : i32
      %add3A_2284 = arith.addi %mul3A_2194, %add3A_2283 : i32
      %get3A_2285 = arith.index_cast %add3A_2198 : i32 to index
      %get3A_2286 = arith.index_cast %add3A_2284 : i32 to index
      %get3A_2287 = tpu.vector_load %arg5[%get3A_2285, %get3A_2286] {strides = array<i32>} : memref<26x512xi32, #tpu.memory_space<vmem>>, vector<16xi32>,
      %add3A_2288 = arith.constant 112 : i32
      %add3A_2289 = vector.broadcast %add3A_2288 : i32 to vector<16xi32>
      %add3A_2290 = arith.addi %add3A_2289, %iota3A : vector<16xi32>
      %get3A_2291 = arith.index_cast %add3A_2198 : i32 to index
      %get3A_2292 = arith.constant 0 : index
      %get3A_2293 = tpu.vector_load %arg6[%get3A_2291, %get3A_2292] {strides = array<i32>} : memref<26x16xi32, #tpu.memory_space<vmem>>, vector<16xi32>,
      %lt3A_2294 = arith.cmpi slt, %get3A_2287, %get3A_2293 : vector<16xi32>
      tpu.vector_store_idx %arg8[%get3A_2287, %add3A_2290], %broadcast_in_dim3A_5 masked %lt3A_2294 : memref<200x256xf32, #tpu.memory_space<vmem>>[vector<16xi32>, vector<16xi32>], vector<16xf32>, vector<16xi1>
      %add3A_2295 = arith.constant 128 : i32
      %add3A_2296 = arith.addi %mul3A_2194, %add3A_2295 : i32
      %get3A_2297 = arith.index_cast %add3A_2198 : i32 to index
      %get3A_2298 = arith.index_cast %add3A_2296 : i32 to index
      %get3A_2299 = tpu.vector_load %arg5[%get3A_2297, %get3A_2298] {strides = array<i32>} : memref<26x512xi32, #tpu.memory_space<vmem>>, vector<16xi32>,
      %add3A_2300 = arith.constant 128 : i32
      %add3A_2301 = vector.broadcast %add3A_2300 : i32 to vector<16xi32>
      %add3A_2302 = arith.addi %add3A_2301, %iota3A : vector<16xi32>
      %get3A_2303 = arith.index_cast %add3A_2198 : i32 to index
      %get3A_2304 = arith.constant 0 : index
      %get3A_2305 = tpu.vector_load %arg6[%get3A_2303, %get3A_2304] {strides = array<i32>} : memref<26x16xi32, #tpu.memory_space<vmem>>, vector<16xi32>,
      %lt3A_2306 = arith.cmpi slt, %get3A_2299, %get3A_2305 : vector<16xi32>
      tpu.vector_store_idx %arg8[%get3A_2299, %add3A_2302], %broadcast_in_dim3A_5 masked %lt3A_2306 : memref<200x256xf32, #tpu.memory_space<vmem>>[vector<16xi32>, vector<16xi32>], vector<16xf32>, vector<16xi1>
      %add3A_2307 = arith.constant 144 : i32
      %add3A_2308 = arith.addi %mul3A_2194, %add3A_2307 : i32
      %get3A_2309 = arith.index_cast %add3A_2198 : i32 to index
      %get3A_2310 = arith.index_cast %add3A_2308 : i32 to index
      %get3A_2311 = tpu.vector_load %arg5[%get3A_2309, %get3A_2310] {strides = array<i32>} : memref<26x512xi32, #tpu.memory_space<vmem>>, vector<16xi32>,
      %add3A_2312 = arith.constant 144 : i32
      %add3A_2313 = vector.broadcast %add3A_2312 : i32 to vector<16xi32>
      %add3A_2314 = arith.addi %add3A_2313, %iota3A : vector<16xi32>
      %get3A_2315 = arith.index_cast %add3A_2198 : i32 to index
      %get3A_2316 = arith.constant 0 : index
      %get3A_2317 = tpu.vector_load %arg6[%get3A_2315, %get3A_2316] {strides = array<i32>} : memref<26x16xi32, #tpu.memory_space<vmem>>, vector<16xi32>,
      %lt3A_2318 = arith.cmpi slt, %get3A_2311, %get3A_2317 : vector<16xi32>
      tpu.vector_store_idx %arg8[%get3A_2311, %add3A_2314], %broadcast_in_dim3A_5 masked %lt3A_2318 : memref<200x256xf32, #tpu.memory_space<vmem>>[vector<16xi32>, vector<16xi32>], vector<16xf32>, vector<16xi1>
      %add3A_2319 = arith.constant 160 : i32
      %add3A_2320 = arith.addi %mul3A_2194, %add3A_2319 : i32
      %get3A_2321 = arith.index_cast %add3A_2198 : i32 to index
      %get3A_2322 = arith.index_cast %add3A_2320 : i32 to index
      %get3A_2323 = tpu.vector_load %arg5[%get3A_2321, %get3A_2322] {strides = array<i32>} : memref<26x512xi32, #tpu.memory_space<vmem>>, vector<16xi32>,
      %add3A_2324 = arith.constant 160 : i32
      %add3A_2325 = vector.broadcast %add3A_2324 : i32 to vector<16xi32>
      %add3A_2326 = arith.addi %add3A_2325, %iota3A : vector<16xi32>
      %get3A_2327 = arith.index_cast %add3A_2198 : i32 to index
      %get3A_2328 = arith.constant 0 : index
      %get3A_2329 = tpu.vector_load %arg6[%get3A_2327, %get3A_2328] {strides = array<i32>} : memref<26x16xi32, #tpu.memory_space<vmem>>, vector<16xi32>,
      %lt3A_2330 = arith.cmpi slt, %get3A_2323, %get3A_2329 : vector<16xi32>
      tpu.vector_store_idx %arg8[%get3A_2323, %add3A_2326], %broadcast_in_dim3A_5 masked %lt3A_2330 : memref<200x256xf32, #tpu.memory_space<vmem>>[vector<16xi32>, vector<16xi32>], vector<16xf32>, vector<16xi1>
      %add3A_2331 = arith.constant 176 : i32
      %add3A_2332 = arith.addi %mul3A_2194, %add3A_2331 : i32
      %get3A_2333 = arith.index_cast %add3A_2198 : i32 to index
      %get3A_2334 = arith.index_cast %add3A_2332 : i32 to index
      %get3A_2335 = tpu.vector_load %arg5[%get3A_2333, %get3A_2334] {strides = array<i32>} : memref<26x512xi32, #tpu.memory_space<vmem>>, vector<16xi32>,
      %add3A_2336 = arith.constant 176 : i32
      %add3A_2337 = vector.broadcast %add3A_2336 : i32 to vector<16xi32>
      %add3A_2338 = arith.addi %add3A_2337, %iota3A : vector<16xi32>
      %get3A_2339 = arith.index_cast %add3A_2198 : i32 to index
      %get3A_2340 = arith.constant 0 : index
      %get3A_2341 = tpu.vector_load %arg6[%get3A_2339, %get3A_2340] {strides = array<i32>} : memref<26x16xi32, #tpu.memory_space<vmem>>, vector<16xi32>,
      %lt3A_2342 = arith.cmpi slt, %get3A_2335, %get3A_2341 : vector<16xi32>
      tpu.vector_store_idx %arg8[%get3A_2335, %add3A_2338], %broadcast_in_dim3A_5 masked %lt3A_2342 : memref<200x256xf32, #tpu.memory_space<vmem>>[vector<16xi32>, vector<16xi32>], vector<16xf32>, vector<16xi1>
      %add3A_2343 = arith.constant 192 : i32
      %add3A_2344 = arith.addi %mul3A_2194, %add3A_2343 : i32
      %get3A_2345 = arith.index_cast %add3A_2198 : i32 to index
      %get3A_2346 = arith.index_cast %add3A_2344 : i32 to index
      %get3A_2347 = tpu.vector_load %arg5[%get3A_2345, %get3A_2346] {strides = array<i32>} : memref<26x512xi32, #tpu.memory_space<vmem>>, vector<16xi32>,
      %add3A_2348 = arith.constant 192 : i32
      %add3A_2349 = vector.broadcast %add3A_2348 : i32 to vector<16xi32>
      %add3A_2350 = arith.addi %add3A_2349, %iota3A : vector<16xi32>
      %get3A_2351 = arith.index_cast %add3A_2198 : i32 to index
      %get3A_2352 = arith.constant 0 : index
      %get3A_2353 = tpu.vector_load %arg6[%get3A_2351, %get3A_2352] {strides = array<i32>} : memref<26x16xi32, #tpu.memory_space<vmem>>, vector<16xi32>,
      %lt3A_2354 = arith.cmpi slt, %get3A_2347, %get3A_2353 : vector<16xi32>
      tpu.vector_store_idx %arg8[%get3A_2347, %add3A_2350], %broadcast_in_dim3A_5 masked %lt3A_2354 : memref<200x256xf32, #tpu.memory_space<vmem>>[vector<16xi32>, vector<16xi32>], vector<16xf32>, vector<16xi1>
      %add3A_2355 = arith.constant 208 : i32
      %add3A_2356 = arith.addi %mul3A_2194, %add3A_2355 : i32
      %get3A_2357 = arith.index_cast %add3A_2198 : i32 to index
      %get3A_2358 = arith.index_cast %add3A_2356 : i32 to index
      %get3A_2359 = tpu.vector_load %arg5[%get3A_2357, %get3A_2358] {strides = array<i32>} : memref<26x512xi32, #tpu.memory_space<vmem>>, vector<16xi32>,
      %add3A_2360 = arith.constant 208 : i32
      %add3A_2361 = vector.broadcast %add3A_2360 : i32 to vector<16xi32>
      %add3A_2362 = arith.addi %add3A_2361, %iota3A : vector<16xi32>
      %get3A_2363 = arith.index_cast %add3A_2198 : i32 to index
      %get3A_2364 = arith.constant 0 : index
      %get3A_2365 = tpu.vector_load %arg6[%get3A_2363, %get3A_2364] {strides = array<i32>} : memref<26x16xi32, #tpu.memory_space<vmem>>, vector<16xi32>,
      %lt3A_2366 = arith.cmpi slt, %get3A_2359, %get3A_2365 : vector<16xi32>
      tpu.vector_store_idx %arg8[%get3A_2359, %add3A_2362], %broadcast_in_dim3A_5 masked %lt3A_2366 : memref<200x256xf32, #tpu.memory_space<vmem>>[vector<16xi32>, vector<16xi32>], vector<16xf32>, vector<16xi1>
      %add3A_2367 = arith.constant 224 : i32
      %add3A_2368 = arith.addi %mul3A_2194, %add3A_2367 : i32
      %get3A_2369 = arith.index_cast %add3A_2198 : i32 to index
      %get3A_2370 = arith.index_cast %add3A_2368 : i32 to index
      %get3A_2371 = tpu.vector_load %arg5[%get3A_2369, %get3A_2370] {strides = array<i32>} : memref<26x512xi32, #tpu.memory_space<vmem>>, vector<16xi32>,
      %add3A_2372 = arith.constant 224 : i32
      %add3A_2373 = vector.broadcast %add3A_2372 : i32 to vector<16xi32>
      %add3A_2374 = arith.addi %add3A_2373, %iota3A : vector<16xi32>
      %get3A_2375 = arith.index_cast %add3A_2198 : i32 to index
      %get3A_2376 = arith.constant 0 : index
      %get3A_2377 = tpu.vector_load %arg6[%get3A_2375, %get3A_2376] {strides = array<i32>} : memref<26x16xi32, #tpu.memory_space<vmem>>, vector<16xi32>,
      %lt3A_2378 = arith.cmpi slt, %get3A_2371, %get3A_2377 : vector<16xi32>
      tpu.vector_store_idx %arg8[%get3A_2371, %add3A_2374], %broadcast_in_dim3A_5 masked %lt3A_2378 : memref<200x256xf32, #tpu.memory_space<vmem>>[vector<16xi32>, vector<16xi32>], vector<16xf32>, vector<16xi1>
      %add3A_2379 = arith.constant 240 : i32
      %add3A_2380 = arith.addi %mul3A_2194, %add3A_2379 : i32
      %get3A_2381 = arith.index_cast %add3A_2198 : i32 to index
      %get3A_2382 = arith.index_cast %add3A_2380 : i32 to index
      %get3A_2383 = tpu.vector_load %arg5[%get3A_2381, %get3A_2382] {strides = array<i32>} : memref<26x512xi32, #tpu.memory_space<vmem>>, vector<16xi32>,
      %add3A_2384 = arith.constant 240 : i32
      %add3A_2385 = vector.broadcast %add3A_2384 : i32 to vector<16xi32>
      %add3A_2386 = arith.addi %add3A_2385, %iota3A : vector<16xi32>
      %get3A_2387 = arith.index_cast %add3A_2198 : i32 to index
      %get3A_2388 = arith.constant 0 : index
      %get3A_2389 = tpu.vector_load %arg6[%get3A_2387, %get3A_2388] {strides = array<i32>} : memref<26x16xi32, #tpu.memory_space<vmem>>, vector<16xi32>,
      %lt3A_2390 = arith.cmpi slt, %get3A_2383, %get3A_2389 : vector<16xi32>
      tpu.vector_store_idx %arg8[%get3A_2383, %add3A_2386], %broadcast_in_dim3A_5 masked %lt3A_2390 : memref<200x256xf32, #tpu.memory_space<vmem>>[vector<16xi32>, vector<16xi32>], vector<16xf32>, vector<16xi1>
      %mul3A_2391 = arith.constant 2 : i32
      %mul3A_2392 = arith.muli %select_n3A_2176, %mul3A_2391 : i32
      %add3A_2393 = arith.constant 1 : i32
      %add3A_2394 = arith.addi %mul3A_2392, %add3A_2393 : i32
      %add3A_2395 = arith.constant 0 : i32
      %add3A_2396 = arith.addi %mul3A_2194, %add3A_2395 : i32
      %get3A_2397 = arith.index_cast %add3A_2394 : i32 to index
      %get3A_2398 = arith.index_cast %add3A_2396 : i32 to index
      %get3A_2399 = tpu.vector_load %arg5[%get3A_2397, %get3A_2398] {strides = array<i32>} : memref<26x512xi32, #tpu.memory_space<vmem>>, vector<16xi32>,
      %add3A_2400 = arith.constant 100 : i32
      %add3A_2401 = vector.broadcast %add3A_2400 : i32 to vector<16xi32>
      %add3A_2402 = arith.addi %get3A_2399, %add3A_2401 : vector<16xi32>
      %add3A_2403 = arith.constant 0 : i32
      %add3A_2404 = vector.broadcast %add3A_2403 : i32 to vector<16xi32>
      %add3A_2405 = arith.addi %add3A_2404, %iota3A : vector<16xi32>
      %get3A_2406 = arith.index_cast %add3A_2394 : i32 to index
      %get3A_2407 = arith.constant 0 : index
      %get3A_2408 = tpu.vector_load %arg6[%get3A_2406, %get3A_2407] {strides = array<i32>} : memref<26x16xi32, #tpu.memory_space<vmem>>, vector<16xi32>,
      %lt3A_2409 = arith.cmpi slt, %get3A_2399, %get3A_2408 : vector<16xi32>
      tpu.vector_store_idx %arg8[%add3A_2402, %add3A_2405], %broadcast_in_dim3A_5 masked %lt3A_2409 : memref<200x256xf32, #tpu.memory_space<vmem>>[vector<16xi32>, vector<16xi32>], vector<16xf32>, vector<16xi1>
      %add3A_2410 = arith.constant 16 : i32
      %add3A_2411 = arith.addi %mul3A_2194, %add3A_2410 : i32
      %get3A_2412 = arith.index_cast %add3A_2394 : i32 to index
      %get3A_2413 = arith.index_cast %add3A_2411 : i32 to index
      %get3A_2414 = tpu.vector_load %arg5[%get3A_2412, %get3A_2413] {strides = array<i32>} : memref<26x512xi32, #tpu.memory_space<vmem>>, vector<16xi32>,
      %add3A_2415 = arith.constant 100 : i32
      %add3A_2416 = vector.broadcast %add3A_2415 : i32 to vector<16xi32>
      %add3A_2417 = arith.addi %get3A_2414, %add3A_2416 : vector<16xi32>
      %add3A_2418 = arith.constant 16 : i32
      %add3A_2419 = vector.broadcast %add3A_2418 : i32 to vector<16xi32>
      %add3A_2420 = arith.addi %add3A_2419, %iota3A : vector<16xi32>
      %get3A_2421 = arith.index_cast %add3A_2394 : i32 to index
      %get3A_2422 = arith.constant 0 : index
      %get3A_2423 = tpu.vector_load %arg6[%get3A_2421, %get3A_2422] {strides = array<i32>} : memref<26x16xi32, #tpu.memory_space<vmem>>, vector<16xi32>,
      %lt3A_2424 = arith.cmpi slt, %get3A_2414, %get3A_2423 : vector<16xi32>
      tpu.vector_store_idx %arg8[%add3A_2417, %add3A_2420], %broadcast_in_dim3A_5 masked %lt3A_2424 : memref<200x256xf32, #tpu.memory_space<vmem>>[vector<16xi32>, vector<16xi32>], vector<16xf32>, vector<16xi1>
      %add3A_2425 = arith.constant 32 : i32
      %add3A_2426 = arith.addi %mul3A_2194, %add3A_2425 : i32
      %get3A_2427 = arith.index_cast %add3A_2394 : i32 to index
      %get3A_2428 = arith.index_cast %add3A_2426 : i32 to index
      %get3A_2429 = tpu.vector_load %arg5[%get3A_2427, %get3A_2428] {strides = array<i32>} : memref<26x512xi32, #tpu.memory_space<vmem>>, vector<16xi32>,
      %add3A_2430 = arith.constant 100 : i32
      %add3A_2431 = vector.broadcast %add3A_2430 : i32 to vector<16xi32>
      %add3A_2432 = arith.addi %get3A_2429, %add3A_2431 : vector<16xi32>
      %add3A_2433 = arith.constant 32 : i32
      %add3A_2434 = vector.broadcast %add3A_2433 : i32 to vector<16xi32>
      %add3A_2435 = arith.addi %add3A_2434, %iota3A : vector<16xi32>
      %get3A_2436 = arith.index_cast %add3A_2394 : i32 to index
      %get3A_2437 = arith.constant 0 : index
      %get3A_2438 = tpu.vector_load %arg6[%get3A_2436, %get3A_2437] {strides = array<i32>} : memref<26x16xi32, #tpu.memory_space<vmem>>, vector<16xi32>,
      %lt3A_2439 = arith.cmpi slt, %get3A_2429, %get3A_2438 : vector<16xi32>
      tpu.vector_store_idx %arg8[%add3A_2432, %add3A_2435], %broadcast_in_dim3A_5 masked %lt3A_2439 : memref<200x256xf32, #tpu.memory_space<vmem>>[vector<16xi32>, vector<16xi32>], vector<16xf32>, vector<16xi1>
      %add3A_2440 = arith.constant 48 : i32
      %add3A_2441 = arith.addi %mul3A_2194, %add3A_2440 : i32
      %get3A_2442 = arith.index_cast %add3A_2394 : i32 to index
      %get3A_2443 = arith.index_cast %add3A_2441 : i32 to index
      %get3A_2444 = tpu.vector_load %arg5[%get3A_2442, %get3A_2443] {strides = array<i32>} : memref<26x512xi32, #tpu.memory_space<vmem>>, vector<16xi32>,
      %add3A_2445 = arith.constant 100 : i32
      %add3A_2446 = vector.broadcast %add3A_2445 : i32 to vector<16xi32>
      %add3A_2447 = arith.addi %get3A_2444, %add3A_2446 : vector<16xi32>
      %add3A_2448 = arith.constant 48 : i32
      %add3A_2449 = vector.broadcast %add3A_2448 : i32 to vector<16xi32>
      %add3A_2450 = arith.addi %add3A_2449, %iota3A : vector<16xi32>
      %get3A_2451 = arith.index_cast %add3A_2394 : i32 to index
      %get3A_2452 = arith.constant 0 : index
      %get3A_2453 = tpu.vector_load %arg6[%get3A_2451, %get3A_2452] {strides = array<i32>} : memref<26x16xi32, #tpu.memory_space<vmem>>, vector<16xi32>,
      %lt3A_2454 = arith.cmpi slt, %get3A_2444, %get3A_2453 : vector<16xi32>
      tpu.vector_store_idx %arg8[%add3A_2447, %add3A_2450], %broadcast_in_dim3A_5 masked %lt3A_2454 : memref<200x256xf32, #tpu.memory_space<vmem>>[vector<16xi32>, vector<16xi32>], vector<16xf32>, vector<16xi1>
      %add3A_2455 = arith.constant 64 : i32
      %add3A_2456 = arith.addi %mul3A_2194, %add3A_2455 : i32
      %get3A_2457 = arith.index_cast %add3A_2394 : i32 to index
      %get3A_2458 = arith.index_cast %add3A_2456 : i32 to index
      %get3A_2459 = tpu.vector_load %arg5[%get3A_2457, %get3A_2458] {strides = array<i32>} : memref<26x512xi32, #tpu.memory_space<vmem>>, vector<16xi32>,
      %add3A_2460 = arith.constant 100 : i32
      %add3A_2461 = vector.broadcast %add3A_2460 : i32 to vector<16xi32>
      %add3A_2462 = arith.addi %get3A_2459, %add3A_2461 : vector<16xi32>
      %add3A_2463 = arith.constant 64 : i32
      %add3A_2464 = vector.broadcast %add3A_2463 : i32 to vector<16xi32>
      %add3A_2465 = arith.addi %add3A_2464, %iota3A : vector<16xi32>
      %get3A_2466 = arith.index_cast %add3A_2394 : i32 to index
      %get3A_2467 = arith.constant 0 : index
      %get3A_2468 = tpu.vector_load %arg6[%get3A_2466, %get3A_2467] {strides = array<i32>} : memref<26x16xi32, #tpu.memory_space<vmem>>, vector<16xi32>,
      %lt3A_2469 = arith.cmpi slt, %get3A_2459, %get3A_2468 : vector<16xi32>
      tpu.vector_store_idx %arg8[%add3A_2462, %add3A_2465], %broadcast_in_dim3A_5 masked %lt3A_2469 : memref<200x256xf32, #tpu.memory_space<vmem>>[vector<16xi32>, vector<16xi32>], vector<16xf32>, vector<16xi1>
      %add3A_2470 = arith.constant 80 : i32
      %add3A_2471 = arith.addi %mul3A_2194, %add3A_2470 : i32
      %get3A_2472 = arith.index_cast %add3A_2394 : i32 to index
      %get3A_2473 = arith.index_cast %add3A_2471 : i32 to index
      %get3A_2474 = tpu.vector_load %arg5[%get3A_2472, %get3A_2473] {strides = array<i32>} : memref<26x512xi32, #tpu.memory_space<vmem>>, vector<16xi32>,
      %add3A_2475 = arith.constant 100 : i32
      %add3A_2476 = vector.broadcast %add3A_2475 : i32 to vector<16xi32>
      %add3A_2477 = arith.addi %get3A_2474, %add3A_2476 : vector<16xi32>
      %add3A_2478 = arith.constant 80 : i32
      %add3A_2479 = vector.broadcast %add3A_2478 : i32 to vector<16xi32>
      %add3A_2480 = arith.addi %add3A_2479, %iota3A : vector<16xi32>
      %get3A_2481 = arith.index_cast %add3A_2394 : i32 to index
      %get3A_2482 = arith.constant 0 : index
      %get3A_2483 = tpu.vector_load %arg6[%get3A_2481, %get3A_2482] {strides = array<i32>} : memref<26x16xi32, #tpu.memory_space<vmem>>, vector<16xi32>,
      %lt3A_2484 = arith.cmpi slt, %get3A_2474, %get3A_2483 : vector<16xi32>
      tpu.vector_store_idx %arg8[%add3A_2477, %add3A_2480], %broadcast_in_dim3A_5 masked %lt3A_2484 : memref<200x256xf32, #tpu.memory_space<vmem>>[vector<16xi32>, vector<16xi32>], vector<16xf32>, vector<16xi1>
      %add3A_2485 = arith.constant 96 : i32
      %add3A_2486 = arith.addi %mul3A_2194, %add3A_2485 : i32
      %get3A_2487 = arith.index_cast %add3A_2394 : i32 to index
      %get3A_2488 = arith.index_cast %add3A_2486 : i32 to index
      %get3A_2489 = tpu.vector_load %arg5[%get3A_2487, %get3A_2488] {strides = array<i32>} : memref<26x512xi32, #tpu.memory_space<vmem>>, vector<16xi32>,
      %add3A_2490 = arith.constant 100 : i32
      %add3A_2491 = vector.broadcast %add3A_2490 : i32 to vector<16xi32>
      %add3A_2492 = arith.addi %get3A_2489, %add3A_2491 : vector<16xi32>
      %add3A_2493 = arith.constant 96 : i32
      %add3A_2494 = vector.broadcast %add3A_2493 : i32 to vector<16xi32>
      %add3A_2495 = arith.addi %add3A_2494, %iota3A : vector<16xi32>
      %get3A_2496 = arith.index_cast %add3A_2394 : i32 to index
      %get3A_2497 = arith.constant 0 : index
      %get3A_2498 = tpu.vector_load %arg6[%get3A_2496, %get3A_2497] {strides = array<i32>} : memref<26x16xi32, #tpu.memory_space<vmem>>, vector<16xi32>,
      %lt3A_2499 = arith.cmpi slt, %get3A_2489, %get3A_2498 : vector<16xi32>
      tpu.vector_store_idx %arg8[%add3A_2492, %add3A_2495], %broadcast_in_dim3A_5 masked %lt3A_2499 : memref<200x256xf32, #tpu.memory_space<vmem>>[vector<16xi32>, vector<16xi32>], vector<16xf32>, vector<16xi1>
      %add3A_2500 = arith.constant 112 : i32
      %add3A_2501 = arith.addi %mul3A_2194, %add3A_2500 : i32
      %get3A_2502 = arith.index_cast %add3A_2394 : i32 to index
      %get3A_2503 = arith.index_cast %add3A_2501 : i32 to index
      %get3A_2504 = tpu.vector_load %arg5[%get3A_2502, %get3A_2503] {strides = array<i32>} : memref<26x512xi32, #tpu.memory_space<vmem>>, vector<16xi32>,
      %add3A_2505 = arith.constant 100 : i32
      %add3A_2506 = vector.broadcast %add3A_2505 : i32 to vector<16xi32>
      %add3A_2507 = arith.addi %get3A_2504, %add3A_2506 : vector<16xi32>
      %add3A_2508 = arith.constant 112 : i32
      %add3A_2509 = vector.broadcast %add3A_2508 : i32 to vector<16xi32>
      %add3A_2510 = arith.addi %add3A_2509, %iota3A : vector<16xi32>
      %get3A_2511 = arith.index_cast %add3A_2394 : i32 to index
      %get3A_2512 = arith.constant 0 : index
      %get3A_2513 = tpu.vector_load %arg6[%get3A_2511, %get3A_2512] {strides = array<i32>} : memref<26x16xi32, #tpu.memory_space<vmem>>, vector<16xi32>,
      %lt3A_2514 = arith.cmpi slt, %get3A_2504, %get3A_2513 : vector<16xi32>
      tpu.vector_store_idx %arg8[%add3A_2507, %add3A_2510], %broadcast_in_dim3A_5 masked %lt3A_2514 : memref<200x256xf32, #tpu.memory_space<vmem>>[vector<16xi32>, vector<16xi32>], vector<16xf32>, vector<16xi1>
      %add3A_2515 = arith.constant 128 : i32
      %add3A_2516 = arith.addi %mul3A_2194, %add3A_2515 : i32
      %get3A_2517 = arith.index_cast %add3A_2394 : i32 to index
      %get3A_2518 = arith.index_cast %add3A_2516 : i32 to index
      %get3A_2519 = tpu.vector_load %arg5[%get3A_2517, %get3A_2518] {strides = array<i32>} : memref<26x512xi32, #tpu.memory_space<vmem>>, vector<16xi32>,
      %add3A_2520 = arith.constant 100 : i32
      %add3A_2521 = vector.broadcast %add3A_2520 : i32 to vector<16xi32>
      %add3A_2522 = arith.addi %get3A_2519, %add3A_2521 : vector<16xi32>
      %add3A_2523 = arith.constant 128 : i32
      %add3A_2524 = vector.broadcast %add3A_2523 : i32 to vector<16xi32>
      %add3A_2525 = arith.addi %add3A_2524, %iota3A : vector<16xi32>
      %get3A_2526 = arith.index_cast %add3A_2394 : i32 to index
      %get3A_2527 = arith.constant 0 : index
      %get3A_2528 = tpu.vector_load %arg6[%get3A_2526, %get3A_2527] {strides = array<i32>} : memref<26x16xi32, #tpu.memory_space<vmem>>, vector<16xi32>,
      %lt3A_2529 = arith.cmpi slt, %get3A_2519, %get3A_2528 : vector<16xi32>
      tpu.vector_store_idx %arg8[%add3A_2522, %add3A_2525], %broadcast_in_dim3A_5 masked %lt3A_2529 : memref<200x256xf32, #tpu.memory_space<vmem>>[vector<16xi32>, vector<16xi32>], vector<16xf32>, vector<16xi1>
      %add3A_2530 = arith.constant 144 : i32
      %add3A_2531 = arith.addi %mul3A_2194, %add3A_2530 : i32
      %get3A_2532 = arith.index_cast %add3A_2394 : i32 to index
      %get3A_2533 = arith.index_cast %add3A_2531 : i32 to index
      %get3A_2534 = tpu.vector_load %arg5[%get3A_2532, %get3A_2533] {strides = array<i32>} : memref<26x512xi32, #tpu.memory_space<vmem>>, vector<16xi32>,
      %add3A_2535 = arith.constant 100 : i32
      %add3A_2536 = vector.broadcast %add3A_2535 : i32 to vector<16xi32>
      %add3A_2537 = arith.addi %get3A_2534, %add3A_2536 : vector<16xi32>
      %add3A_2538 = arith.constant 144 : i32
      %add3A_2539 = vector.broadcast %add3A_2538 : i32 to vector<16xi32>
      %add3A_2540 = arith.addi %add3A_2539, %iota3A : vector<16xi32>
      %get3A_2541 = arith.index_cast %add3A_2394 : i32 to index
      %get3A_2542 = arith.constant 0 : index
      %get3A_2543 = tpu.vector_load %arg6[%get3A_2541, %get3A_2542] {strides = array<i32>} : memref<26x16xi32, #tpu.memory_space<vmem>>, vector<16xi32>,
      %lt3A_2544 = arith.cmpi slt, %get3A_2534, %get3A_2543 : vector<16xi32>
      tpu.vector_store_idx %arg8[%add3A_2537, %add3A_2540], %broadcast_in_dim3A_5 masked %lt3A_2544 : memref<200x256xf32, #tpu.memory_space<vmem>>[vector<16xi32>, vector<16xi32>], vector<16xf32>, vector<16xi1>
      %add3A_2545 = arith.constant 160 : i32
      %add3A_2546 = arith.addi %mul3A_2194, %add3A_2545 : i32
      %get3A_2547 = arith.index_cast %add3A_2394 : i32 to index
      %get3A_2548 = arith.index_cast %add3A_2546 : i32 to index
      %get3A_2549 = tpu.vector_load %arg5[%get3A_2547, %get3A_2548] {strides = array<i32>} : memref<26x512xi32, #tpu.memory_space<vmem>>, vector<16xi32>,
      %add3A_2550 = arith.constant 100 : i32
      %add3A_2551 = vector.broadcast %add3A_2550 : i32 to vector<16xi32>
      %add3A_2552 = arith.addi %get3A_2549, %add3A_2551 : vector<16xi32>
      %add3A_2553 = arith.constant 160 : i32
      %add3A_2554 = vector.broadcast %add3A_2553 : i32 to vector<16xi32>
      %add3A_2555 = arith.addi %add3A_2554, %iota3A : vector<16xi32>
      %get3A_2556 = arith.index_cast %add3A_2394 : i32 to index
      %get3A_2557 = arith.constant 0 : index
      %get3A_2558 = tpu.vector_load %arg6[%get3A_2556, %get3A_2557] {strides = array<i32>} : memref<26x16xi32, #tpu.memory_space<vmem>>, vector<16xi32>,
      %lt3A_2559 = arith.cmpi slt, %get3A_2549, %get3A_2558 : vector<16xi32>
      tpu.vector_store_idx %arg8[%add3A_2552, %add3A_2555], %broadcast_in_dim3A_5 masked %lt3A_2559 : memref<200x256xf32, #tpu.memory_space<vmem>>[vector<16xi32>, vector<16xi32>], vector<16xf32>, vector<16xi1>
      %add3A_2560 = arith.constant 176 : i32
      %add3A_2561 = arith.addi %mul3A_2194, %add3A_2560 : i32
      %get3A_2562 = arith.index_cast %add3A_2394 : i32 to index
      %get3A_2563 = arith.index_cast %add3A_2561 : i32 to index
      %get3A_2564 = tpu.vector_load %arg5[%get3A_2562, %get3A_2563] {strides = array<i32>} : memref<26x512xi32, #tpu.memory_space<vmem>>, vector<16xi32>,
      %add3A_2565 = arith.constant 100 : i32
      %add3A_2566 = vector.broadcast %add3A_2565 : i32 to vector<16xi32>
      %add3A_2567 = arith.addi %get3A_2564, %add3A_2566 : vector<16xi32>
      %add3A_2568 = arith.constant 176 : i32
      %add3A_2569 = vector.broadcast %add3A_2568 : i32 to vector<16xi32>
      %add3A_2570 = arith.addi %add3A_2569, %iota3A : vector<16xi32>
      %get3A_2571 = arith.index_cast %add3A_2394 : i32 to index
      %get3A_2572 = arith.constant 0 : index
      %get3A_2573 = tpu.vector_load %arg6[%get3A_2571, %get3A_2572] {strides = array<i32>} : memref<26x16xi32, #tpu.memory_space<vmem>>, vector<16xi32>,
      %lt3A_2574 = arith.cmpi slt, %get3A_2564, %get3A_2573 : vector<16xi32>
      tpu.vector_store_idx %arg8[%add3A_2567, %add3A_2570], %broadcast_in_dim3A_5 masked %lt3A_2574 : memref<200x256xf32, #tpu.memory_space<vmem>>[vector<16xi32>, vector<16xi32>], vector<16xf32>, vector<16xi1>
      %add3A_2575 = arith.constant 192 : i32
      %add3A_2576 = arith.addi %mul3A_2194, %add3A_2575 : i32
      %get3A_2577 = arith.index_cast %add3A_2394 : i32 to index
      %get3A_2578 = arith.index_cast %add3A_2576 : i32 to index
      %get3A_2579 = tpu.vector_load %arg5[%get3A_2577, %get3A_2578] {strides = array<i32>} : memref<26x512xi32, #tpu.memory_space<vmem>>, vector<16xi32>,
      %add3A_2580 = arith.constant 100 : i32
      %add3A_2581 = vector.broadcast %add3A_2580 : i32 to vector<16xi32>
      %add3A_2582 = arith.addi %get3A_2579, %add3A_2581 : vector<16xi32>
      %add3A_2583 = arith.constant 192 : i32
      %add3A_2584 = vector.broadcast %add3A_2583 : i32 to vector<16xi32>
      %add3A_2585 = arith.addi %add3A_2584, %iota3A : vector<16xi32>
      %get3A_2586 = arith.index_cast %add3A_2394 : i32 to index
      %get3A_2587 = arith.constant 0 : index
      %get3A_2588 = tpu.vector_load %arg6[%get3A_2586, %get3A_2587] {strides = array<i32>} : memref<26x16xi32, #tpu.memory_space<vmem>>, vector<16xi32>,
      %lt3A_2589 = arith.cmpi slt, %get3A_2579, %get3A_2588 : vector<16xi32>
      tpu.vector_store_idx %arg8[%add3A_2582, %add3A_2585], %broadcast_in_dim3A_5 masked %lt3A_2589 : memref<200x256xf32, #tpu.memory_space<vmem>>[vector<16xi32>, vector<16xi32>], vector<16xf32>, vector<16xi1>
      %add3A_2590 = arith.constant 208 : i32
      %add3A_2591 = arith.addi %mul3A_2194, %add3A_2590 : i32
      %get3A_2592 = arith.index_cast %add3A_2394 : i32 to index
      %get3A_2593 = arith.index_cast %add3A_2591 : i32 to index
      %get3A_2594 = tpu.vector_load %arg5[%get3A_2592, %get3A_2593] {strides = array<i32>} : memref<26x512xi32, #tpu.memory_space<vmem>>, vector<16xi32>,
      %add3A_2595 = arith.constant 100 : i32
      %add3A_2596 = vector.broadcast %add3A_2595 : i32 to vector<16xi32>
      %add3A_2597 = arith.addi %get3A_2594, %add3A_2596 : vector<16xi32>
      %add3A_2598 = arith.constant 208 : i32
      %add3A_2599 = vector.broadcast %add3A_2598 : i32 to vector<16xi32>
      %add3A_2600 = arith.addi %add3A_2599, %iota3A : vector<16xi32>
      %get3A_2601 = arith.index_cast %add3A_2394 : i32 to index
      %get3A_2602 = arith.constant 0 : index
      %get3A_2603 = tpu.vector_load %arg6[%get3A_2601, %get3A_2602] {strides = array<i32>} : memref<26x16xi32, #tpu.memory_space<vmem>>, vector<16xi32>,
      %lt3A_2604 = arith.cmpi slt, %get3A_2594, %get3A_2603 : vector<16xi32>
      tpu.vector_store_idx %arg8[%add3A_2597, %add3A_2600], %broadcast_in_dim3A_5 masked %lt3A_2604 : memref<200x256xf32, #tpu.memory_space<vmem>>[vector<16xi32>, vector<16xi32>], vector<16xf32>, vector<16xi1>
      %add3A_2605 = arith.constant 224 : i32
      %add3A_2606 = arith.addi %mul3A_2194, %add3A_2605 : i32
      %get3A_2607 = arith.index_cast %add3A_2394 : i32 to index
      %get3A_2608 = arith.index_cast %add3A_2606 : i32 to index
      %get3A_2609 = tpu.vector_load %arg5[%get3A_2607, %get3A_2608] {strides = array<i32>} : memref<26x512xi32, #tpu.memory_space<vmem>>, vector<16xi32>,
      %add3A_2610 = arith.constant 100 : i32
      %add3A_2611 = vector.broadcast %add3A_2610 : i32 to vector<16xi32>
      %add3A_2612 = arith.addi %get3A_2609, %add3A_2611 : vector<16xi32>
      %add3A_2613 = arith.constant 224 : i32
      %add3A_2614 = vector.broadcast %add3A_2613 : i32 to vector<16xi32>
      %add3A_2615 = arith.addi %add3A_2614, %iota3A : vector<16xi32>
      %get3A_2616 = arith.index_cast %add3A_2394 : i32 to index
      %get3A_2617 = arith.constant 0 : index
      %get3A_2618 = tpu.vector_load %arg6[%get3A_2616, %get3A_2617] {strides = array<i32>} : memref<26x16xi32, #tpu.memory_space<vmem>>, vector<16xi32>,
      %lt3A_2619 = arith.cmpi slt, %get3A_2609, %get3A_2618 : vector<16xi32>
      tpu.vector_store_idx %arg8[%add3A_2612, %add3A_2615], %broadcast_in_dim3A_5 masked %lt3A_2619 : memref<200x256xf32, #tpu.memory_space<vmem>>[vector<16xi32>, vector<16xi32>], vector<16xf32>, vector<16xi1>
      %add3A_2620 = arith.constant 240 : i32
      %add3A_2621 = arith.addi %mul3A_2194, %add3A_2620 : i32
      %get3A_2622 = arith.index_cast %add3A_2394 : i32 to index
      %get3A_2623 = arith.index_cast %add3A_2621 : i32 to index
      %get3A_2624 = tpu.vector_load %arg5[%get3A_2622, %get3A_2623] {strides = array<i32>} : memref<26x512xi32, #tpu.memory_space<vmem>>, vector<16xi32>,
      %add3A_2625 = arith.constant 100 : i32
      %add3A_2626 = vector.broadcast %add3A_2625 : i32 to vector<16xi32>
      %add3A_2627 = arith.addi %get3A_2624, %add3A_2626 : vector<16xi32>
      %add3A_2628 = arith.constant 240 : i32
      %add3A_2629 = vector.broadcast %add3A_2628 : i32 to vector<16xi32>
      %add3A_2630 = arith.addi %add3A_2629, %iota3A : vector<16xi32>
      %get3A_2631 = arith.index_cast %add3A_2394 : i32 to index
      %get3A_2632 = arith.constant 0 : index
      %get3A_2633 = tpu.vector_load %arg6[%get3A_2631, %get3A_2632] {strides = array<i32>} : memref<26x16xi32, #tpu.memory_space<vmem>>, vector<16xi32>,
      %lt3A_2634 = arith.cmpi slt, %get3A_2624, %get3A_2633 : vector<16xi32>
      tpu.vector_store_idx %arg8[%add3A_2627, %add3A_2630], %broadcast_in_dim3A_5 masked %lt3A_2634 : memref<200x256xf32, #tpu.memory_space<vmem>>[vector<16xi32>, vector<16xi32>], vector<16xf32>, vector<16xi1>
      %jit3A_2635 = arith.constant 2 : i32
      %div3A_2636 = arith.divsi %add3A_1792, %jit3A_2635 : i32
      %sign3A_2637 = arith.constant 0 : i32
      %sign3A_2638 = arith.cmpi sgt, %add3A_1792, %sign3A_2637 : i32
      %sign3A_2639 = arith.extui %sign3A_2638 : i1 to i32
      %sign3A_2640 = arith.constant 0 : i32
      %sign3A_2641 = arith.cmpi slt, %add3A_1792, %sign3A_2640 : i32
      %sign3A_2642 = arith.extui %sign3A_2641 : i1 to i32
      %sign3A_2643 = arith.subi %sign3A_2639, %sign3A_2642 : i32
      %sign3A_2644 = arith.constant 0 : i32
      %sign3A_2645 = arith.cmpi sgt, %jit3A_2635, %sign3A_2644 : i32
      %sign3A_2646 = arith.extui %sign3A_2645 : i1 to i32
      %sign3A_2647 = arith.constant 0 : i32
      %sign3A_2648 = arith.cmpi slt, %jit3A_2635, %sign3A_2647 : i32
      %sign3A_2649 = arith.extui %sign3A_2648 : i1 to i32
      %sign3A_2650 = arith.subi %sign3A_2646, %sign3A_2649 : i32
      %ne3A_2651 = arith.cmpi ne, %sign3A_2643, %sign3A_2650 : i32
      %rem3A_2652 = arith.remsi %add3A_1792, %jit3A_2635 : i32
      %ne3A_2653 = arith.constant 0 : i32
      %ne3A_2654 = arith.cmpi ne, %rem3A_2652, %ne3A_2653 : i32
      %and3A_2655 = arith.andi %ne3A_2651, %ne3A_2654 : i1
      %sub3A_2656 = arith.constant 1 : i32
      %sub3A_2657 = arith.subi %div3A_2636, %sub3A_2656 : i32
      %select_n3A_2658 = arith.select %and3A_2655, %sub3A_2657, %div3A_2636 : i32
      %mul3A_2659 = arith.constant 200 : i32
      %mul3A_2660 = arith.muli %select_n3A_2658, %mul3A_2659 : i32
      %multiple_of3A_2661 = tpu.assume_multiple %mul3A_2660, 8 : i32
      %jit3A_2662 = arith.constant 2 : i32
      %eq3A_2663 = arith.constant 0 : i32
      %eq3A_2664 = arith.cmpi eq, %jit3A_2662, %eq3A_2663 : i32
      %jit3A_2665 = arith.constant 1 : i32
      %select_n3A_2666 = arith.select %eq3A_2664, %jit3A_2665, %jit3A_2662 : i32
      %rem3A_2667 = arith.remsi %add3A_1792, %select_n3A_2666 : i32
      %ne3A_2668 = arith.constant 0 : i32
      %ne3A_2669 = arith.cmpi ne, %rem3A_2667, %ne3A_2668 : i32
      %lt3A_2670 = arith.constant 0 : i32
      %lt3A_2671 = arith.cmpi slt, %rem3A_2667, %lt3A_2670 : i32
      %lt3A_2672 = arith.constant 0 : i32
      %lt3A_2673 = arith.cmpi slt, %select_n3A_2666, %lt3A_2672 : i32
      %ne3A_2674 = arith.xori %lt3A_2671, %lt3A_2673 : i1
      %and3A_2675 = arith.andi %ne3A_2674, %ne3A_2669 : i1
      %add3A_2676 = arith.addi %rem3A_2667, %select_n3A_2666 : i32
      %select_n3A_2677 = arith.select %and3A_2675, %add3A_2676, %rem3A_2667 : i32
      %mul3A_2678 = arith.constant 256 : i32
      %mul3A_2679 = arith.muli %select_n3A_2677, %mul3A_2678 : i32
      %add3A_2680 = arith.addi %multiple_of3A, %mul3A_2679 : i32
      %multiple_of3A_2681 = tpu.assume_multiple %add3A_2680, 256 : i32
      %dma_start3A_2682 = tpu.memref_slice %arg4[%multiple_of3A_2661, %multiple_of3A_2681] : memref<2600x16384xf32, #tpu.memory_space<hbm>> -> memref<200x256xf32, #tpu.memory_space<hbm>>
      %dma_start3A_2683 = tpu.memref_slice %arg4[%multiple_of3A_2661, %multiple_of3A_2681] : memref<2600x16384xf32, #tpu.memory_space<hbm>> -> memref<200x256xf32, #tpu.memory_space<hbm>>
      tpu.enqueue_dma source(%arg8 : memref<200x256xf32, #tpu.memory_space<vmem>>) target(%dma_start3A_2683 : memref<200x256xf32, #tpu.memory_space<hbm>>) target_semaphore(%arg10 : memref<!tpu.dma_semaphore, #tpu.memory_space<semaphore_mem>>)
      %scan3A_2684 = arith.constant 0 : i32
      scf.yield %scan3A_2684 : i32
    }
    %scan3A_893 = arith.constant 12 : i32
    %dma_wait3A = arith.constant 0 : i32
    %dma_wait3A_894 = tpu.memref_slice %arg4[%dma_wait3A, %multiple_of3A] : memref<2600x16384xf32, #tpu.memory_space<hbm>> -> memref<200x256xf32, #tpu.memory_space<hbm>>
    %dma_wait3A_895 = arith.constant 0 : i32
    %dma_wait3A_896 = tpu.memref_slice %arg4[%dma_wait3A_895, %multiple_of3A] : memref<2600x16384xf32, #tpu.memory_space<hbm>> -> memref<200x256xf32, #tpu.memory_space<hbm>>
    tpu.wait_dma2 semaphore(%arg9 : memref<!tpu.dma_semaphore, #tpu.memory_space<semaphore_mem>>) src(%arg7 : memref<200x256xf32, #tpu.memory_space<vmem>>) dst(%dma_wait3A_896 : memref<200x256xf32, #tpu.memory_space<hbm>>)
    %dma_wait3A_897 = arith.constant 0 : i32
    %dma_wait3A_898 = tpu.memref_slice %arg4[%dma_wait3A_897, %multiple_of3A] : memref<2600x16384xf32, #tpu.memory_space<hbm>> -> memref<200x256xf32, #tpu.memory_space<hbm>>
    %dma_wait3A_899 = arith.constant 0 : i32
    %dma_wait3A_900 = tpu.memref_slice %arg4[%dma_wait3A_899, %multiple_of3A] : memref<2600x16384xf32, #tpu.memory_space<hbm>> -> memref<200x256xf32, #tpu.memory_space<hbm>>
    tpu.wait_dma2 semaphore(%arg10 : memref<!tpu.dma_semaphore, #tpu.memory_space<semaphore_mem>>) src(%arg8 : memref<200x256xf32, #tpu.memory_space<vmem>>) dst(%dma_wait3A_900 : memref<200x256xf32, #tpu.memory_space<hbm>>)
    return
  }
}

</mosaic_0001>

<sc_bundles>
// kernel: _onehot_sc.3.cloned.1.call-start
scs
__scs_entry_jumppad:
0x0: {  	(pc) =	sbr.rel $0x88, $3  }
0x1: {  	(tag) =	ssettag $0x0;
	lr =	simm.s32 $0x1  }
0x2: {  	[smem:$0x3F9F] =	sst lr;
	_ =	strace $0xD0000000  }
0x3: {  	_ = 	snop  }
0x4: {  	_ = 	snop  }
0x5: {  	_ = 	snop  }
0x6: {  	_ = 	snop  }
0x7: {  	_ = 	snop  }
__scs_overlays_trampoline_lowered:
0x8: {  	[smem:$0x3FAE] =	sst s0  }
0x9: {  	[smem:$0x3FAF] =	sst s1  }
0xa: {  	[smem:$0x3FB0] =	sst s2  }
0xb: {  	[smem:$0x3FB1] =	sst s3  }
0xc: {  	[smem:$0x3FB2] =	sst s4  }
0xd: {  	[smem:$0x3FB3] =	sst s5  }
0xe: {  	[smem:$0x3FB4] =	sst s6  }
0xf: {  	[smem:$0x3FB5] =	sst s7  }
0x10: {  	[smem:$0x3FB6] =	sst s8  }
0x11: {  	[smem:$0x3FB7] =	sst s9;
	s0 =	simm.s32 @!p0 $0x0  }
0x12: {  	s1 =	sld [smem:$0x3F9D];
	s0 =	simm.s32 @p0 $0x1  }
0x13: {  	[smem:$0x3FB8] =	sst s0;
	s0 =	simm.s32 @!p1 $0x0  }
0x14: {  	s2 =	sld [smem:$0x3F9C];
	s0 =	simm.s32 @p1 $0x1  }
0x15: {  	[smem:$0x3FB9] =	sst s0;
	s0 =	simm.s32 @!p2 $0x0  }
0x16: {  	s3 =	sld [smem:$0x3FDB];
	s0 =	simm.s32 @p2 $0x1  }
0x17: {  	s4 =	simm.s32 $0x1BF5;
	[smem:$0x3FBB] =	sst s0  }
0x18: {  	s0 =	sld [smem:$0x3F9E];
	_ =	swait.ge [sflag:s4], $0x0  }
0x19: {  	s7 =	sld [smem:$0x3F9F]  }
0x1a: {  	s8 =	sadd.s32 $0xFFFFE003, lr  }
0x1b: {  	s9 =	sadd.s32 $0xFFFFFEF7, lr;
	s5 =	simm.s32 $0xFFFFFFFF;
	p2 =	slt.u32 s8, $0xFFFFF086  }
0x1c: {  	p1 =	slt.u32 s9, $0xF7A;
	s5 =	simm.s32 @!p2 $0x0  }
0x1d: {  	s5 =	simm.s32 @p1 $0x1;
	p0 =	seq.s32 s7, s2  }
0x1e: {  	s7 =	smul.u32 @!p0 $0xF7A, s2;
	p2 =	seq.s32 @!p0 s5, $0x0  }
0x1f: {  	s9 =	smul.u32 $0xF7A, s1;
	s8 =	simm.s32 @!p0 $0x1BF5;
	p2 =	por !p2, p0  }
0x20: {  	[sflag:s8] =	ssyncset.s32 @!p0 $0xFFFFF086;
	s6 =	sadd.s32 @!p0 s3, s7;
	s7 =	simm.s32 @!p0 $0x108  }
0x21: {  	s3 =	sadd.s32 s3, s9;
	s6 =	sadd.s32 @!p0 $0x88, s6;
	s7 =	simm.s32 @p2 $0x1082  }
0x22: {  	[simem:s7], [sflag:s8] =	dma.local @!p0 [hbm:s6], $0xF7A  }
0x23: {  	s9 =	sor.u32 $0xD0000000, s2;
	s6 =	simm.s32 $0x108;
	_ =	swait.ge @!p0 [sflag:s8], $0x0  }
0x24: {  	s3 =	sadd.s32 $0x88, s3;
	s6 =	simm.s32 @!p1 $0x1082;
	[sflag:s4] =	ssyncset.s32 $0xFFFFF086  }
0x25: {  	[simem:s6], [sflag:s4] =	dma.local [hbm:s3], $0xF7A  }
0x26: {  	[smem:$0x3F9F] =	sst s1;
	(tag) =	ssettag s2;
	_ =	strace s9  }
0x27: {  	s1 =	sld [smem:$0x3FAF]  }
0x28: {  	s2 =	sld [smem:$0x3FB0]  }
0x29: {  	s4 =	sld [smem:$0x3FB2]  }
0x2a: {  	p0 =	seq.s32 s5, $0x0;
	s5 =	sld [smem:$0x3FB3]  }
0x2b: {  	s6 =	sld [smem:$0x3FB4]  }
0x2c: {  	s7 =	sld [smem:$0x3FB5]  }
0x2d: {  	s3 =	simm.s32 $0x108;
	s8 =	sld [smem:$0x3FB6]  }
0x2e: {  	s3 =	simm.s32 @!p0 $0x1082;
	s9 =	sld [smem:$0x3FB7]  }
0x2f: {  	lr =	sadd.s32 s0, s3;
	s0 =	sld [smem:$0x3FAE]  }
0x30: {  	s3 =	sld [smem:$0x3FB1]  }
0x31: {  	[smem:$0x3FBA] =	sst s10  }
0x32: {  	s10 =	sld [smem:$0x3FB8];
	_ =	sdelay $0x3  }
0x33: {  	p0 =	seq.s32 s10, $0x1;
	s10 =	sld [smem:$0x3FBA];
	_ =	sdelay $0x3  }
0x34: {  	[smem:$0x3FBA] =	sst s10  }
0x35: {  	s10 =	sld [smem:$0x3FB9];
	_ =	sdelay $0x3  }
0x36: {  	p1 =	seq.s32 s10, $0x1;
	s10 =	sld [smem:$0x3FBA];
	_ =	sdelay $0x3  }
0x37: {  	[smem:$0x3FBA] =	sst s10  }
0x38: {  	s10 =	sld [smem:$0x3FBB]  }
0x39: {  	_ = 	snop;
	(pc) =	sbr.ind lr, $3  }
0x3a: {  	_ = 	snop  }
0x3b: {  	_ = 	snop  }
0x3c: {  	p2 =	seq.s32 s10, $0x1;
	s10 =	sld [smem:$0x3FBA]  }
0x3d: {  	_ =	shalt  }
0x3e: {  	_ =	shalt  }
0x3f: {  	_ =	shalt  }
0x40: {  	_ =	shalt  }
0x41: {  	_ =	shalt  }
0x42: {  	_ =	shalt  }
0x43: {  	_ =	shalt  }
0x44: {  	_ =	shalt  }
0x45: {  	_ =	shalt  }
0x46: {  	_ =	shalt  }
0x47: {  	_ =	shalt  }
0x48: {  	_ =	shalt  }
0x49: {  	_ =	shalt  }
0x4a: {  	_ =	shalt  }
0x4b: {  	_ =	shalt  }
0x4c: {  	_ =	shalt  }
0x4d: {  	_ =	shalt  }
0x4e: {  	_ =	shalt  }
0x4f: {  	_ =	shalt  }
0x50: {  	_ =	shalt  }
0x51: {  	_ =	shalt  }
0x52: {  	_ =	shalt  }
0x53: {  	_ =	shalt  }
0x54: {  	_ =	shalt  }
0x55: {  	_ =	shalt  }
0x56: {  	_ =	shalt  }
0x57: {  	_ =	shalt  }
0x58: {  	_ =	shalt  }
0x59: {  	_ =	shalt  }
0x5a: {  	_ =	shalt  }
0x5b: {  	_ =	shalt  }
0x5c: {  	_ =	shalt  }
0x5d: {  	_ =	shalt  }
0x5e: {  	_ =	shalt  }
0x5f: {  	_ =	shalt  }
0x60: {  	_ =	shalt  }
0x61: {  	_ =	shalt  }
0x62: {  	_ =	shalt  }
0x63: {  	_ =	shalt  }
0x64: {  	_ =	shalt  }
0x65: {  	_ =	shalt  }
0x66: {  	_ =	shalt  }
0x67: {  	_ =	shalt  }
0x68: {  	_ =	shalt  }
0x69: {  	_ =	shalt  }
0x6a: {  	_ =	shalt  }
0x6b: {  	_ =	shalt  }
0x6c: {  	_ =	shalt  }
0x6d: {  	_ =	shalt  }
0x6e: {  	_ =	shalt  }
0x6f: {  	_ =	shalt  }
0x70: {  	_ =	shalt  }
0x71: {  	_ =	shalt  }
0x72: {  	_ =	shalt  }
0x73: {  	_ =	shalt  }
0x74: {  	_ =	shalt  }
0x75: {  	_ =	shalt  }
0x76: {  	_ =	shalt  }
0x77: {  	_ =	shalt  }
0x78: {  	_ =	shalt  }
0x79: {  	_ =	shalt  }
0x7a: {  	_ =	shalt  }
0x7b: {  	_ =	shalt  }
0x7c: {  	_ =	shalt  }
0x7d: {  	_ =	shalt  }
0x7e: {  	_ =	shalt  }
0x7f: {  	_ =	shalt  }
0x80: {  	_ =	shalt  }
0x81: {  	_ =	shalt  }
0x82: {  	_ =	shalt  }
0x83: {  	_ =	shalt  }
0x84: {  	_ =	shalt  }
0x85: {  	_ =	shalt  }
0x86: {  	_ =	shalt  }
0x87: {  	_ =	shalt  }
.Lfunc_end0:
.L_simem_size_0:
called_computation_lowered:
.L_overlay_start_0:
0x88: {  	s2 =	sld [smem:$0x3FD9]  }
0x89: {  	s3 =	sld [smem:$0x3FFE];
	_ =	sdelay $0x1  }
0x8a: {  	s1 =	srdreg.scid  }
0x8b: {  	s0 =	sand.u32 $0x1, s1  }
0x8c: {  	s17 =	sshll.u32 s0, $0xA;
	s2 =	sadd.s32 s3, s2  }
0x8d: {  	s2 =	sadd.s32 s2, s17  }
0x8e: {  	[smem:$0x3FC6] =	sst s2  }
0x8f: {  	_ = 	snop  }
0x90: {  	s2 =	sld [smem:$0x3FC9]  }
0x91: {  	s18 =	sld [smem:$0x3FD0];
	(tm) =	ssettm $0x1  }
0x92: {  	s4 =	sld [smem:$0x3FFB];
	_ =	sdelay $0x3  }
0x93: {  	_ =	strace s4  }
0x94: {  	s4 =	sld [smem:$0x3FFC];
	_ =	sdelay $0x3  }
0x95: {  	_ =	strace s4  }
0x96: {  	s4 =	sld [smem:$0x3FFD];
	_ =	sdelay $0x3  }
0x97: {  	_ =	strace s4  }
0x98: {  	_ =	strace $0x8FFFFFFF  }
0x99: {  	s19 =	sld [smem:$0x3FDB];
	_ =	sdelay $0x1  }
0x9a: {  	s5 =	simm.s32 $_scs_section_size  }
0x9b: {  	s6 =	simm.s32 $_size__tile_overlayer_lowered;
	s7 =	simm.s32 $_tile_overlayer_lowered  }
0x9c: {  	s22 =	simm.s32 $0x1BFF;
	s21 =	sshll.u32 s7, $0x1;
	s4 =	sadd.s32 s5, s19  }
0x9d: {  	s8 =	simm.s32 $0x0;
	s20 =	sshll.u32 s6, $0x1;
	s6 =	sadd.s32 s21, s4  }
0x9e: {  	[timem:s8], [sflag:s22] =	dma.local [hbm:s6], s20  }
0x9f: {  	_ =	swait.ge [sflag:s22], s20  }
0xa0: {  	s5 =	ssub.s32 $0x0, s20;
	[sflag:s22] =	ssyncset.done $0x0  }
0xa1: {  	[sflag:s22] =	ssyncadd.s32 s5;
	_ =	sdelay $0x1  }
0xa2: {  	s23 =	simm.s32 $0x1B8B  }
0xa3: {  	_ =	swait.ge [sflag:s23], $0x1  }
0xa4: {  	[sflag:s23] =	ssyncset.done $0x0  }
0xa5: {  	s25 =	simm.s32 $0x1B8E;
	s24 =	sld [smem:$0x3FFE];
	[sflag:s23] =	ssyncadd.s32 $0xFFFFFFFF  }
0xa6: {  	s26 =	simm.s32 $execute0_lowered;
	[smem:$0x3FD2] =	sst s25  }
0xa7: {  	s6 =	sshll.u32 s26, $0x1;
	_ =	strace $0x80000046;
	[dreg:$0x1] =	wrdreg $0xFFFFFFFF  }
0xa8: {  	s28 =	simm.s32 $_size_execute0_lowered;
	s4 =	sadd.s32 s4, s6;
	[dreg:$0x0] =	wrdreg $0x0  }
0xa9: {  	s6 =	sshll.u32 s28, $0x1;
	[dreg:$0x2] =	wrdreg s4  }
0xaa: {  	[dreg:$0x3] =	wrdreg s6  }
0xab: {  	[dreg:$0x4] =	wrdreg $0xC0  }
0xac: {  	_ =	task [dreg:s8], $0x5FFFF  }
0xad: {  	[dreg:$0x1] =	wrdreg $0xFFFFFFFF  }
0xae: {  	[dreg:$0x0] =	wrdreg $0x60  }
0xaf: {  	[dreg:$0x2] =	wrdreg s2  }
0xb0: {  	[dreg:$0x3] =	wrdreg s24  }
0xb1: {  	[dreg:$0x4] =	wrdreg s18  }
0xb2: {  	[dreg:$0x5] =	wrdreg $0x9  }
0xb3: {  	_ =	task.clear_ibuf [dreg:s8], $0x6FFFF;
	_ =	strace $0x90000046  }
0xb4: {  	s29 =	simm.s32 $0x9;
	_ =	strace $0x80000048  }
0xb5: {  	_ =	swait.ge [sflag:s29], $0x1  }
0xb6: {  	[sflag:s29] =	ssyncadd.s32 $0xFFFFFFFF  }
0xb7: {  	_ =	strace $0x90000048  }
0xb8: {  	_ =	sfence  }
0xb9: {  	s30 =	sld [smem:$0x0];
	_ =	sdelay $0x2  }
0xba: {  	s31 =	sshll.u32 s1, $0xD;
	s1 =	sshrl.u32 s1, $0x2  }
0xbb: {  	s3 =	sand.u32 $0x4000, s31;
	s1 =	sadd.s32 s1, s30  }
0xbc: {  	s0 =	sor.u32 s3, s0;
	s1 =	sshll.u32 s1, $0x11  }
0xbd: {  	s0 =	sor.u32 s1, s0  }
0xbe: {  	s0 =	sadd.s32 $0x8F2B, s0  }
0xbf: {  	[sflag:s0] =	ssyncadd.remote.s32 $0x1  }
0xc0: {  	_ =	sfence.sel $0xFFFF  }
0xc1: {  	[dreg:$0x0] =	wrdreg $0xFFFFFFFF;
	(pc) =	sbr.abs _section_cstart, $3  }
0xc2: {  	[dreg:$0x1] =	wrdreg $0xFFFFFFFF  }
0xc3: {  	_ =	task.clear_ibuf [dreg:s8], $0x2FFFF;
	_ =	strace $0x9FFFFFFF  }
0xc4: {  	(tm) =	ssettm $0x7FFFFFFF  }
0xc5: {  	_ =	shalt  }
tec
execute0_lowered:
.L_overlay_start_1:
0x0: {  	(tag) =	ssettag $0x1  }
0x1: {  	s0 =	rddreg [dreg:$0x0]  }
0x2: {  	s2 =	rddreg [dreg:$0x1]  }
0x3: {  	s8 =	rddreg [dreg:$0x2];
	s1 =	simm.s32 $0x0;
	s3 =	srdreg.scid  }
0x4: {  	s25 =	stileid.u32;
	s11 =	simm.s32 $0x20000;
	s12 =	simm.s32 $0x3  }
0x5: {  	s14 =	simm.s32 $0x5000;
	s15 =	simm.s32 $0x800;
	s16 =	simm.s32 $0x11800  }
0x6: {  	s17 =	simm.s32 $0x1;
	s18 =	simm.s32 $0x2;
	s19 =	simm.s32 $0x0  }
0x7: {  	[smem:$0x7FF] =	sst s1;
	s4 =	sand.u32 $0x1, s3;
	s2 =	sadd.s32 $0x400, s2  }
0x8: {  	s7 =	sshll.u32 s25, $0xA;
	s6 =	sshll.u32 s25, $0xD;
	_ =	strace $0x80000047  }
0x9: {  	v0 =	vimm.f32 $0.0e+00;
	v1 =	vlaneseq.u32;
	v2 =	vimm.f32 $1.000000000e+00;
	s5 =	ssub.s32 $0x2, s4;
	[dreg:$0x4] =	wrdreg s2;
	s9 =	sshll.u32 s4, $0x9  }
0xa: {  	v3 =	vor.u32 $0x10, v1;
	v4 =	vor.u32 $0x20, v1;
	v5 =	vor.u32 $0x30, v1;
	s10 =	sshll.u32 s4, $0xC;
	s30 =	sadd.s32 s7, s8;
	s26 =	sshrl.u32 s5, $0x1  }
0xb: {  	v6 =	vor.u32 $0x40, v1;
	v7 =	vor.u32 $0x50, v1;
	v8 =	vor.u32 $0x60, v1;
	s28 =	sor.u32 s9, s7;
	s29 =	sor.u32 s10, s6;
	s31 =	sadd.s32 s9, s30  }
0xc: {  	v9 =	vor.u32 $0x70, v1;
	v10 =	vor.u32 $0x400, v1;
	v11 =	vor.u32 $0x410, v1;
	s2 =	ssub.s32 s5, s26;
	s4 =	sadd.s32 s0, s28;
	s0 =	sor.u32 $0x320800, s29  }
0xd: {  	v12 =	vor.u32 $0x420, v1;
	v13 =	vor.u32 $0x430, v1;
	v14 =	vor.u32 $0x440, v1;
	s5 =	sadd.s32 s8, s28;
	s9 =	sadd.s32 $0x64000, s31;
	s0 =	sshrl.u32 s0, $0x3  }
0xe: {  	v15 =	vor.u32 $0x450, v1;
	v16 =	vor.u32 $0x460, v1;
	v17 =	vor.u32 $0x470, v1;
	s6 =	sadd.s32 $0x100, s5;
	s7 =	smax.u32 s2, $0x1;
	s8 =	sadd.s32 s0, s8  }
.LBB2_1:
0xf: {  	s0 =	simm.s32 $0x1000  }
0x10: {  	[tilespmem:s1], [sflag:$0x3] =	stream.strided.gather [hbm4b:s4+s0], $0x4000, s11, s0, $0x38;
	[tilespmem:$0x1E000] =	vst v63  }
0x11: {  	_ =	swait.ge [sflag:s12], $0x4000  }
0x12: {  	[sflag:s12] =	ssyncset.done $0x0  }
0x13: {  	s2 =	simm.s32 $0x4000;
	s29 =	rddreg [dreg:$0x4];
	[sflag:s12] =	ssyncadd.s32 $0xFFFFC000  }
0x14: {  	[tilespmem:s2], [sflag:$0x3] =	stream.linear.gather [hbm4b:s29+s1], $0xD00, $0x38;
	[tilespmem:$0x1E000] =	vst v63  }
0x15: {  	_ =	swait.ge [sflag:s12], $0xD00  }
0x16: {  	s30 =	sand.u32 $0xF800, s1;
	s31 =	sand.u32 $0x380, s1;
	[sflag:s12] =	ssyncset.done $0x0  }
0x17: {  	s0 =	sor.u32 s31, s30;
	[sflag:s12] =	ssyncadd.s32 $0xFFFFF300  }
0x18: {  	[tilespmem:s0+$0x11C70] =	vst v0  }
0x19: {  	[tilespmem:s0+$0x5000] =	vst v0  }
0x1a: {  	[tilespmem:s0+$0x11800] =	vst v0  }
0x1b: {  	[tilespmem:s0+$0x5010] =	vst v0  }
0x1c: {  	[tilespmem:s0+$0x11810] =	vst v0  }
0x1d: {  	[tilespmem:s0+$0x5020] =	vst v0  }
0x1e: {  	[tilespmem:s0+$0x11820] =	vst v0  }
0x1f: {  	[tilespmem:s0+$0x5030] =	vst v0  }
0x20: {  	[tilespmem:s0+$0x11830] =	vst v0  }
0x21: {  	[tilespmem:s0+$0x5040] =	vst v0  }
0x22: {  	[tilespmem:s0+$0x11840] =	vst v0  }
0x23: {  	[tilespmem:s0+$0x5050] =	vst v0  }
0x24: {  	[tilespmem:s0+$0x11850] =	vst v0  }
0x25: {  	[tilespmem:s0+$0x5060] =	vst v0  }
0x26: {  	[tilespmem:s0+$0x11860] =	vst v0  }
0x27: {  	[tilespmem:s0+$0x5070] =	vst v0  }
0x28: {  	[tilespmem:s0+$0x11870] =	vst v0  }
0x29: {  	[tilespmem:s0+$0x5400] =	vst v0  }
0x2a: {  	[tilespmem:s0+$0x11C00] =	vst v0  }
0x2b: {  	[tilespmem:s0+$0x5410] =	vst v0  }
0x2c: {  	[tilespmem:s0+$0x11C10] =	vst v0  }
0x2d: {  	[tilespmem:s0+$0x5420] =	vst v0  }
0x2e: {  	[tilespmem:s0+$0x11C20] =	vst v0  }
0x2f: {  	[tilespmem:s0+$0x5430] =	vst v0  }
0x30: {  	[tilespmem:s0+$0x11C30] =	vst v0  }
0x31: {  	[tilespmem:s0+$0x5440] =	vst v0  }
0x32: {  	[tilespmem:s0+$0x11C40] =	vst v0  }
0x33: {  	[tilespmem:s0+$0x5450] =	vst v0  }
0x34: {  	[tilespmem:s0+$0x11C50] =	vst v0  }
0x35: {  	s10 =	simm.s32 $0x100;
	s2 =	simm.s32 $0x80;
	[tilespmem:s0+$0x5460] =	vst v0  }
0x36: {  	s13 =	sand.u32 $0xF800, s10;
	s10 =	simm.s32 $0x200;
	s20 =	sand.u32 $0x380, s2;
	[tilespmem:s0+$0x11C60] =	vst v0  }
.LBB2_2:
0x37: {  	p0 =	sne.s32 s10, $0xC700;
	[tilespmem:s0+$0x5470] =	vst v0;
	s0 =	sor.u32 s20, s13  }
0x38: {  	[tilespmem:s0+$0x11C70] =	vst v0  }
0x39: {  	[tilespmem:s0+$0x5000] =	vst v0  }
0x3a: {  	[tilespmem:s0+$0x11800] =	vst v0  }
0x3b: {  	[tilespmem:s0+$0x5010] =	vst v0  }
0x3c: {  	[tilespmem:s0+$0x11810] =	vst v0  }
0x3d: {  	[tilespmem:s0+$0x5020] =	vst v0  }
0x3e: {  	[tilespmem:s0+$0x11820] =	vst v0  }
0x3f: {  	[tilespmem:s0+$0x5030] =	vst v0  }
0x40: {  	[tilespmem:s0+$0x11830] =	vst v0  }
0x41: {  	[tilespmem:s0+$0x5040] =	vst v0  }
0x42: {  	[tilespmem:s0+$0x11840] =	vst v0  }
0x43: {  	[tilespmem:s0+$0x5050] =	vst v0  }
0x44: {  	[tilespmem:s0+$0x11850] =	vst v0  }
0x45: {  	[tilespmem:s0+$0x5060] =	vst v0  }
0x46: {  	[tilespmem:s0+$0x11860] =	vst v0  }
0x47: {  	[tilespmem:s0+$0x5070] =	vst v0  }
0x48: {  	[tilespmem:s0+$0x11870] =	vst v0  }
0x49: {  	[tilespmem:s0+$0x5400] =	vst v0  }
0x4a: {  	[tilespmem:s0+$0x11C00] =	vst v0  }
0x4b: {  	[tilespmem:s0+$0x5410] =	vst v0  }
0x4c: {  	[tilespmem:s0+$0x11C10] =	vst v0  }
0x4d: {  	[tilespmem:s0+$0x5420] =	vst v0  }
0x4e: {  	[tilespmem:s0+$0x11C20] =	vst v0  }
0x4f: {  	[tilespmem:s0+$0x5430] =	vst v0  }
0x50: {  	[tilespmem:s0+$0x11C30] =	vst v0  }
0x51: {  	[tilespmem:s0+$0x5440] =	vst v0  }
.Ltmp0:
0x52: {  	[tilespmem:s0+$0x11C40] =	vst v0;
	(pc) =	sbr.rel @p0 .LBB2_2-.Ltmp0, $4  }
0x53: {  	[tilespmem:s0+$0x5450] =	vst v0  }
0x54: {  	[tilespmem:s0+$0x11C50] =	vst v0  }
0x55: {  	s2 =	sadd.s32 $0x80, s2;
	[tilespmem:s0+$0x5460] =	vst v0  }
0x56: {  	s13 =	sand.u32 $0xF800, s10;
	s10 =	sadd.s32 $0x100, s10;
	s20 =	sand.u32 $0x380, s2;
	[tilespmem:s0+$0x11C60] =	vst v0  }
0x57: {  	s2 =	sor.u32 s20, s13;
	[tilespmem:s0+$0x5470] =	vst v0  }
0x58: {  	[tilespmem:s2+$0x11C70] =	vst v0  }
0x59: {  	[tilespmem:s2+$0x5000] =	vst v0  }
0x5a: {  	[tilespmem:s2+$0x11800] =	vst v0  }
0x5b: {  	[tilespmem:s2+$0x5010] =	vst v0  }
0x5c: {  	[tilespmem:s2+$0x11810] =	vst v0  }
0x5d: {  	[tilespmem:s2+$0x5020] =	vst v0  }
0x5e: {  	[tilespmem:s2+$0x11820] =	vst v0  }
0x5f: {  	[tilespmem:s2+$0x5030] =	vst v0  }
0x60: {  	[tilespmem:s2+$0x11830] =	vst v0  }
0x61: {  	[tilespmem:s2+$0x5040] =	vst v0  }
0x62: {  	[tilespmem:s2+$0x11840] =	vst v0  }
0x63: {  	[tilespmem:s2+$0x5050] =	vst v0  }
0x64: {  	[tilespmem:s2+$0x11850] =	vst v0  }
0x65: {  	[tilespmem:s2+$0x5060] =	vst v0  }
0x66: {  	[tilespmem:s2+$0x11860] =	vst v0  }
0x67: {  	[tilespmem:s2+$0x5070] =	vst v0  }
0x68: {  	[tilespmem:s2+$0x11870] =	vst v0  }
0x69: {  	[tilespmem:s2+$0x5400] =	vst v0  }
0x6a: {  	[tilespmem:s2+$0x11C00] =	vst v0  }
0x6b: {  	[tilespmem:s2+$0x5410] =	vst v0  }
0x6c: {  	[tilespmem:s2+$0x11C10] =	vst v0  }
0x6d: {  	[tilespmem:s2+$0x5420] =	vst v0  }
0x6e: {  	[tilespmem:s2+$0x11C20] =	vst v0  }
0x6f: {  	[tilespmem:s2+$0x5430] =	vst v0  }
0x70: {  	[tilespmem:s2+$0x11C30] =	vst v0  }
0x71: {  	[tilespmem:s2+$0x5440] =	vst v0  }
0x72: {  	[tilespmem:s2+$0x11C40] =	vst v0  }
0x73: {  	[tilespmem:s2+$0x5450] =	vst v0  }
0x74: {  	[tilespmem:s2+$0x11C50] =	vst v0  }
0x75: {  	[tilespmem:s2+$0x5460] =	vst v0  }
0x76: {  	[tilespmem:s2+$0x11C60] =	vst v0  }
0x77: {  	[tilespmem:s2+$0x5470] =	vst v0  }
0x78: {  	v18 =	vld [tilespmem:$0x0];
	_ =	sdelay $0x1  }
0x79: {  	v19 =	vld [tilespmem:$0x4000];
	_ =	sdelay $0x2  }
0x7a: {  	v20 =	vshll.u32 v18, $0x8;
	v21 =	vshll.u32 v18, $0x7  }
0x7b: {  	v20 =	vand.u32 $0xFFFFF800, v20;
	v21 =	vand.u32 $0x380, v21  }
0x7c: {  	vm0 =	vlt.s32 v18, v19;
	v18 =	vor.u32 v20, v21  }
0x7d: {  	v18 =	vor.u32 v1, v18;
	_ =	sdelay $0x4  }
0x7e: {  	[tilespmem:v18+s14+$0x0] =	vst.idx.msk vm0, v2  }
0x7f: {  	v18 =	vld [tilespmem:$0x10];
	_ =	sdelay $0x1  }
0x80: {  	v19 =	vld [tilespmem:$0x4000];
	_ =	sdelay $0x2  }
0x81: {  	v58 =	vshll.u32 v18, $0x8;
	v59 =	vshll.u32 v18, $0x7  }
0x82: {  	v20 =	vand.u32 $0xFFFFF800, v58;
	v21 =	vand.u32 $0x380, v59  }
0x83: {  	vm13 =	vlt.s32 v18, v19;
	v18 =	vor.u32 v20, v21  }
0x84: {  	v18 =	vor.u32 v3, v18;
	_ =	sdelay $0x4  }
0x85: {  	[tilespmem:v18+s14+$0x0] =	vst.idx.msk vm13, v2  }
0x86: {  	v18 =	vld [tilespmem:$0x20];
	_ =	sdelay $0x1  }
0x87: {  	v19 =	vld [tilespmem:$0x4000];
	_ =	sdelay $0x2  }
0x88: {  	v60 =	vshll.u32 v18, $0x8;
	v61 =	vshll.u32 v18, $0x7  }
0x89: {  	v20 =	vand.u32 $0xFFFFF800, v60;
	v21 =	vand.u32 $0x380, v61  }
0x8a: {  	vm14 =	vlt.s32 v18, v19;
	v18 =	vor.u32 v20, v21  }
0x8b: {  	v18 =	vor.u32 v4, v18;
	_ =	sdelay $0x4  }
0x8c: {  	[tilespmem:v18+s14+$0x0] =	vst.idx.msk vm14, v2  }
0x8d: {  	v18 =	vld [tilespmem:$0x30];
	_ =	sdelay $0x1  }
0x8e: {  	v19 =	vld [tilespmem:$0x4000];
	_ =	sdelay $0x2  }
0x8f: {  	v62 =	vshll.u32 v18, $0x8;
	v63 =	vshll.u32 v18, $0x7  }
0x90: {  	v20 =	vand.u32 $0xFFFFF800, v62;
	v21 =	vand.u32 $0x380, v63  }
0x91: {  	vm15 =	vlt.s32 v18, v19;
	v18 =	vor.u32 v20, v21  }
0x92: {  	v18 =	vor.u32 v5, v18;
	_ =	sdelay $0x4  }
0x93: {  	[tilespmem:v18+s14+$0x0] =	vst.idx.msk vm15, v2  }
0x94: {  	v18 =	vld [tilespmem:$0x40];
	_ =	sdelay $0x1  }
0x95: {  	v19 =	vld [tilespmem:$0x4000];
	_ =	sdelay $0x2  }
0x96: {  	v24 =	vshll.u32 v18, $0x8;
	v25 =	vshll.u32 v18, $0x7  }
0x97: {  	v20 =	vand.u32 $0xFFFFF800, v24;
	v21 =	vand.u32 $0x380, v25  }
0x98: {  	vm4 =	vlt.s32 v18, v19;
	v18 =	vor.u32 v20, v21  }
0x99: {  	v18 =	vor.u32 v6, v18;
	_ =	sdelay $0x4  }
0x9a: {  	[tilespmem:v18+s14+$0x0] =	vst.idx.msk vm4, v2  }
0x9b: {  	v18 =	vld [tilespmem:$0x50];
	_ =	sdelay $0x1  }
0x9c: {  	v19 =	vld [tilespmem:$0x4000];
	_ =	sdelay $0x2  }
0x9d: {  	v26 =	vshll.u32 v18, $0x8;
	v27 =	vshll.u32 v18, $0x7  }
0x9e: {  	v20 =	vand.u32 $0xFFFFF800, v26;
	v21 =	vand.u32 $0x380, v27  }
0x9f: {  	vm5 =	vlt.s32 v18, v19;
	v18 =	vor.u32 v20, v21  }
0xa0: {  	v18 =	vor.u32 v7, v18;
	_ =	sdelay $0x4  }
0xa1: {  	[tilespmem:v18+s14+$0x0] =	vst.idx.msk vm5, v2  }
0xa2: {  	v18 =	vld [tilespmem:$0x60];
	_ =	sdelay $0x1  }
0xa3: {  	v19 =	vld [tilespmem:$0x4000];
	_ =	sdelay $0x2  }
0xa4: {  	v28 =	vshll.u32 v18, $0x8;
	v29 =	vshll.u32 v18, $0x7  }
0xa5: {  	v20 =	vand.u32 $0xFFFFF800, v28;
	v21 =	vand.u32 $0x380, v29  }
0xa6: {  	vm6 =	vlt.s32 v18, v19;
	v18 =	vor.u32 v20, v21  }
0xa7: {  	v18 =	vor.u32 v8, v18;
	_ =	sdelay $0x4  }
0xa8: {  	[tilespmem:v18+s14+$0x0] =	vst.idx.msk vm6, v2  }
0xa9: {  	v18 =	vld [tilespmem:$0x70];
	_ =	sdelay $0x1  }
0xaa: {  	v19 =	vld [tilespmem:$0x4000];
	_ =	sdelay $0x2  }
0xab: {  	v30 =	vshll.u32 v18, $0x8;
	v31 =	vshll.u32 v18, $0x7  }
0xac: {  	v20 =	vand.u32 $0xFFFFF800, v30;
	v21 =	vand.u32 $0x380, v31  }
0xad: {  	vm7 =	vlt.s32 v18, v19;
	v18 =	vor.u32 v20, v21  }
0xae: {  	v18 =	vor.u32 v9, v18;
	_ =	sdelay $0x4  }
0xaf: {  	[tilespmem:v18+s14+$0x0] =	vst.idx.msk vm7, v2  }
0xb0: {  	v18 =	vld [tilespmem:$0x400];
	_ =	sdelay $0x1  }
0xb1: {  	v19 =	vld [tilespmem:$0x4000];
	_ =	sdelay $0x2  }
0xb2: {  	v32 =	vshll.u32 v18, $0x8;
	v33 =	vshll.u32 v18, $0x7  }
0xb3: {  	v20 =	vand.u32 $0xFFFFF800, v32;
	v21 =	vand.u32 $0x380, v33  }
0xb4: {  	vm8 =	vlt.s32 v18, v19;
	v18 =	vor.u32 v21, v20  }
0xb5: {  	v18 =	vor.u32 v10, v18;
	_ =	sdelay $0x4  }
0xb6: {  	[tilespmem:v18+s14+$0x0] =	vst.idx.msk vm8, v2  }
0xb7: {  	v18 =	vld [tilespmem:$0x410];
	_ =	sdelay $0x1  }
0xb8: {  	v19 =	vld [tilespmem:$0x4000];
	_ =	sdelay $0x2  }
0xb9: {  	v34 =	vshll.u32 v18, $0x8;
	v35 =	vshll.u32 v18, $0x7  }
0xba: {  	v20 =	vand.u32 $0xFFFFF800, v34;
	v21 =	vand.u32 $0x380, v35  }
0xbb: {  	vm9 =	vlt.s32 v18, v19;
	v18 =	vor.u32 v21, v20  }
0xbc: {  	v18 =	vor.u32 v11, v18;
	_ =	sdelay $0x4  }
0xbd: {  	[tilespmem:v18+s14+$0x0] =	vst.idx.msk vm9, v2  }
0xbe: {  	v18 =	vld [tilespmem:$0x420];
	_ =	sdelay $0x1  }
0xbf: {  	v19 =	vld [tilespmem:$0x4000];
	_ =	sdelay $0x2  }
0xc0: {  	v36 =	vshll.u32 v18, $0x8;
	v37 =	vshll.u32 v18, $0x7  }
0xc1: {  	v20 =	vand.u32 $0xFFFFF800, v36;
	v21 =	vand.u32 $0x380, v37  }
0xc2: {  	vm10 =	vlt.s32 v18, v19;
	v18 =	vor.u32 v21, v20  }
0xc3: {  	v18 =	vor.u32 v12, v18;
	_ =	sdelay $0x4  }
0xc4: {  	[tilespmem:v18+s14+$0x0] =	vst.idx.msk vm10, v2  }
0xc5: {  	v18 =	vld [tilespmem:$0x430];
	_ =	sdelay $0x1  }
0xc6: {  	v19 =	vld [tilespmem:$0x4000];
	_ =	sdelay $0x2  }
0xc7: {  	v38 =	vshll.u32 v18, $0x8;
	v39 =	vshll.u32 v18, $0x7  }
0xc8: {  	v20 =	vand.u32 $0xFFFFF800, v38;
	v21 =	vand.u32 $0x380, v39  }
0xc9: {  	vm11 =	vlt.s32 v18, v19;
	v18 =	vor.u32 v21, v20  }
0xca: {  	v18 =	vor.u32 v13, v18;
	_ =	sdelay $0x4  }
0xcb: {  	[tilespmem:v18+s14+$0x0] =	vst.idx.msk vm11, v2  }
0xcc: {  	v18 =	vld [tilespmem:$0x440];
	_ =	sdelay $0x1  }
0xcd: {  	v19 =	vld [tilespmem:$0x4000];
	_ =	sdelay $0x2  }
0xce: {  	v40 =	vshll.u32 v18, $0x8;
	v41 =	vshll.u32 v18, $0x7  }
0xcf: {  	v20 =	vand.u32 $0xFFFFF800, v40;
	v21 =	vand.u32 $0x380, v41  }
0xd0: {  	vm12 =	vlt.s32 v18, v19;
	v18 =	vor.u32 v21, v20  }
0xd1: {  	v18 =	vor.u32 v14, v18;
	_ =	sdelay $0x4  }
0xd2: {  	[tilespmem:v18+s14+$0x0] =	vst.idx.msk vm12, v2  }
0xd3: {  	v18 =	vld [tilespmem:$0x450];
	_ =	sdelay $0x1  }
0xd4: {  	v19 =	vld [tilespmem:$0x4000];
	_ =	sdelay $0x2  }
0xd5: {  	v42 =	vshll.u32 v18, $0x8;
	v43 =	vshll.u32 v18, $0x7  }
0xd6: {  	v20 =	vand.u32 $0xFFFFF800, v42;
	v21 =	vand.u32 $0x380, v43  }
0xd7: {  	vm13 =	vlt.s32 v18, v19;
	v18 =	vor.u32 v21, v20  }
0xd8: {  	v18 =	vor.u32 v15, v18;
	_ =	sdelay $0x4  }
0xd9: {  	[tilespmem:v18+s14+$0x0] =	vst.idx.msk vm13, v2  }
0xda: {  	v18 =	vld [tilespmem:$0x460];
	_ =	sdelay $0x1  }
0xdb: {  	v19 =	vld [tilespmem:$0x4000];
	_ =	sdelay $0x2  }
0xdc: {  	v44 =	vshll.u32 v18, $0x8;
	v45 =	vshll.u32 v18, $0x7  }
0xdd: {  	v20 =	vand.u32 $0xFFFFF800, v44;
	v21 =	vand.u32 $0x380, v45  }
0xde: {  	vm14 =	vlt.s32 v18, v19;
	v18 =	vor.u32 v21, v20  }
0xdf: {  	v18 =	vor.u32 v16, v18;
	_ =	sdelay $0x4  }
0xe0: {  	[tilespmem:v18+s14+$0x0] =	vst.idx.msk vm14, v2  }
0xe1: {  	v18 =	vld [tilespmem:$0x470];
	_ =	sdelay $0x1  }
0xe2: {  	v19 =	vld [tilespmem:$0x4000];
	_ =	sdelay $0x2  }
0xe3: {  	v46 =	vshll.u32 v18, $0x8;
	v47 =	vshll.u32 v18, $0x7  }
0xe4: {  	v20 =	vand.u32 $0xFFFFF800, v46;
	v21 =	vand.u32 $0x380, v47  }
0xe5: {  	vm15 =	vlt.s32 v18, v19;
	v18 =	vor.u32 v21, v20  }
0xe6: {  	v18 =	vor.u32 v17, v18;
	_ =	sdelay $0x4  }
0xe7: {  	[tilespmem:v18+s14+$0x0] =	vst.idx.msk vm15, v2  }
0xe8: {  	v18 =	vld [tilespmem:$0x80];
	_ =	sdelay $0x2  }
0xe9: {  	v19 =	vld [tilespmem:$0x4080];
	_ =	sdelay $0x1  }
0xea: {  	v48 =	vadd.s32 $0x64, v18  }
0xeb: {  	v49 =	vshll.u32 v48, $0x8;
	v20 =	vshll.u32 v48, $0x7  }
0xec: {  	v21 =	vand.u32 $0xFFFFF800, v49;
	v20 =	vand.u32 $0x380, v20  }
0xed: {  	vm4 =	vlt.s32 v18, v19;
	v18 =	vor.u32 v21, v20  }
0xee: {  	v18 =	vor.u32 v1, v18;
	_ =	sdelay $0x4  }
0xef: {  	[tilespmem:v18+s14+$0x0] =	vst.idx.msk vm4, v2  }
0xf0: {  	v18 =	vld [tilespmem:$0x90];
	_ =	sdelay $0x2  }
0xf1: {  	v19 =	vld [tilespmem:$0x4080];
	_ =	sdelay $0x1  }
0xf2: {  	v50 =	vadd.s32 $0x64, v18  }
0xf3: {  	v51 =	vshll.u32 v50, $0x8;
	v20 =	vshll.u32 v50, $0x7  }
0xf4: {  	v21 =	vand.u32 $0xFFFFF800, v51;
	v20 =	vand.u32 $0x380, v20  }
0xf5: {  	vm5 =	vlt.s32 v18, v19;
	v18 =	vor.u32 v21, v20  }
0xf6: {  	v18 =	vor.u32 v3, v18;
	_ =	sdelay $0x4  }
0xf7: {  	[tilespmem:v18+s14+$0x0] =	vst.idx.msk vm5, v2  }
0xf8: {  	v18 =	vld [tilespmem:$0xA0];
	_ =	sdelay $0x2  }
0xf9: {  	v19 =	vld [tilespmem:$0x4080];
	_ =	sdelay $0x1  }
0xfa: {  	v52 =	vadd.s32 $0x64, v18  }
0xfb: {  	v53 =	vshll.u32 v52, $0x8;
	v20 =	vshll.u32 v52, $0x7  }
0xfc: {  	v21 =	vand.u32 $0xFFFFF800, v53;
	v20 =	vand.u32 $0x380, v20  }
0xfd: {  	vm6 =	vlt.s32 v18, v19;
	v18 =	vor.u32 v21, v20  }
0xfe: {  	v18 =	vor.u32 v4, v18;
	_ =	sdelay $0x4  }
0xff: {  	[tilespmem:v18+s14+$0x0] =	vst.idx.msk vm6, v2  }
0x100: {  	v18 =	vld [tilespmem:$0xB0];
	_ =	sdelay $0x2  }
0x101: {  	v19 =	vld [tilespmem:$0x4080];
	_ =	sdelay $0x1  }
0x102: {  	v54 =	vadd.s32 $0x64, v18  }
0x103: {  	v55 =	vshll.u32 v54, $0x8;
	v20 =	vshll.u32 v54, $0x7  }
0x104: {  	v21 =	vand.u32 $0xFFFFF800, v55;
	v20 =	vand.u32 $0x380, v20  }
0x105: {  	vm7 =	vlt.s32 v18, v19;
	v18 =	vor.u32 v21, v20  }
0x106: {  	v18 =	vor.u32 v5, v18;
	_ =	sdelay $0x4  }
0x107: {  	[tilespmem:v18+s14+$0x0] =	vst.idx.msk vm7, v2  }
0x108: {  	v18 =	vld [tilespmem:$0xC0];
	_ =	sdelay $0x2  }
0x109: {  	v19 =	vld [tilespmem:$0x4080];
	_ =	sdelay $0x1  }
0x10a: {  	v56 =	vadd.s32 $0x64, v18  }
0x10b: {  	v57 =	vshll.u32 v56, $0x8;
	v20 =	vshll.u32 v56, $0x7  }
0x10c: {  	v21 =	vand.u32 $0xFFFFF800, v57;
	v20 =	vand.u32 $0x380, v20  }
0x10d: {  	vm8 =	vlt.s32 v18, v19;
	v18 =	vor.u32 v21, v20  }
0x10e: {  	v18 =	vor.u32 v6, v18;
	_ =	sdelay $0x4  }
0x10f: {  	[tilespmem:v18+s14+$0x0] =	vst.idx.msk vm8, v2  }
0x110: {  	v18 =	vld [tilespmem:$0xD0];
	_ =	sdelay $0x2  }
0x111: {  	v19 =	vld [tilespmem:$0x4080];
	_ =	sdelay $0x1  }
0x112: {  	v58 =	vadd.s32 $0x64, v18  }
0x113: {  	v59 =	vshll.u32 v58, $0x8;
	v20 =	vshll.u32 v58, $0x7  }
0x114: {  	v21 =	vand.u32 $0xFFFFF800, v59;
	v20 =	vand.u32 $0x380, v20  }
0x115: {  	vm9 =	vlt.s32 v18, v19;
	v18 =	vor.u32 v21, v20  }
0x116: {  	v18 =	vor.u32 v7, v18;
	_ =	sdelay $0x4  }
0x117: {  	[tilespmem:v18+s14+$0x0] =	vst.idx.msk vm9, v2  }
0x118: {  	v18 =	vld [tilespmem:$0xE0];
	_ =	sdelay $0x2  }
0x119: {  	v19 =	vld [tilespmem:$0x4080];
	_ =	sdelay $0x1  }
0x11a: {  	v60 =	vadd.s32 $0x64, v18  }
0x11b: {  	v61 =	vshll.u32 v60, $0x8;
	v20 =	vshll.u32 v60, $0x7  }
0x11c: {  	v21 =	vand.u32 $0xFFFFF800, v61;
	v20 =	vand.u32 $0x380, v20  }
0x11d: {  	vm10 =	vlt.s32 v18, v19;
	v18 =	vor.u32 v21, v20  }
0x11e: {  	v18 =	vor.u32 v8, v18;
	_ =	sdelay $0x4  }
0x11f: {  	[tilespmem:v18+s14+$0x0] =	vst.idx.msk vm10, v2  }
0x120: {  	v18 =	vld [tilespmem:$0xF0];
	_ =	sdelay $0x2  }
0x121: {  	v19 =	vld [tilespmem:$0x4080];
	_ =	sdelay $0x1  }
0x122: {  	v62 =	vadd.s32 $0x64, v18  }
0x123: {  	v63 =	vshll.u32 v62, $0x8;
	v20 =	vshll.u32 v62, $0x7  }
0x124: {  	v21 =	vand.u32 $0xFFFFF800, v63;
	v20 =	vand.u32 $0x380, v20  }
0x125: {  	vm11 =	vlt.s32 v18, v19;
	v18 =	vor.u32 v21, v20  }
0x126: {  	v18 =	vor.u32 v9, v18;
	_ =	sdelay $0x4  }
0x127: {  	[tilespmem:v18+s14+$0x0] =	vst.idx.msk vm11, v2  }
0x128: {  	v18 =	vld [tilespmem:$0x480];
	_ =	sdelay $0x2  }
0x129: {  	v19 =	vld [tilespmem:$0x4080];
	_ =	sdelay $0x1  }
0x12a: {  	v24 =	vadd.s32 $0x64, v18  }
0x12b: {  	v25 =	vshll.u32 v24, $0x8;
	v20 =	vshll.u32 v24, $0x7  }
0x12c: {  	v21 =	vand.u32 $0xFFFFF800, v25;
	v20 =	vand.u32 $0x380, v20  }
0x12d: {  	vm12 =	vlt.s32 v18, v19;
	v18 =	vor.u32 v20, v21  }
0x12e: {  	v18 =	vor.u32 v10, v18;
	_ =	sdelay $0x4  }
0x12f: {  	[tilespmem:v18+s14+$0x0] =	vst.idx.msk vm12, v2  }
0x130: {  	v18 =	vld [tilespmem:$0x490];
	_ =	sdelay $0x2  }
0x131: {  	v19 =	vld [tilespmem:$0x4080];
	_ =	sdelay $0x1  }
0x132: {  	v26 =	vadd.s32 $0x64, v18  }
0x133: {  	v27 =	vshll.u32 v26, $0x8;
	v20 =	vshll.u32 v26, $0x7  }
0x134: {  	v21 =	vand.u32 $0xFFFFF800, v27;
	v20 =	vand.u32 $0x380, v20  }
0x135: {  	vm13 =	vlt.s32 v18, v19;
	v18 =	vor.u32 v20, v21  }
0x136: {  	v18 =	vor.u32 v11, v18;
	_ =	sdelay $0x4  }
0x137: {  	[tilespmem:v18+s14+$0x0] =	vst.idx.msk vm13, v2  }
0x138: {  	v18 =	vld [tilespmem:$0x4A0];
	_ =	sdelay $0x2  }
0x139: {  	v19 =	vld [tilespmem:$0x4080];
	_ =	sdelay $0x1  }
0x13a: {  	v28 =	vadd.s32 $0x64, v18  }
0x13b: {  	v29 =	vshll.u32 v28, $0x8;
	v20 =	vshll.u32 v28, $0x7  }
0x13c: {  	v21 =	vand.u32 $0xFFFFF800, v29;
	v20 =	vand.u32 $0x380, v20  }
0x13d: {  	vm14 =	vlt.s32 v18, v19;
	v18 =	vor.u32 v20, v21  }
0x13e: {  	v18 =	vor.u32 v12, v18;
	_ =	sdelay $0x4  }
0x13f: {  	[tilespmem:v18+s14+$0x0] =	vst.idx.msk vm14, v2  }
0x140: {  	v18 =	vld [tilespmem:$0x4B0];
	_ =	sdelay $0x2  }
0x141: {  	v19 =	vld [tilespmem:$0x4080];
	_ =	sdelay $0x1  }
0x142: {  	v30 =	vadd.s32 $0x64, v18  }
0x143: {  	v31 =	vshll.u32 v30, $0x8;
	v20 =	vshll.u32 v30, $0x7  }
0x144: {  	v21 =	vand.u32 $0xFFFFF800, v31;
	v20 =	vand.u32 $0x380, v20  }
0x145: {  	vm15 =	vlt.s32 v18, v19;
	v18 =	vor.u32 v20, v21  }
0x146: {  	v18 =	vor.u32 v13, v18;
	_ =	sdelay $0x4  }
0x147: {  	[tilespmem:v18+s14+$0x0] =	vst.idx.msk vm15, v2  }
0x148: {  	v18 =	vld [tilespmem:$0x4C0];
	_ =	sdelay $0x2  }
0x149: {  	v19 =	vld [tilespmem:$0x4080];
	_ =	sdelay $0x1  }
0x14a: {  	v32 =	vadd.s32 $0x64, v18  }
0x14b: {  	v33 =	vshll.u32 v32, $0x8;
	v20 =	vshll.u32 v32, $0x7  }
0x14c: {  	v21 =	vand.u32 $0xFFFFF800, v33;
	v20 =	vand.u32 $0x380, v20  }
0x14d: {  	vm4 =	vlt.s32 v18, v19;
	v18 =	vor.u32 v20, v21  }
0x14e: {  	v18 =	vor.u32 v14, v18;
	_ =	sdelay $0x4  }
0x14f: {  	[tilespmem:v18+s14+$0x0] =	vst.idx.msk vm4, v2  }
0x150: {  	v18 =	vld [tilespmem:$0x4D0];
	_ =	sdelay $0x2  }
0x151: {  	v19 =	vld [tilespmem:$0x4080];
	_ =	sdelay $0x1  }
0x152: {  	v34 =	vadd.s32 $0x64, v18  }
0x153: {  	v35 =	vshll.u32 v34, $0x8;
	v20 =	vshll.u32 v34, $0x7  }
0x154: {  	v21 =	vand.u32 $0xFFFFF800, v35;
	v20 =	vand.u32 $0x380, v20  }
0x155: {  	vm5 =	vlt.s32 v18, v19;
	v18 =	vor.u32 v20, v21  }
0x156: {  	v18 =	vor.u32 v15, v18;
	_ =	sdelay $0x4  }
0x157: {  	[tilespmem:v18+s14+$0x0] =	vst.idx.msk vm5, v2  }
0x158: {  	v18 =	vld [tilespmem:$0x4E0];
	_ =	sdelay $0x2  }
0x159: {  	v19 =	vld [tilespmem:$0x4080];
	_ =	sdelay $0x1  }
0x15a: {  	v36 =	vadd.s32 $0x64, v18  }
0x15b: {  	v37 =	vshll.u32 v36, $0x8;
	v20 =	vshll.u32 v36, $0x7  }
0x15c: {  	v21 =	vand.u32 $0xFFFFF800, v37;
	v20 =	vand.u32 $0x380, v20  }
0x15d: {  	vm6 =	vlt.s32 v18, v19;
	v18 =	vor.u32 v20, v21  }
0x15e: {  	v18 =	vor.u32 v16, v18;
	_ =	sdelay $0x4  }
0x15f: {  	[tilespmem:v18+s14+$0x0] =	vst.idx.msk vm6, v2  }
0x160: {  	v18 =	vld [tilespmem:$0x4F0];
	_ =	sdelay $0x2  }
0x161: {  	v19 =	vld [tilespmem:$0x4080];
	_ =	sdelay $0x1  }
0x162: {  	v38 =	vadd.s32 $0x64, v18  }
0x163: {  	v39 =	vshll.u32 v38, $0x8;
	v20 =	vshll.u32 v38, $0x7  }
0x164: {  	v21 =	vand.u32 $0xFFFFF800, v39;
	v20 =	vand.u32 $0x380, v20  }
0x165: {  	vm7 =	vlt.s32 v18, v19;
	v18 =	vor.u32 v20, v21  }
0x166: {  	v18 =	vor.u32 v17, v18;
	_ =	sdelay $0x4  }
0x167: {  	[tilespmem:v18+s14+$0x0] =	vst.idx.msk vm7, v2  }
0x168: {  	[hbm4b:s5+s15] =	stream.strided.scatter [tilespmem:s14], [sflag:$0x1], $0xC800, s11, s15, $0x38;
	[tilespmem:$0x1E000] =	vst v63  }
0x169: {  	v18 =	vld [tilespmem:$0x800];
	_ =	sdelay $0x1  }
0x16a: {  	v19 =	vld [tilespmem:$0x4000];
	_ =	sdelay $0x2  }
0x16b: {  	v40 =	vshll.u32 v18, $0x8;
	v41 =	vshll.u32 v18, $0x7  }
0x16c: {  	v20 =	vand.u32 $0xFFFFF800, v40;
	v21 =	vand.u32 $0x380, v41  }
0x16d: {  	vm8 =	vlt.s32 v18, v19;
	v18 =	vor.u32 v20, v21  }
0x16e: {  	v18 =	vor.u32 v1, v18;
	_ =	sdelay $0x4  }
0x16f: {  	[tilespmem:v18+s16+$0x0] =	vst.idx.msk vm8, v2  }
0x170: {  	v18 =	vld [tilespmem:$0x810];
	_ =	sdelay $0x1  }
0x171: {  	v19 =	vld [tilespmem:$0x4000];
	_ =	sdelay $0x2  }
0x172: {  	v42 =	vshll.u32 v18, $0x8;
	v43 =	vshll.u32 v18, $0x7  }
0x173: {  	v20 =	vand.u32 $0xFFFFF800, v42;
	v21 =	vand.u32 $0x380, v43  }
0x174: {  	vm9 =	vlt.s32 v18, v19;
	v18 =	vor.u32 v20, v21  }
0x175: {  	v18 =	vor.u32 v3, v18;
	_ =	sdelay $0x4  }
0x176: {  	[tilespmem:v18+s16+$0x0] =	vst.idx.msk vm9, v2  }
0x177: {  	v18 =	vld [tilespmem:$0x820];
	_ =	sdelay $0x1  }
0x178: {  	v19 =	vld [tilespmem:$0x4000];
	_ =	sdelay $0x2  }
0x179: {  	v44 =	vshll.u32 v18, $0x8;
	v45 =	vshll.u32 v18, $0x7  }
0x17a: {  	v20 =	vand.u32 $0xFFFFF800, v44;
	v21 =	vand.u32 $0x380, v45  }
0x17b: {  	vm10 =	vlt.s32 v18, v19;
	v18 =	vor.u32 v20, v21  }
0x17c: {  	v18 =	vor.u32 v4, v18;
	_ =	sdelay $0x4  }
0x17d: {  	[tilespmem:v18+s16+$0x0] =	vst.idx.msk vm10, v2  }
0x17e: {  	v18 =	vld [tilespmem:$0x830];
	_ =	sdelay $0x1  }
0x17f: {  	v19 =	vld [tilespmem:$0x4000];
	_ =	sdelay $0x2  }
0x180: {  	v46 =	vshll.u32 v18, $0x8;
	v47 =	vshll.u32 v18, $0x7  }
0x181: {  	v20 =	vand.u32 $0xFFFFF800, v46;
	v21 =	vand.u32 $0x380, v47  }
0x182: {  	vm11 =	vlt.s32 v18, v19;
	v18 =	vor.u32 v20, v21  }
0x183: {  	v18 =	vor.u32 v5, v18;
	_ =	sdelay $0x4  }
0x184: {  	[tilespmem:v18+s16+$0x0] =	vst.idx.msk vm11, v2  }
0x185: {  	v18 =	vld [tilespmem:$0x840];
	_ =	sdelay $0x1  }
0x186: {  	v19 =	vld [tilespmem:$0x4000];
	_ =	sdelay $0x2  }
0x187: {  	v48 =	vshll.u32 v18, $0x8;
	v49 =	vshll.u32 v18, $0x7  }
0x188: {  	v20 =	vand.u32 $0xFFFFF800, v48;
	v21 =	vand.u32 $0x380, v49  }
0x189: {  	vm12 =	vlt.s32 v18, v19;
	v18 =	vor.u32 v20, v21  }
0x18a: {  	v18 =	vor.u32 v6, v18;
	_ =	sdelay $0x4  }
0x18b: {  	[tilespmem:v18+s16+$0x0] =	vst.idx.msk vm12, v2  }
0x18c: {  	v18 =	vld [tilespmem:$0x850];
	_ =	sdelay $0x1  }
0x18d: {  	v19 =	vld [tilespmem:$0x4000];
	_ =	sdelay $0x2  }
0x18e: {  	v50 =	vshll.u32 v18, $0x8;
	v51 =	vshll.u32 v18, $0x7  }
0x18f: {  	v20 =	vand.u32 $0xFFFFF800, v50;
	v21 =	vand.u32 $0x380, v51  }
0x190: {  	vm13 =	vlt.s32 v18, v19;
	v18 =	vor.u32 v20, v21  }
0x191: {  	v18 =	vor.u32 v7, v18;
	_ =	sdelay $0x4  }
0x192: {  	[tilespmem:v18+s16+$0x0] =	vst.idx.msk vm13, v2  }
0x193: {  	v18 =	vld [tilespmem:$0x860];
	_ =	sdelay $0x1  }
0x194: {  	v19 =	vld [tilespmem:$0x4000];
	_ =	sdelay $0x2  }
0x195: {  	v52 =	vshll.u32 v18, $0x8;
	v53 =	vshll.u32 v18, $0x7  }
0x196: {  	v20 =	vand.u32 $0xFFFFF800, v52;
	v21 =	vand.u32 $0x380, v53  }
0x197: {  	vm14 =	vlt.s32 v18, v19;
	v18 =	vor.u32 v20, v21  }
0x198: {  	v18 =	vor.u32 v8, v18;
	_ =	sdelay $0x4  }
0x199: {  	[tilespmem:v18+s16+$0x0] =	vst.idx.msk vm14, v2  }
0x19a: {  	v18 =	vld [tilespmem:$0x870];
	_ =	sdelay $0x1  }
0x19b: {  	v19 =	vld [tilespmem:$0x4000];
	_ =	sdelay $0x2  }
0x19c: {  	v54 =	vshll.u32 v18, $0x8;
	v55 =	vshll.u32 v18, $0x7  }
0x19d: {  	v20 =	vand.u32 $0xFFFFF800, v54;
	v21 =	vand.u32 $0x380, v55  }
0x19e: {  	vm15 =	vlt.s32 v18, v19;
	v18 =	vor.u32 v20, v21  }
0x19f: {  	v18 =	vor.u32 v9, v18;
	_ =	sdelay $0x4  }
0x1a0: {  	[tilespmem:v18+s16+$0x0] =	vst.idx.msk vm15, v2  }
0x1a1: {  	v18 =	vld [tilespmem:$0xC00];
	_ =	sdelay $0x1  }
0x1a2: {  	v19 =	vld [tilespmem:$0x4000];
	_ =	sdelay $0x2  }
0x1a3: {  	v56 =	vshll.u32 v18, $0x8;
	v57 =	vshll.u32 v18, $0x7  }
0x1a4: {  	v20 =	vand.u32 $0xFFFFF800, v56;
	v21 =	vand.u32 $0x380, v57  }
0x1a5: {  	vm4 =	vlt.s32 v18, v19;
	v18 =	vor.u32 v21, v20  }
0x1a6: {  	v18 =	vor.u32 v10, v18;
	_ =	sdelay $0x4  }
0x1a7: {  	[tilespmem:v18+s16+$0x0] =	vst.idx.msk vm4, v2  }
0x1a8: {  	v18 =	vld [tilespmem:$0xC10];
	_ =	sdelay $0x1  }
0x1a9: {  	v19 =	vld [tilespmem:$0x4000];
	_ =	sdelay $0x2  }
0x1aa: {  	v58 =	vshll.u32 v18, $0x8;
	v59 =	vshll.u32 v18, $0x7  }
0x1ab: {  	v20 =	vand.u32 $0xFFFFF800, v58;
	v21 =	vand.u32 $0x380, v59  }
0x1ac: {  	vm5 =	vlt.s32 v18, v19;
	v18 =	vor.u32 v21, v20  }
0x1ad: {  	v18 =	vor.u32 v11, v18;
	_ =	sdelay $0x4  }
0x1ae: {  	[tilespmem:v18+s16+$0x0] =	vst.idx.msk vm5, v2  }
0x1af: {  	v18 =	vld [tilespmem:$0xC20];
	_ =	sdelay $0x1  }
0x1b0: {  	v19 =	vld [tilespmem:$0x4000];
	_ =	sdelay $0x2  }
0x1b1: {  	v60 =	vshll.u32 v18, $0x8;
	v61 =	vshll.u32 v18, $0x7  }
0x1b2: {  	v20 =	vand.u32 $0xFFFFF800, v60;
	v21 =	vand.u32 $0x380, v61  }
0x1b3: {  	vm6 =	vlt.s32 v18, v19;
	v18 =	vor.u32 v21, v20  }
0x1b4: {  	v18 =	vor.u32 v12, v18;
	_ =	sdelay $0x4  }
0x1b5: {  	[tilespmem:v18+s16+$0x0] =	vst.idx.msk vm6, v2  }
0x1b6: {  	v18 =	vld [tilespmem:$0xC30];
	_ =	sdelay $0x1  }
0x1b7: {  	v19 =	vld [tilespmem:$0x4000];
	_ =	sdelay $0x2  }
0x1b8: {  	v62 =	vshll.u32 v18, $0x8;
	v63 =	vshll.u32 v18, $0x7  }
0x1b9: {  	v20 =	vand.u32 $0xFFFFF800, v62;
	v21 =	vand.u32 $0x380, v63  }
0x1ba: {  	vm7 =	vlt.s32 v18, v19;
	v18 =	vor.u32 v21, v20  }
0x1bb: {  	v18 =	vor.u32 v13, v18;
	_ =	sdelay $0x4  }
0x1bc: {  	[tilespmem:v18+s16+$0x0] =	vst.idx.msk vm7, v2  }
0x1bd: {  	v18 =	vld [tilespmem:$0xC40];
	_ =	sdelay $0x1  }
0x1be: {  	v19 =	vld [tilespmem:$0x4000];
	_ =	sdelay $0x2  }
0x1bf: {  	v24 =	vshll.u32 v18, $0x8;
	v25 =	vshll.u32 v18, $0x7  }
0x1c0: {  	v20 =	vand.u32 $0xFFFFF800, v24;
	v21 =	vand.u32 $0x380, v25  }
0x1c1: {  	vm8 =	vlt.s32 v18, v19;
	v18 =	vor.u32 v21, v20  }
0x1c2: {  	v18 =	vor.u32 v14, v18;
	_ =	sdelay $0x4  }
0x1c3: {  	[tilespmem:v18+s16+$0x0] =	vst.idx.msk vm8, v2  }
0x1c4: {  	v18 =	vld [tilespmem:$0xC50];
	_ =	sdelay $0x1  }
0x1c5: {  	v19 =	vld [tilespmem:$0x4000];
	_ =	sdelay $0x2  }
0x1c6: {  	v26 =	vshll.u32 v18, $0x8;
	v27 =	vshll.u32 v18, $0x7  }
0x1c7: {  	v20 =	vand.u32 $0xFFFFF800, v26;
	v21 =	vand.u32 $0x380, v27  }
0x1c8: {  	vm9 =	vlt.s32 v18, v19;
	v18 =	vor.u32 v21, v20  }
0x1c9: {  	v18 =	vor.u32 v15, v18;
	_ =	sdelay $0x4  }
0x1ca: {  	[tilespmem:v18+s16+$0x0] =	vst.idx.msk vm9, v2  }
0x1cb: {  	v18 =	vld [tilespmem:$0xC60];
	_ =	sdelay $0x1  }
0x1cc: {  	v19 =	vld [tilespmem:$0x4000];
	_ =	sdelay $0x2  }
0x1cd: {  	v28 =	vshll.u32 v18, $0x8;
	v29 =	vshll.u32 v18, $0x7  }
0x1ce: {  	v20 =	vand.u32 $0xFFFFF800, v28;
	v21 =	vand.u32 $0x380, v29  }
0x1cf: {  	vm10 =	vlt.s32 v18, v19;
	v18 =	vor.u32 v21, v20  }
0x1d0: {  	v18 =	vor.u32 v16, v18;
	_ =	sdelay $0x4  }
0x1d1: {  	[tilespmem:v18+s16+$0x0] =	vst.idx.msk vm10, v2  }
0x1d2: {  	v18 =	vld [tilespmem:$0xC70];
	_ =	sdelay $0x1  }
0x1d3: {  	v19 =	vld [tilespmem:$0x4000];
	_ =	sdelay $0x2  }
0x1d4: {  	v30 =	vshll.u32 v18, $0x8;
	v31 =	vshll.u32 v18, $0x7  }
0x1d5: {  	v20 =	vand.u32 $0xFFFFF800, v30;
	v21 =	vand.u32 $0x380, v31  }
0x1d6: {  	vm11 =	vlt.s32 v18, v19;
	v18 =	vor.u32 v21, v20  }
0x1d7: {  	v18 =	vor.u32 v17, v18;
	_ =	sdelay $0x4  }
0x1d8: {  	[tilespmem:v18+s16+$0x0] =	vst.idx.msk vm11, v2  }
0x1d9: {  	v18 =	vld [tilespmem:$0x880];
	_ =	sdelay $0x2  }
0x1da: {  	v19 =	vld [tilespmem:$0x4080];
	_ =	sdelay $0x1  }
0x1db: {  	v32 =	vadd.s32 $0x64, v18  }
0x1dc: {  	v33 =	vshll.u32 v32, $0x8;
	v20 =	vshll.u32 v32, $0x7  }
0x1dd: {  	v21 =	vand.u32 $0xFFFFF800, v33;
	v20 =	vand.u32 $0x380, v20  }
0x1de: {  	vm12 =	vlt.s32 v18, v19;
	v18 =	vor.u32 v21, v20  }
0x1df: {  	v18 =	vor.u32 v1, v18;
	_ =	sdelay $0x4  }
0x1e0: {  	[tilespmem:v18+s16+$0x0] =	vst.idx.msk vm12, v2  }
0x1e1: {  	v18 =	vld [tilespmem:$0x890];
	_ =	sdelay $0x2  }
0x1e2: {  	v19 =	vld [tilespmem:$0x4080];
	_ =	sdelay $0x1  }
0x1e3: {  	v34 =	vadd.s32 $0x64, v18  }
0x1e4: {  	v35 =	vshll.u32 v34, $0x8;
	v20 =	vshll.u32 v34, $0x7  }
0x1e5: {  	v21 =	vand.u32 $0xFFFFF800, v35;
	v20 =	vand.u32 $0x380, v20  }
0x1e6: {  	vm13 =	vlt.s32 v18, v19;
	v18 =	vor.u32 v21, v20  }
0x1e7: {  	v18 =	vor.u32 v3, v18;
	_ =	sdelay $0x4  }
0x1e8: {  	[tilespmem:v18+s16+$0x0] =	vst.idx.msk vm13, v2  }
0x1e9: {  	v18 =	vld [tilespmem:$0x8A0];
	_ =	sdelay $0x2  }
0x1ea: {  	v19 =	vld [tilespmem:$0x4080];
	_ =	sdelay $0x1  }
0x1eb: {  	v36 =	vadd.s32 $0x64, v18  }
0x1ec: {  	v37 =	vshll.u32 v36, $0x8;
	v20 =	vshll.u32 v36, $0x7  }
0x1ed: {  	v21 =	vand.u32 $0xFFFFF800, v37;
	v20 =	vand.u32 $0x380, v20  }
0x1ee: {  	vm14 =	vlt.s32 v18, v19;
	v18 =	vor.u32 v21, v20  }
0x1ef: {  	v18 =	vor.u32 v4, v18;
	_ =	sdelay $0x4  }
0x1f0: {  	[tilespmem:v18+s16+$0x0] =	vst.idx.msk vm14, v2  }
0x1f1: {  	v18 =	vld [tilespmem:$0x8B0];
	_ =	sdelay $0x2  }
0x1f2: {  	v19 =	vld [tilespmem:$0x4080];
	_ =	sdelay $0x1  }
0x1f3: {  	v38 =	vadd.s32 $0x64, v18  }
0x1f4: {  	v39 =	vshll.u32 v38, $0x8;
	v20 =	vshll.u32 v38, $0x7  }
0x1f5: {  	v21 =	vand.u32 $0xFFFFF800, v39;
	v20 =	vand.u32 $0x380, v20  }
0x1f6: {  	vm15 =	vlt.s32 v18, v19;
	v18 =	vor.u32 v21, v20  }
0x1f7: {  	v18 =	vor.u32 v5, v18;
	_ =	sdelay $0x4  }
0x1f8: {  	[tilespmem:v18+s16+$0x0] =	vst.idx.msk vm15, v2  }
0x1f9: {  	v18 =	vld [tilespmem:$0x8C0];
	_ =	sdelay $0x2  }
0x1fa: {  	v19 =	vld [tilespmem:$0x4080];
	_ =	sdelay $0x1  }
0x1fb: {  	v40 =	vadd.s32 $0x64, v18  }
0x1fc: {  	v41 =	vshll.u32 v40, $0x8;
	v20 =	vshll.u32 v40, $0x7  }
0x1fd: {  	v21 =	vand.u32 $0xFFFFF800, v41;
	v20 =	vand.u32 $0x380, v20  }
0x1fe: {  	vm4 =	vlt.s32 v18, v19;
	v18 =	vor.u32 v21, v20  }
0x1ff: {  	v18 =	vor.u32 v6, v18;
	_ =	sdelay $0x4  }
0x200: {  	[tilespmem:v18+s16+$0x0] =	vst.idx.msk vm4, v2  }
0x201: {  	v18 =	vld [tilespmem:$0x8D0];
	_ =	sdelay $0x2  }
0x202: {  	v19 =	vld [tilespmem:$0x4080];
	_ =	sdelay $0x1  }
0x203: {  	v42 =	vadd.s32 $0x64, v18  }
0x204: {  	v43 =	vshll.u32 v42, $0x8;
	v20 =	vshll.u32 v42, $0x7  }
0x205: {  	v21 =	vand.u32 $0xFFFFF800, v43;
	v20 =	vand.u32 $0x380, v20  }
0x206: {  	vm5 =	vlt.s32 v18, v19;
	v18 =	vor.u32 v21, v20  }
0x207: {  	v18 =	vor.u32 v7, v18;
	_ =	sdelay $0x4  }
0x208: {  	[tilespmem:v18+s16+$0x0] =	vst.idx.msk vm5, v2  }
0x209: {  	v18 =	vld [tilespmem:$0x8E0];
	_ =	sdelay $0x2  }
0x20a: {  	v19 =	vld [tilespmem:$0x4080];
	_ =	sdelay $0x1  }
0x20b: {  	v44 =	vadd.s32 $0x64, v18  }
0x20c: {  	v45 =	vshll.u32 v44, $0x8;
	v20 =	vshll.u32 v44, $0x7  }
0x20d: {  	v21 =	vand.u32 $0xFFFFF800, v45;
	v20 =	vand.u32 $0x380, v20  }
0x20e: {  	vm6 =	vlt.s32 v18, v19;
	v18 =	vor.u32 v21, v20  }
0x20f: {  	v18 =	vor.u32 v8, v18;
	_ =	sdelay $0x4  }
0x210: {  	[tilespmem:v18+s16+$0x0] =	vst.idx.msk vm6, v2  }
0x211: {  	v18 =	vld [tilespmem:$0x8F0];
	_ =	sdelay $0x2  }
0x212: {  	v19 =	vld [tilespmem:$0x4080];
	_ =	sdelay $0x1  }
0x213: {  	v46 =	vadd.s32 $0x64, v18  }
0x214: {  	v47 =	vshll.u32 v46, $0x8;
	v20 =	vshll.u32 v46, $0x7  }
0x215: {  	v21 =	vand.u32 $0xFFFFF800, v47;
	v20 =	vand.u32 $0x380, v20  }
0x216: {  	vm7 =	vlt.s32 v18, v19;
	v18 =	vor.u32 v21, v20  }
0x217: {  	v18 =	vor.u32 v9, v18;
	_ =	sdelay $0x4  }
0x218: {  	[tilespmem:v18+s16+$0x0] =	vst.idx.msk vm7, v2  }
0x219: {  	v18 =	vld [tilespmem:$0xC80];
	_ =	sdelay $0x2  }
0x21a: {  	v19 =	vld [tilespmem:$0x4080];
	_ =	sdelay $0x1  }
0x21b: {  	v48 =	vadd.s32 $0x64, v18  }
0x21c: {  	v49 =	vshll.u32 v48, $0x8;
	v20 =	vshll.u32 v48, $0x7  }
0x21d: {  	v21 =	vand.u32 $0xFFFFF800, v49;
	v20 =	vand.u32 $0x380, v20  }
0x21e: {  	vm8 =	vlt.s32 v18, v19;
	v18 =	vor.u32 v20, v21  }
0x21f: {  	v18 =	vor.u32 v10, v18;
	_ =	sdelay $0x4  }
0x220: {  	[tilespmem:v18+s16+$0x0] =	vst.idx.msk vm8, v2  }
0x221: {  	v18 =	vld [tilespmem:$0xC90];
	_ =	sdelay $0x2  }
0x222: {  	v19 =	vld [tilespmem:$0x4080];
	_ =	sdelay $0x1  }
0x223: {  	v50 =	vadd.s32 $0x64, v18  }
0x224: {  	v51 =	vshll.u32 v50, $0x8;
	v20 =	vshll.u32 v50, $0x7  }
0x225: {  	v21 =	vand.u32 $0xFFFFF800, v51;
	v20 =	vand.u32 $0x380, v20  }
0x226: {  	vm9 =	vlt.s32 v18, v19;
	v18 =	vor.u32 v20, v21  }
0x227: {  	v18 =	vor.u32 v11, v18;
	_ =	sdelay $0x4  }
0x228: {  	[tilespmem:v18+s16+$0x0] =	vst.idx.msk vm9, v2  }
0x229: {  	v18 =	vld [tilespmem:$0xCA0];
	_ =	sdelay $0x2  }
0x22a: {  	v19 =	vld [tilespmem:$0x4080];
	_ =	sdelay $0x1  }
0x22b: {  	v52 =	vadd.s32 $0x64, v18  }
0x22c: {  	v53 =	vshll.u32 v52, $0x8;
	v20 =	vshll.u32 v52, $0x7  }
0x22d: {  	v21 =	vand.u32 $0xFFFFF800, v53;
	v20 =	vand.u32 $0x380, v20  }
0x22e: {  	vm10 =	vlt.s32 v18, v19;
	v18 =	vor.u32 v20, v21  }
0x22f: {  	v18 =	vor.u32 v12, v18;
	_ =	sdelay $0x4  }
0x230: {  	[tilespmem:v18+s16+$0x0] =	vst.idx.msk vm10, v2  }
0x231: {  	v18 =	vld [tilespmem:$0xCB0];
	_ =	sdelay $0x2  }
0x232: {  	v19 =	vld [tilespmem:$0x4080];
	_ =	sdelay $0x1  }
0x233: {  	v54 =	vadd.s32 $0x64, v18  }
0x234: {  	v55 =	vshll.u32 v54, $0x8;
	v20 =	vshll.u32 v54, $0x7  }
0x235: {  	v21 =	vand.u32 $0xFFFFF800, v55;
	v20 =	vand.u32 $0x380, v20  }
0x236: {  	vm11 =	vlt.s32 v18, v19;
	v18 =	vor.u32 v20, v21  }
0x237: {  	v18 =	vor.u32 v13, v18;
	_ =	sdelay $0x4  }
0x238: {  	[tilespmem:v18+s16+$0x0] =	vst.idx.msk vm11, v2  }
0x239: {  	v18 =	vld [tilespmem:$0xCC0];
	_ =	sdelay $0x2  }
0x23a: {  	v19 =	vld [tilespmem:$0x4080];
	_ =	sdelay $0x1  }
0x23b: {  	v56 =	vadd.s32 $0x64, v18  }
0x23c: {  	v57 =	vshll.u32 v56, $0x8;
	v20 =	vshll.u32 v56, $0x7  }
0x23d: {  	v21 =	vand.u32 $0xFFFFF800, v57;
	v20 =	vand.u32 $0x380, v20  }
0x23e: {  	vm12 =	vlt.s32 v18, v19;
	v18 =	vor.u32 v20, v21  }
0x23f: {  	v18 =	vor.u32 v14, v18;
	_ =	sdelay $0x4  }
0x240: {  	[tilespmem:v18+s16+$0x0] =	vst.idx.msk vm12, v2  }
0x241: {  	v18 =	vld [tilespmem:$0xCD0];
	_ =	sdelay $0x2  }
0x242: {  	v19 =	vld [tilespmem:$0x4080];
	_ =	sdelay $0x1  }
0x243: {  	v58 =	vadd.s32 $0x64, v18  }
0x244: {  	v59 =	vshll.u32 v58, $0x8;
	v20 =	vshll.u32 v58, $0x7  }
0x245: {  	v21 =	vand.u32 $0xFFFFF800, v59;
	v20 =	vand.u32 $0x380, v20  }
0x246: {  	vm13 =	vlt.s32 v18, v19;
	v18 =	vor.u32 v20, v21  }
0x247: {  	v18 =	vor.u32 v15, v18;
	_ =	sdelay $0x4  }
0x248: {  	[tilespmem:v18+s16+$0x0] =	vst.idx.msk vm13, v2  }
0x249: {  	v18 =	vld [tilespmem:$0xCE0];
	_ =	sdelay $0x2  }
0x24a: {  	v19 =	vld [tilespmem:$0x4080];
	_ =	sdelay $0x1  }
0x24b: {  	v60 =	vadd.s32 $0x64, v18  }
0x24c: {  	v61 =	vshll.u32 v60, $0x8;
	v20 =	vshll.u32 v60, $0x7  }
0x24d: {  	v21 =	vand.u32 $0xFFFFF800, v61;
	v20 =	vand.u32 $0x380, v20  }
0x24e: {  	vm14 =	vlt.s32 v18, v19;
	v18 =	vor.u32 v20, v21  }
0x24f: {  	v18 =	vor.u32 v16, v18;
	_ =	sdelay $0x4  }
0x250: {  	[tilespmem:v18+s16+$0x0] =	vst.idx.msk vm14, v2  }
0x251: {  	v18 =	vld [tilespmem:$0xCF0];
	_ =	sdelay $0x2  }
0x252: {  	v19 =	vld [tilespmem:$0x4080];
	_ =	sdelay $0x1  }
0x253: {  	v62 =	vadd.s32 $0x64, v18  }
0x254: {  	v63 =	vshll.u32 v62, $0x8;
	v20 =	vshll.u32 v62, $0x7  }
0x255: {  	v21 =	vand.u32 $0xFFFFF800, v63;
	v20 =	vand.u32 $0x380, v20  }
0x256: {  	vm15 =	vlt.s32 v18, v19;
	v18 =	vor.u32 v20, v21  }
0x257: {  	v18 =	vor.u32 v17, v18;
	_ =	sdelay $0x2  }
0x258: {  	s24 =	simm.s32 $0x0  }
0x259: {  	s20 =	simm.s32 $0x2;
	s21 =	simm.s32 $0x1;
	s22 =	smov.u32 s9  }
0x25a: {  	s23 =	smov.u32 s8;
	s25 =	simm.s32 $0x0;
	s26 =	simm.s32 $0x0;
	[tilespmem:v18+s16+$0x0] =	vst.idx.msk vm15, v2  }
0x25b: {  	[hbm4b:s6+s15] =	stream.strided.scatter [tilespmem:s16], [sflag:$0x2], $0xC800, s11, s15, $0x38;
	[tilespmem:$0x1E000] =	vst v63  }
.LBB2_4:
0x25c: {  	_ =	swait.ge [sflag:s17], $0xC800  }
0x25d: {  	s0 =	sand.u32 $0x3000, s24;
	s2 =	sand.u32 $0x300, s26;
	[sflag:s17] =	ssyncset.done $0x0  }
0x25e: {  	s30 =	sor.u32 s2, s0;
	[sflag:s17] =	ssyncadd.s32 $0xFFFF3800  }
0x25f: {  	v18 =	vld [tilespmem:s30+$0x0];
	_ =	sdelay $0x4  }
0x260: {  	v19 =	vshll.u32 v18, $0x8;
	v18 =	vshll.u32 v18, $0x7  }
0x261: {  	v19 =	vand.u32 $0xFFFFF800, v19;
	v18 =	vand.u32 $0x380, v18  }
0x262: {  	v18 =	vor.u32 v19, v18  }
0x263: {  	v18 =	vor.u32 v1, v18;
	_ =	sdelay $0x4  }
0x264: {  	[tilespmem:v18+s14+$0x0] =	vst.idx.msk $0xffff, v0  }
0x265: {  	v18 =	vld [tilespmem:s30+$0x10];
	_ =	sdelay $0x4  }
0x266: {  	v19 =	vshll.u32 v18, $0x8;
	v18 =	vshll.u32 v18, $0x7  }
0x267: {  	v19 =	vand.u32 $0xFFFFF800, v19;
	v18 =	vand.u32 $0x380, v18  }
0x268: {  	v18 =	vor.u32 v19, v18  }
0x269: {  	v18 =	vor.u32 v3, v18;
	_ =	sdelay $0x4  }
0x26a: {  	[tilespmem:v18+s14+$0x0] =	vst.idx.msk $0xffff, v0  }
0x26b: {  	v18 =	vld [tilespmem:s30+$0x20];
	_ =	sdelay $0x4  }
0x26c: {  	v19 =	vshll.u32 v18, $0x8;
	v18 =	vshll.u32 v18, $0x7  }
0x26d: {  	v19 =	vand.u32 $0xFFFFF800, v19;
	v18 =	vand.u32 $0x380, v18  }
0x26e: {  	v18 =	vor.u32 v19, v18  }
0x26f: {  	v18 =	vor.u32 v4, v18;
	_ =	sdelay $0x4  }
0x270: {  	[tilespmem:v18+s14+$0x0] =	vst.idx.msk $0xffff, v0  }
0x271: {  	v18 =	vld [tilespmem:s30+$0x30];
	_ =	sdelay $0x4  }
0x272: {  	v19 =	vshll.u32 v18, $0x8;
	v18 =	vshll.u32 v18, $0x7  }
0x273: {  	v19 =	vand.u32 $0xFFFFF800, v19;
	v18 =	vand.u32 $0x380, v18  }
0x274: {  	v18 =	vor.u32 v19, v18  }
0x275: {  	v18 =	vor.u32 v5, v18;
	_ =	sdelay $0x4  }
0x276: {  	[tilespmem:v18+s14+$0x0] =	vst.idx.msk $0xffff, v0  }
0x277: {  	v18 =	vld [tilespmem:s30+$0x40];
	_ =	sdelay $0x4  }
0x278: {  	v19 =	vshll.u32 v18, $0x8;
	v18 =	vshll.u32 v18, $0x7  }
0x279: {  	v19 =	vand.u32 $0xFFFFF800, v19;
	v18 =	vand.u32 $0x380, v18  }
0x27a: {  	v18 =	vor.u32 v19, v18  }
0x27b: {  	v18 =	vor.u32 v6, v18;
	_ =	sdelay $0x4  }
0x27c: {  	[tilespmem:v18+s14+$0x0] =	vst.idx.msk $0xffff, v0  }
0x27d: {  	v18 =	vld [tilespmem:s30+$0x50];
	_ =	sdelay $0x4  }
0x27e: {  	v19 =	vshll.u32 v18, $0x8;
	v18 =	vshll.u32 v18, $0x7  }
0x27f: {  	v19 =	vand.u32 $0xFFFFF800, v19;
	v18 =	vand.u32 $0x380, v18  }
0x280: {  	v18 =	vor.u32 v19, v18  }
0x281: {  	v18 =	vor.u32 v7, v18;
	_ =	sdelay $0x4  }
0x282: {  	[tilespmem:v18+s14+$0x0] =	vst.idx.msk $0xffff, v0  }
0x283: {  	v18 =	vld [tilespmem:s30+$0x60];
	_ =	sdelay $0x4  }
0x284: {  	v19 =	vshll.u32 v18, $0x8;
	v18 =	vshll.u32 v18, $0x7  }
0x285: {  	v19 =	vand.u32 $0xFFFFF800, v19;
	v18 =	vand.u32 $0x380, v18  }
0x286: {  	v18 =	vor.u32 v19, v18  }
0x287: {  	v18 =	vor.u32 v8, v18;
	_ =	sdelay $0x4  }
0x288: {  	[tilespmem:v18+s14+$0x0] =	vst.idx.msk $0xffff, v0  }
0x289: {  	v18 =	vld [tilespmem:s30+$0x70];
	_ =	sdelay $0x4  }
0x28a: {  	v19 =	vshll.u32 v18, $0x8;
	v18 =	vshll.u32 v18, $0x7  }
0x28b: {  	v19 =	vand.u32 $0xFFFFF800, v19;
	v18 =	vand.u32 $0x380, v18  }
0x28c: {  	v18 =	vor.u32 v19, v18  }
0x28d: {  	v18 =	vor.u32 v9, v18;
	_ =	sdelay $0x4  }
0x28e: {  	[tilespmem:v18+s14+$0x0] =	vst.idx.msk $0xffff, v0  }
0x28f: {  	v18 =	vld [tilespmem:s30+$0x400];
	_ =	sdelay $0x4  }
0x290: {  	v19 =	vshll.u32 v18, $0x8;
	v18 =	vshll.u32 v18, $0x7  }
0x291: {  	v19 =	vand.u32 $0xFFFFF800, v19;
	v18 =	vand.u32 $0x380, v18  }
0x292: {  	v18 =	vor.u32 v18, v19  }
0x293: {  	v18 =	vor.u32 v10, v18;
	_ =	sdelay $0x4  }
0x294: {  	[tilespmem:v18+s14+$0x0] =	vst.idx.msk $0xffff, v0  }
0x295: {  	v18 =	vld [tilespmem:s30+$0x410];
	_ =	sdelay $0x4  }
0x296: {  	v19 =	vshll.u32 v18, $0x8;
	v18 =	vshll.u32 v18, $0x7  }
0x297: {  	v19 =	vand.u32 $0xFFFFF800, v19;
	v18 =	vand.u32 $0x380, v18  }
0x298: {  	v18 =	vor.u32 v18, v19  }
0x299: {  	v18 =	vor.u32 v11, v18;
	_ =	sdelay $0x4  }
0x29a: {  	[tilespmem:v18+s14+$0x0] =	vst.idx.msk $0xffff, v0  }
0x29b: {  	v18 =	vld [tilespmem:s30+$0x420];
	_ =	sdelay $0x4  }
0x29c: {  	v19 =	vshll.u32 v18, $0x8;
	v18 =	vshll.u32 v18, $0x7  }
0x29d: {  	v19 =	vand.u32 $0xFFFFF800, v19;
	v18 =	vand.u32 $0x380, v18  }
0x29e: {  	v18 =	vor.u32 v18, v19  }
0x29f: {  	v18 =	vor.u32 v12, v18;
	_ =	sdelay $0x4  }
0x2a0: {  	[tilespmem:v18+s14+$0x0] =	vst.idx.msk $0xffff, v0  }
0x2a1: {  	v18 =	vld [tilespmem:s30+$0x430];
	_ =	sdelay $0x4  }
0x2a2: {  	v19 =	vshll.u32 v18, $0x8;
	v18 =	vshll.u32 v18, $0x7  }
0x2a3: {  	v19 =	vand.u32 $0xFFFFF800, v19;
	v18 =	vand.u32 $0x380, v18  }
0x2a4: {  	v18 =	vor.u32 v18, v19  }
0x2a5: {  	v18 =	vor.u32 v13, v18;
	_ =	sdelay $0x4  }
0x2a6: {  	[tilespmem:v18+s14+$0x0] =	vst.idx.msk $0xffff, v0  }
0x2a7: {  	v18 =	vld [tilespmem:s30+$0x440];
	_ =	sdelay $0x4  }
0x2a8: {  	v19 =	vshll.u32 v18, $0x8;
	v18 =	vshll.u32 v18, $0x7  }
0x2a9: {  	v19 =	vand.u32 $0xFFFFF800, v19;
	v18 =	vand.u32 $0x380, v18  }
0x2aa: {  	v18 =	vor.u32 v18, v19  }
0x2ab: {  	v18 =	vor.u32 v14, v18;
	_ =	sdelay $0x4  }
0x2ac: {  	[tilespmem:v18+s14+$0x0] =	vst.idx.msk $0xffff, v0  }
0x2ad: {  	v18 =	vld [tilespmem:s30+$0x450];
	_ =	sdelay $0x4  }
0x2ae: {  	v19 =	vshll.u32 v18, $0x8;
	v18 =	vshll.u32 v18, $0x7  }
0x2af: {  	v19 =	vand.u32 $0xFFFFF800, v19;
	v18 =	vand.u32 $0x380, v18  }
0x2b0: {  	v18 =	vor.u32 v18, v19  }
0x2b1: {  	v18 =	vor.u32 v15, v18;
	_ =	sdelay $0x4  }
0x2b2: {  	[tilespmem:v18+s14+$0x0] =	vst.idx.msk $0xffff, v0  }
0x2b3: {  	v18 =	vld [tilespmem:s30+$0x460];
	_ =	sdelay $0x4  }
0x2b4: {  	v19 =	vshll.u32 v18, $0x8;
	v18 =	vshll.u32 v18, $0x7  }
0x2b5: {  	v19 =	vand.u32 $0xFFFFF800, v19;
	v18 =	vand.u32 $0x380, v18  }
0x2b6: {  	v18 =	vor.u32 v18, v19  }
0x2b7: {  	v18 =	vor.u32 v16, v18;
	_ =	sdelay $0x4  }
0x2b8: {  	[tilespmem:v18+s14+$0x0] =	vst.idx.msk $0xffff, v0  }
0x2b9: {  	v18 =	vld [tilespmem:s30+$0x470];
	_ =	sdelay $0x4  }
0x2ba: {  	v19 =	vshll.u32 v18, $0x8;
	v18 =	vshll.u32 v18, $0x7  }
0x2bb: {  	v19 =	vand.u32 $0xFFFFF800, v19;
	v18 =	vand.u32 $0x380, v18  }
0x2bc: {  	v18 =	vor.u32 v18, v19  }
0x2bd: {  	v18 =	vor.u32 v17, v18;
	_ =	sdelay $0x4  }
0x2be: {  	[tilespmem:v18+s14+$0x0] =	vst.idx.msk $0xffff, v0  }
0x2bf: {  	v18 =	vld [tilespmem:s30+$0x80];
	_ =	sdelay $0x4  }
0x2c0: {  	v18 =	vadd.s32 $0x64, v18  }
0x2c1: {  	v19 =	vshll.u32 v18, $0x8;
	v18 =	vshll.u32 v18, $0x7  }
0x2c2: {  	v19 =	vand.u32 $0xFFFFF800, v19;
	v18 =	vand.u32 $0x380, v18  }
0x2c3: {  	v18 =	vor.u32 v19, v18  }
0x2c4: {  	v18 =	vor.u32 v1, v18;
	_ =	sdelay $0x4  }
0x2c5: {  	[tilespmem:v18+s14+$0x0] =	vst.idx.msk $0xffff, v0  }
0x2c6: {  	v18 =	vld [tilespmem:s30+$0x90];
	_ =	sdelay $0x4  }
0x2c7: {  	v18 =	vadd.s32 $0x64, v18  }
0x2c8: {  	v19 =	vshll.u32 v18, $0x8;
	v18 =	vshll.u32 v18, $0x7  }
0x2c9: {  	v19 =	vand.u32 $0xFFFFF800, v19;
	v18 =	vand.u32 $0x380, v18  }
0x2ca: {  	v18 =	vor.u32 v19, v18  }
0x2cb: {  	v18 =	vor.u32 v3, v18;
	_ =	sdelay $0x4  }
0x2cc: {  	[tilespmem:v18+s14+$0x0] =	vst.idx.msk $0xffff, v0  }
0x2cd: {  	v18 =	vld [tilespmem:s30+$0xA0];
	_ =	sdelay $0x4  }
0x2ce: {  	v18 =	vadd.s32 $0x64, v18  }
0x2cf: {  	v19 =	vshll.u32 v18, $0x8;
	v18 =	vshll.u32 v18, $0x7  }
0x2d0: {  	v19 =	vand.u32 $0xFFFFF800, v19;
	v18 =	vand.u32 $0x380, v18  }
0x2d1: {  	v18 =	vor.u32 v19, v18  }
0x2d2: {  	v18 =	vor.u32 v4, v18;
	_ =	sdelay $0x4  }
0x2d3: {  	[tilespmem:v18+s14+$0x0] =	vst.idx.msk $0xffff, v0  }
0x2d4: {  	v18 =	vld [tilespmem:s30+$0xB0];
	_ =	sdelay $0x4  }
0x2d5: {  	v18 =	vadd.s32 $0x64, v18  }
0x2d6: {  	v19 =	vshll.u32 v18, $0x8;
	v18 =	vshll.u32 v18, $0x7  }
0x2d7: {  	v19 =	vand.u32 $0xFFFFF800, v19;
	v18 =	vand.u32 $0x380, v18  }
0x2d8: {  	v18 =	vor.u32 v19, v18  }
0x2d9: {  	v18 =	vor.u32 v5, v18;
	_ =	sdelay $0x4  }
0x2da: {  	[tilespmem:v18+s14+$0x0] =	vst.idx.msk $0xffff, v0  }
0x2db: {  	v18 =	vld [tilespmem:s30+$0xC0];
	_ =	sdelay $0x4  }
0x2dc: {  	v18 =	vadd.s32 $0x64, v18  }
0x2dd: {  	v19 =	vshll.u32 v18, $0x8;
	v18 =	vshll.u32 v18, $0x7  }
0x2de: {  	v19 =	vand.u32 $0xFFFFF800, v19;
	v18 =	vand.u32 $0x380, v18  }
0x2df: {  	v18 =	vor.u32 v19, v18  }
0x2e0: {  	v18 =	vor.u32 v6, v18;
	_ =	sdelay $0x4  }
0x2e1: {  	[tilespmem:v18+s14+$0x0] =	vst.idx.msk $0xffff, v0  }
0x2e2: {  	v18 =	vld [tilespmem:s30+$0xD0];
	_ =	sdelay $0x4  }
0x2e3: {  	v18 =	vadd.s32 $0x64, v18  }
0x2e4: {  	v19 =	vshll.u32 v18, $0x8;
	v18 =	vshll.u32 v18, $0x7  }
0x2e5: {  	v19 =	vand.u32 $0xFFFFF800, v19;
	v18 =	vand.u32 $0x380, v18  }
0x2e6: {  	v18 =	vor.u32 v19, v18  }
0x2e7: {  	v18 =	vor.u32 v7, v18;
	_ =	sdelay $0x4  }
0x2e8: {  	[tilespmem:v18+s14+$0x0] =	vst.idx.msk $0xffff, v0  }
0x2e9: {  	v18 =	vld [tilespmem:s30+$0xE0];
	_ =	sdelay $0x4  }
0x2ea: {  	v18 =	vadd.s32 $0x64, v18  }
0x2eb: {  	v19 =	vshll.u32 v18, $0x8;
	v18 =	vshll.u32 v18, $0x7  }
0x2ec: {  	v19 =	vand.u32 $0xFFFFF800, v19;
	v18 =	vand.u32 $0x380, v18  }
0x2ed: {  	v18 =	vor.u32 v19, v18  }
0x2ee: {  	v18 =	vor.u32 v8, v18;
	_ =	sdelay $0x4  }
0x2ef: {  	[tilespmem:v18+s14+$0x0] =	vst.idx.msk $0xffff, v0  }
0x2f0: {  	v18 =	vld [tilespmem:s30+$0xF0];
	_ =	sdelay $0x4  }
0x2f1: {  	v18 =	vadd.s32 $0x64, v18  }
0x2f2: {  	v19 =	vshll.u32 v18, $0x8;
	v18 =	vshll.u32 v18, $0x7  }
0x2f3: {  	v19 =	vand.u32 $0xFFFFF800, v19;
	v18 =	vand.u32 $0x380, v18  }
0x2f4: {  	v18 =	vor.u32 v19, v18  }
0x2f5: {  	v18 =	vor.u32 v9, v18;
	_ =	sdelay $0x4  }
0x2f6: {  	[tilespmem:v18+s14+$0x0] =	vst.idx.msk $0xffff, v0  }
0x2f7: {  	v18 =	vld [tilespmem:s30+$0x480];
	_ =	sdelay $0x4  }
0x2f8: {  	v18 =	vadd.s32 $0x64, v18  }
0x2f9: {  	v19 =	vshll.u32 v18, $0x8;
	v18 =	vshll.u32 v18, $0x7  }
0x2fa: {  	v19 =	vand.u32 $0xFFFFF800, v19;
	v18 =	vand.u32 $0x380, v18  }
0x2fb: {  	v18 =	vor.u32 v18, v19  }
0x2fc: {  	v18 =	vor.u32 v10, v18;
	_ =	sdelay $0x4  }
0x2fd: {  	[tilespmem:v18+s14+$0x0] =	vst.idx.msk $0xffff, v0  }
0x2fe: {  	v18 =	vld [tilespmem:s30+$0x490];
	_ =	sdelay $0x4  }
0x2ff: {  	v18 =	vadd.s32 $0x64, v18  }
0x300: {  	v19 =	vshll.u32 v18, $0x8;
	v18 =	vshll.u32 v18, $0x7  }
0x301: {  	v19 =	vand.u32 $0xFFFFF800, v19;
	v18 =	vand.u32 $0x380, v18  }
0x302: {  	v18 =	vor.u32 v18, v19  }
0x303: {  	v18 =	vor.u32 v11, v18;
	_ =	sdelay $0x4  }
0x304: {  	[tilespmem:v18+s14+$0x0] =	vst.idx.msk $0xffff, v0  }
0x305: {  	v18 =	vld [tilespmem:s30+$0x4A0];
	_ =	sdelay $0x4  }
0x306: {  	v18 =	vadd.s32 $0x64, v18  }
0x307: {  	v19 =	vshll.u32 v18, $0x8;
	v18 =	vshll.u32 v18, $0x7  }
0x308: {  	v19 =	vand.u32 $0xFFFFF800, v19;
	v18 =	vand.u32 $0x380, v18  }
0x309: {  	v18 =	vor.u32 v18, v19  }
0x30a: {  	v18 =	vor.u32 v12, v18;
	_ =	sdelay $0x4  }
0x30b: {  	[tilespmem:v18+s14+$0x0] =	vst.idx.msk $0xffff, v0  }
0x30c: {  	v18 =	vld [tilespmem:s30+$0x4B0];
	_ =	sdelay $0x4  }
0x30d: {  	v18 =	vadd.s32 $0x64, v18  }
0x30e: {  	v19 =	vshll.u32 v18, $0x8;
	v18 =	vshll.u32 v18, $0x7  }
0x30f: {  	v19 =	vand.u32 $0xFFFFF800, v19;
	v18 =	vand.u32 $0x380, v18  }
0x310: {  	v18 =	vor.u32 v18, v19  }
0x311: {  	v18 =	vor.u32 v13, v18;
	_ =	sdelay $0x4  }
0x312: {  	[tilespmem:v18+s14+$0x0] =	vst.idx.msk $0xffff, v0  }
0x313: {  	v18 =	vld [tilespmem:s30+$0x4C0];
	_ =	sdelay $0x4  }
0x314: {  	v18 =	vadd.s32 $0x64, v18  }
0x315: {  	v19 =	vshll.u32 v18, $0x8;
	v18 =	vshll.u32 v18, $0x7  }
0x316: {  	v19 =	vand.u32 $0xFFFFF800, v19;
	v18 =	vand.u32 $0x380, v18  }
0x317: {  	v18 =	vor.u32 v18, v19  }
0x318: {  	v18 =	vor.u32 v14, v18;
	_ =	sdelay $0x4  }
0x319: {  	[tilespmem:v18+s14+$0x0] =	vst.idx.msk $0xffff, v0  }
0x31a: {  	v18 =	vld [tilespmem:s30+$0x4D0];
	_ =	sdelay $0x4  }
0x31b: {  	v18 =	vadd.s32 $0x64, v18  }
0x31c: {  	v19 =	vshll.u32 v18, $0x8;
	v18 =	vshll.u32 v18, $0x7  }
0x31d: {  	v19 =	vand.u32 $0xFFFFF800, v19;
	v18 =	vand.u32 $0x380, v18  }
0x31e: {  	v18 =	vor.u32 v18, v19  }
0x31f: {  	v18 =	vor.u32 v15, v18;
	_ =	sdelay $0x4  }
0x320: {  	[tilespmem:v18+s14+$0x0] =	vst.idx.msk $0xffff, v0  }
0x321: {  	v18 =	vld [tilespmem:s30+$0x4E0];
	_ =	sdelay $0x4  }
0x322: {  	v18 =	vadd.s32 $0x64, v18  }
0x323: {  	v19 =	vshll.u32 v18, $0x8;
	v18 =	vshll.u32 v18, $0x7  }
0x324: {  	v19 =	vand.u32 $0xFFFFF800, v19;
	v18 =	vand.u32 $0x380, v18  }
0x325: {  	v18 =	vor.u32 v18, v19  }
0x326: {  	v18 =	vor.u32 v16, v18;
	_ =	sdelay $0x4  }
0x327: {  	[tilespmem:v18+s14+$0x0] =	vst.idx.msk $0xffff, v0  }
0x328: {  	v18 =	vld [tilespmem:s30+$0x4F0];
	_ =	sdelay $0x4  }
0x329: {  	v18 =	vadd.s32 $0x64, v18  }
0x32a: {  	v19 =	vshll.u32 v18, $0x8;
	v18 =	vshll.u32 v18, $0x7  }
0x32b: {  	v19 =	vand.u32 $0xFFFFF800, v19;
	v18 =	vand.u32 $0x380, v18  }
0x32c: {  	v18 =	vor.u32 v18, v19  }
0x32d: {  	v18 =	vor.u32 v17, v18;
	_ =	sdelay $0x2  }
0x32e: {  	s28 =	sadd.s32 $0x400, s24;
	s2 =	sadd.s32 $0x100, s26  }
0x32f: {  	s31 =	sand.u32 $0x7000, s28;
	s13 =	sand.u32 $0x300, s2  }
0x330: {  	s0 =	sor.u32 s13, s31;
	[tilespmem:v18+s14+$0x0] =	vst.idx.msk $0xffff, v0  }
0x331: {  	v18 =	vld [tilespmem:s0+$0x0]  }
0x332: {  	s29 =	sshra.s32 s24, $0x2  }
0x333: {  	v19 =	vld [tilespmem:s29+$0x4100];
	_ =	sdelay $0x2  }
0x334: {  	v20 =	vshll.u32 v18, $0x8;
	v21 =	vshll.u32 v18, $0x7  }
0x335: {  	v20 =	vand.u32 $0xFFFFF800, v20;
	v21 =	vand.u32 $0x380, v21  }
0x336: {  	vm0 =	vlt.s32 v18, v19;
	v18 =	vor.u32 v20, v21  }
0x337: {  	v18 =	vor.u32 v1, v18;
	_ =	sdelay $0x4  }
0x338: {  	[tilespmem:v18+s14+$0x0] =	vst.idx.msk vm0, v2  }
0x339: {  	v18 =	vld [tilespmem:s0+$0x10];
	_ =	sdelay $0x1  }
0x33a: {  	v19 =	vld [tilespmem:s29+$0x4100];
	_ =	sdelay $0x2  }
0x33b: {  	v58 =	vshll.u32 v18, $0x8;
	v59 =	vshll.u32 v18, $0x7  }
0x33c: {  	v20 =	vand.u32 $0xFFFFF800, v58;
	v21 =	vand.u32 $0x380, v59  }
0x33d: {  	vm13 =	vlt.s32 v18, v19;
	v18 =	vor.u32 v20, v21  }
0x33e: {  	v18 =	vor.u32 v3, v18;
	_ =	sdelay $0x4  }
0x33f: {  	[tilespmem:v18+s14+$0x0] =	vst.idx.msk vm13, v2  }
0x340: {  	v18 =	vld [tilespmem:s0+$0x20];
	_ =	sdelay $0x1  }
0x341: {  	v19 =	vld [tilespmem:s29+$0x4100];
	_ =	sdelay $0x2  }
0x342: {  	v60 =	vshll.u32 v18, $0x8;
	v61 =	vshll.u32 v18, $0x7  }
0x343: {  	v20 =	vand.u32 $0xFFFFF800, v60;
	v21 =	vand.u32 $0x380, v61  }
0x344: {  	vm14 =	vlt.s32 v18, v19;
	v18 =	vor.u32 v20, v21  }
0x345: {  	v18 =	vor.u32 v4, v18;
	_ =	sdelay $0x4  }
0x346: {  	[tilespmem:v18+s14+$0x0] =	vst.idx.msk vm14, v2  }
0x347: {  	v18 =	vld [tilespmem:s0+$0x30];
	_ =	sdelay $0x1  }
0x348: {  	v19 =	vld [tilespmem:s29+$0x4100];
	_ =	sdelay $0x2  }
0x349: {  	v62 =	vshll.u32 v18, $0x8;
	v63 =	vshll.u32 v18, $0x7  }
0x34a: {  	v20 =	vand.u32 $0xFFFFF800, v62;
	v21 =	vand.u32 $0x380, v63  }
0x34b: {  	vm15 =	vlt.s32 v18, v19;
	v18 =	vor.u32 v20, v21  }
0x34c: {  	v18 =	vor.u32 v5, v18;
	_ =	sdelay $0x4  }
0x34d: {  	[tilespmem:v18+s14+$0x0] =	vst.idx.msk vm15, v2  }
0x34e: {  	v18 =	vld [tilespmem:s0+$0x40];
	_ =	sdelay $0x1  }
0x34f: {  	v19 =	vld [tilespmem:s29+$0x4100];
	_ =	sdelay $0x2  }
0x350: {  	v24 =	vshll.u32 v18, $0x8;
	v25 =	vshll.u32 v18, $0x7  }
0x351: {  	v20 =	vand.u32 $0xFFFFF800, v24;
	v21 =	vand.u32 $0x380, v25  }
0x352: {  	vm4 =	vlt.s32 v18, v19;
	v18 =	vor.u32 v20, v21  }
0x353: {  	v18 =	vor.u32 v6, v18;
	_ =	sdelay $0x4  }
0x354: {  	[tilespmem:v18+s14+$0x0] =	vst.idx.msk vm4, v2  }
0x355: {  	v18 =	vld [tilespmem:s0+$0x50];
	_ =	sdelay $0x1  }
0x356: {  	v19 =	vld [tilespmem:s29+$0x4100];
	_ =	sdelay $0x2  }
0x357: {  	v26 =	vshll.u32 v18, $0x8;
	v27 =	vshll.u32 v18, $0x7  }
0x358: {  	v20 =	vand.u32 $0xFFFFF800, v26;
	v21 =	vand.u32 $0x380, v27  }
0x359: {  	vm5 =	vlt.s32 v18, v19;
	v18 =	vor.u32 v20, v21  }
0x35a: {  	v18 =	vor.u32 v7, v18;
	_ =	sdelay $0x4  }
0x35b: {  	[tilespmem:v18+s14+$0x0] =	vst.idx.msk vm5, v2  }
0x35c: {  	v18 =	vld [tilespmem:s0+$0x60];
	_ =	sdelay $0x1  }
0x35d: {  	v19 =	vld [tilespmem:s29+$0x4100];
	_ =	sdelay $0x2  }
0x35e: {  	v28 =	vshll.u32 v18, $0x8;
	v29 =	vshll.u32 v18, $0x7  }
0x35f: {  	v20 =	vand.u32 $0xFFFFF800, v28;
	v21 =	vand.u32 $0x380, v29  }
0x360: {  	vm6 =	vlt.s32 v18, v19;
	v18 =	vor.u32 v20, v21  }
0x361: {  	v18 =	vor.u32 v8, v18;
	_ =	sdelay $0x4  }
0x362: {  	[tilespmem:v18+s14+$0x0] =	vst.idx.msk vm6, v2  }
0x363: {  	v18 =	vld [tilespmem:s0+$0x70];
	_ =	sdelay $0x1  }
0x364: {  	v19 =	vld [tilespmem:s29+$0x4100];
	_ =	sdelay $0x2  }
0x365: {  	v30 =	vshll.u32 v18, $0x8;
	v31 =	vshll.u32 v18, $0x7  }
0x366: {  	v20 =	vand.u32 $0xFFFFF800, v30;
	v21 =	vand.u32 $0x380, v31  }
0x367: {  	vm7 =	vlt.s32 v18, v19;
	v18 =	vor.u32 v20, v21  }
0x368: {  	v18 =	vor.u32 v9, v18;
	_ =	sdelay $0x4  }
0x369: {  	[tilespmem:v18+s14+$0x0] =	vst.idx.msk vm7, v2  }
0x36a: {  	v18 =	vld [tilespmem:s0+$0x400];
	_ =	sdelay $0x1  }
0x36b: {  	v19 =	vld [tilespmem:s29+$0x4100];
	_ =	sdelay $0x2  }
0x36c: {  	v32 =	vshll.u32 v18, $0x8;
	v33 =	vshll.u32 v18, $0x7  }
0x36d: {  	v20 =	vand.u32 $0xFFFFF800, v32;
	v21 =	vand.u32 $0x380, v33  }
0x36e: {  	vm8 =	vlt.s32 v18, v19;
	v18 =	vor.u32 v21, v20  }
0x36f: {  	v18 =	vor.u32 v10, v18;
	_ =	sdelay $0x4  }
0x370: {  	[tilespmem:v18+s14+$0x0] =	vst.idx.msk vm8, v2  }
0x371: {  	v18 =	vld [tilespmem:s0+$0x410];
	_ =	sdelay $0x1  }
0x372: {  	v19 =	vld [tilespmem:s29+$0x4100];
	_ =	sdelay $0x2  }
0x373: {  	v34 =	vshll.u32 v18, $0x8;
	v35 =	vshll.u32 v18, $0x7  }
0x374: {  	v20 =	vand.u32 $0xFFFFF800, v34;
	v21 =	vand.u32 $0x380, v35  }
0x375: {  	vm9 =	vlt.s32 v18, v19;
	v18 =	vor.u32 v21, v20  }
0x376: {  	v18 =	vor.u32 v11, v18;
	_ =	sdelay $0x4  }
0x377: {  	[tilespmem:v18+s14+$0x0] =	vst.idx.msk vm9, v2  }
0x378: {  	v18 =	vld [tilespmem:s0+$0x420];
	_ =	sdelay $0x1  }
0x379: {  	v19 =	vld [tilespmem:s29+$0x4100];
	_ =	sdelay $0x2  }
0x37a: {  	v36 =	vshll.u32 v18, $0x8;
	v37 =	vshll.u32 v18, $0x7  }
0x37b: {  	v20 =	vand.u32 $0xFFFFF800, v36;
	v21 =	vand.u32 $0x380, v37  }
0x37c: {  	vm10 =	vlt.s32 v18, v19;
	v18 =	vor.u32 v21, v20  }
0x37d: {  	v18 =	vor.u32 v12, v18;
	_ =	sdelay $0x4  }
0x37e: {  	[tilespmem:v18+s14+$0x0] =	vst.idx.msk vm10, v2  }
0x37f: {  	v18 =	vld [tilespmem:s0+$0x430];
	_ =	sdelay $0x1  }
0x380: {  	v19 =	vld [tilespmem:s29+$0x4100];
	_ =	sdelay $0x2  }
0x381: {  	v38 =	vshll.u32 v18, $0x8;
	v39 =	vshll.u32 v18, $0x7  }
0x382: {  	v20 =	vand.u32 $0xFFFFF800, v38;
	v21 =	vand.u32 $0x380, v39  }
0x383: {  	vm11 =	vlt.s32 v18, v19;
	v18 =	vor.u32 v21, v20  }
0x384: {  	v18 =	vor.u32 v13, v18;
	_ =	sdelay $0x4  }
0x385: {  	[tilespmem:v18+s14+$0x0] =	vst.idx.msk vm11, v2  }
0x386: {  	v18 =	vld [tilespmem:s0+$0x440];
	_ =	sdelay $0x1  }
0x387: {  	v19 =	vld [tilespmem:s29+$0x4100];
	_ =	sdelay $0x2  }
0x388: {  	v40 =	vshll.u32 v18, $0x8;
	v41 =	vshll.u32 v18, $0x7  }
0x389: {  	v20 =	vand.u32 $0xFFFFF800, v40;
	v21 =	vand.u32 $0x380, v41  }
0x38a: {  	vm12 =	vlt.s32 v18, v19;
	v18 =	vor.u32 v21, v20  }
0x38b: {  	v18 =	vor.u32 v14, v18;
	_ =	sdelay $0x4  }
0x38c: {  	[tilespmem:v18+s14+$0x0] =	vst.idx.msk vm12, v2  }
0x38d: {  	v18 =	vld [tilespmem:s0+$0x450];
	_ =	sdelay $0x1  }
0x38e: {  	v19 =	vld [tilespmem:s29+$0x4100];
	_ =	sdelay $0x2  }
0x38f: {  	v42 =	vshll.u32 v18, $0x8;
	v43 =	vshll.u32 v18, $0x7  }
0x390: {  	v20 =	vand.u32 $0xFFFFF800, v42;
	v21 =	vand.u32 $0x380, v43  }
0x391: {  	vm13 =	vlt.s32 v18, v19;
	v18 =	vor.u32 v21, v20  }
0x392: {  	v18 =	vor.u32 v15, v18;
	_ =	sdelay $0x4  }
0x393: {  	[tilespmem:v18+s14+$0x0] =	vst.idx.msk vm13, v2  }
0x394: {  	v18 =	vld [tilespmem:s0+$0x460];
	_ =	sdelay $0x1  }
0x395: {  	v19 =	vld [tilespmem:s29+$0x4100];
	_ =	sdelay $0x2  }
0x396: {  	v44 =	vshll.u32 v18, $0x8;
	v45 =	vshll.u32 v18, $0x7  }
0x397: {  	v20 =	vand.u32 $0xFFFFF800, v44;
	v21 =	vand.u32 $0x380, v45  }
0x398: {  	vm14 =	vlt.s32 v18, v19;
	v18 =	vor.u32 v21, v20  }
0x399: {  	v18 =	vor.u32 v16, v18;
	_ =	sdelay $0x4  }
0x39a: {  	[tilespmem:v18+s14+$0x0] =	vst.idx.msk vm14, v2  }
0x39b: {  	v18 =	vld [tilespmem:s0+$0x470];
	_ =	sdelay $0x1  }
0x39c: {  	v19 =	vld [tilespmem:s29+$0x4100];
	_ =	sdelay $0x2  }
0x39d: {  	v46 =	vshll.u32 v18, $0x8;
	v47 =	vshll.u32 v18, $0x7  }
0x39e: {  	v20 =	vand.u32 $0xFFFFF800, v46;
	v21 =	vand.u32 $0x380, v47  }
0x39f: {  	vm15 =	vlt.s32 v18, v19;
	v18 =	vor.u32 v21, v20  }
0x3a0: {  	v18 =	vor.u32 v17, v18;
	_ =	sdelay $0x2  }
0x3a1: {  	s10 =	sadd.s32 $0x600, s24;
	s13 =	sadd.s32 $0x180, s26  }
0x3a2: {  	s3 =	sand.u32 $0x7000, s10;
	s10 =	sand.u32 $0x380, s13  }
0x3a3: {  	s13 =	sor.u32 s10, s3;
	[tilespmem:v18+s14+$0x0] =	vst.idx.msk vm15, v2  }
0x3a4: {  	v18 =	vld [tilespmem:s13+$0x0];
	_ =	sdelay $0x2  }
0x3a5: {  	v19 =	vld [tilespmem:s29+$0x4180];
	_ =	sdelay $0x1  }
0x3a6: {  	v48 =	vadd.s32 $0x64, v18  }
0x3a7: {  	v49 =	vshll.u32 v48, $0x8;
	v20 =	vshll.u32 v48, $0x7  }
0x3a8: {  	v21 =	vand.u32 $0xFFFFF800, v49;
	v20 =	vand.u32 $0x380, v20  }
0x3a9: {  	vm4 =	vlt.s32 v18, v19;
	v18 =	vor.u32 v21, v20  }
0x3aa: {  	v18 =	vor.u32 v1, v18;
	_ =	sdelay $0x4  }
0x3ab: {  	[tilespmem:v18+s14+$0x0] =	vst.idx.msk vm4, v2  }
0x3ac: {  	v18 =	vld [tilespmem:s13+$0x10];
	_ =	sdelay $0x2  }
0x3ad: {  	v19 =	vld [tilespmem:s29+$0x4180];
	_ =	sdelay $0x1  }
0x3ae: {  	v50 =	vadd.s32 $0x64, v18  }
0x3af: {  	v51 =	vshll.u32 v50, $0x8;
	v20 =	vshll.u32 v50, $0x7  }
0x3b0: {  	v21 =	vand.u32 $0xFFFFF800, v51;
	v20 =	vand.u32 $0x380, v20  }
0x3b1: {  	vm5 =	vlt.s32 v18, v19;
	v18 =	vor.u32 v21, v20  }
0x3b2: {  	v18 =	vor.u32 v3, v18;
	_ =	sdelay $0x4  }
0x3b3: {  	[tilespmem:v18+s14+$0x0] =	vst.idx.msk vm5, v2  }
0x3b4: {  	v18 =	vld [tilespmem:s13+$0x20];
	_ =	sdelay $0x2  }
0x3b5: {  	v19 =	vld [tilespmem:s29+$0x4180];
	_ =	sdelay $0x1  }
0x3b6: {  	v52 =	vadd.s32 $0x64, v18  }
0x3b7: {  	v53 =	vshll.u32 v52, $0x8;
	v20 =	vshll.u32 v52, $0x7  }
0x3b8: {  	v21 =	vand.u32 $0xFFFFF800, v53;
	v20 =	vand.u32 $0x380, v20  }
0x3b9: {  	vm6 =	vlt.s32 v18, v19;
	v18 =	vor.u32 v21, v20  }
0x3ba: {  	v18 =	vor.u32 v4, v18;
	_ =	sdelay $0x4  }
0x3bb: {  	[tilespmem:v18+s14+$0x0] =	vst.idx.msk vm6, v2  }
0x3bc: {  	v18 =	vld [tilespmem:s13+$0x30];
	_ =	sdelay $0x2  }
0x3bd: {  	v19 =	vld [tilespmem:s29+$0x4180];
	_ =	sdelay $0x1  }
0x3be: {  	v54 =	vadd.s32 $0x64, v18  }
0x3bf: {  	v55 =	vshll.u32 v54, $0x8;
	v20 =	vshll.u32 v54, $0x7  }
0x3c0: {  	v21 =	vand.u32 $0xFFFFF800, v55;
	v20 =	vand.u32 $0x380, v20  }
0x3c1: {  	vm7 =	vlt.s32 v18, v19;
	v18 =	vor.u32 v21, v20  }
0x3c2: {  	v18 =	vor.u32 v5, v18;
	_ =	sdelay $0x4  }
0x3c3: {  	[tilespmem:v18+s14+$0x0] =	vst.idx.msk vm7, v2  }
0x3c4: {  	v18 =	vld [tilespmem:s13+$0x40];
	_ =	sdelay $0x2  }
0x3c5: {  	v19 =	vld [tilespmem:s29+$0x4180];
	_ =	sdelay $0x1  }
0x3c6: {  	v56 =	vadd.s32 $0x64, v18  }
0x3c7: {  	v57 =	vshll.u32 v56, $0x8;
	v20 =	vshll.u32 v56, $0x7  }
0x3c8: {  	v21 =	vand.u32 $0xFFFFF800, v57;
	v20 =	vand.u32 $0x380, v20  }
0x3c9: {  	vm8 =	vlt.s32 v18, v19;
	v18 =	vor.u32 v21, v20  }
0x3ca: {  	v18 =	vor.u32 v6, v18;
	_ =	sdelay $0x4  }
0x3cb: {  	[tilespmem:v18+s14+$0x0] =	vst.idx.msk vm8, v2  }
0x3cc: {  	v18 =	vld [tilespmem:s13+$0x50];
	_ =	sdelay $0x2  }
0x3cd: {  	v19 =	vld [tilespmem:s29+$0x4180];
	_ =	sdelay $0x1  }
0x3ce: {  	v58 =	vadd.s32 $0x64, v18  }
0x3cf: {  	v59 =	vshll.u32 v58, $0x8;
	v20 =	vshll.u32 v58, $0x7  }
0x3d0: {  	v21 =	vand.u32 $0xFFFFF800, v59;
	v20 =	vand.u32 $0x380, v20  }
0x3d1: {  	vm9 =	vlt.s32 v18, v19;
	v18 =	vor.u32 v21, v20  }
0x3d2: {  	v18 =	vor.u32 v7, v18;
	_ =	sdelay $0x4  }
0x3d3: {  	[tilespmem:v18+s14+$0x0] =	vst.idx.msk vm9, v2  }
0x3d4: {  	v18 =	vld [tilespmem:s13+$0x60];
	_ =	sdelay $0x2  }
0x3d5: {  	v19 =	vld [tilespmem:s29+$0x4180];
	_ =	sdelay $0x1  }
0x3d6: {  	v60 =	vadd.s32 $0x64, v18  }
0x3d7: {  	v61 =	vshll.u32 v60, $0x8;
	v20 =	vshll.u32 v60, $0x7  }
0x3d8: {  	v21 =	vand.u32 $0xFFFFF800, v61;
	v20 =	vand.u32 $0x380, v20  }
0x3d9: {  	vm10 =	vlt.s32 v18, v19;
	v18 =	vor.u32 v21, v20  }
0x3da: {  	v18 =	vor.u32 v8, v18;
	_ =	sdelay $0x4  }
0x3db: {  	[tilespmem:v18+s14+$0x0] =	vst.idx.msk vm10, v2  }
0x3dc: {  	v18 =	vld [tilespmem:s13+$0x70];
	_ =	sdelay $0x2  }
0x3dd: {  	v19 =	vld [tilespmem:s29+$0x4180];
	_ =	sdelay $0x1  }
0x3de: {  	v62 =	vadd.s32 $0x64, v18  }
0x3df: {  	v63 =	vshll.u32 v62, $0x8;
	v20 =	vshll.u32 v62, $0x7  }
0x3e0: {  	v21 =	vand.u32 $0xFFFFF800, v63;
	v20 =	vand.u32 $0x380, v20  }
0x3e1: {  	vm11 =	vlt.s32 v18, v19;
	v18 =	vor.u32 v21, v20  }
0x3e2: {  	v18 =	vor.u32 v9, v18;
	_ =	sdelay $0x4  }
0x3e3: {  	[tilespmem:v18+s14+$0x0] =	vst.idx.msk vm11, v2  }
0x3e4: {  	v18 =	vld [tilespmem:s13+$0x400];
	_ =	sdelay $0x2  }
0x3e5: {  	v19 =	vld [tilespmem:s29+$0x4180];
	_ =	sdelay $0x1  }
0x3e6: {  	v24 =	vadd.s32 $0x64, v18  }
0x3e7: {  	v25 =	vshll.u32 v24, $0x8;
	v20 =	vshll.u32 v24, $0x7  }
0x3e8: {  	v21 =	vand.u32 $0xFFFFF800, v25;
	v20 =	vand.u32 $0x380, v20  }
0x3e9: {  	vm12 =	vlt.s32 v18, v19;
	v18 =	vor.u32 v20, v21  }
0x3ea: {  	v18 =	vor.u32 v10, v18;
	_ =	sdelay $0x4  }
0x3eb: {  	[tilespmem:v18+s14+$0x0] =	vst.idx.msk vm12, v2  }
0x3ec: {  	v18 =	vld [tilespmem:s13+$0x410];
	_ =	sdelay $0x2  }
0x3ed: {  	v19 =	vld [tilespmem:s29+$0x4180];
	_ =	sdelay $0x1  }
0x3ee: {  	v26 =	vadd.s32 $0x64, v18  }
0x3ef: {  	v27 =	vshll.u32 v26, $0x8;
	v20 =	vshll.u32 v26, $0x7  }
0x3f0: {  	v21 =	vand.u32 $0xFFFFF800, v27;
	v20 =	vand.u32 $0x380, v20  }
0x3f1: {  	vm13 =	vlt.s32 v18, v19;
	v18 =	vor.u32 v20, v21  }
0x3f2: {  	v18 =	vor.u32 v11, v18;
	_ =	sdelay $0x4  }
0x3f3: {  	[tilespmem:v18+s14+$0x0] =	vst.idx.msk vm13, v2  }
0x3f4: {  	v18 =	vld [tilespmem:s13+$0x420];
	_ =	sdelay $0x2  }
0x3f5: {  	v19 =	vld [tilespmem:s29+$0x4180];
	_ =	sdelay $0x1  }
0x3f6: {  	v28 =	vadd.s32 $0x64, v18  }
0x3f7: {  	v29 =	vshll.u32 v28, $0x8;
	v20 =	vshll.u32 v28, $0x7  }
0x3f8: {  	v21 =	vand.u32 $0xFFFFF800, v29;
	v20 =	vand.u32 $0x380, v20  }
0x3f9: {  	vm14 =	vlt.s32 v18, v19;
	v18 =	vor.u32 v20, v21  }
0x3fa: {  	v18 =	vor.u32 v12, v18;
	_ =	sdelay $0x4  }
0x3fb: {  	[tilespmem:v18+s14+$0x0] =	vst.idx.msk vm14, v2  }
0x3fc: {  	v18 =	vld [tilespmem:s13+$0x430];
	_ =	sdelay $0x2  }
0x3fd: {  	v19 =	vld [tilespmem:s29+$0x4180];
	_ =	sdelay $0x1  }
0x3fe: {  	v30 =	vadd.s32 $0x64, v18  }
0x3ff: {  	v31 =	vshll.u32 v30, $0x8;
	v20 =	vshll.u32 v30, $0x7  }
0x400: {  	v21 =	vand.u32 $0xFFFFF800, v31;
	v20 =	vand.u32 $0x380, v20  }
0x401: {  	vm15 =	vlt.s32 v18, v19;
	v18 =	vor.u32 v20, v21  }
0x402: {  	v18 =	vor.u32 v13, v18;
	_ =	sdelay $0x4  }
0x403: {  	[tilespmem:v18+s14+$0x0] =	vst.idx.msk vm15, v2  }
0x404: {  	v18 =	vld [tilespmem:s13+$0x440];
	_ =	sdelay $0x2  }
0x405: {  	v19 =	vld [tilespmem:s29+$0x4180];
	_ =	sdelay $0x1  }
0x406: {  	v32 =	vadd.s32 $0x64, v18  }
0x407: {  	v33 =	vshll.u32 v32, $0x8;
	v20 =	vshll.u32 v32, $0x7  }
0x408: {  	v21 =	vand.u32 $0xFFFFF800, v33;
	v20 =	vand.u32 $0x380, v20  }
0x409: {  	vm4 =	vlt.s32 v18, v19;
	v18 =	vor.u32 v20, v21  }
0x40a: {  	v18 =	vor.u32 v14, v18;
	_ =	sdelay $0x4  }
0x40b: {  	[tilespmem:v18+s14+$0x0] =	vst.idx.msk vm4, v2  }
0x40c: {  	v18 =	vld [tilespmem:s13+$0x450];
	_ =	sdelay $0x2  }
0x40d: {  	v19 =	vld [tilespmem:s29+$0x4180];
	_ =	sdelay $0x1  }
0x40e: {  	v34 =	vadd.s32 $0x64, v18  }
0x40f: {  	v35 =	vshll.u32 v34, $0x8;
	v20 =	vshll.u32 v34, $0x7  }
0x410: {  	v21 =	vand.u32 $0xFFFFF800, v35;
	v20 =	vand.u32 $0x380, v20  }
0x411: {  	vm5 =	vlt.s32 v18, v19;
	v18 =	vor.u32 v20, v21  }
0x412: {  	v18 =	vor.u32 v15, v18;
	_ =	sdelay $0x4  }
0x413: {  	[tilespmem:v18+s14+$0x0] =	vst.idx.msk vm5, v2  }
0x414: {  	v18 =	vld [tilespmem:s13+$0x460];
	_ =	sdelay $0x2  }
0x415: {  	v19 =	vld [tilespmem:s29+$0x4180];
	_ =	sdelay $0x1  }
0x416: {  	v36 =	vadd.s32 $0x64, v18  }
0x417: {  	v37 =	vshll.u32 v36, $0x8;
	v20 =	vshll.u32 v36, $0x7  }
0x418: {  	v21 =	vand.u32 $0xFFFFF800, v37;
	v20 =	vand.u32 $0x380, v20  }
0x419: {  	vm6 =	vlt.s32 v18, v19;
	v18 =	vor.u32 v20, v21  }
0x41a: {  	v18 =	vor.u32 v16, v18;
	_ =	sdelay $0x4  }
0x41b: {  	[tilespmem:v18+s14+$0x0] =	vst.idx.msk vm6, v2  }
0x41c: {  	v18 =	vld [tilespmem:s13+$0x470];
	_ =	sdelay $0x2  }
0x41d: {  	v19 =	vld [tilespmem:s29+$0x4180];
	_ =	sdelay $0x1  }
0x41e: {  	v38 =	vadd.s32 $0x64, v18  }
0x41f: {  	v39 =	vshll.u32 v38, $0x8;
	v20 =	vshll.u32 v38, $0x7  }
0x420: {  	v21 =	vand.u32 $0xFFFFF800, v39;
	v20 =	vand.u32 $0x380, v20  }
0x421: {  	vm7 =	vlt.s32 v18, v19;
	v18 =	vor.u32 v20, v21  }
0x422: {  	v18 =	vor.u32 v17, v18;
	_ =	sdelay $0x4  }
0x423: {  	[tilespmem:v18+s14+$0x0] =	vst.idx.msk vm7, v2  }
0x424: {  	[hbm4b:s22+s15] =	stream.strided.scatter [tilespmem:s14], [sflag:$0x1], $0xC800, s11, s15, $0x38;
	[tilespmem:$0x1E000] =	vst v63  }
0x425: {  	_ =	swait.ge [sflag:s18], $0xC800  }
0x426: {  	[sflag:s18] =	ssyncset.done $0x0  }
0x427: {  	[sflag:s18] =	ssyncadd.s32 $0xFFFF3800  }
0x428: {  	v18 =	vld [tilespmem:s30+$0x800];
	_ =	sdelay $0x4  }
0x429: {  	v19 =	vshll.u32 v18, $0x8;
	v18 =	vshll.u32 v18, $0x7  }
0x42a: {  	v19 =	vand.u32 $0xFFFFF800, v19;
	v18 =	vand.u32 $0x380, v18  }
0x42b: {  	v18 =	vor.u32 v19, v18  }
0x42c: {  	v18 =	vor.u32 v1, v18;
	_ =	sdelay $0x4  }
0x42d: {  	[tilespmem:v18+s16+$0x0] =	vst.idx.msk $0xffff, v0  }
0x42e: {  	v18 =	vld [tilespmem:s30+$0x810];
	_ =	sdelay $0x4  }
0x42f: {  	v19 =	vshll.u32 v18, $0x8;
	v18 =	vshll.u32 v18, $0x7  }
0x430: {  	v19 =	vand.u32 $0xFFFFF800, v19;
	v18 =	vand.u32 $0x380, v18  }
0x431: {  	v18 =	vor.u32 v19, v18  }
0x432: {  	v18 =	vor.u32 v3, v18;
	_ =	sdelay $0x4  }
0x433: {  	[tilespmem:v18+s16+$0x0] =	vst.idx.msk $0xffff, v0  }
0x434: {  	v18 =	vld [tilespmem:s30+$0x820];
	_ =	sdelay $0x4  }
0x435: {  	v19 =	vshll.u32 v18, $0x8;
	v18 =	vshll.u32 v18, $0x7  }
0x436: {  	v19 =	vand.u32 $0xFFFFF800, v19;
	v18 =	vand.u32 $0x380, v18  }
0x437: {  	v18 =	vor.u32 v19, v18  }
0x438: {  	v18 =	vor.u32 v4, v18;
	_ =	sdelay $0x4  }
0x439: {  	[tilespmem:v18+s16+$0x0] =	vst.idx.msk $0xffff, v0  }
0x43a: {  	v18 =	vld [tilespmem:s30+$0x830];
	_ =	sdelay $0x4  }
0x43b: {  	v19 =	vshll.u32 v18, $0x8;
	v18 =	vshll.u32 v18, $0x7  }
0x43c: {  	v19 =	vand.u32 $0xFFFFF800, v19;
	v18 =	vand.u32 $0x380, v18  }
0x43d: {  	v18 =	vor.u32 v19, v18  }
0x43e: {  	v18 =	vor.u32 v5, v18;
	_ =	sdelay $0x4  }
0x43f: {  	[tilespmem:v18+s16+$0x0] =	vst.idx.msk $0xffff, v0  }
0x440: {  	v18 =	vld [tilespmem:s30+$0x840];
	_ =	sdelay $0x4  }
0x441: {  	v19 =	vshll.u32 v18, $0x8;
	v18 =	vshll.u32 v18, $0x7  }
0x442: {  	v19 =	vand.u32 $0xFFFFF800, v19;
	v18 =	vand.u32 $0x380, v18  }
0x443: {  	v18 =	vor.u32 v19, v18  }
0x444: {  	v18 =	vor.u32 v6, v18;
	_ =	sdelay $0x4  }
0x445: {  	[tilespmem:v18+s16+$0x0] =	vst.idx.msk $0xffff, v0  }
0x446: {  	v18 =	vld [tilespmem:s30+$0x850];
	_ =	sdelay $0x4  }
0x447: {  	v19 =	vshll.u32 v18, $0x8;
	v18 =	vshll.u32 v18, $0x7  }
0x448: {  	v19 =	vand.u32 $0xFFFFF800, v19;
	v18 =	vand.u32 $0x380, v18  }
0x449: {  	v18 =	vor.u32 v19, v18  }
0x44a: {  	v18 =	vor.u32 v7, v18;
	_ =	sdelay $0x4  }
0x44b: {  	[tilespmem:v18+s16+$0x0] =	vst.idx.msk $0xffff, v0  }
0x44c: {  	v18 =	vld [tilespmem:s30+$0x860];
	_ =	sdelay $0x4  }
0x44d: {  	v19 =	vshll.u32 v18, $0x8;
	v18 =	vshll.u32 v18, $0x7  }
0x44e: {  	v19 =	vand.u32 $0xFFFFF800, v19;
	v18 =	vand.u32 $0x380, v18  }
0x44f: {  	v18 =	vor.u32 v19, v18  }
0x450: {  	v18 =	vor.u32 v8, v18;
	_ =	sdelay $0x4  }
0x451: {  	[tilespmem:v18+s16+$0x0] =	vst.idx.msk $0xffff, v0  }
0x452: {  	v18 =	vld [tilespmem:s30+$0x870];
	_ =	sdelay $0x4  }
0x453: {  	v19 =	vshll.u32 v18, $0x8;
	v18 =	vshll.u32 v18, $0x7  }
0x454: {  	v19 =	vand.u32 $0xFFFFF800, v19;
	v18 =	vand.u32 $0x380, v18  }
0x455: {  	v18 =	vor.u32 v19, v18  }
0x456: {  	v18 =	vor.u32 v9, v18;
	_ =	sdelay $0x3  }
0x457: {  	s13 =	sor.u32 s26, s24  }
0x458: {  	s26 =	sor.u32 $0xC00, s13;
	[tilespmem:v18+s16+$0x0] =	vst.idx.msk $0xffff, v0  }
0x459: {  	v18 =	vld [tilespmem:s26+$0x0];
	_ =	sdelay $0x4  }
0x45a: {  	v19 =	vshll.u32 v18, $0x8;
	v18 =	vshll.u32 v18, $0x7  }
0x45b: {  	v19 =	vand.u32 $0xFFFFF800, v19;
	v18 =	vand.u32 $0x380, v18  }
0x45c: {  	v18 =	vor.u32 v18, v19  }
0x45d: {  	v18 =	vor.u32 v10, v18;
	_ =	sdelay $0x4  }
0x45e: {  	s26 =	sor.u32 $0xC10, s13;
	[tilespmem:v18+s16+$0x0] =	vst.idx.msk $0xffff, v0  }
0x45f: {  	v18 =	vld [tilespmem:s26+$0x0];
	_ =	sdelay $0x4  }
0x460: {  	v19 =	vshll.u32 v18, $0x8;
	v18 =	vshll.u32 v18, $0x7  }
0x461: {  	v19 =	vand.u32 $0xFFFFF800, v19;
	v18 =	vand.u32 $0x380, v18  }
0x462: {  	v18 =	vor.u32 v18, v19  }
0x463: {  	v18 =	vor.u32 v11, v18;
	_ =	sdelay $0x4  }
0x464: {  	s26 =	sor.u32 $0xC20, s13;
	[tilespmem:v18+s16+$0x0] =	vst.idx.msk $0xffff, v0  }
0x465: {  	v18 =	vld [tilespmem:s26+$0x0];
	_ =	sdelay $0x4  }
0x466: {  	v19 =	vshll.u32 v18, $0x8;
	v18 =	vshll.u32 v18, $0x7  }
0x467: {  	v19 =	vand.u32 $0xFFFFF800, v19;
	v18 =	vand.u32 $0x380, v18  }
0x468: {  	v18 =	vor.u32 v18, v19  }
0x469: {  	v18 =	vor.u32 v12, v18;
	_ =	sdelay $0x4  }
0x46a: {  	s26 =	sor.u32 $0xC30, s13;
	[tilespmem:v18+s16+$0x0] =	vst.idx.msk $0xffff, v0  }
0x46b: {  	v18 =	vld [tilespmem:s26+$0x0];
	_ =	sdelay $0x4  }
0x46c: {  	v19 =	vshll.u32 v18, $0x8;
	v18 =	vshll.u32 v18, $0x7  }
0x46d: {  	v19 =	vand.u32 $0xFFFFF800, v19;
	v18 =	vand.u32 $0x380, v18  }
0x46e: {  	v18 =	vor.u32 v18, v19  }
0x46f: {  	v18 =	vor.u32 v13, v18;
	_ =	sdelay $0x4  }
0x470: {  	s26 =	sor.u32 $0xC40, s13;
	[tilespmem:v18+s16+$0x0] =	vst.idx.msk $0xffff, v0  }
0x471: {  	v18 =	vld [tilespmem:s26+$0x0];
	_ =	sdelay $0x4  }
0x472: {  	v19 =	vshll.u32 v18, $0x8;
	v18 =	vshll.u32 v18, $0x7  }
0x473: {  	v19 =	vand.u32 $0xFFFFF800, v19;
	v18 =	vand.u32 $0x380, v18  }
0x474: {  	v18 =	vor.u32 v18, v19  }
0x475: {  	v18 =	vor.u32 v14, v18;
	_ =	sdelay $0x4  }
0x476: {  	s26 =	sor.u32 $0xC50, s13;
	[tilespmem:v18+s16+$0x0] =	vst.idx.msk $0xffff, v0  }
0x477: {  	v18 =	vld [tilespmem:s26+$0x0];
	_ =	sdelay $0x4  }
0x478: {  	v19 =	vshll.u32 v18, $0x8;
	v18 =	vshll.u32 v18, $0x7  }
0x479: {  	v19 =	vand.u32 $0xFFFFF800, v19;
	v18 =	vand.u32 $0x380, v18  }
0x47a: {  	v18 =	vor.u32 v18, v19  }
0x47b: {  	v18 =	vor.u32 v15, v18;
	_ =	sdelay $0x4  }
0x47c: {  	s26 =	sor.u32 $0xC60, s13;
	[tilespmem:v18+s16+$0x0] =	vst.idx.msk $0xffff, v0  }
0x47d: {  	v18 =	vld [tilespmem:s26+$0x0];
	_ =	sdelay $0x4  }
0x47e: {  	v19 =	vshll.u32 v18, $0x8;
	v18 =	vshll.u32 v18, $0x7  }
0x47f: {  	v19 =	vand.u32 $0xFFFFF800, v19;
	v18 =	vand.u32 $0x380, v18  }
0x480: {  	v18 =	vor.u32 v18, v19  }
0x481: {  	v18 =	vor.u32 v16, v18;
	_ =	sdelay $0x4  }
0x482: {  	s26 =	sor.u32 $0xC70, s13;
	[tilespmem:v18+s16+$0x0] =	vst.idx.msk $0xffff, v0  }
0x483: {  	v18 =	vld [tilespmem:s26+$0x0];
	_ =	sdelay $0x4  }
0x484: {  	v19 =	vshll.u32 v18, $0x8;
	v18 =	vshll.u32 v18, $0x7  }
0x485: {  	v19 =	vand.u32 $0xFFFFF800, v19;
	v18 =	vand.u32 $0x380, v18  }
0x486: {  	v18 =	vor.u32 v18, v19  }
0x487: {  	v18 =	vor.u32 v17, v18;
	_ =	sdelay $0x4  }
0x488: {  	[tilespmem:v18+s16+$0x0] =	vst.idx.msk $0xffff, v0  }
0x489: {  	v18 =	vld [tilespmem:s30+$0x880];
	_ =	sdelay $0x4  }
0x48a: {  	v18 =	vadd.s32 $0x64, v18  }
0x48b: {  	v19 =	vshll.u32 v18, $0x8;
	v18 =	vshll.u32 v18, $0x7  }
0x48c: {  	v19 =	vand.u32 $0xFFFFF800, v19;
	v18 =	vand.u32 $0x380, v18  }
0x48d: {  	v18 =	vor.u32 v19, v18  }
0x48e: {  	v18 =	vor.u32 v1, v18;
	_ =	sdelay $0x4  }
0x48f: {  	[tilespmem:v18+s16+$0x0] =	vst.idx.msk $0xffff, v0  }
0x490: {  	v18 =	vld [tilespmem:s30+$0x890];
	_ =	sdelay $0x4  }
0x491: {  	v18 =	vadd.s32 $0x64, v18  }
0x492: {  	v19 =	vshll.u32 v18, $0x8;
	v18 =	vshll.u32 v18, $0x7  }
0x493: {  	v19 =	vand.u32 $0xFFFFF800, v19;
	v18 =	vand.u32 $0x380, v18  }
0x494: {  	v18 =	vor.u32 v19, v18  }
0x495: {  	v18 =	vor.u32 v3, v18;
	_ =	sdelay $0x4  }
0x496: {  	[tilespmem:v18+s16+$0x0] =	vst.idx.msk $0xffff, v0  }
0x497: {  	v18 =	vld [tilespmem:s30+$0x8A0];
	_ =	sdelay $0x4  }
0x498: {  	v18 =	vadd.s32 $0x64, v18  }
0x499: {  	v19 =	vshll.u32 v18, $0x8;
	v18 =	vshll.u32 v18, $0x7  }
0x49a: {  	v19 =	vand.u32 $0xFFFFF800, v19;
	v18 =	vand.u32 $0x380, v18  }
0x49b: {  	v18 =	vor.u32 v19, v18  }
0x49c: {  	v18 =	vor.u32 v4, v18;
	_ =	sdelay $0x4  }
0x49d: {  	[tilespmem:v18+s16+$0x0] =	vst.idx.msk $0xffff, v0  }
0x49e: {  	v18 =	vld [tilespmem:s30+$0x8B0];
	_ =	sdelay $0x4  }
0x49f: {  	v18 =	vadd.s32 $0x64, v18  }
0x4a0: {  	v19 =	vshll.u32 v18, $0x8;
	v18 =	vshll.u32 v18, $0x7  }
0x4a1: {  	v19 =	vand.u32 $0xFFFFF800, v19;
	v18 =	vand.u32 $0x380, v18  }
0x4a2: {  	v18 =	vor.u32 v19, v18  }
0x4a3: {  	v18 =	vor.u32 v5, v18;
	_ =	sdelay $0x4  }
0x4a4: {  	[tilespmem:v18+s16+$0x0] =	vst.idx.msk $0xffff, v0  }
0x4a5: {  	v18 =	vld [tilespmem:s30+$0x8C0];
	_ =	sdelay $0x4  }
0x4a6: {  	v18 =	vadd.s32 $0x64, v18  }
0x4a7: {  	v19 =	vshll.u32 v18, $0x8;
	v18 =	vshll.u32 v18, $0x7  }
0x4a8: {  	v19 =	vand.u32 $0xFFFFF800, v19;
	v18 =	vand.u32 $0x380, v18  }
0x4a9: {  	v18 =	vor.u32 v19, v18  }
0x4aa: {  	v18 =	vor.u32 v6, v18;
	_ =	sdelay $0x4  }
0x4ab: {  	[tilespmem:v18+s16+$0x0] =	vst.idx.msk $0xffff, v0  }
0x4ac: {  	v18 =	vld [tilespmem:s30+$0x8D0];
	_ =	sdelay $0x4  }
0x4ad: {  	v18 =	vadd.s32 $0x64, v18  }
0x4ae: {  	v19 =	vshll.u32 v18, $0x8;
	v18 =	vshll.u32 v18, $0x7  }
0x4af: {  	v19 =	vand.u32 $0xFFFFF800, v19;
	v18 =	vand.u32 $0x380, v18  }
0x4b0: {  	v18 =	vor.u32 v19, v18  }
0x4b1: {  	v18 =	vor.u32 v7, v18;
	_ =	sdelay $0x4  }
0x4b2: {  	[tilespmem:v18+s16+$0x0] =	vst.idx.msk $0xffff, v0  }
0x4b3: {  	v18 =	vld [tilespmem:s30+$0x8E0];
	_ =	sdelay $0x4  }
0x4b4: {  	v18 =	vadd.s32 $0x64, v18  }
0x4b5: {  	v19 =	vshll.u32 v18, $0x8;
	v18 =	vshll.u32 v18, $0x7  }
0x4b6: {  	v19 =	vand.u32 $0xFFFFF800, v19;
	v18 =	vand.u32 $0x380, v18  }
0x4b7: {  	v18 =	vor.u32 v19, v18  }
0x4b8: {  	v18 =	vor.u32 v8, v18;
	_ =	sdelay $0x4  }
0x4b9: {  	[tilespmem:v18+s16+$0x0] =	vst.idx.msk $0xffff, v0  }
0x4ba: {  	v18 =	vld [tilespmem:s30+$0x8F0];
	_ =	sdelay $0x4  }
0x4bb: {  	v18 =	vadd.s32 $0x64, v18  }
0x4bc: {  	v19 =	vshll.u32 v18, $0x8;
	v18 =	vshll.u32 v18, $0x7  }
0x4bd: {  	v19 =	vand.u32 $0xFFFFF800, v19;
	v18 =	vand.u32 $0x380, v18  }
0x4be: {  	v18 =	vor.u32 v19, v18  }
0x4bf: {  	v18 =	vor.u32 v9, v18  }
0x4c0: {  	s13 =	sand.u32 $0x3, s25  }
0x4c1: {  	s3 =	sshll.u32 s13, $0x8  }
0x4c2: {  	s3 =	sadd.s32 s24, s3  }
0x4c3: {  	s13 =	sadd.s32 $0x80, s3  }
0x4c4: {  	s3 =	sor.u32 $0xC00, s13;
	[tilespmem:v18+s16+$0x0] =	vst.idx.msk $0xffff, v0  }
0x4c5: {  	v18 =	vld [tilespmem:s3+$0x0];
	_ =	sdelay $0x4  }
0x4c6: {  	v18 =	vadd.s32 $0x64, v18  }
0x4c7: {  	v19 =	vshll.u32 v18, $0x8;
	v18 =	vshll.u32 v18, $0x7  }
0x4c8: {  	v19 =	vand.u32 $0xFFFFF800, v19;
	v18 =	vand.u32 $0x380, v18  }
0x4c9: {  	v18 =	vor.u32 v18, v19  }
0x4ca: {  	v18 =	vor.u32 v10, v18;
	_ =	sdelay $0x4  }
0x4cb: {  	s26 =	sor.u32 $0xC10, s13;
	[tilespmem:v18+s16+$0x0] =	vst.idx.msk $0xffff, v0  }
0x4cc: {  	v18 =	vld [tilespmem:s26+$0x0];
	_ =	sdelay $0x4  }
0x4cd: {  	v18 =	vadd.s32 $0x64, v18  }
0x4ce: {  	v19 =	vshll.u32 v18, $0x8;
	v18 =	vshll.u32 v18, $0x7  }
0x4cf: {  	v19 =	vand.u32 $0xFFFFF800, v19;
	v18 =	vand.u32 $0x380, v18  }
0x4d0: {  	v18 =	vor.u32 v18, v19  }
0x4d1: {  	v18 =	vor.u32 v11, v18;
	_ =	sdelay $0x4  }
0x4d2: {  	s30 =	sor.u32 $0xC20, s13;
	[tilespmem:v18+s16+$0x0] =	vst.idx.msk $0xffff, v0  }
0x4d3: {  	v18 =	vld [tilespmem:s30+$0x0];
	_ =	sdelay $0x4  }
0x4d4: {  	v18 =	vadd.s32 $0x64, v18  }
0x4d5: {  	v19 =	vshll.u32 v18, $0x8;
	v18 =	vshll.u32 v18, $0x7  }
0x4d6: {  	v19 =	vand.u32 $0xFFFFF800, v19;
	v18 =	vand.u32 $0x380, v18  }
0x4d7: {  	v18 =	vor.u32 v18, v19  }
0x4d8: {  	v18 =	vor.u32 v12, v18;
	_ =	sdelay $0x4  }
0x4d9: {  	s26 =	sor.u32 $0xC30, s13;
	[tilespmem:v18+s16+$0x0] =	vst.idx.msk $0xffff, v0  }
0x4da: {  	v18 =	vld [tilespmem:s26+$0x0];
	_ =	sdelay $0x4  }
0x4db: {  	v18 =	vadd.s32 $0x64, v18  }
0x4dc: {  	v19 =	vshll.u32 v18, $0x8;
	v18 =	vshll.u32 v18, $0x7  }
0x4dd: {  	v19 =	vand.u32 $0xFFFFF800, v19;
	v18 =	vand.u32 $0x380, v18  }
0x4de: {  	v18 =	vor.u32 v18, v19  }
0x4df: {  	v18 =	vor.u32 v13, v18;
	_ =	sdelay $0x4  }
0x4e0: {  	s30 =	sor.u32 $0xC40, s13;
	[tilespmem:v18+s16+$0x0] =	vst.idx.msk $0xffff, v0  }
0x4e1: {  	v18 =	vld [tilespmem:s30+$0x0];
	_ =	sdelay $0x4  }
0x4e2: {  	v18 =	vadd.s32 $0x64, v18  }
0x4e3: {  	v19 =	vshll.u32 v18, $0x8;
	v18 =	vshll.u32 v18, $0x7  }
0x4e4: {  	v19 =	vand.u32 $0xFFFFF800, v19;
	v18 =	vand.u32 $0x380, v18  }
0x4e5: {  	v18 =	vor.u32 v18, v19  }
0x4e6: {  	v18 =	vor.u32 v14, v18;
	_ =	sdelay $0x4  }
0x4e7: {  	s26 =	sor.u32 $0xC50, s13;
	[tilespmem:v18+s16+$0x0] =	vst.idx.msk $0xffff, v0  }
0x4e8: {  	v18 =	vld [tilespmem:s26+$0x0];
	_ =	sdelay $0x4  }
0x4e9: {  	v18 =	vadd.s32 $0x64, v18  }
0x4ea: {  	v19 =	vshll.u32 v18, $0x8;
	v18 =	vshll.u32 v18, $0x7  }
0x4eb: {  	v19 =	vand.u32 $0xFFFFF800, v19;
	v18 =	vand.u32 $0x380, v18  }
0x4ec: {  	v18 =	vor.u32 v18, v19  }
0x4ed: {  	v18 =	vor.u32 v15, v18;
	_ =	sdelay $0x4  }
0x4ee: {  	s30 =	sor.u32 $0xC60, s13;
	[tilespmem:v18+s16+$0x0] =	vst.idx.msk $0xffff, v0  }
0x4ef: {  	v18 =	vld [tilespmem:s30+$0x0];
	_ =	sdelay $0x4  }
0x4f0: {  	v18 =	vadd.s32 $0x64, v18  }
0x4f1: {  	v19 =	vshll.u32 v18, $0x8;
	v18 =	vshll.u32 v18, $0x7  }
0x4f2: {  	v19 =	vand.u32 $0xFFFFF800, v19;
	v18 =	vand.u32 $0x380, v18  }
0x4f3: {  	v18 =	vor.u32 v18, v19  }
0x4f4: {  	v18 =	vor.u32 v16, v18;
	_ =	sdelay $0x4  }
0x4f5: {  	s13 =	sor.u32 $0xC70, s13;
	[tilespmem:v18+s16+$0x0] =	vst.idx.msk $0xffff, v0  }
0x4f6: {  	v18 =	vld [tilespmem:s13+$0x0];
	_ =	sdelay $0x4  }
0x4f7: {  	v18 =	vadd.s32 $0x64, v18  }
0x4f8: {  	v19 =	vshll.u32 v18, $0x8;
	v18 =	vshll.u32 v18, $0x7  }
0x4f9: {  	v19 =	vand.u32 $0xFFFFF800, v19;
	v18 =	vand.u32 $0x380, v18  }
0x4fa: {  	v18 =	vor.u32 v18, v19  }
0x4fb: {  	v18 =	vor.u32 v17, v18;
	_ =	sdelay $0x4  }
0x4fc: {  	[tilespmem:v18+s16+$0x0] =	vst.idx.msk $0xffff, v0  }
0x4fd: {  	v18 =	vld [tilespmem:s0+$0x800];
	_ =	sdelay $0x1  }
0x4fe: {  	v19 =	vld [tilespmem:s29+$0x4100];
	_ =	sdelay $0x2  }
0x4ff: {  	v40 =	vshll.u32 v18, $0x8;
	v41 =	vshll.u32 v18, $0x7  }
0x500: {  	v20 =	vand.u32 $0xFFFFF800, v40;
	v21 =	vand.u32 $0x380, v41  }
0x501: {  	vm8 =	vlt.s32 v18, v19;
	v18 =	vor.u32 v20, v21  }
0x502: {  	v18 =	vor.u32 v1, v18;
	_ =	sdelay $0x4  }
0x503: {  	[tilespmem:v18+s16+$0x0] =	vst.idx.msk vm8, v2  }
0x504: {  	v18 =	vld [tilespmem:s0+$0x810];
	_ =	sdelay $0x1  }
0x505: {  	v19 =	vld [tilespmem:s29+$0x4100];
	_ =	sdelay $0x2  }
0x506: {  	v42 =	vshll.u32 v18, $0x8;
	v43 =	vshll.u32 v18, $0x7  }
0x507: {  	v20 =	vand.u32 $0xFFFFF800, v42;
	v21 =	vand.u32 $0x380, v43  }
0x508: {  	vm9 =	vlt.s32 v18, v19;
	v18 =	vor.u32 v20, v21  }
0x509: {  	v18 =	vor.u32 v3, v18;
	_ =	sdelay $0x4  }
0x50a: {  	[tilespmem:v18+s16+$0x0] =	vst.idx.msk vm9, v2  }
0x50b: {  	v18 =	vld [tilespmem:s0+$0x820];
	_ =	sdelay $0x1  }
0x50c: {  	v19 =	vld [tilespmem:s29+$0x4100];
	_ =	sdelay $0x2  }
0x50d: {  	v44 =	vshll.u32 v18, $0x8;
	v45 =	vshll.u32 v18, $0x7  }
0x50e: {  	v20 =	vand.u32 $0xFFFFF800, v44;
	v21 =	vand.u32 $0x380, v45  }
0x50f: {  	vm10 =	vlt.s32 v18, v19;
	v18 =	vor.u32 v20, v21  }
0x510: {  	v18 =	vor.u32 v4, v18;
	_ =	sdelay $0x4  }
0x511: {  	[tilespmem:v18+s16+$0x0] =	vst.idx.msk vm10, v2  }
0x512: {  	v18 =	vld [tilespmem:s0+$0x830];
	_ =	sdelay $0x1  }
0x513: {  	v19 =	vld [tilespmem:s29+$0x4100];
	_ =	sdelay $0x2  }
0x514: {  	v46 =	vshll.u32 v18, $0x8;
	v47 =	vshll.u32 v18, $0x7  }
0x515: {  	v20 =	vand.u32 $0xFFFFF800, v46;
	v21 =	vand.u32 $0x380, v47  }
0x516: {  	vm11 =	vlt.s32 v18, v19;
	v18 =	vor.u32 v20, v21  }
0x517: {  	v18 =	vor.u32 v5, v18;
	_ =	sdelay $0x4  }
0x518: {  	[tilespmem:v18+s16+$0x0] =	vst.idx.msk vm11, v2  }
0x519: {  	v18 =	vld [tilespmem:s0+$0x840];
	_ =	sdelay $0x1  }
0x51a: {  	v19 =	vld [tilespmem:s29+$0x4100];
	_ =	sdelay $0x2  }
0x51b: {  	v48 =	vshll.u32 v18, $0x8;
	v49 =	vshll.u32 v18, $0x7  }
0x51c: {  	v20 =	vand.u32 $0xFFFFF800, v48;
	v21 =	vand.u32 $0x380, v49  }
0x51d: {  	vm12 =	vlt.s32 v18, v19;
	v18 =	vor.u32 v20, v21  }
0x51e: {  	v18 =	vor.u32 v6, v18;
	_ =	sdelay $0x4  }
0x51f: {  	[tilespmem:v18+s16+$0x0] =	vst.idx.msk vm12, v2  }
0x520: {  	v18 =	vld [tilespmem:s0+$0x850];
	_ =	sdelay $0x1  }
0x521: {  	v19 =	vld [tilespmem:s29+$0x4100];
	_ =	sdelay $0x2  }
0x522: {  	v50 =	vshll.u32 v18, $0x8;
	v51 =	vshll.u32 v18, $0x7  }
0x523: {  	v20 =	vand.u32 $0xFFFFF800, v50;
	v21 =	vand.u32 $0x380, v51  }
0x524: {  	vm13 =	vlt.s32 v18, v19;
	v18 =	vor.u32 v20, v21  }
0x525: {  	v18 =	vor.u32 v7, v18;
	_ =	sdelay $0x4  }
0x526: {  	[tilespmem:v18+s16+$0x0] =	vst.idx.msk vm13, v2  }
0x527: {  	v18 =	vld [tilespmem:s0+$0x860];
	_ =	sdelay $0x1  }
0x528: {  	v19 =	vld [tilespmem:s29+$0x4100];
	_ =	sdelay $0x2  }
0x529: {  	v52 =	vshll.u32 v18, $0x8;
	v53 =	vshll.u32 v18, $0x7  }
0x52a: {  	v20 =	vand.u32 $0xFFFFF800, v52;
	v21 =	vand.u32 $0x380, v53  }
0x52b: {  	vm14 =	vlt.s32 v18, v19;
	v18 =	vor.u32 v20, v21  }
0x52c: {  	v18 =	vor.u32 v8, v18;
	_ =	sdelay $0x4  }
0x52d: {  	[tilespmem:v18+s16+$0x0] =	vst.idx.msk vm14, v2  }
0x52e: {  	v18 =	vld [tilespmem:s0+$0x870];
	_ =	sdelay $0x1  }
0x52f: {  	v19 =	vld [tilespmem:s29+$0x4100];
	_ =	sdelay $0x2  }
0x530: {  	v54 =	vshll.u32 v18, $0x8;
	v55 =	vshll.u32 v18, $0x7  }
0x531: {  	v20 =	vand.u32 $0xFFFFF800, v54;
	v21 =	vand.u32 $0x380, v55  }
0x532: {  	vm15 =	vlt.s32 v18, v19;
	v18 =	vor.u32 v20, v21  }
0x533: {  	v18 =	vor.u32 v9, v18;
	_ =	sdelay $0x1  }
0x534: {  	s26 =	sand.u32 $0x3, s21  }
0x535: {  	s0 =	sshll.u32 s26, $0x8  }
0x536: {  	s0 =	sadd.s32 s0, s28  }
0x537: {  	s30 =	sor.u32 $0xC00, s0;
	[tilespmem:v18+s16+$0x0] =	vst.idx.msk vm15, v2  }
0x538: {  	v18 =	vld [tilespmem:s30+$0x0];
	_ =	sdelay $0x1  }
0x539: {  	v19 =	vld [tilespmem:s29+$0x4100];
	_ =	sdelay $0x2  }
0x53a: {  	v56 =	vshll.u32 v18, $0x8;
	v57 =	vshll.u32 v18, $0x7  }
0x53b: {  	v20 =	vand.u32 $0xFFFFF800, v56;
	v21 =	vand.u32 $0x380, v57  }
0x53c: {  	vm4 =	vlt.s32 v18, v19;
	v18 =	vor.u32 v21, v20  }
0x53d: {  	v18 =	vor.u32 v10, v18;
	_ =	sdelay $0x4  }
0x53e: {  	s13 =	sor.u32 $0xC10, s0;
	[tilespmem:v18+s16+$0x0] =	vst.idx.msk vm4, v2  }
0x53f: {  	v18 =	vld [tilespmem:s13+$0x0];
	_ =	sdelay $0x1  }
0x540: {  	v19 =	vld [tilespmem:s29+$0x4100];
	_ =	sdelay $0x2  }
0x541: {  	v58 =	vshll.u32 v18, $0x8;
	v59 =	vshll.u32 v18, $0x7  }
0x542: {  	v20 =	vand.u32 $0xFFFFF800, v58;
	v21 =	vand.u32 $0x380, v59  }
0x543: {  	vm5 =	vlt.s32 v18, v19;
	v18 =	vor.u32 v21, v20  }
0x544: {  	v18 =	vor.u32 v11, v18;
	_ =	sdelay $0x4  }
0x545: {  	s26 =	sor.u32 $0xC20, s0;
	[tilespmem:v18+s16+$0x0] =	vst.idx.msk vm5, v2  }
0x546: {  	v18 =	vld [tilespmem:s26+$0x0];
	_ =	sdelay $0x1  }
0x547: {  	v19 =	vld [tilespmem:s29+$0x4100];
	_ =	sdelay $0x2  }
0x548: {  	v60 =	vshll.u32 v18, $0x8;
	v61 =	vshll.u32 v18, $0x7  }
0x549: {  	v20 =	vand.u32 $0xFFFFF800, v60;
	v21 =	vand.u32 $0x380, v61  }
0x54a: {  	vm6 =	vlt.s32 v18, v19;
	v18 =	vor.u32 v21, v20  }
0x54b: {  	v18 =	vor.u32 v12, v18;
	_ =	sdelay $0x4  }
0x54c: {  	s30 =	sor.u32 $0xC30, s0;
	[tilespmem:v18+s16+$0x0] =	vst.idx.msk vm6, v2  }
0x54d: {  	v18 =	vld [tilespmem:s30+$0x0];
	_ =	sdelay $0x1  }
0x54e: {  	v19 =	vld [tilespmem:s29+$0x4100];
	_ =	sdelay $0x2  }
0x54f: {  	v62 =	vshll.u32 v18, $0x8;
	v63 =	vshll.u32 v18, $0x7  }
0x550: {  	v20 =	vand.u32 $0xFFFFF800, v62;
	v21 =	vand.u32 $0x380, v63  }
0x551: {  	vm7 =	vlt.s32 v18, v19;
	v18 =	vor.u32 v21, v20  }
0x552: {  	v18 =	vor.u32 v13, v18;
	_ =	sdelay $0x4  }
0x553: {  	s13 =	sor.u32 $0xC40, s0;
	[tilespmem:v18+s16+$0x0] =	vst.idx.msk vm7, v2  }
0x554: {  	v18 =	vld [tilespmem:s13+$0x0];
	_ =	sdelay $0x1  }
0x555: {  	v19 =	vld [tilespmem:s29+$0x4100];
	_ =	sdelay $0x2  }
0x556: {  	v24 =	vshll.u32 v18, $0x8;
	v25 =	vshll.u32 v18, $0x7  }
0x557: {  	v20 =	vand.u32 $0xFFFFF800, v24;
	v21 =	vand.u32 $0x380, v25  }
0x558: {  	vm8 =	vlt.s32 v18, v19;
	v18 =	vor.u32 v21, v20  }
0x559: {  	v18 =	vor.u32 v14, v18;
	_ =	sdelay $0x4  }
0x55a: {  	s26 =	sor.u32 $0xC50, s0;
	[tilespmem:v18+s16+$0x0] =	vst.idx.msk vm8, v2  }
0x55b: {  	v18 =	vld [tilespmem:s26+$0x0];
	_ =	sdelay $0x1  }
0x55c: {  	v19 =	vld [tilespmem:s29+$0x4100];
	_ =	sdelay $0x2  }
0x55d: {  	v26 =	vshll.u32 v18, $0x8;
	v27 =	vshll.u32 v18, $0x7  }
0x55e: {  	v20 =	vand.u32 $0xFFFFF800, v26;
	v21 =	vand.u32 $0x380, v27  }
0x55f: {  	vm9 =	vlt.s32 v18, v19;
	v18 =	vor.u32 v21, v20  }
0x560: {  	v18 =	vor.u32 v15, v18;
	_ =	sdelay $0x4  }
0x561: {  	s30 =	sor.u32 $0xC60, s0;
	[tilespmem:v18+s16+$0x0] =	vst.idx.msk vm9, v2  }
0x562: {  	v18 =	vld [tilespmem:s30+$0x0];
	_ =	sdelay $0x1  }
0x563: {  	v19 =	vld [tilespmem:s29+$0x4100];
	_ =	sdelay $0x2  }
0x564: {  	v28 =	vshll.u32 v18, $0x8;
	v29 =	vshll.u32 v18, $0x7  }
0x565: {  	v20 =	vand.u32 $0xFFFFF800, v28;
	v21 =	vand.u32 $0x380, v29  }
0x566: {  	vm10 =	vlt.s32 v18, v19;
	v18 =	vor.u32 v21, v20  }
0x567: {  	v18 =	vor.u32 v16, v18;
	_ =	sdelay $0x4  }
0x568: {  	s0 =	sor.u32 $0xC70, s0;
	[tilespmem:v18+s16+$0x0] =	vst.idx.msk vm10, v2  }
0x569: {  	v18 =	vld [tilespmem:s0+$0x0];
	_ =	sdelay $0x1  }
0x56a: {  	v19 =	vld [tilespmem:s29+$0x4100];
	_ =	sdelay $0x2  }
0x56b: {  	v30 =	vshll.u32 v18, $0x8;
	v31 =	vshll.u32 v18, $0x7  }
0x56c: {  	v20 =	vand.u32 $0xFFFFF800, v30;
	v21 =	vand.u32 $0x380, v31  }
0x56d: {  	vm11 =	vlt.s32 v18, v19;
	v18 =	vor.u32 v21, v20  }
0x56e: {  	v18 =	vor.u32 v17, v18;
	_ =	sdelay $0x4  }
0x56f: {  	s13 =	sor.u32 s10, s31;
	[tilespmem:v18+s16+$0x0] =	vst.idx.msk vm11, v2  }
0x570: {  	v18 =	vld [tilespmem:s13+$0x800];
	_ =	sdelay $0x2  }
0x571: {  	v19 =	vld [tilespmem:s29+$0x4180];
	_ =	sdelay $0x1  }
0x572: {  	v32 =	vadd.s32 $0x64, v18  }
0x573: {  	v33 =	vshll.u32 v32, $0x8;
	v20 =	vshll.u32 v32, $0x7  }
0x574: {  	v21 =	vand.u32 $0xFFFFF800, v33;
	v20 =	vand.u32 $0x380, v20  }
0x575: {  	vm12 =	vlt.s32 v18, v19;
	v18 =	vor.u32 v21, v20  }
0x576: {  	v18 =	vor.u32 v1, v18;
	_ =	sdelay $0x4  }
0x577: {  	[tilespmem:v18+s16+$0x0] =	vst.idx.msk vm12, v2  }
0x578: {  	v18 =	vld [tilespmem:s13+$0x810];
	_ =	sdelay $0x2  }
0x579: {  	v19 =	vld [tilespmem:s29+$0x4180];
	_ =	sdelay $0x1  }
0x57a: {  	v34 =	vadd.s32 $0x64, v18  }
0x57b: {  	v35 =	vshll.u32 v34, $0x8;
	v20 =	vshll.u32 v34, $0x7  }
0x57c: {  	v21 =	vand.u32 $0xFFFFF800, v35;
	v20 =	vand.u32 $0x380, v20  }
0x57d: {  	vm13 =	vlt.s32 v18, v19;
	v18 =	vor.u32 v21, v20  }
0x57e: {  	v18 =	vor.u32 v3, v18;
	_ =	sdelay $0x4  }
0x57f: {  	[tilespmem:v18+s16+$0x0] =	vst.idx.msk vm13, v2  }
0x580: {  	v18 =	vld [tilespmem:s13+$0x820];
	_ =	sdelay $0x2  }
0x581: {  	v19 =	vld [tilespmem:s29+$0x4180];
	_ =	sdelay $0x1  }
0x582: {  	v36 =	vadd.s32 $0x64, v18  }
0x583: {  	v37 =	vshll.u32 v36, $0x8;
	v20 =	vshll.u32 v36, $0x7  }
0x584: {  	v21 =	vand.u32 $0xFFFFF800, v37;
	v20 =	vand.u32 $0x380, v20  }
0x585: {  	vm14 =	vlt.s32 v18, v19;
	v18 =	vor.u32 v21, v20  }
0x586: {  	v18 =	vor.u32 v4, v18;
	_ =	sdelay $0x4  }
0x587: {  	[tilespmem:v18+s16+$0x0] =	vst.idx.msk vm14, v2  }
0x588: {  	v18 =	vld [tilespmem:s13+$0x830];
	_ =	sdelay $0x2  }
0x589: {  	v19 =	vld [tilespmem:s29+$0x4180];
	_ =	sdelay $0x1  }
0x58a: {  	v38 =	vadd.s32 $0x64, v18  }
0x58b: {  	v39 =	vshll.u32 v38, $0x8;
	v20 =	vshll.u32 v38, $0x7  }
0x58c: {  	v21 =	vand.u32 $0xFFFFF800, v39;
	v20 =	vand.u32 $0x380, v20  }
0x58d: {  	vm15 =	vlt.s32 v18, v19;
	v18 =	vor.u32 v21, v20  }
0x58e: {  	v18 =	vor.u32 v5, v18;
	_ =	sdelay $0x4  }
0x58f: {  	[tilespmem:v18+s16+$0x0] =	vst.idx.msk vm15, v2  }
0x590: {  	v18 =	vld [tilespmem:s13+$0x840];
	_ =	sdelay $0x2  }
0x591: {  	v19 =	vld [tilespmem:s29+$0x4180];
	_ =	sdelay $0x1  }
0x592: {  	v40 =	vadd.s32 $0x64, v18  }
0x593: {  	v41 =	vshll.u32 v40, $0x8;
	v20 =	vshll.u32 v40, $0x7  }
0x594: {  	v21 =	vand.u32 $0xFFFFF800, v41;
	v20 =	vand.u32 $0x380, v20  }
0x595: {  	vm4 =	vlt.s32 v18, v19;
	v18 =	vor.u32 v21, v20  }
0x596: {  	v18 =	vor.u32 v6, v18;
	_ =	sdelay $0x4  }
0x597: {  	[tilespmem:v18+s16+$0x0] =	vst.idx.msk vm4, v2  }
0x598: {  	v18 =	vld [tilespmem:s13+$0x850];
	_ =	sdelay $0x2  }
0x599: {  	v19 =	vld [tilespmem:s29+$0x4180];
	_ =	sdelay $0x1  }
0x59a: {  	v42 =	vadd.s32 $0x64, v18  }
0x59b: {  	v43 =	vshll.u32 v42, $0x8;
	v20 =	vshll.u32 v42, $0x7  }
0x59c: {  	v21 =	vand.u32 $0xFFFFF800, v43;
	v20 =	vand.u32 $0x380, v20  }
0x59d: {  	vm5 =	vlt.s32 v18, v19;
	v18 =	vor.u32 v21, v20  }
0x59e: {  	v18 =	vor.u32 v7, v18;
	_ =	sdelay $0x4  }
0x59f: {  	[tilespmem:v18+s16+$0x0] =	vst.idx.msk vm5, v2  }
0x5a0: {  	v18 =	vld [tilespmem:s13+$0x860];
	_ =	sdelay $0x2  }
0x5a1: {  	v19 =	vld [tilespmem:s29+$0x4180];
	_ =	sdelay $0x1  }
0x5a2: {  	v44 =	vadd.s32 $0x64, v18  }
0x5a3: {  	v45 =	vshll.u32 v44, $0x8;
	v20 =	vshll.u32 v44, $0x7  }
0x5a4: {  	v21 =	vand.u32 $0xFFFFF800, v45;
	v20 =	vand.u32 $0x380, v20  }
0x5a5: {  	vm6 =	vlt.s32 v18, v19;
	v18 =	vor.u32 v21, v20  }
0x5a6: {  	v18 =	vor.u32 v8, v18;
	_ =	sdelay $0x4  }
0x5a7: {  	[tilespmem:v18+s16+$0x0] =	vst.idx.msk vm6, v2  }
0x5a8: {  	v18 =	vld [tilespmem:s13+$0x870];
	_ =	sdelay $0x2  }
0x5a9: {  	v19 =	vld [tilespmem:s29+$0x4180];
	_ =	sdelay $0x1  }
0x5aa: {  	v46 =	vadd.s32 $0x64, v18  }
0x5ab: {  	v47 =	vshll.u32 v46, $0x8;
	v20 =	vshll.u32 v46, $0x7  }
0x5ac: {  	v21 =	vand.u32 $0xFFFFF800, v47;
	v20 =	vand.u32 $0x380, v20  }
0x5ad: {  	vm7 =	vlt.s32 v18, v19;
	v18 =	vor.u32 v21, v20  }
0x5ae: {  	v18 =	vor.u32 v9, v18  }
0x5af: {  	s26 =	sand.u32 $0x7, s20  }
0x5b0: {  	s0 =	sshll.u32 s26, $0x7  }
0x5b1: {  	s0 =	sadd.s32 s24, s0  }
0x5b2: {  	s0 =	sadd.s32 $0x480, s0  }
0x5b3: {  	s30 =	sor.u32 $0xC00, s0;
	[tilespmem:v18+s16+$0x0] =	vst.idx.msk vm7, v2  }
0x5b4: {  	v18 =	vld [tilespmem:s30+$0x0];
	_ =	sdelay $0x2  }
0x5b5: {  	v19 =	vld [tilespmem:s29+$0x4180];
	_ =	sdelay $0x1  }
0x5b6: {  	v48 =	vadd.s32 $0x64, v18  }
0x5b7: {  	v49 =	vshll.u32 v48, $0x8;
	v20 =	vshll.u32 v48, $0x7  }
0x5b8: {  	v21 =	vand.u32 $0xFFFFF800, v49;
	v20 =	vand.u32 $0x380, v20  }
0x5b9: {  	vm8 =	vlt.s32 v18, v19;
	v18 =	vor.u32 v20, v21  }
0x5ba: {  	v18 =	vor.u32 v10, v18;
	_ =	sdelay $0x4  }
0x5bb: {  	s31 =	sor.u32 $0xC10, s0;
	[tilespmem:v18+s16+$0x0] =	vst.idx.msk vm8, v2  }
0x5bc: {  	v18 =	vld [tilespmem:s31+$0x0];
	_ =	sdelay $0x2  }
0x5bd: {  	v19 =	vld [tilespmem:s29+$0x4180];
	_ =	sdelay $0x1  }
0x5be: {  	v50 =	vadd.s32 $0x64, v18  }
0x5bf: {  	v51 =	vshll.u32 v50, $0x8;
	v20 =	vshll.u32 v50, $0x7  }
0x5c0: {  	v21 =	vand.u32 $0xFFFFF800, v51;
	v20 =	vand.u32 $0x380, v20  }
0x5c1: {  	vm9 =	vlt.s32 v18, v19;
	v18 =	vor.u32 v20, v21  }
0x5c2: {  	v18 =	vor.u32 v11, v18;
	_ =	sdelay $0x4  }
0x5c3: {  	s10 =	sor.u32 $0xC20, s0;
	[tilespmem:v18+s16+$0x0] =	vst.idx.msk vm9, v2  }
0x5c4: {  	v18 =	vld [tilespmem:s10+$0x0];
	_ =	sdelay $0x2  }
0x5c5: {  	v19 =	vld [tilespmem:s29+$0x4180];
	_ =	sdelay $0x1  }
0x5c6: {  	v52 =	vadd.s32 $0x64, v18  }
0x5c7: {  	v53 =	vshll.u32 v52, $0x8;
	v20 =	vshll.u32 v52, $0x7  }
0x5c8: {  	v21 =	vand.u32 $0xFFFFF800, v53;
	v20 =	vand.u32 $0x380, v20  }
0x5c9: {  	vm10 =	vlt.s32 v18, v19;
	v18 =	vor.u32 v20, v21  }
0x5ca: {  	v18 =	vor.u32 v12, v18;
	_ =	sdelay $0x4  }
0x5cb: {  	s13 =	sor.u32 $0xC30, s0;
	[tilespmem:v18+s16+$0x0] =	vst.idx.msk vm10, v2  }
0x5cc: {  	v18 =	vld [tilespmem:s13+$0x0];
	_ =	sdelay $0x2  }
0x5cd: {  	v19 =	vld [tilespmem:s29+$0x4180];
	_ =	sdelay $0x1  }
0x5ce: {  	v54 =	vadd.s32 $0x64, v18  }
0x5cf: {  	v55 =	vshll.u32 v54, $0x8;
	v20 =	vshll.u32 v54, $0x7  }
0x5d0: {  	v21 =	vand.u32 $0xFFFFF800, v55;
	v20 =	vand.u32 $0x380, v20  }
0x5d1: {  	vm11 =	vlt.s32 v18, v19;
	v18 =	vor.u32 v20, v21  }
0x5d2: {  	v18 =	vor.u32 v13, v18;
	_ =	sdelay $0x4  }
0x5d3: {  	s26 =	sor.u32 $0xC40, s0;
	[tilespmem:v18+s16+$0x0] =	vst.idx.msk vm11, v2  }
0x5d4: {  	v18 =	vld [tilespmem:s26+$0x0];
	_ =	sdelay $0x2  }
0x5d5: {  	v19 =	vld [tilespmem:s29+$0x4180];
	_ =	sdelay $0x1  }
0x5d6: {  	v56 =	vadd.s32 $0x64, v18  }
0x5d7: {  	v57 =	vshll.u32 v56, $0x8;
	v20 =	vshll.u32 v56, $0x7  }
0x5d8: {  	v21 =	vand.u32 $0xFFFFF800, v57;
	v20 =	vand.u32 $0x380, v20  }
0x5d9: {  	vm12 =	vlt.s32 v18, v19;
	v18 =	vor.u32 v20, v21  }
0x5da: {  	v18 =	vor.u32 v14, v18;
	_ =	sdelay $0x4  }
0x5db: {  	s30 =	sor.u32 $0xC50, s0;
	[tilespmem:v18+s16+$0x0] =	vst.idx.msk vm12, v2  }
0x5dc: {  	v18 =	vld [tilespmem:s30+$0x0];
	_ =	sdelay $0x2  }
0x5dd: {  	v19 =	vld [tilespmem:s29+$0x4180];
	_ =	sdelay $0x1  }
0x5de: {  	v58 =	vadd.s32 $0x64, v18  }
0x5df: {  	v59 =	vshll.u32 v58, $0x8;
	v20 =	vshll.u32 v58, $0x7  }
0x5e0: {  	v21 =	vand.u32 $0xFFFFF800, v59;
	v20 =	vand.u32 $0x380, v20  }
0x5e1: {  	vm13 =	vlt.s32 v18, v19;
	v18 =	vor.u32 v20, v21  }
0x5e2: {  	v18 =	vor.u32 v15, v18;
	_ =	sdelay $0x4  }
0x5e3: {  	s31 =	sor.u32 $0xC60, s0;
	[tilespmem:v18+s16+$0x0] =	vst.idx.msk vm13, v2  }
0x5e4: {  	v18 =	vld [tilespmem:s31+$0x0];
	_ =	sdelay $0x2  }
0x5e5: {  	v19 =	vld [tilespmem:s29+$0x4180];
	_ =	sdelay $0x1  }
0x5e6: {  	v60 =	vadd.s32 $0x64, v18  }
0x5e7: {  	v61 =	vshll.u32 v60, $0x8;
	v20 =	vshll.u32 v60, $0x7  }
0x5e8: {  	v21 =	vand.u32 $0xFFFFF800, v61;
	v20 =	vand.u32 $0x380, v20  }
0x5e9: {  	vm14 =	vlt.s32 v18, v19;
	v18 =	vor.u32 v20, v21  }
0x5ea: {  	v18 =	vor.u32 v16, v18;
	_ =	sdelay $0x4  }
0x5eb: {  	s0 =	sor.u32 $0xC70, s0;
	[tilespmem:v18+s16+$0x0] =	vst.idx.msk vm14, v2  }
0x5ec: {  	v18 =	vld [tilespmem:s0+$0x0];
	_ =	sdelay $0x2  }
0x5ed: {  	v19 =	vld [tilespmem:s29+$0x4180];
	_ =	sdelay $0x1  }
0x5ee: {  	v62 =	vadd.s32 $0x64, v18  }
0x5ef: {  	v63 =	vshll.u32 v62, $0x8;
	v20 =	vshll.u32 v62, $0x7  }
0x5f0: {  	v21 =	vand.u32 $0xFFFFF800, v63;
	v20 =	vand.u32 $0x380, v20  }
0x5f1: {  	vm15 =	vlt.s32 v18, v19;
	v18 =	vor.u32 v20, v21  }
0x5f2: {  	v18 =	vor.u32 v17, v18;
	_ =	sdelay $0x1  }
0x5f3: {  	p0 =	sne.s32 s24, $0x2C00  }
.Ltmp1:
0x5f4: {  	_ = 	snop;
	(pc) =	sbr.rel @p0 .LBB2_4-.Ltmp1, $4  }
0x5f5: {  	s22 =	sadd.s32 $0x64000, s22  }
0x5f6: {  	s25 =	sadd.s32 $0x1, s25;
	s21 =	sadd.s32 $0x1, s21;
	s20 =	sadd.s32 $0x2, s20;
	[tilespmem:v18+s16+$0x0] =	vst.idx.msk vm15, v2  }
0x5f7: {  	[hbm4b:s23+s15] =	stream.strided.scatter [tilespmem:s16], [sflag:$0x2], $0xC800, s11, s15, $0x38;
	[tilespmem:$0x1E000] =	vst v63  }
0x5f8: {  	s24 =	smov.u32 s28;
	s26 =	smov.u32 s2;
	s23 =	sadd.s32 $0x64000, s23  }
0x5f9: {  	s19 =	sadd.s32 $0x1, s19  }
0x5fa: {  	_ =	swait.ge [sflag:s17], $0xC800;
	p0 =	sne.s32 s19, s7  }
.Ltmp2:
0x5fb: {  	[sflag:s17] =	ssyncset.done $0x0;
	(pc) =	sbr.rel @p0 .LBB2_1-.Ltmp2, $4  }
0x5fc: {  	[sflag:s17] =	ssyncadd.s32 $0xFFFF3800  }
0x5fd: {  	_ =	swait.ge [sflag:s18], $0xC800  }
0x5fe: {  	[sflag:s18] =	ssyncset.done $0x0  }
0x5ff: {  	[sflag:s18] =	ssyncadd.s32 $0xFFFF3800  }
0x600: {  	_ =	sfence.sel $0x180000  }
0x601: {  	[bflag:$0x0] =	sbarrier.arrive $0xFFFF  }
0x602: {  	_ =	strace $0x90000047  }
0x603: {  	s0 =	stileid.u32;
	[bflag:$0x2] =	sbarrier.arrive $0xFFFF  }
0x604: {  	p0 =	sne.s32 s0, $0x0;
	s0 =	rddreg [dreg:$0x3]  }
0x605: {  	s0 =	sadd.s32 @!p0 $0x100000, s0  }
0x606: {  	[sflag:s0] =	ssyncadd.tile.s32 @!p0 $0x1;
	_ =	shalt  }
.Lfunc_end2:
_tile_overlayer_lowered:
.L_overlay_start_2:
0x607: {  	(tag) =	ssettag $0x2  }
0x608: {  	s0 =	rddreg [dreg:$0x0];
	s2 =	stileid.u32  }
0x609: {  	s1 =	rddreg [dreg:$0x1];
	p0 =	sne.s32 s2, $0x0  }
0x60a: {  	s3 =	rddreg [dreg:$0x2];
	[bflag:$0x3] =	sbarrier.arrive $0xFFFF;
	s2 =	simm.s32 @!p0 $0x1C03  }
0x60b: {  	[timem:s3], [sflag:s2] =	dma.local @!p0 [hbm:s0], s1  }
0x60c: {  	s0 =	simm.s32 @!p0 $0x3  }
0x60d: {  	_ =	swait.ge @!p0 [sflag:s0], s1  }
0x60e: {  	s1 =	ssub.s32 @!p0 $0x0, s1;
	[sflag:s0] =	ssyncset.done @!p0 $0x0  }
0x60f: {  	[sflag:s0] =	ssyncadd.s32 @!p0 s1  }
0x610: {  	[bflag:$0x3] =	sbarrier.arrive $0xFFFF  }
0x611: {  	_ =	shalt  }

</sc_bundles>
